<compile_context>
chip_gen: v7x
topology: tpu7x:2x2x1
jax: 0.10.2.dev20260603
libtpu: 0.0.44.dev20260713+nightly
codegen_flags: <defaults>
</compile_context>

<pallas_src>
import functools

import jax
import jax.numpy as jnp
from jax import lax
from jax.experimental import pallas as pl
from jax.experimental.pallas import tpu as pltpu
from jax.experimental.pallas import tpu_sc as plsc

NC, NS, L = 2, 16, 16
NPAIR = NS
NPIX = 8 * 512 * 512
CHUNK = 4096
NCHUNK_PER_PAIR = NPIX // CHUNK // NPAIR
VREGS = CHUNK // L

L1_HALF_W = 65792
L1_ODD_OFF = 65536
MASK_HI = -65536


def _pack(layer):
    a = layer.reshape(-1).astype(jnp.bfloat16).reshape(-1, 2)
    return lax.bitcast_convert_type(a, jnp.int32)


def _bilerp(tbl, gx, gy, s_f, s_i, row_half, tbl_max, word_off, split=False):
    half = s_f * 0.5
    ix = jnp.clip(gx * half + (half - 0.5), 0.0, s_f - 1.0)
    iy = jnp.clip(gy * half + (half - 0.5), 0.0, s_f - 1.0)
    x0i = ix.astype(jnp.int32)
    y0i = iy.astype(jnp.int32)
    wx1 = ix - x0i.astype(jnp.float32)
    wy1 = iy - y0i.astype(jnp.float32)
    idx = y0i * s_i + x0i
    p = (idx & 1) == 1
    xmax = x0i == s_i - 1
    ymax = y0i == s_i - 1
    w0 = lax.shift_right_arithmetic(idx, 1)
    if split:
        zero = jnp.int32(0)
        w0 = w0 - word_off
        w0c = jnp.minimum(jnp.maximum(w0, zero), tbl_max)
        w0b = jnp.minimum(jnp.maximum(w0 + 1, zero), tbl_max)
        w1 = jnp.where(ymax, w0, w0 + row_half)
        w1c = jnp.minimum(jnp.maximum(w1, zero), tbl_max)
        w1b = jnp.minimum(jnp.maximum(w1 + 1, zero), tbl_max)
    else:
        w0c = w0
        w0b = jnp.minimum(w0 + 1, tbl_max)
        w1 = jnp.where(ymax, w0, w0 + row_half)
        w1c = w1
        w1b = jnp.minimum(w1 + 1, tbl_max)
    g00 = plsc.load_gather(tbl, [w0c])
    g01 = plsc.load_gather(tbl, [w0b])
    g10 = plsc.load_gather(tbl, [w1c])
    g11 = plsc.load_gather(tbl, [w1b])
    hi00 = g00 & MASK_HI
    hi10 = g10 & MASK_HI
    pq = jnp.logical_and(p, jnp.logical_not(xmax))
    bc = lambda v: lax.bitcast_convert_type(v, jnp.float32)
    v00 = bc(jnp.where(p, hi00, lax.shift_left(g00, 16)))
    v01 = bc(jnp.where(pq, lax.shift_left(g01, 16), hi00))
    v10 = bc(jnp.where(p, hi10, lax.shift_left(g10, 16)))
    v11 = bc(jnp.where(pq, lax.shift_left(g11, 16), hi10))
    top = v00 + wx1 * (v01 - v00)
    bot = v10 + wx1 * (v11 - v10)
    r = top + wy1 * (bot - top)
    return r, y0i


def _vreg_offsets(vi):
    r = lax.shift_right_logical(vi, 5)
    q = vi & 31
    xt = lax.shift_right_logical(q, 3)
    j = q & 7
    goff = r * 1024 + xt * 256 + j * 16
    ooff = xt * 1024 + r * 128 + j * 16
    return goff, ooff


def _sc_body(xf, l1f, t2p, t3p, t4p, out_a, out_b,
             t1s, t23s, t4s, xbuf, obuf, spl1, sin, sout):
    member = lax.axis_index("c")
    pair = lax.axis_index("s")

    iota = lax.iota(jnp.int32, L)

    def pack_group(kk, dst_off, row0):
        k = kk * L + iota
        xw = k & 255
        r = lax.shift_right_logical(k, 8) + row0
        pos = (lax.shift_right_logical(xw, 6) * 1024 + r * 128
               + (xw & 63) * 2)
        ev = plsc.load_gather(xbuf, [pos])
        od = plsc.load_gather(xbuf, [pos + 1])
        t23s[pl.ds(dst_off + kk * L, L)] = plsc.bitcast(
            plsc.pack(ev, od, format=plsc.PackFormat.INTERLEAVED), jnp.int32)

    for gg in range(2):
        g = member * 32 + pair * 2 + gg
        pltpu.sync_copy(l1f.at[pl.ds(g * 4096, 4096)],
                        xbuf.at[pl.ds(0, 4096)])

        @plsc.parallel_loop(0, 128, unroll=2)
        def _(kk):
            pack_group(kk, gg * 2048, 0)

    pltpu.sync_copy(t23s.at[pl.ds(0, 4096)], spl1.at[pl.ds(pair * 4096, 4096)])

    @pl.when(jnp.logical_and(member == 0, pair == 0))
    def _():
        pltpu.sync_copy(l1f.at[pl.ds(32 * 4096, 4096)],
                        xbuf.at[pl.ds(0, 4096)])

        @plsc.parallel_loop(0, 16)
        def _(kk):
            pack_group(kk, 0, 0)
        pltpu.sync_copy(t23s.at[pl.ds(0, 256)], spl1.at[pl.ds(65536, 256)])

    plsc.subcore_barrier()
    pltpu.sync_copy(spl1, t1s)
    @pl.when(member == 0)
    def _():
        pltpu.sync_copy(t2p, t23s.at[pl.ds(0, 32768)])
    @pl.when(member == 1)
    def _():
        pltpu.sync_copy(t3p, t23s.at[pl.ds(0, 8192)])
    pltpu.sync_copy(t4p, t4s)

    f0 = jnp.float32(0.0)
    l1_off = member * L1_ODD_OFF
    l1_max = 65791 - member * 256
    s23f = jnp.where(member == 0, jnp.float32(256.0), jnp.float32(128.0))
    s23i = jnp.where(member == 0, 256, 128)
    row23 = jnp.where(member == 0, 128, 64)
    max23 = jnp.where(member == 0, 32767, 8191)
    m_is_0 = member == 0

    def in_start(ci, b):
        base2 = (pair * NCHUNK_PER_PAIR + ci) * CHUNK * 2
        pltpu.async_copy(xf.at[pl.ds(base2, 2 * CHUNK)],
                         xbuf.at[pl.ds(b * 2 * CHUNK, 2 * CHUNK)], sin.at[b])

    def in_wait(b):
        pltpu.make_async_copy(
            xf.at[pl.ds(0, 2 * CHUNK)],
            xbuf.at[pl.ds(b * 2 * CHUNK, 2 * CHUNK)], sin.at[b]).wait()

    def out_start(ci, b):
        base = (pair * NCHUNK_PER_PAIR + ci) * CHUNK
        ob = obuf.at[pl.ds(b * CHUNK, CHUNK)]
        @pl.when(member == 0)
        def _():
            pltpu.async_copy(ob, out_a.at[pl.ds(base, CHUNK)], sout.at[b])
        @pl.when(member == 1)
        def _():
            pltpu.async_copy(ob, out_b.at[pl.ds(base, CHUNK)], sout.at[b])

    def out_wait(b):
        pltpu.make_async_copy(
            obuf.at[pl.ds(b * CHUNK, CHUNK)],
            out_a.at[pl.ds(0, CHUNK)], sout.at[b]).wait()

    def compute(ci, b):
        xo = b * 2 * CHUNK
        oo = b * CHUNK

        @plsc.parallel_loop(0, VREGS, unroll=4)
        def _(vi):
            goff, ooff = _vreg_offsets(vi)
            gx = xbuf[pl.ds(xo + goff, L)]
            gy = xbuf[pl.ds(xo + goff + 128, L)]
            r1, y0i = _bilerp(t1s, gx, gy, jnp.float32(512.0), 512, 256,
                              l1_max, l1_off, split=True)
            hi_side = y0i >= 256
            mine = jnp.logical_xor(hi_side, m_is_0)
            acc = jnp.where(mine, r1, f0)
            r23, _ = _bilerp(t23s, gx, gy, s23f, s23i, row23, max23, 0)
            obuf[pl.ds(oo + ooff, L)] = acc + r23

        @pl.when((ci & 1) == member)
        def _():
            @plsc.parallel_loop(0, VREGS, unroll=4)
            def _(vi):
                goff, ooff = _vreg_offsets(vi)
                gx = xbuf[pl.ds(xo + goff, L)]
                gy = xbuf[pl.ds(xo + goff + 128, L)]
                r4, _ = _bilerp(t4s, gx, gy, jnp.float32(64.0), 64, 32, 2047, 0)
                sl = pl.ds(oo + ooff, L)
                obuf[sl] = obuf[sl] + r4

    in_start(0, 0)

    def outer(cg, carry):
        for b in range(2):
            ci = cg * 2 + b
            in_wait(b)
            @pl.when(ci + 1 < NCHUNK_PER_PAIR)
            def _():
                in_start(ci + 1, 1 - b)
            @pl.when(ci >= 2)
            def _():
                out_wait(b)
            compute(ci, b)
            out_start(ci, b)
        return carry

    lax.fori_loop(0, NCHUNK_PER_PAIR // 2, outer, 0)
    out_wait(0)
    out_wait(1)


def _add_body(a_ref, b_ref, o_ref):
    o_ref[...] = a_ref[...] + b_ref[...]


def kernel(x, layer1, layer2, layer3, layer4):
    xf = x.reshape(8, 512, 4, 128, 2).transpose(0, 1, 2, 4, 3).reshape(-1)
    l1f = (layer1.reshape(64, 8, 4, 128).transpose(0, 2, 1, 3).reshape(-1))
    t2p = _pack(layer2)
    t3p = _pack(layer3)
    t4p = _pack(layer4)

    mesh = plsc.VectorSubcoreMesh(core_axis_name="c", subcore_axis_name="s")
    sc = pl.kernel(
        _sc_body,
        out_type=(
            jax.ShapeDtypeStruct((NPIX,), jnp.float32),
            jax.ShapeDtypeStruct((NPIX,), jnp.float32),
        ),
        mesh=mesh,
        compiler_params=pltpu.CompilerParams(needs_layout_passes=False),
        scratch_types=[
            pltpu.VMEM((L1_HALF_W,), jnp.int32),
            pltpu.VMEM((32768,), jnp.int32),
            pltpu.VMEM((2048,), jnp.int32),
            pltpu.VMEM((4 * CHUNK,), jnp.float32),
            pltpu.VMEM((2 * CHUNK,), jnp.float32),
            pltpu.VMEM_SHARED((L1_HALF_W,), jnp.int32),
            pltpu.SemaphoreType.DMA((2,)),
            pltpu.SemaphoreType.DMA((2,)),
        ],
    )
    out_a, out_b = sc(xf, l1f, t2p, t3p, t4p)

    a2 = out_a.reshape(16384, 128)
    b2 = out_b.reshape(16384, 128)
    s2 = pl.pallas_call(
        _add_body,
        grid=(16,),
        in_specs=[
            pl.BlockSpec((1024, 128), lambda i: (i, 0)),
            pl.BlockSpec((1024, 128), lambda i: (i, 0)),
        ],
        out_specs=pl.BlockSpec((1024, 128), lambda i: (i, 0)),
        out_shape=jax.ShapeDtypeStruct((16384, 128), jnp.float32),
    )(a2, b2)
    return (s2.reshape(8, 64, 4, 8, 128)
              .transpose(0, 1, 3, 2, 4)
              .reshape(8, 1, 512, 512))

# --- scband reference (transcript-rebuilt; emitter-appended) ---
"""Pipeline reference for scband-laplacian-pyramid-26474178413071 (READ-ONLY COPY).

The authoritative reference and input builder live on the scoring server;
editing this copy changes nothing except your own understanding.
"""

import jax, jax.numpy as jnp
import numpy as np


def _grid_sample_border(img, grid):
    # img: [B, C, H, W]; grid: [B, Ho, Wo, 2] with values in [-1, 1]
    # bilinear, align_corners=False, padding_mode='border' (matches torch F.grid_sample)
    B, C, H, W = img.shape
    gx = grid[..., 0]
    gy = grid[..., 1]
    # unnormalize, align_corners=False
    ix = ((gx + 1.0) * W - 1.0) / 2.0
    iy = ((gy + 1.0) * H - 1.0) / 2.0
    # border padding: clamp source coords to valid range
    ix = jnp.clip(ix, 0.0, W - 1.0)
    iy = jnp.clip(iy, 0.0, H - 1.0)
    x0 = jnp.floor(ix)
    y0 = jnp.floor(iy)
    x1 = x0 + 1.0
    y1 = y0 + 1.0
    wx1 = ix - x0
    wx0 = 1.0 - wx1
    wy1 = iy - y0
    wy0 = 1.0 - wy1
    x0i = jnp.clip(x0, 0, W - 1).astype(jnp.int32)
    x1i = jnp.clip(x1, 0, W - 1).astype(jnp.int32)
    y0i = jnp.clip(y0, 0, H - 1).astype(jnp.int32)
    y1i = jnp.clip(y1, 0, H - 1).astype(jnp.int32)

    def sample(im, yi, xi):
        # im: [C, H, W]; yi, xi: [Ho, Wo] -> [C, Ho, Wo]
        return im[:, yi, xi]

    v = jax.vmap(sample)
    v00 = v(img, y0i, x0i)
    v01 = v(img, y0i, x1i)
    v10 = v(img, y1i, x0i)
    v11 = v(img, y1i, x1i)
    w00 = (wy0 * wx0)[:, None]
    w01 = (wy0 * wx1)[:, None]
    w10 = (wy1 * wx0)[:, None]
    w11 = (wy1 * wx1)[:, None]
    return v00 * w00 + v01 * w01 + v10 * w10 + v11 * w11


def setup_inputs(seed: int = 0):
    key = jax.random.key(seed)
    ks = jax.random.split(key, 5)
    x = jax.random.uniform(ks[0], (8, 512, 512, 2), dtype=jnp.float32, minval=-1.0, maxval=1.0)
    layer1 = jax.random.uniform(ks[1], (1, 1, 512, 512), dtype=jnp.float32)
    layer2 = jax.random.uniform(ks[2], (1, 1, 256, 256), dtype=jnp.float32)
    layer3 = jax.random.uniform(ks[3], (1, 1, 128, 128), dtype=jnp.float32)
    layer4 = jax.random.uniform(ks[4], (1, 1, 64, 64), dtype=jnp.float32)
    return {"x": x, "layer1": layer1, "layer2": layer2, "layer3": layer3, "layer4": layer4}


def reference(x, layer1, layer2, layer3, layer4):
    B = x.shape[0]
    y = None
    for layer in (layer1, layer2, layer3, layer4):
        img = jnp.broadcast_to(layer, (B, layer.shape[1], layer.shape[2], layer.shape[3]))
        s = _grid_sample_border(img, x)
        y = s if y is None else y + s
    return y

if __name__ == "__main__":
    import jax
    _d = setup_inputs()
    print(jax.jit(kernel)(*tuple(_d.values())))

</pallas_src>

<mosaic_0001>
#map = affine_map<(d0, d1) -> (0)>
module attributes {stable_mosaic.version = 14 : i64} {
  func.func @_sc_body(%arg0: i32, %arg1: i32, %arg2: memref<4194304xf32, #tpu.memory_space<hbm>>, %arg3: memref<262144xf32, #tpu.memory_space<hbm>>, %arg4: memref<32768xi32, #tpu.memory_space<hbm>>, %arg5: memref<8192xi32, #tpu.memory_space<hbm>>, %arg6: memref<2048xi32, #tpu.memory_space<hbm>>, %arg7: memref<2097152xf32, #tpu.memory_space<hbm>>, %arg8: memref<2097152xf32, #tpu.memory_space<hbm>>, %arg9: memref<65792xi32, #tpu.memory_space<vmem>>, %arg10: memref<32768xi32, #tpu.memory_space<vmem>>, %arg11: memref<2048xi32, #tpu.memory_space<vmem>>, %arg12: memref<16384xf32, #tpu.memory_space<vmem>>, %arg13: memref<8192xf32, #tpu.memory_space<vmem>>, %arg14: memref<65792xi32, #tpu.memory_space<vmem_shared>>, %arg15: memref<2x!tpu.dma_semaphore, #tpu.memory_space<semaphore_mem>>, %arg16: memref<2x!tpu.dma_semaphore, #tpu.memory_space<semaphore_mem>>) attributes {dimension_semantics = [#tpu.dimension_semantics<core_parallel>, #tpu.dimension_semantics<subcore_parallel>], iteration_bounds = array<i64: 2, 16>, scalar_prefetch = 0 : i64, scratch_operands = 8 : i64, tpu.core_type = #tpu.core_type<sc_vector_subcore>, window_params = [{transform_indices = #map}, {transform_indices = #map}, {transform_indices = #map}, {transform_indices = #map}, {transform_indices = #map}, {transform_indices = #map}, {transform_indices = #map}]} {
    %iota3A = tpu.iota {dimensions = array<i32: 0>} : vector<16xi32>
    %mul3A = arith.constant 32 : i32
    %mul3A_0 = arith.muli %arg0, %mul3A : i32
    %mul3A_1 = arith.constant 2 : i32
    %mul3A_2 = arith.muli %arg1, %mul3A_1 : i32
    %add3A = arith.addi %mul3A_0, %mul3A_2 : i32
    %add3A_3 = arith.constant 0 : i32
    %add3A_4 = arith.addi %add3A, %add3A_3 : i32
    %mul3A_5 = arith.constant 4096 : i32
    %mul3A_6 = arith.muli %add3A_4, %mul3A_5 : i32
    "tpu.region"() ({
      %run_scoped3A = tpu.sem_alloc : memref<!tpu.dma_semaphore, #tpu.memory_space<semaphore_mem>>
      %dma_start3A_105 = arith.constant 0 : i32
      %dma_start3A_106 = tpu.memref_slice %arg12[%dma_start3A_105] : memref<16384xf32, #tpu.memory_space<vmem>> -> memref<4096xf32, #tpu.memory_space<vmem>>
      %dma_start3A_107 = tpu.memref_slice %arg3[%mul3A_6] : memref<262144xf32, #tpu.memory_space<hbm>> -> memref<4096xf32, #tpu.memory_space<hbm>>
      %dma_start3A_108 = arith.constant 0 : i32
      %dma_start3A_109 = tpu.memref_slice %arg12[%dma_start3A_108] : memref<16384xf32, #tpu.memory_space<vmem>> -> memref<4096xf32, #tpu.memory_space<vmem>>
      %dma_start3A_110 = tpu.memref_slice %arg3[%mul3A_6] : memref<262144xf32, #tpu.memory_space<hbm>> -> memref<4096xf32, #tpu.memory_space<hbm>>
      tpu.enqueue_dma source(%dma_start3A_110 : memref<4096xf32, #tpu.memory_space<hbm>>) target(%dma_start3A_109 : memref<4096xf32, #tpu.memory_space<vmem>>) target_semaphore(%run_scoped3A : memref<!tpu.dma_semaphore, #tpu.memory_space<semaphore_mem>>)
      %dma_wait3A_111 = arith.constant 0 : i32
      %dma_wait3A_112 = tpu.memref_slice %arg12[%dma_wait3A_111] : memref<16384xf32, #tpu.memory_space<vmem>> -> memref<4096xf32, #tpu.memory_space<vmem>>
      %dma_wait3A_113 = tpu.memref_slice %arg3[%mul3A_6] : memref<262144xf32, #tpu.memory_space<hbm>> -> memref<4096xf32, #tpu.memory_space<hbm>>
      %dma_wait3A_114 = arith.constant 0 : i32
      %dma_wait3A_115 = tpu.memref_slice %arg12[%dma_wait3A_114] : memref<16384xf32, #tpu.memory_space<vmem>> -> memref<4096xf32, #tpu.memory_space<vmem>>
      %dma_wait3A_116 = tpu.memref_slice %arg3[%mul3A_6] : memref<262144xf32, #tpu.memory_space<hbm>> -> memref<4096xf32, #tpu.memory_space<hbm>>
      tpu.wait_dma2 semaphore(%run_scoped3A : memref<!tpu.dma_semaphore, #tpu.memory_space<semaphore_mem>>) src(%dma_wait3A_116 : memref<4096xf32, #tpu.memory_space<hbm>>) dst(%dma_wait3A_115 : memref<4096xf32, #tpu.memory_space<vmem>>)
      tpu.yield
    }) : () -> ()
    %parallel_loop3A = arith.constant 0 : i32
    %parallel_loop3A_7 = arith.constant 128 : i32
    %parallel_loop3A_8 = arith.constant 1 : i32
    scf.for %parallel_loop3A_105 = %parallel_loop3A to %parallel_loop3A_7 step %parallel_loop3A_8  : i32 {
      %parallel_loop3A_106 = arith.constant 16 : i32
      %parallel_loop3A_107 = arith.muli %parallel_loop3A_105, %parallel_loop3A_106 : i32
      %parallel_loop3A_108 = vector.broadcast %parallel_loop3A_107 : i32 to vector<16xi32>
      %parallel_loop3A_109 = arith.addi %parallel_loop3A_108, %iota3A : vector<16xi32>
      %parallel_loop3A_110 = arith.constant 255 : i32
      %parallel_loop3A_111 = vector.broadcast %parallel_loop3A_110 : i32 to vector<16xi32>
      %parallel_loop3A_112 = arith.andi %parallel_loop3A_109, %parallel_loop3A_111 : vector<16xi32>
      %parallel_loop3A_113 = arith.constant 8 : i32
      %parallel_loop3A_114 = vector.broadcast %parallel_loop3A_113 : i32 to vector<16xi32>
      %parallel_loop3A_115 = arith.shrui %parallel_loop3A_109, %parallel_loop3A_114 : vector<16xi32>
      %parallel_loop3A_116 = arith.constant 0 : i32
      %parallel_loop3A_117 = vector.broadcast %parallel_loop3A_116 : i32 to vector<16xi32>
      %parallel_loop3A_118 = arith.addi %parallel_loop3A_115, %parallel_loop3A_117 : vector<16xi32>
      %parallel_loop3A_119 = arith.constant 6 : i32
      %parallel_loop3A_120 = vector.broadcast %parallel_loop3A_119 : i32 to vector<16xi32>
      %parallel_loop3A_121 = arith.shrui %parallel_loop3A_112, %parallel_loop3A_120 : vector<16xi32>
      %parallel_loop3A_122 = arith.constant 1024 : i32
      %parallel_loop3A_123 = vector.broadcast %parallel_loop3A_122 : i32 to vector<16xi32>
      %parallel_loop3A_124 = arith.muli %parallel_loop3A_121, %parallel_loop3A_123 : vector<16xi32>
      %parallel_loop3A_125 = arith.constant 128 : i32
      %parallel_loop3A_126 = vector.broadcast %parallel_loop3A_125 : i32 to vector<16xi32>
      %parallel_loop3A_127 = arith.muli %parallel_loop3A_118, %parallel_loop3A_126 : vector<16xi32>
      %parallel_loop3A_128 = arith.addi %parallel_loop3A_124, %parallel_loop3A_127 : vector<16xi32>
      %parallel_loop3A_129 = arith.constant 63 : i32
      %parallel_loop3A_130 = vector.broadcast %parallel_loop3A_129 : i32 to vector<16xi32>
      %parallel_loop3A_131 = arith.andi %parallel_loop3A_112, %parallel_loop3A_130 : vector<16xi32>
      %parallel_loop3A_132 = arith.constant 2 : i32
      %parallel_loop3A_133 = vector.broadcast %parallel_loop3A_132 : i32 to vector<16xi32>
      %parallel_loop3A_134 = arith.muli %parallel_loop3A_131, %parallel_loop3A_133 : vector<16xi32>
      %parallel_loop3A_135 = arith.addi %parallel_loop3A_128, %parallel_loop3A_134 : vector<16xi32>
      %parallel_loop3A_136 = tpu.vector_load_idx %arg12[%parallel_loop3A_135] : memref<16384xf32, #tpu.memory_space<vmem>>[vector<16xi32>], vector<16xf32>,
      %parallel_loop3A_137 = arith.constant 1 : i32
      %parallel_loop3A_138 = vector.broadcast %parallel_loop3A_137 : i32 to vector<16xi32>
      %parallel_loop3A_139 = arith.addi %parallel_loop3A_135, %parallel_loop3A_138 : vector<16xi32>
      %parallel_loop3A_140 = tpu.vector_load_idx %arg12[%parallel_loop3A_139] : memref<16384xf32, #tpu.memory_space<vmem>>[vector<16xi32>], vector<16xf32>,
      %parallel_loop3A_141 = tpu.pack_subelements %parallel_loop3A_136, %parallel_loop3A_140 {pack_format = #tpu.pack_format<interleaved>, positions = array<i32: 0, 1>} : vector<16xf32>, vector<16xf32> -> vector<32xbf16>
      %parallel_loop3A_142 = vector.bitcast %parallel_loop3A_141 : vector<32xbf16> to vector<16xi32>
      %parallel_loop3A_143 = arith.constant 16 : i32
      %parallel_loop3A_144 = arith.muli %parallel_loop3A_105, %parallel_loop3A_143 : i32
      %parallel_loop3A_145 = arith.constant 0 : i32
      %parallel_loop3A_146 = arith.addi %parallel_loop3A_145, %parallel_loop3A_144 : i32
      %parallel_loop3A_147 = arith.index_cast %parallel_loop3A_146 : i32 to index
      %parallel_loop3A_148 = tpu.vector_load %arg10[%parallel_loop3A_147] {strides = array<i32>} : memref<32768xi32, #tpu.memory_space<vmem>>, vector<16xi32>,
      tpu.vector_store %arg10[%parallel_loop3A_147], %parallel_loop3A_142 {strides = array<i32>} : memref<32768xi32, #tpu.memory_space<vmem>>, vector<16xi32>,
    } {sc.loop_unroll_factor = 2 : i64, sc.parallel_access}
    %mul3A_9 = arith.constant 32 : i32
    %mul3A_10 = arith.muli %arg0, %mul3A_9 : i32
    %mul3A_11 = arith.constant 2 : i32
    %mul3A_12 = arith.muli %arg1, %mul3A_11 : i32
    %add3A_13 = arith.addi %mul3A_10, %mul3A_12 : i32
    %add3A_14 = arith.constant 1 : i32
    %add3A_15 = arith.addi %add3A_13, %add3A_14 : i32
    %mul3A_16 = arith.constant 4096 : i32
    %mul3A_17 = arith.muli %add3A_15, %mul3A_16 : i32
    "tpu.region"() ({
      %run_scoped3A = tpu.sem_alloc : memref<!tpu.dma_semaphore, #tpu.memory_space<semaphore_mem>>
      %dma_start3A_105 = arith.constant 0 : i32
      %dma_start3A_106 = tpu.memref_slice %arg12[%dma_start3A_105] : memref<16384xf32, #tpu.memory_space<vmem>> -> memref<4096xf32, #tpu.memory_space<vmem>>
      %dma_start3A_107 = tpu.memref_slice %arg3[%mul3A_17] : memref<262144xf32, #tpu.memory_space<hbm>> -> memref<4096xf32, #tpu.memory_space<hbm>>
      %dma_start3A_108 = arith.constant 0 : i32
      %dma_start3A_109 = tpu.memref_slice %arg12[%dma_start3A_108] : memref<16384xf32, #tpu.memory_space<vmem>> -> memref<4096xf32, #tpu.memory_space<vmem>>
      %dma_start3A_110 = tpu.memref_slice %arg3[%mul3A_17] : memref<262144xf32, #tpu.memory_space<hbm>> -> memref<4096xf32, #tpu.memory_space<hbm>>
      tpu.enqueue_dma source(%dma_start3A_110 : memref<4096xf32, #tpu.memory_space<hbm>>) target(%dma_start3A_109 : memref<4096xf32, #tpu.memory_space<vmem>>) target_semaphore(%run_scoped3A : memref<!tpu.dma_semaphore, #tpu.memory_space<semaphore_mem>>)
      %dma_wait3A_111 = arith.constant 0 : i32
      %dma_wait3A_112 = tpu.memref_slice %arg12[%dma_wait3A_111] : memref<16384xf32, #tpu.memory_space<vmem>> -> memref<4096xf32, #tpu.memory_space<vmem>>
      %dma_wait3A_113 = tpu.memref_slice %arg3[%mul3A_17] : memref<262144xf32, #tpu.memory_space<hbm>> -> memref<4096xf32, #tpu.memory_space<hbm>>
      %dma_wait3A_114 = arith.constant 0 : i32
      %dma_wait3A_115 = tpu.memref_slice %arg12[%dma_wait3A_114] : memref<16384xf32, #tpu.memory_space<vmem>> -> memref<4096xf32, #tpu.memory_space<vmem>>
      %dma_wait3A_116 = tpu.memref_slice %arg3[%mul3A_17] : memref<262144xf32, #tpu.memory_space<hbm>> -> memref<4096xf32, #tpu.memory_space<hbm>>
      tpu.wait_dma2 semaphore(%run_scoped3A : memref<!tpu.dma_semaphore, #tpu.memory_space<semaphore_mem>>) src(%dma_wait3A_116 : memref<4096xf32, #tpu.memory_space<hbm>>) dst(%dma_wait3A_115 : memref<4096xf32, #tpu.memory_space<vmem>>)
      tpu.yield
    }) : () -> ()
    %parallel_loop3A_18 = arith.constant 0 : i32
    %parallel_loop3A_19 = arith.constant 128 : i32
    %parallel_loop3A_20 = arith.constant 1 : i32
    scf.for %parallel_loop3A_105 = %parallel_loop3A_18 to %parallel_loop3A_19 step %parallel_loop3A_20  : i32 {
      %parallel_loop3A_106 = arith.constant 16 : i32
      %parallel_loop3A_107 = arith.muli %parallel_loop3A_105, %parallel_loop3A_106 : i32
      %parallel_loop3A_108 = vector.broadcast %parallel_loop3A_107 : i32 to vector<16xi32>
      %parallel_loop3A_109 = arith.addi %parallel_loop3A_108, %iota3A : vector<16xi32>
      %parallel_loop3A_110 = arith.constant 255 : i32
      %parallel_loop3A_111 = vector.broadcast %parallel_loop3A_110 : i32 to vector<16xi32>
      %parallel_loop3A_112 = arith.andi %parallel_loop3A_109, %parallel_loop3A_111 : vector<16xi32>
      %parallel_loop3A_113 = arith.constant 8 : i32
      %parallel_loop3A_114 = vector.broadcast %parallel_loop3A_113 : i32 to vector<16xi32>
      %parallel_loop3A_115 = arith.shrui %parallel_loop3A_109, %parallel_loop3A_114 : vector<16xi32>
      %parallel_loop3A_116 = arith.constant 0 : i32
      %parallel_loop3A_117 = vector.broadcast %parallel_loop3A_116 : i32 to vector<16xi32>
      %parallel_loop3A_118 = arith.addi %parallel_loop3A_115, %parallel_loop3A_117 : vector<16xi32>
      %parallel_loop3A_119 = arith.constant 6 : i32
      %parallel_loop3A_120 = vector.broadcast %parallel_loop3A_119 : i32 to vector<16xi32>
      %parallel_loop3A_121 = arith.shrui %parallel_loop3A_112, %parallel_loop3A_120 : vector<16xi32>
      %parallel_loop3A_122 = arith.constant 1024 : i32
      %parallel_loop3A_123 = vector.broadcast %parallel_loop3A_122 : i32 to vector<16xi32>
      %parallel_loop3A_124 = arith.muli %parallel_loop3A_121, %parallel_loop3A_123 : vector<16xi32>
      %parallel_loop3A_125 = arith.constant 128 : i32
      %parallel_loop3A_126 = vector.broadcast %parallel_loop3A_125 : i32 to vector<16xi32>
      %parallel_loop3A_127 = arith.muli %parallel_loop3A_118, %parallel_loop3A_126 : vector<16xi32>
      %parallel_loop3A_128 = arith.addi %parallel_loop3A_124, %parallel_loop3A_127 : vector<16xi32>
      %parallel_loop3A_129 = arith.constant 63 : i32
      %parallel_loop3A_130 = vector.broadcast %parallel_loop3A_129 : i32 to vector<16xi32>
      %parallel_loop3A_131 = arith.andi %parallel_loop3A_112, %parallel_loop3A_130 : vector<16xi32>
      %parallel_loop3A_132 = arith.constant 2 : i32
      %parallel_loop3A_133 = vector.broadcast %parallel_loop3A_132 : i32 to vector<16xi32>
      %parallel_loop3A_134 = arith.muli %parallel_loop3A_131, %parallel_loop3A_133 : vector<16xi32>
      %parallel_loop3A_135 = arith.addi %parallel_loop3A_128, %parallel_loop3A_134 : vector<16xi32>
      %parallel_loop3A_136 = tpu.vector_load_idx %arg12[%parallel_loop3A_135] : memref<16384xf32, #tpu.memory_space<vmem>>[vector<16xi32>], vector<16xf32>,
      %parallel_loop3A_137 = arith.constant 1 : i32
      %parallel_loop3A_138 = vector.broadcast %parallel_loop3A_137 : i32 to vector<16xi32>
      %parallel_loop3A_139 = arith.addi %parallel_loop3A_135, %parallel_loop3A_138 : vector<16xi32>
      %parallel_loop3A_140 = tpu.vector_load_idx %arg12[%parallel_loop3A_139] : memref<16384xf32, #tpu.memory_space<vmem>>[vector<16xi32>], vector<16xf32>,
      %parallel_loop3A_141 = tpu.pack_subelements %parallel_loop3A_136, %parallel_loop3A_140 {pack_format = #tpu.pack_format<interleaved>, positions = array<i32: 0, 1>} : vector<16xf32>, vector<16xf32> -> vector<32xbf16>
      %parallel_loop3A_142 = vector.bitcast %parallel_loop3A_141 : vector<32xbf16> to vector<16xi32>
      %parallel_loop3A_143 = arith.constant 16 : i32
      %parallel_loop3A_144 = arith.muli %parallel_loop3A_105, %parallel_loop3A_143 : i32
      %parallel_loop3A_145 = arith.constant 2048 : i32
      %parallel_loop3A_146 = arith.addi %parallel_loop3A_145, %parallel_loop3A_144 : i32
      %parallel_loop3A_147 = arith.index_cast %parallel_loop3A_146 : i32 to index
      %parallel_loop3A_148 = tpu.vector_load %arg10[%parallel_loop3A_147] {strides = array<i32>} : memref<32768xi32, #tpu.memory_space<vmem>>, vector<16xi32>,
      tpu.vector_store %arg10[%parallel_loop3A_147], %parallel_loop3A_142 {strides = array<i32>} : memref<32768xi32, #tpu.memory_space<vmem>>, vector<16xi32>,
    } {sc.loop_unroll_factor = 2 : i64, sc.parallel_access}
    %mul3A_21 = arith.constant 4096 : i32
    %mul3A_22 = arith.muli %arg1, %mul3A_21 : i32
    "tpu.region"() ({
      %run_scoped3A = tpu.sem_alloc : memref<!tpu.dma_semaphore, #tpu.memory_space<semaphore_mem>>
      %dma_start3A_105 = arith.constant 0 : i32
      %dma_start3A_106 = tpu.memref_slice %arg10[%dma_start3A_105] : memref<32768xi32, #tpu.memory_space<vmem>> -> memref<4096xi32, #tpu.memory_space<vmem>>
      %dma_start3A_107 = tpu.memref_slice %arg14[%mul3A_22] : memref<65792xi32, #tpu.memory_space<vmem_shared>> -> memref<4096xi32, #tpu.memory_space<vmem_shared>>
      %dma_start3A_108 = tpu.memref_slice %arg14[%mul3A_22] : memref<65792xi32, #tpu.memory_space<vmem_shared>> -> memref<4096xi32, #tpu.memory_space<vmem_shared>>
      %dma_start3A_109 = arith.constant 0 : i32
      %dma_start3A_110 = tpu.memref_slice %arg10[%dma_start3A_109] : memref<32768xi32, #tpu.memory_space<vmem>> -> memref<4096xi32, #tpu.memory_space<vmem>>
      tpu.enqueue_dma source(%dma_start3A_110 : memref<4096xi32, #tpu.memory_space<vmem>>) target(%dma_start3A_108 : memref<4096xi32, #tpu.memory_space<vmem_shared>>) target_semaphore(%run_scoped3A : memref<!tpu.dma_semaphore, #tpu.memory_space<semaphore_mem>>)
      %dma_wait3A_111 = arith.constant 0 : i32
      %dma_wait3A_112 = tpu.memref_slice %arg10[%dma_wait3A_111] : memref<32768xi32, #tpu.memory_space<vmem>> -> memref<4096xi32, #tpu.memory_space<vmem>>
      %dma_wait3A_113 = tpu.memref_slice %arg14[%mul3A_22] : memref<65792xi32, #tpu.memory_space<vmem_shared>> -> memref<4096xi32, #tpu.memory_space<vmem_shared>>
      %dma_wait3A_114 = tpu.memref_slice %arg14[%mul3A_22] : memref<65792xi32, #tpu.memory_space<vmem_shared>> -> memref<4096xi32, #tpu.memory_space<vmem_shared>>
      %dma_wait3A_115 = arith.constant 0 : i32
      %dma_wait3A_116 = tpu.memref_slice %arg10[%dma_wait3A_115] : memref<32768xi32, #tpu.memory_space<vmem>> -> memref<4096xi32, #tpu.memory_space<vmem>>
      tpu.wait_dma2 semaphore(%run_scoped3A : memref<!tpu.dma_semaphore, #tpu.memory_space<semaphore_mem>>) src(%dma_wait3A_116 : memref<4096xi32, #tpu.memory_space<vmem>>) dst(%dma_wait3A_114 : memref<4096xi32, #tpu.memory_space<vmem_shared>>)
      tpu.yield
    }) : () -> ()
    %eq3A = arith.constant 0 : i32
    %eq3A_23 = arith.cmpi eq, %arg0, %eq3A : i32
    %eq3A_24 = arith.constant 0 : i32
    %eq3A_25 = arith.cmpi eq, %arg1, %eq3A_24 : i32
    %and3A = arith.andi %eq3A_23, %eq3A_25 : i1
    %convert_element_type3A = arith.extui %and3A : i1 to i32
    %cond3A = arith.constant 0 : i32
    %cond3A_26 = arith.cmpi ne, %convert_element_type3A, %cond3A : i32
    scf.if %cond3A_26 {
      "tpu.region"() ({
        %run_scoped3A = tpu.sem_alloc : memref<!tpu.dma_semaphore, #tpu.memory_space<semaphore_mem>>
        %dma_start3A_108 = arith.constant 0 : i32
        %dma_start3A_109 = tpu.memref_slice %arg12[%dma_start3A_108] : memref<16384xf32, #tpu.memory_space<vmem>> -> memref<4096xf32, #tpu.memory_space<vmem>>
        %dma_start3A_110 = arith.constant 131072 : i32
        %dma_start3A_111 = tpu.memref_slice %arg3[%dma_start3A_110] : memref<262144xf32, #tpu.memory_space<hbm>> -> memref<4096xf32, #tpu.memory_space<hbm>>
        %dma_start3A_112 = arith.constant 0 : i32
        %dma_start3A_113 = tpu.memref_slice %arg12[%dma_start3A_112] : memref<16384xf32, #tpu.memory_space<vmem>> -> memref<4096xf32, #tpu.memory_space<vmem>>
        %dma_start3A_114 = arith.constant 131072 : i32
        %dma_start3A_115 = tpu.memref_slice %arg3[%dma_start3A_114] : memref<262144xf32, #tpu.memory_space<hbm>> -> memref<4096xf32, #tpu.memory_space<hbm>>
        tpu.enqueue_dma source(%dma_start3A_115 : memref<4096xf32, #tpu.memory_space<hbm>>) target(%dma_start3A_113 : memref<4096xf32, #tpu.memory_space<vmem>>) target_semaphore(%run_scoped3A : memref<!tpu.dma_semaphore, #tpu.memory_space<semaphore_mem>>)
        %dma_wait3A_116 = arith.constant 0 : i32
        %dma_wait3A_117 = tpu.memref_slice %arg12[%dma_wait3A_116] : memref<16384xf32, #tpu.memory_space<vmem>> -> memref<4096xf32, #tpu.memory_space<vmem>>
        %dma_wait3A_118 = arith.constant 131072 : i32
        %dma_wait3A_119 = tpu.memref_slice %arg3[%dma_wait3A_118] : memref<262144xf32, #tpu.memory_space<hbm>> -> memref<4096xf32, #tpu.memory_space<hbm>>
        %dma_wait3A_120 = arith.constant 0 : i32
        %dma_wait3A_121 = tpu.memref_slice %arg12[%dma_wait3A_120] : memref<16384xf32, #tpu.memory_space<vmem>> -> memref<4096xf32, #tpu.memory_space<vmem>>
        %dma_wait3A_122 = arith.constant 131072 : i32
        %dma_wait3A_123 = tpu.memref_slice %arg3[%dma_wait3A_122] : memref<262144xf32, #tpu.memory_space<hbm>> -> memref<4096xf32, #tpu.memory_space<hbm>>
        tpu.wait_dma2 semaphore(%run_scoped3A : memref<!tpu.dma_semaphore, #tpu.memory_space<semaphore_mem>>) src(%dma_wait3A_123 : memref<4096xf32, #tpu.memory_space<hbm>>) dst(%dma_wait3A_121 : memref<4096xf32, #tpu.memory_space<vmem>>)
        tpu.yield
      }) : () -> ()
      %parallel_loop3A_105 = arith.constant 0 : i32
      %parallel_loop3A_106 = arith.constant 16 : i32
      %parallel_loop3A_107 = arith.constant 1 : i32
      scf.for %parallel_loop3A_108 = %parallel_loop3A_105 to %parallel_loop3A_106 step %parallel_loop3A_107  : i32 {
        %parallel_loop3A_109 = arith.constant 16 : i32
        %parallel_loop3A_110 = arith.muli %parallel_loop3A_108, %parallel_loop3A_109 : i32
        %parallel_loop3A_111 = vector.broadcast %parallel_loop3A_110 : i32 to vector<16xi32>
        %parallel_loop3A_112 = arith.addi %parallel_loop3A_111, %iota3A : vector<16xi32>
        %parallel_loop3A_113 = arith.constant 255 : i32
        %parallel_loop3A_114 = vector.broadcast %parallel_loop3A_113 : i32 to vector<16xi32>
        %parallel_loop3A_115 = arith.andi %parallel_loop3A_112, %parallel_loop3A_114 : vector<16xi32>
        %parallel_loop3A_116 = arith.constant 8 : i32
        %parallel_loop3A_117 = vector.broadcast %parallel_loop3A_116 : i32 to vector<16xi32>
        %parallel_loop3A_118 = arith.shrui %parallel_loop3A_112, %parallel_loop3A_117 : vector<16xi32>
        %parallel_loop3A_119 = arith.constant 0 : i32
        %parallel_loop3A_120 = vector.broadcast %parallel_loop3A_119 : i32 to vector<16xi32>
        %parallel_loop3A_121 = arith.addi %parallel_loop3A_118, %parallel_loop3A_120 : vector<16xi32>
        %parallel_loop3A_122 = arith.constant 6 : i32
        %parallel_loop3A_123 = vector.broadcast %parallel_loop3A_122 : i32 to vector<16xi32>
        %parallel_loop3A_124 = arith.shrui %parallel_loop3A_115, %parallel_loop3A_123 : vector<16xi32>
        %parallel_loop3A_125 = arith.constant 1024 : i32
        %parallel_loop3A_126 = vector.broadcast %parallel_loop3A_125 : i32 to vector<16xi32>
        %parallel_loop3A_127 = arith.muli %parallel_loop3A_124, %parallel_loop3A_126 : vector<16xi32>
        %parallel_loop3A_128 = arith.constant 128 : i32
        %parallel_loop3A_129 = vector.broadcast %parallel_loop3A_128 : i32 to vector<16xi32>
        %parallel_loop3A_130 = arith.muli %parallel_loop3A_121, %parallel_loop3A_129 : vector<16xi32>
        %parallel_loop3A_131 = arith.addi %parallel_loop3A_127, %parallel_loop3A_130 : vector<16xi32>
        %parallel_loop3A_132 = arith.constant 63 : i32
        %parallel_loop3A_133 = vector.broadcast %parallel_loop3A_132 : i32 to vector<16xi32>
        %parallel_loop3A_134 = arith.andi %parallel_loop3A_115, %parallel_loop3A_133 : vector<16xi32>
        %parallel_loop3A_135 = arith.constant 2 : i32
        %parallel_loop3A_136 = vector.broadcast %parallel_loop3A_135 : i32 to vector<16xi32>
        %parallel_loop3A_137 = arith.muli %parallel_loop3A_134, %parallel_loop3A_136 : vector<16xi32>
        %parallel_loop3A_138 = arith.addi %parallel_loop3A_131, %parallel_loop3A_137 : vector<16xi32>
        %parallel_loop3A_139 = tpu.vector_load_idx %arg12[%parallel_loop3A_138] : memref<16384xf32, #tpu.memory_space<vmem>>[vector<16xi32>], vector<16xf32>,
        %parallel_loop3A_140 = arith.constant 1 : i32
        %parallel_loop3A_141 = vector.broadcast %parallel_loop3A_140 : i32 to vector<16xi32>
        %parallel_loop3A_142 = arith.addi %parallel_loop3A_138, %parallel_loop3A_141 : vector<16xi32>
        %parallel_loop3A_143 = tpu.vector_load_idx %arg12[%parallel_loop3A_142] : memref<16384xf32, #tpu.memory_space<vmem>>[vector<16xi32>], vector<16xf32>,
        %parallel_loop3A_144 = tpu.pack_subelements %parallel_loop3A_139, %parallel_loop3A_143 {pack_format = #tpu.pack_format<interleaved>, positions = array<i32: 0, 1>} : vector<16xf32>, vector<16xf32> -> vector<32xbf16>
        %parallel_loop3A_145 = vector.bitcast %parallel_loop3A_144 : vector<32xbf16> to vector<16xi32>
        %parallel_loop3A_146 = arith.constant 16 : i32
        %parallel_loop3A_147 = arith.muli %parallel_loop3A_108, %parallel_loop3A_146 : i32
        %parallel_loop3A_148 = arith.constant 0 : i32
        %parallel_loop3A_149 = arith.addi %parallel_loop3A_148, %parallel_loop3A_147 : i32
        %parallel_loop3A_150 = arith.index_cast %parallel_loop3A_149 : i32 to index
        %parallel_loop3A_151 = tpu.vector_load %arg10[%parallel_loop3A_150] {strides = array<i32>} : memref<32768xi32, #tpu.memory_space<vmem>>, vector<16xi32>,
        tpu.vector_store %arg10[%parallel_loop3A_150], %parallel_loop3A_145 {strides = array<i32>} : memref<32768xi32, #tpu.memory_space<vmem>>, vector<16xi32>,
      } {sc.loop_unroll_factor = 1 : i64, sc.parallel_access}
      "tpu.region"() ({
        %run_scoped3A = tpu.sem_alloc : memref<!tpu.dma_semaphore, #tpu.memory_space<semaphore_mem>>
        %dma_start3A_108 = arith.constant 0 : i32
        %dma_start3A_109 = tpu.memref_slice %arg10[%dma_start3A_108] : memref<32768xi32, #tpu.memory_space<vmem>> -> memref<256xi32, #tpu.memory_space<vmem>>
        %dma_start3A_110 = arith.constant 65536 : i32
        %dma_start3A_111 = tpu.memref_slice %arg14[%dma_start3A_110] : memref<65792xi32, #tpu.memory_space<vmem_shared>> -> memref<256xi32, #tpu.memory_space<vmem_shared>>
        %dma_start3A_112 = arith.constant 65536 : i32
        %dma_start3A_113 = tpu.memref_slice %arg14[%dma_start3A_112] : memref<65792xi32, #tpu.memory_space<vmem_shared>> -> memref<256xi32, #tpu.memory_space<vmem_shared>>
        %dma_start3A_114 = arith.constant 0 : i32
        %dma_start3A_115 = tpu.memref_slice %arg10[%dma_start3A_114] : memref<32768xi32, #tpu.memory_space<vmem>> -> memref<256xi32, #tpu.memory_space<vmem>>
        tpu.enqueue_dma source(%dma_start3A_115 : memref<256xi32, #tpu.memory_space<vmem>>) target(%dma_start3A_113 : memref<256xi32, #tpu.memory_space<vmem_shared>>) target_semaphore(%run_scoped3A : memref<!tpu.dma_semaphore, #tpu.memory_space<semaphore_mem>>)
        %dma_wait3A_116 = arith.constant 0 : i32
        %dma_wait3A_117 = tpu.memref_slice %arg10[%dma_wait3A_116] : memref<32768xi32, #tpu.memory_space<vmem>> -> memref<256xi32, #tpu.memory_space<vmem>>
        %dma_wait3A_118 = arith.constant 65536 : i32
        %dma_wait3A_119 = tpu.memref_slice %arg14[%dma_wait3A_118] : memref<65792xi32, #tpu.memory_space<vmem_shared>> -> memref<256xi32, #tpu.memory_space<vmem_shared>>
        %dma_wait3A_120 = arith.constant 65536 : i32
        %dma_wait3A_121 = tpu.memref_slice %arg14[%dma_wait3A_120] : memref<65792xi32, #tpu.memory_space<vmem_shared>> -> memref<256xi32, #tpu.memory_space<vmem_shared>>
        %dma_wait3A_122 = arith.constant 0 : i32
        %dma_wait3A_123 = tpu.memref_slice %arg10[%dma_wait3A_122] : memref<32768xi32, #tpu.memory_space<vmem>> -> memref<256xi32, #tpu.memory_space<vmem>>
        tpu.wait_dma2 semaphore(%run_scoped3A : memref<!tpu.dma_semaphore, #tpu.memory_space<semaphore_mem>>) src(%dma_wait3A_123 : memref<256xi32, #tpu.memory_space<vmem>>) dst(%dma_wait3A_121 : memref<256xi32, #tpu.memory_space<vmem_shared>>)
        tpu.yield
      }) : () -> ()
    } else {
    }
    %barrier3A = arith.constant 0 : index
    tpu.barrier barrier_id(%barrier3A)
    "tpu.region"() ({
      %run_scoped3A = tpu.sem_alloc : memref<!tpu.dma_semaphore, #tpu.memory_space<semaphore_mem>>
      tpu.enqueue_dma source(%arg14 : memref<65792xi32, #tpu.memory_space<vmem_shared>>) target(%arg9 : memref<65792xi32, #tpu.memory_space<vmem>>) target_semaphore(%run_scoped3A : memref<!tpu.dma_semaphore, #tpu.memory_space<semaphore_mem>>)
      tpu.wait_dma2 semaphore(%run_scoped3A : memref<!tpu.dma_semaphore, #tpu.memory_space<semaphore_mem>>) src(%arg14 : memref<65792xi32, #tpu.memory_space<vmem_shared>>) dst(%arg9 : memref<65792xi32, #tpu.memory_space<vmem>>)
      tpu.yield
    }) : () -> ()
    %eq3A_27 = arith.constant 0 : i32
    %eq3A_28 = arith.cmpi eq, %arg0, %eq3A_27 : i32
    %convert_element_type3A_29 = arith.extui %eq3A_28 : i1 to i32
    %cond3A_30 = arith.constant 0 : i32
    %cond3A_31 = arith.cmpi ne, %convert_element_type3A_29, %cond3A_30 : i32
    scf.if %cond3A_31 {
      "tpu.region"() ({
        %run_scoped3A = tpu.sem_alloc : memref<!tpu.dma_semaphore, #tpu.memory_space<semaphore_mem>>
        %dma_start3A_105 = arith.constant 0 : i32
        %dma_start3A_106 = tpu.memref_slice %arg10[%dma_start3A_105] : memref<32768xi32, #tpu.memory_space<vmem>> -> memref<32768xi32, #tpu.memory_space<vmem>>
        %dma_start3A_107 = arith.constant 0 : i32
        %dma_start3A_108 = tpu.memref_slice %arg10[%dma_start3A_107] : memref<32768xi32, #tpu.memory_space<vmem>> -> memref<32768xi32, #tpu.memory_space<vmem>>
        tpu.enqueue_dma source(%arg4 : memref<32768xi32, #tpu.memory_space<hbm>>) target(%dma_start3A_108 : memref<32768xi32, #tpu.memory_space<vmem>>) target_semaphore(%run_scoped3A : memref<!tpu.dma_semaphore, #tpu.memory_space<semaphore_mem>>)
        %dma_wait3A_109 = arith.constant 0 : i32
        %dma_wait3A_110 = tpu.memref_slice %arg10[%dma_wait3A_109] : memref<32768xi32, #tpu.memory_space<vmem>> -> memref<32768xi32, #tpu.memory_space<vmem>>
        %dma_wait3A_111 = arith.constant 0 : i32
        %dma_wait3A_112 = tpu.memref_slice %arg10[%dma_wait3A_111] : memref<32768xi32, #tpu.memory_space<vmem>> -> memref<32768xi32, #tpu.memory_space<vmem>>
        tpu.wait_dma2 semaphore(%run_scoped3A : memref<!tpu.dma_semaphore, #tpu.memory_space<semaphore_mem>>) src(%arg4 : memref<32768xi32, #tpu.memory_space<hbm>>) dst(%dma_wait3A_112 : memref<32768xi32, #tpu.memory_space<vmem>>)
        tpu.yield
      }) : () -> ()
    } else {
    }
    %eq3A_32 = arith.constant 1 : i32
    %eq3A_33 = arith.cmpi eq, %arg0, %eq3A_32 : i32
    %convert_element_type3A_34 = arith.extui %eq3A_33 : i1 to i32
    %cond3A_35 = arith.constant 0 : i32
    %cond3A_36 = arith.cmpi ne, %convert_element_type3A_34, %cond3A_35 : i32
    scf.if %cond3A_36 {
      "tpu.region"() ({
        %run_scoped3A = tpu.sem_alloc : memref<!tpu.dma_semaphore, #tpu.memory_space<semaphore_mem>>
        %dma_start3A_105 = arith.constant 0 : i32
        %dma_start3A_106 = tpu.memref_slice %arg10[%dma_start3A_105] : memref<32768xi32, #tpu.memory_space<vmem>> -> memref<8192xi32, #tpu.memory_space<vmem>>
        %dma_start3A_107 = arith.constant 0 : i32
        %dma_start3A_108 = tpu.memref_slice %arg10[%dma_start3A_107] : memref<32768xi32, #tpu.memory_space<vmem>> -> memref<8192xi32, #tpu.memory_space<vmem>>
        tpu.enqueue_dma source(%arg5 : memref<8192xi32, #tpu.memory_space<hbm>>) target(%dma_start3A_108 : memref<8192xi32, #tpu.memory_space<vmem>>) target_semaphore(%run_scoped3A : memref<!tpu.dma_semaphore, #tpu.memory_space<semaphore_mem>>)
        %dma_wait3A_109 = arith.constant 0 : i32
        %dma_wait3A_110 = tpu.memref_slice %arg10[%dma_wait3A_109] : memref<32768xi32, #tpu.memory_space<vmem>> -> memref<8192xi32, #tpu.memory_space<vmem>>
        %dma_wait3A_111 = arith.constant 0 : i32
        %dma_wait3A_112 = tpu.memref_slice %arg10[%dma_wait3A_111] : memref<32768xi32, #tpu.memory_space<vmem>> -> memref<8192xi32, #tpu.memory_space<vmem>>
        tpu.wait_dma2 semaphore(%run_scoped3A : memref<!tpu.dma_semaphore, #tpu.memory_space<semaphore_mem>>) src(%arg5 : memref<8192xi32, #tpu.memory_space<hbm>>) dst(%dma_wait3A_112 : memref<8192xi32, #tpu.memory_space<vmem>>)
        tpu.yield
      }) : () -> ()
    } else {
    }
    "tpu.region"() ({
      %run_scoped3A = tpu.sem_alloc : memref<!tpu.dma_semaphore, #tpu.memory_space<semaphore_mem>>
      tpu.enqueue_dma source(%arg6 : memref<2048xi32, #tpu.memory_space<hbm>>) target(%arg11 : memref<2048xi32, #tpu.memory_space<vmem>>) target_semaphore(%run_scoped3A : memref<!tpu.dma_semaphore, #tpu.memory_space<semaphore_mem>>)
      tpu.wait_dma2 semaphore(%run_scoped3A : memref<!tpu.dma_semaphore, #tpu.memory_space<semaphore_mem>>) src(%arg6 : memref<2048xi32, #tpu.memory_space<hbm>>) dst(%arg11 : memref<2048xi32, #tpu.memory_space<vmem>>)
      tpu.yield
    }) : () -> ()
    %mul3A_37 = arith.constant 65536 : i32
    %mul3A_38 = arith.muli %arg0, %mul3A_37 : i32
    %mul3A_39 = arith.constant 256 : i32
    %mul3A_40 = arith.muli %arg0, %mul3A_39 : i32
    %sub3A = arith.constant 65791 : i32
    %sub3A_41 = arith.subi %sub3A, %mul3A_40 : i32
    %eq3A_42 = arith.constant 0 : i32
    %eq3A_43 = arith.cmpi eq, %arg0, %eq3A_42 : i32
    %jit3A = arith.constant 2.560000e+02 : f32
    %jit3A_44 = arith.constant 1.280000e+02 : f32
    %select_n3A = arith.select %eq3A_43, %jit3A, %jit3A_44 : f32
    %eq3A_45 = arith.constant 0 : i32
    %eq3A_46 = arith.cmpi eq, %arg0, %eq3A_45 : i32
    %jit3A_47 = arith.constant 256 : i32
    %jit3A_48 = arith.constant 128 : i32
    %select_n3A_49 = arith.select %eq3A_46, %jit3A_47, %jit3A_48 : i32
    %eq3A_50 = arith.constant 0 : i32
    %eq3A_51 = arith.cmpi eq, %arg0, %eq3A_50 : i32
    %jit3A_52 = arith.constant 128 : i32
    %jit3A_53 = arith.constant 64 : i32
    %select_n3A_54 = arith.select %eq3A_51, %jit3A_52, %jit3A_53 : i32
    %eq3A_55 = arith.constant 0 : i32
    %eq3A_56 = arith.cmpi eq, %arg0, %eq3A_55 : i32
    %jit3A_57 = arith.constant 32767 : i32
    %jit3A_58 = arith.constant 8191 : i32
    %select_n3A_59 = arith.select %eq3A_56, %jit3A_57, %jit3A_58 : i32
    %eq3A_60 = arith.constant 0 : i32
    %eq3A_61 = arith.cmpi eq, %arg0, %eq3A_60 : i32
    %mul3A_62 = arith.constant 32 : i32
    %mul3A_63 = arith.muli %arg1, %mul3A_62 : i32
    %add3A_64 = arith.constant 0 : i32
    %add3A_65 = arith.addi %mul3A_63, %add3A_64 : i32
    %mul3A_66 = arith.constant 4096 : i32
    %mul3A_67 = arith.muli %add3A_65, %mul3A_66 : i32
    %mul3A_68 = arith.constant 2 : i32
    %mul3A_69 = arith.muli %mul3A_67, %mul3A_68 : i32
    %dma_start3A = arith.constant 0 : i32
    %dma_start3A_70 = arith.constant 0 : i32
    %dma_start3A_71 = tpu.memref_slice %arg12[%dma_start3A_70] : memref<16384xf32, #tpu.memory_space<vmem>> -> memref<8192xf32, #tpu.memory_space<vmem>>
    %dma_start3A_72 = tpu.memref_slice %arg2[%mul3A_69] : memref<4194304xf32, #tpu.memory_space<hbm>> -> memref<8192xf32, #tpu.memory_space<hbm>>
    %dma_start3A_73 = tpu.memref_slice %arg15[%dma_start3A] : memref<2x!tpu.dma_semaphore, #tpu.memory_space<semaphore_mem>> -> memref<1x!tpu.dma_semaphore, #tpu.memory_space<semaphore_mem>>
    %dma_start3A_74 = tpu.memref_squeeze %dma_start3A_73 : memref<1x!tpu.dma_semaphore, #tpu.memory_space<semaphore_mem>> -> memref<!tpu.dma_semaphore, #tpu.memory_space<semaphore_mem>>
    %dma_start3A_75 = arith.constant 0 : i32
    %dma_start3A_76 = tpu.memref_slice %arg12[%dma_start3A_75] : memref<16384xf32, #tpu.memory_space<vmem>> -> memref<8192xf32, #tpu.memory_space<vmem>>
    %dma_start3A_77 = tpu.memref_slice %arg2[%mul3A_69] : memref<4194304xf32, #tpu.memory_space<hbm>> -> memref<8192xf32, #tpu.memory_space<hbm>>
    tpu.enqueue_dma source(%dma_start3A_77 : memref<8192xf32, #tpu.memory_space<hbm>>) target(%dma_start3A_76 : memref<8192xf32, #tpu.memory_space<vmem>>) target_semaphore(%dma_start3A_74 : memref<!tpu.dma_semaphore, #tpu.memory_space<semaphore_mem>>)
    %scan3A = arith.constant 0 : i32
    %scan3A_78 = arith.constant 0.000000e+00 : f32
    %scan3A_79 = arith.constant 0 : i32
    %scan3A_80 = arith.constant 16 : i32
    %scan3A_81 = arith.addi %scan3A_79, %scan3A_80 : i32
    %scan3A_82 = arith.constant 1 : i32
    scf.for %scan3A_105 = %scan3A_79 to %scan3A_81 step %scan3A_82  : i32 {
      %mul3A_106 = arith.constant 2 : i32
      %mul3A_107 = arith.muli %scan3A_105, %mul3A_106 : i32
      %add3A_108 = arith.constant 0 : i32
      %add3A_109 = arith.addi %mul3A_107, %add3A_108 : i32
      %dma_wait3A_110 = arith.constant 0 : i32
      %dma_wait3A_111 = arith.constant 0 : i32
      %dma_wait3A_112 = tpu.memref_slice %arg12[%dma_wait3A_111] : memref<16384xf32, #tpu.memory_space<vmem>> -> memref<8192xf32, #tpu.memory_space<vmem>>
      %dma_wait3A_113 = arith.constant 0 : i32
      %dma_wait3A_114 = tpu.memref_slice %arg2[%dma_wait3A_113] : memref<4194304xf32, #tpu.memory_space<hbm>> -> memref<8192xf32, #tpu.memory_space<hbm>>
      %dma_wait3A_115 = tpu.memref_slice %arg15[%dma_wait3A_110] : memref<2x!tpu.dma_semaphore, #tpu.memory_space<semaphore_mem>> -> memref<1x!tpu.dma_semaphore, #tpu.memory_space<semaphore_mem>>
      %dma_wait3A_116 = tpu.memref_squeeze %dma_wait3A_115 : memref<1x!tpu.dma_semaphore, #tpu.memory_space<semaphore_mem>> -> memref<!tpu.dma_semaphore, #tpu.memory_space<semaphore_mem>>
      %dma_wait3A_117 = arith.constant 0 : i32
      %dma_wait3A_118 = tpu.memref_slice %arg12[%dma_wait3A_117] : memref<16384xf32, #tpu.memory_space<vmem>> -> memref<8192xf32, #tpu.memory_space<vmem>>
      %dma_wait3A_119 = arith.constant 0 : i32
      %dma_wait3A_120 = tpu.memref_slice %arg2[%dma_wait3A_119] : memref<4194304xf32, #tpu.memory_space<hbm>> -> memref<8192xf32, #tpu.memory_space<hbm>>
      tpu.wait_dma2 semaphore(%dma_wait3A_116 : memref<!tpu.dma_semaphore, #tpu.memory_space<semaphore_mem>>) src(%dma_wait3A_120 : memref<8192xf32, #tpu.memory_space<hbm>>) dst(%dma_wait3A_118 : memref<8192xf32, #tpu.memory_space<vmem>>)
      %add3A_121 = arith.constant 1 : i32
      %add3A_122 = arith.addi %add3A_109, %add3A_121 : i32
      %lt3A = arith.constant 32 : i32
      %lt3A_123 = arith.cmpi slt, %add3A_122, %lt3A : i32
      %convert_element_type3A_124 = arith.extui %lt3A_123 : i1 to i32
      %cond3A_125 = arith.constant 0 : i32
      %cond3A_126 = arith.cmpi ne, %convert_element_type3A_124, %cond3A_125 : i32
      scf.if %cond3A_126 {
        %add3A_206 = arith.constant 1 : i32
        %add3A_207 = arith.addi %add3A_109, %add3A_206 : i32
        %mul3A_208 = arith.constant 32 : i32
        %mul3A_209 = arith.muli %arg1, %mul3A_208 : i32
        %add3A_210 = arith.addi %mul3A_209, %add3A_207 : i32
        %mul3A_211 = arith.constant 4096 : i32
        %mul3A_212 = arith.muli %add3A_210, %mul3A_211 : i32
        %mul3A_213 = arith.constant 2 : i32
        %mul3A_214 = arith.muli %mul3A_212, %mul3A_213 : i32
        %dma_start3A_215 = arith.constant 1 : i32
        %dma_start3A_216 = arith.constant 8192 : i32
        %dma_start3A_217 = tpu.memref_slice %arg12[%dma_start3A_216] : memref<16384xf32, #tpu.memory_space<vmem>> -> memref<8192xf32, #tpu.memory_space<vmem>>
        %dma_start3A_218 = tpu.memref_slice %arg2[%mul3A_214] : memref<4194304xf32, #tpu.memory_space<hbm>> -> memref<8192xf32, #tpu.memory_space<hbm>>
        %dma_start3A_219 = tpu.memref_slice %arg15[%dma_start3A_215] : memref<2x!tpu.dma_semaphore, #tpu.memory_space<semaphore_mem>> -> memref<1x!tpu.dma_semaphore, #tpu.memory_space<semaphore_mem>>
        %dma_start3A_220 = tpu.memref_squeeze %dma_start3A_219 : memref<1x!tpu.dma_semaphore, #tpu.memory_space<semaphore_mem>> -> memref<!tpu.dma_semaphore, #tpu.memory_space<semaphore_mem>>
        %dma_start3A_221 = arith.constant 8192 : i32
        %dma_start3A_222 = tpu.memref_slice %arg12[%dma_start3A_221] : memref<16384xf32, #tpu.memory_space<vmem>> -> memref<8192xf32, #tpu.memory_space<vmem>>
        %dma_start3A_223 = tpu.memref_slice %arg2[%mul3A_214] : memref<4194304xf32, #tpu.memory_space<hbm>> -> memref<8192xf32, #tpu.memory_space<hbm>>
        tpu.enqueue_dma source(%dma_start3A_223 : memref<8192xf32, #tpu.memory_space<hbm>>) target(%dma_start3A_222 : memref<8192xf32, #tpu.memory_space<vmem>>) target_semaphore(%dma_start3A_220 : memref<!tpu.dma_semaphore, #tpu.memory_space<semaphore_mem>>)
      } else {
      }
      %ge3A = arith.constant 2 : i32
      %ge3A_127 = arith.cmpi sge, %add3A_109, %ge3A : i32
      %convert_element_type3A_128 = arith.extui %ge3A_127 : i1 to i32
      %cond3A_129 = arith.constant 0 : i32
      %cond3A_130 = arith.cmpi ne, %convert_element_type3A_128, %cond3A_129 : i32
      scf.if %cond3A_130 {
        %dma_wait3A_206 = arith.constant 0 : i32
        %dma_wait3A_207 = arith.constant 0 : i32
        %dma_wait3A_208 = tpu.memref_slice %arg13[%dma_wait3A_207] : memref<8192xf32, #tpu.memory_space<vmem>> -> memref<4096xf32, #tpu.memory_space<vmem>>
        %dma_wait3A_209 = arith.constant 0 : i32
        %dma_wait3A_210 = tpu.memref_slice %arg7[%dma_wait3A_209] : memref<2097152xf32, #tpu.memory_space<hbm>> -> memref<4096xf32, #tpu.memory_space<hbm>>
        %dma_wait3A_211 = tpu.memref_slice %arg16[%dma_wait3A_206] : memref<2x!tpu.dma_semaphore, #tpu.memory_space<semaphore_mem>> -> memref<1x!tpu.dma_semaphore, #tpu.memory_space<semaphore_mem>>
        %dma_wait3A_212 = tpu.memref_squeeze %dma_wait3A_211 : memref<1x!tpu.dma_semaphore, #tpu.memory_space<semaphore_mem>> -> memref<!tpu.dma_semaphore, #tpu.memory_space<semaphore_mem>>
        %dma_wait3A_213 = arith.constant 0 : i32
        %dma_wait3A_214 = tpu.memref_slice %arg7[%dma_wait3A_213] : memref<2097152xf32, #tpu.memory_space<hbm>> -> memref<4096xf32, #tpu.memory_space<hbm>>
        %dma_wait3A_215 = arith.constant 0 : i32
        %dma_wait3A_216 = tpu.memref_slice %arg13[%dma_wait3A_215] : memref<8192xf32, #tpu.memory_space<vmem>> -> memref<4096xf32, #tpu.memory_space<vmem>>
        tpu.wait_dma2 semaphore(%dma_wait3A_212 : memref<!tpu.dma_semaphore, #tpu.memory_space<semaphore_mem>>) src(%dma_wait3A_216 : memref<4096xf32, #tpu.memory_space<vmem>>) dst(%dma_wait3A_214 : memref<4096xf32, #tpu.memory_space<hbm>>)
      } else {
      }
      %parallel_loop3A_131 = arith.constant 0 : i32
      %parallel_loop3A_132 = arith.constant 256 : i32
      %parallel_loop3A_133 = arith.constant 1 : i32
      scf.for %parallel_loop3A_206 = %parallel_loop3A_131 to %parallel_loop3A_132 step %parallel_loop3A_133  : i32 {
        %parallel_loop3A_207 = arith.constant 5 : i32
        %parallel_loop3A_208 = arith.shrui %parallel_loop3A_206, %parallel_loop3A_207 : i32
        %parallel_loop3A_209 = arith.constant 31 : i32
        %parallel_loop3A_210 = arith.andi %parallel_loop3A_206, %parallel_loop3A_209 : i32
        %parallel_loop3A_211 = arith.constant 3 : i32
        %parallel_loop3A_212 = arith.shrui %parallel_loop3A_210, %parallel_loop3A_211 : i32
        %parallel_loop3A_213 = arith.constant 7 : i32
        %parallel_loop3A_214 = arith.andi %parallel_loop3A_210, %parallel_loop3A_213 : i32
        %parallel_loop3A_215 = arith.constant 1024 : i32
        %parallel_loop3A_216 = arith.muli %parallel_loop3A_208, %parallel_loop3A_215 : i32
        %parallel_loop3A_217 = arith.constant 256 : i32
        %parallel_loop3A_218 = arith.muli %parallel_loop3A_212, %parallel_loop3A_217 : i32
        %parallel_loop3A_219 = arith.addi %parallel_loop3A_216, %parallel_loop3A_218 : i32
        %parallel_loop3A_220 = arith.constant 16 : i32
        %parallel_loop3A_221 = arith.muli %parallel_loop3A_214, %parallel_loop3A_220 : i32
        %parallel_loop3A_222 = arith.addi %parallel_loop3A_219, %parallel_loop3A_221 : i32
        %parallel_loop3A_223 = arith.constant 1024 : i32
        %parallel_loop3A_224 = arith.muli %parallel_loop3A_212, %parallel_loop3A_223 : i32
        %parallel_loop3A_225 = arith.constant 128 : i32
        %parallel_loop3A_226 = arith.muli %parallel_loop3A_208, %parallel_loop3A_225 : i32
        %parallel_loop3A_227 = arith.addi %parallel_loop3A_224, %parallel_loop3A_226 : i32
        %parallel_loop3A_228 = arith.constant 16 : i32
        %parallel_loop3A_229 = arith.muli %parallel_loop3A_214, %parallel_loop3A_228 : i32
        %parallel_loop3A_230 = arith.addi %parallel_loop3A_227, %parallel_loop3A_229 : i32
        %parallel_loop3A_231 = arith.constant 0 : i32
        %parallel_loop3A_232 = arith.addi %parallel_loop3A_231, %parallel_loop3A_222 : i32
        %parallel_loop3A_233 = arith.index_cast %parallel_loop3A_232 : i32 to index
        %parallel_loop3A_234 = tpu.vector_load %arg12[%parallel_loop3A_233] {strides = array<i32>} : memref<16384xf32, #tpu.memory_space<vmem>>, vector<16xf32>,
        %parallel_loop3A_235 = arith.constant 0 : i32
        %parallel_loop3A_236 = arith.addi %parallel_loop3A_235, %parallel_loop3A_222 : i32
        %parallel_loop3A_237 = arith.constant 128 : i32
        %parallel_loop3A_238 = arith.addi %parallel_loop3A_236, %parallel_loop3A_237 : i32
        %parallel_loop3A_239 = arith.index_cast %parallel_loop3A_238 : i32 to index
        %parallel_loop3A_240 = tpu.vector_load %arg12[%parallel_loop3A_239] {strides = array<i32>} : memref<16384xf32, #tpu.memory_space<vmem>>, vector<16xf32>,
        %parallel_loop3A_241 = arith.constant 5.120000e+02 : f32
        %parallel_loop3A_242 = arith.constant 5.000000e-01 : f32
        %parallel_loop3A_243 = arith.mulf %parallel_loop3A_241, %parallel_loop3A_242 : f32
        %parallel_loop3A_244 = vector.broadcast %parallel_loop3A_243 : f32 to vector<16xf32>
        %parallel_loop3A_245 = arith.mulf %parallel_loop3A_234, %parallel_loop3A_244 : vector<16xf32>
        %parallel_loop3A_246 = arith.constant 5.000000e-01 : f32
        %parallel_loop3A_247 = arith.subf %parallel_loop3A_243, %parallel_loop3A_246 : f32
        %parallel_loop3A_248 = vector.broadcast %parallel_loop3A_247 : f32 to vector<16xf32>
        %parallel_loop3A_249 = arith.addf %parallel_loop3A_245, %parallel_loop3A_248 : vector<16xf32>
        %parallel_loop3A_250 = arith.constant 5.120000e+02 : f32
        %parallel_loop3A_251 = arith.constant 1.000000e+00 : f32
        %parallel_loop3A_252 = arith.subf %parallel_loop3A_250, %parallel_loop3A_251 : f32
        %parallel_loop3A_253 = arith.constant 0.000000e+00 : f32
        %parallel_loop3A_254 = vector.broadcast %parallel_loop3A_253 : f32 to vector<16xf32>
        %parallel_loop3A_255 = arith.maximumf %parallel_loop3A_254, %parallel_loop3A_249 : vector<16xf32>
        %parallel_loop3A_256 = vector.broadcast %parallel_loop3A_252 : f32 to vector<16xf32>
        %parallel_loop3A_257 = arith.minimumf %parallel_loop3A_256, %parallel_loop3A_255 : vector<16xf32>
        %parallel_loop3A_258 = vector.broadcast %parallel_loop3A_243 : f32 to vector<16xf32>
        %parallel_loop3A_259 = arith.mulf %parallel_loop3A_240, %parallel_loop3A_258 : vector<16xf32>
        %parallel_loop3A_260 = arith.constant 5.000000e-01 : f32
        %parallel_loop3A_261 = arith.subf %parallel_loop3A_243, %parallel_loop3A_260 : f32
        %parallel_loop3A_262 = vector.broadcast %parallel_loop3A_261 : f32 to vector<16xf32>
        %parallel_loop3A_263 = arith.addf %parallel_loop3A_259, %parallel_loop3A_262 : vector<16xf32>
        %parallel_loop3A_264 = arith.constant 5.120000e+02 : f32
        %parallel_loop3A_265 = arith.constant 1.000000e+00 : f32
        %parallel_loop3A_266 = arith.subf %parallel_loop3A_264, %parallel_loop3A_265 : f32
        %parallel_loop3A_267 = arith.constant 0.000000e+00 : f32
        %parallel_loop3A_268 = vector.broadcast %parallel_loop3A_267 : f32 to vector<16xf32>
        %parallel_loop3A_269 = arith.maximumf %parallel_loop3A_268, %parallel_loop3A_263 : vector<16xf32>
        %parallel_loop3A_270 = vector.broadcast %parallel_loop3A_266 : f32 to vector<16xf32>
        %parallel_loop3A_271 = arith.minimumf %parallel_loop3A_270, %parallel_loop3A_269 : vector<16xf32>
        %parallel_loop3A_272 = arith.fptosi %parallel_loop3A_257 : vector<16xf32> to vector<16xi32>
        %parallel_loop3A_273 = arith.fptosi %parallel_loop3A_271 : vector<16xf32> to vector<16xi32>
        %parallel_loop3A_274 = arith.sitofp %parallel_loop3A_272 : vector<16xi32> to vector<16xf32>
        %parallel_loop3A_275 = arith.subf %parallel_loop3A_257, %parallel_loop3A_274 : vector<16xf32>
        %parallel_loop3A_276 = arith.sitofp %parallel_loop3A_273 : vector<16xi32> to vector<16xf32>
        %parallel_loop3A_277 = arith.subf %parallel_loop3A_271, %parallel_loop3A_276 : vector<16xf32>
        %parallel_loop3A_278 = arith.constant 512 : i32
        %parallel_loop3A_279 = vector.broadcast %parallel_loop3A_278 : i32 to vector<16xi32>
        %parallel_loop3A_280 = arith.muli %parallel_loop3A_273, %parallel_loop3A_279 : vector<16xi32>
        %parallel_loop3A_281 = arith.addi %parallel_loop3A_280, %parallel_loop3A_272 : vector<16xi32>
        %parallel_loop3A_282 = arith.constant 1 : i32
        %parallel_loop3A_283 = vector.broadcast %parallel_loop3A_282 : i32 to vector<16xi32>
        %parallel_loop3A_284 = arith.andi %parallel_loop3A_281, %parallel_loop3A_283 : vector<16xi32>
        %parallel_loop3A_285 = arith.constant 1 : i32
        %parallel_loop3A_286 = vector.broadcast %parallel_loop3A_285 : i32 to vector<16xi32>
        %parallel_loop3A_287 = arith.cmpi eq, %parallel_loop3A_284, %parallel_loop3A_286 : vector<16xi32>
        %parallel_loop3A_288 = arith.constant 511 : i32
        %parallel_loop3A_289 = vector.broadcast %parallel_loop3A_288 : i32 to vector<16xi32>
        %parallel_loop3A_290 = arith.cmpi eq, %parallel_loop3A_272, %parallel_loop3A_289 : vector<16xi32>
        %parallel_loop3A_291 = arith.constant 511 : i32
        %parallel_loop3A_292 = vector.broadcast %parallel_loop3A_291 : i32 to vector<16xi32>
        %parallel_loop3A_293 = arith.cmpi eq, %parallel_loop3A_273, %parallel_loop3A_292 : vector<16xi32>
        %parallel_loop3A_294 = arith.constant 1 : i32
        %parallel_loop3A_295 = vector.broadcast %parallel_loop3A_294 : i32 to vector<16xi32>
        %parallel_loop3A_296 = arith.shrsi %parallel_loop3A_281, %parallel_loop3A_295 : vector<16xi32>
        %parallel_loop3A_297 = vector.broadcast %mul3A_38 : i32 to vector<16xi32>
        %parallel_loop3A_298 = arith.subi %parallel_loop3A_296, %parallel_loop3A_297 : vector<16xi32>
        %parallel_loop3A_299 = arith.constant 0 : i32
        %parallel_loop3A_300 = vector.broadcast %parallel_loop3A_299 : i32 to vector<16xi32>
        %parallel_loop3A_301 = arith.maxsi %parallel_loop3A_298, %parallel_loop3A_300 : vector<16xi32>
        %parallel_loop3A_302 = vector.broadcast %sub3A_41 : i32 to vector<16xi32>
        %parallel_loop3A_303 = arith.minsi %parallel_loop3A_301, %parallel_loop3A_302 : vector<16xi32>
        %parallel_loop3A_304 = arith.constant 1 : i32
        %parallel_loop3A_305 = vector.broadcast %parallel_loop3A_304 : i32 to vector<16xi32>
        %parallel_loop3A_306 = arith.addi %parallel_loop3A_298, %parallel_loop3A_305 : vector<16xi32>
        %parallel_loop3A_307 = arith.constant 0 : i32
        %parallel_loop3A_308 = vector.broadcast %parallel_loop3A_307 : i32 to vector<16xi32>
        %parallel_loop3A_309 = arith.maxsi %parallel_loop3A_306, %parallel_loop3A_308 : vector<16xi32>
        %parallel_loop3A_310 = vector.broadcast %sub3A_41 : i32 to vector<16xi32>
        %parallel_loop3A_311 = arith.minsi %parallel_loop3A_309, %parallel_loop3A_310 : vector<16xi32>
        %parallel_loop3A_312 = arith.constant 256 : i32
        %parallel_loop3A_313 = vector.broadcast %parallel_loop3A_312 : i32 to vector<16xi32>
        %parallel_loop3A_314 = arith.addi %parallel_loop3A_298, %parallel_loop3A_313 : vector<16xi32>
        %parallel_loop3A_315 = arith.select %parallel_loop3A_293, %parallel_loop3A_298, %parallel_loop3A_314 : vector<16xi1>, vector<16xi32>
        %parallel_loop3A_316 = arith.constant 0 : i32
        %parallel_loop3A_317 = vector.broadcast %parallel_loop3A_316 : i32 to vector<16xi32>
        %parallel_loop3A_318 = arith.maxsi %parallel_loop3A_315, %parallel_loop3A_317 : vector<16xi32>
        %parallel_loop3A_319 = vector.broadcast %sub3A_41 : i32 to vector<16xi32>
        %parallel_loop3A_320 = arith.minsi %parallel_loop3A_318, %parallel_loop3A_319 : vector<16xi32>
        %parallel_loop3A_321 = arith.constant 1 : i32
        %parallel_loop3A_322 = vector.broadcast %parallel_loop3A_321 : i32 to vector<16xi32>
        %parallel_loop3A_323 = arith.addi %parallel_loop3A_315, %parallel_loop3A_322 : vector<16xi32>
        %parallel_loop3A_324 = arith.constant 0 : i32
        %parallel_loop3A_325 = vector.broadcast %parallel_loop3A_324 : i32 to vector<16xi32>
        %parallel_loop3A_326 = arith.maxsi %parallel_loop3A_323, %parallel_loop3A_325 : vector<16xi32>
        %parallel_loop3A_327 = vector.broadcast %sub3A_41 : i32 to vector<16xi32>
        %parallel_loop3A_328 = arith.minsi %parallel_loop3A_326, %parallel_loop3A_327 : vector<16xi32>
        %parallel_loop3A_329 = tpu.vector_load_idx %arg9[%parallel_loop3A_303] : memref<65792xi32, #tpu.memory_space<vmem>>[vector<16xi32>], vector<16xi32>,
        %parallel_loop3A_330 = tpu.vector_load_idx %arg9[%parallel_loop3A_311] : memref<65792xi32, #tpu.memory_space<vmem>>[vector<16xi32>], vector<16xi32>,
        %parallel_loop3A_331 = tpu.vector_load_idx %arg9[%parallel_loop3A_320] : memref<65792xi32, #tpu.memory_space<vmem>>[vector<16xi32>], vector<16xi32>,
        %parallel_loop3A_332 = tpu.vector_load_idx %arg9[%parallel_loop3A_328] : memref<65792xi32, #tpu.memory_space<vmem>>[vector<16xi32>], vector<16xi32>,
        %parallel_loop3A_333 = arith.constant -65536 : i32
        %parallel_loop3A_334 = vector.broadcast %parallel_loop3A_333 : i32 to vector<16xi32>
        %parallel_loop3A_335 = arith.andi %parallel_loop3A_329, %parallel_loop3A_334 : vector<16xi32>
        %parallel_loop3A_336 = arith.constant -65536 : i32
        %parallel_loop3A_337 = vector.broadcast %parallel_loop3A_336 : i32 to vector<16xi32>
        %parallel_loop3A_338 = arith.andi %parallel_loop3A_331, %parallel_loop3A_337 : vector<16xi32>
        %parallel_loop3A_339 = arith.constant dense<true> : vector<16xi1>
        %parallel_loop3A_340 = arith.xori %parallel_loop3A_290, %parallel_loop3A_339 : vector<16xi1>
        %parallel_loop3A_341 = arith.andi %parallel_loop3A_287, %parallel_loop3A_340 : vector<16xi1>
        %parallel_loop3A_342 = arith.constant 16 : i32
        %parallel_loop3A_343 = vector.broadcast %parallel_loop3A_342 : i32 to vector<16xi32>
        %parallel_loop3A_344 = arith.shli %parallel_loop3A_329, %parallel_loop3A_343 : vector<16xi32>
        %parallel_loop3A_345 = arith.select %parallel_loop3A_287, %parallel_loop3A_335, %parallel_loop3A_344 : vector<16xi1>, vector<16xi32>
        %parallel_loop3A_346 = tpu.bitcast %parallel_loop3A_345 : vector<16xi32> -> vector<16xf32>
        %parallel_loop3A_347 = arith.constant 16 : i32
        %parallel_loop3A_348 = vector.broadcast %parallel_loop3A_347 : i32 to vector<16xi32>
        %parallel_loop3A_349 = arith.shli %parallel_loop3A_330, %parallel_loop3A_348 : vector<16xi32>
        %parallel_loop3A_350 = arith.select %parallel_loop3A_341, %parallel_loop3A_349, %parallel_loop3A_335 : vector<16xi1>, vector<16xi32>
        %parallel_loop3A_351 = tpu.bitcast %parallel_loop3A_350 : vector<16xi32> -> vector<16xf32>
        %parallel_loop3A_352 = arith.constant 16 : i32
        %parallel_loop3A_353 = vector.broadcast %parallel_loop3A_352 : i32 to vector<16xi32>
        %parallel_loop3A_354 = arith.shli %parallel_loop3A_331, %parallel_loop3A_353 : vector<16xi32>
        %parallel_loop3A_355 = arith.select %parallel_loop3A_287, %parallel_loop3A_338, %parallel_loop3A_354 : vector<16xi1>, vector<16xi32>
        %parallel_loop3A_356 = tpu.bitcast %parallel_loop3A_355 : vector<16xi32> -> vector<16xf32>
        %parallel_loop3A_357 = arith.constant 16 : i32
        %parallel_loop3A_358 = vector.broadcast %parallel_loop3A_357 : i32 to vector<16xi32>
        %parallel_loop3A_359 = arith.shli %parallel_loop3A_332, %parallel_loop3A_358 : vector<16xi32>
        %parallel_loop3A_360 = arith.select %parallel_loop3A_341, %parallel_loop3A_359, %parallel_loop3A_338 : vector<16xi1>, vector<16xi32>
        %parallel_loop3A_361 = tpu.bitcast %parallel_loop3A_360 : vector<16xi32> -> vector<16xf32>
        %parallel_loop3A_362 = arith.subf %parallel_loop3A_351, %parallel_loop3A_346 : vector<16xf32>
        %parallel_loop3A_363 = arith.mulf %parallel_loop3A_275, %parallel_loop3A_362 : vector<16xf32>
        %parallel_loop3A_364 = arith.addf %parallel_loop3A_346, %parallel_loop3A_363 : vector<16xf32>
        %parallel_loop3A_365 = arith.subf %parallel_loop3A_361, %parallel_loop3A_356 : vector<16xf32>
        %parallel_loop3A_366 = arith.mulf %parallel_loop3A_275, %parallel_loop3A_365 : vector<16xf32>
        %parallel_loop3A_367 = arith.addf %parallel_loop3A_356, %parallel_loop3A_366 : vector<16xf32>
        %parallel_loop3A_368 = arith.subf %parallel_loop3A_367, %parallel_loop3A_364 : vector<16xf32>
        %parallel_loop3A_369 = arith.mulf %parallel_loop3A_277, %parallel_loop3A_368 : vector<16xf32>
        %parallel_loop3A_370 = arith.addf %parallel_loop3A_364, %parallel_loop3A_369 : vector<16xf32>
        %parallel_loop3A_371 = arith.constant 256 : i32
        %parallel_loop3A_372 = vector.broadcast %parallel_loop3A_371 : i32 to vector<16xi32>
        %parallel_loop3A_373 = arith.cmpi sge, %parallel_loop3A_273, %parallel_loop3A_372 : vector<16xi32>
        %parallel_loop3A_374 = vector.broadcast %eq3A_61 : i1 to vector<16xi1>
        %parallel_loop3A_375 = arith.xori %parallel_loop3A_373, %parallel_loop3A_374 : vector<16xi1>
        %parallel_loop3A_376 = vector.broadcast %scan3A_78 : f32 to vector<16xf32>
        %parallel_loop3A_377 = arith.select %parallel_loop3A_375, %parallel_loop3A_370, %parallel_loop3A_376 : vector<16xi1>, vector<16xf32>
        %parallel_loop3A_378 = arith.constant 5.000000e-01 : f32
        %parallel_loop3A_379 = arith.mulf %select_n3A, %parallel_loop3A_378 : f32
        %parallel_loop3A_380 = vector.broadcast %parallel_loop3A_379 : f32 to vector<16xf32>
        %parallel_loop3A_381 = arith.mulf %parallel_loop3A_234, %parallel_loop3A_380 : vector<16xf32>
        %parallel_loop3A_382 = arith.constant 5.000000e-01 : f32
        %parallel_loop3A_383 = arith.subf %parallel_loop3A_379, %parallel_loop3A_382 : f32
        %parallel_loop3A_384 = vector.broadcast %parallel_loop3A_383 : f32 to vector<16xf32>
        %parallel_loop3A_385 = arith.addf %parallel_loop3A_381, %parallel_loop3A_384 : vector<16xf32>
        %parallel_loop3A_386 = arith.constant 1.000000e+00 : f32
        %parallel_loop3A_387 = arith.subf %select_n3A, %parallel_loop3A_386 : f32
        %parallel_loop3A_388 = arith.constant 0.000000e+00 : f32
        %parallel_loop3A_389 = vector.broadcast %parallel_loop3A_388 : f32 to vector<16xf32>
        %parallel_loop3A_390 = arith.maximumf %parallel_loop3A_389, %parallel_loop3A_385 : vector<16xf32>
        %parallel_loop3A_391 = vector.broadcast %parallel_loop3A_387 : f32 to vector<16xf32>
        %parallel_loop3A_392 = arith.minimumf %parallel_loop3A_391, %parallel_loop3A_390 : vector<16xf32>
        %parallel_loop3A_393 = vector.broadcast %parallel_loop3A_379 : f32 to vector<16xf32>
        %parallel_loop3A_394 = arith.mulf %parallel_loop3A_240, %parallel_loop3A_393 : vector<16xf32>
        %parallel_loop3A_395 = arith.constant 5.000000e-01 : f32
        %parallel_loop3A_396 = arith.subf %parallel_loop3A_379, %parallel_loop3A_395 : f32
        %parallel_loop3A_397 = vector.broadcast %parallel_loop3A_396 : f32 to vector<16xf32>
        %parallel_loop3A_398 = arith.addf %parallel_loop3A_394, %parallel_loop3A_397 : vector<16xf32>
        %parallel_loop3A_399 = arith.constant 1.000000e+00 : f32
        %parallel_loop3A_400 = arith.subf %select_n3A, %parallel_loop3A_399 : f32
        %parallel_loop3A_401 = arith.constant 0.000000e+00 : f32
        %parallel_loop3A_402 = vector.broadcast %parallel_loop3A_401 : f32 to vector<16xf32>
        %parallel_loop3A_403 = arith.maximumf %parallel_loop3A_402, %parallel_loop3A_398 : vector<16xf32>
        %parallel_loop3A_404 = vector.broadcast %parallel_loop3A_400 : f32 to vector<16xf32>
        %parallel_loop3A_405 = arith.minimumf %parallel_loop3A_404, %parallel_loop3A_403 : vector<16xf32>
        %parallel_loop3A_406 = arith.fptosi %parallel_loop3A_392 : vector<16xf32> to vector<16xi32>
        %parallel_loop3A_407 = arith.fptosi %parallel_loop3A_405 : vector<16xf32> to vector<16xi32>
        %parallel_loop3A_408 = arith.sitofp %parallel_loop3A_406 : vector<16xi32> to vector<16xf32>
        %parallel_loop3A_409 = arith.subf %parallel_loop3A_392, %parallel_loop3A_408 : vector<16xf32>
        %parallel_loop3A_410 = arith.sitofp %parallel_loop3A_407 : vector<16xi32> to vector<16xf32>
        %parallel_loop3A_411 = arith.subf %parallel_loop3A_405, %parallel_loop3A_410 : vector<16xf32>
        %parallel_loop3A_412 = vector.broadcast %select_n3A_49 : i32 to vector<16xi32>
        %parallel_loop3A_413 = arith.muli %parallel_loop3A_407, %parallel_loop3A_412 : vector<16xi32>
        %parallel_loop3A_414 = arith.addi %parallel_loop3A_413, %parallel_loop3A_406 : vector<16xi32>
        %parallel_loop3A_415 = arith.constant 1 : i32
        %parallel_loop3A_416 = vector.broadcast %parallel_loop3A_415 : i32 to vector<16xi32>
        %parallel_loop3A_417 = arith.andi %parallel_loop3A_414, %parallel_loop3A_416 : vector<16xi32>
        %parallel_loop3A_418 = arith.constant 1 : i32
        %parallel_loop3A_419 = vector.broadcast %parallel_loop3A_418 : i32 to vector<16xi32>
        %parallel_loop3A_420 = arith.cmpi eq, %parallel_loop3A_417, %parallel_loop3A_419 : vector<16xi32>
        %parallel_loop3A_421 = arith.constant 1 : i32
        %parallel_loop3A_422 = arith.subi %select_n3A_49, %parallel_loop3A_421 : i32
        %parallel_loop3A_423 = vector.broadcast %parallel_loop3A_422 : i32 to vector<16xi32>
        %parallel_loop3A_424 = arith.cmpi eq, %parallel_loop3A_406, %parallel_loop3A_423 : vector<16xi32>
        %parallel_loop3A_425 = arith.constant 1 : i32
        %parallel_loop3A_426 = arith.subi %select_n3A_49, %parallel_loop3A_425 : i32
        %parallel_loop3A_427 = vector.broadcast %parallel_loop3A_426 : i32 to vector<16xi32>
        %parallel_loop3A_428 = arith.cmpi eq, %parallel_loop3A_407, %parallel_loop3A_427 : vector<16xi32>
        %parallel_loop3A_429 = arith.constant 1 : i32
        %parallel_loop3A_430 = vector.broadcast %parallel_loop3A_429 : i32 to vector<16xi32>
        %parallel_loop3A_431 = arith.shrsi %parallel_loop3A_414, %parallel_loop3A_430 : vector<16xi32>
        %parallel_loop3A_432 = arith.constant 1 : i32
        %parallel_loop3A_433 = vector.broadcast %parallel_loop3A_432 : i32 to vector<16xi32>
        %parallel_loop3A_434 = arith.addi %parallel_loop3A_431, %parallel_loop3A_433 : vector<16xi32>
        %parallel_loop3A_435 = vector.broadcast %select_n3A_59 : i32 to vector<16xi32>
        %parallel_loop3A_436 = arith.minsi %parallel_loop3A_434, %parallel_loop3A_435 : vector<16xi32>
        %parallel_loop3A_437 = vector.broadcast %select_n3A_54 : i32 to vector<16xi32>
        %parallel_loop3A_438 = arith.addi %parallel_loop3A_431, %parallel_loop3A_437 : vector<16xi32>
        %parallel_loop3A_439 = arith.select %parallel_loop3A_428, %parallel_loop3A_431, %parallel_loop3A_438 : vector<16xi1>, vector<16xi32>
        %parallel_loop3A_440 = arith.constant 1 : i32
        %parallel_loop3A_441 = vector.broadcast %parallel_loop3A_440 : i32 to vector<16xi32>
        %parallel_loop3A_442 = arith.addi %parallel_loop3A_439, %parallel_loop3A_441 : vector<16xi32>
        %parallel_loop3A_443 = vector.broadcast %select_n3A_59 : i32 to vector<16xi32>
        %parallel_loop3A_444 = arith.minsi %parallel_loop3A_442, %parallel_loop3A_443 : vector<16xi32>
        %parallel_loop3A_445 = tpu.vector_load_idx %arg10[%parallel_loop3A_431] : memref<32768xi32, #tpu.memory_space<vmem>>[vector<16xi32>], vector<16xi32>,
        %parallel_loop3A_446 = tpu.vector_load_idx %arg10[%parallel_loop3A_436] : memref<32768xi32, #tpu.memory_space<vmem>>[vector<16xi32>], vector<16xi32>,
        %parallel_loop3A_447 = tpu.vector_load_idx %arg10[%parallel_loop3A_439] : memref<32768xi32, #tpu.memory_space<vmem>>[vector<16xi32>], vector<16xi32>,
        %parallel_loop3A_448 = tpu.vector_load_idx %arg10[%parallel_loop3A_444] : memref<32768xi32, #tpu.memory_space<vmem>>[vector<16xi32>], vector<16xi32>,
        %parallel_loop3A_449 = arith.constant -65536 : i32
        %parallel_loop3A_450 = vector.broadcast %parallel_loop3A_449 : i32 to vector<16xi32>
        %parallel_loop3A_451 = arith.andi %parallel_loop3A_445, %parallel_loop3A_450 : vector<16xi32>
        %parallel_loop3A_452 = arith.constant -65536 : i32
        %parallel_loop3A_453 = vector.broadcast %parallel_loop3A_452 : i32 to vector<16xi32>
        %parallel_loop3A_454 = arith.andi %parallel_loop3A_447, %parallel_loop3A_453 : vector<16xi32>
        %parallel_loop3A_455 = arith.constant dense<true> : vector<16xi1>
        %parallel_loop3A_456 = arith.xori %parallel_loop3A_424, %parallel_loop3A_455 : vector<16xi1>
        %parallel_loop3A_457 = arith.andi %parallel_loop3A_420, %parallel_loop3A_456 : vector<16xi1>
        %parallel_loop3A_458 = arith.constant 16 : i32
        %parallel_loop3A_459 = vector.broadcast %parallel_loop3A_458 : i32 to vector<16xi32>
        %parallel_loop3A_460 = arith.shli %parallel_loop3A_445, %parallel_loop3A_459 : vector<16xi32>
        %parallel_loop3A_461 = arith.select %parallel_loop3A_420, %parallel_loop3A_451, %parallel_loop3A_460 : vector<16xi1>, vector<16xi32>
        %parallel_loop3A_462 = tpu.bitcast %parallel_loop3A_461 : vector<16xi32> -> vector<16xf32>
        %parallel_loop3A_463 = arith.constant 16 : i32
        %parallel_loop3A_464 = vector.broadcast %parallel_loop3A_463 : i32 to vector<16xi32>
        %parallel_loop3A_465 = arith.shli %parallel_loop3A_446, %parallel_loop3A_464 : vector<16xi32>
        %parallel_loop3A_466 = arith.select %parallel_loop3A_457, %parallel_loop3A_465, %parallel_loop3A_451 : vector<16xi1>, vector<16xi32>
        %parallel_loop3A_467 = tpu.bitcast %parallel_loop3A_466 : vector<16xi32> -> vector<16xf32>
        %parallel_loop3A_468 = arith.constant 16 : i32
        %parallel_loop3A_469 = vector.broadcast %parallel_loop3A_468 : i32 to vector<16xi32>
        %parallel_loop3A_470 = arith.shli %parallel_loop3A_447, %parallel_loop3A_469 : vector<16xi32>
        %parallel_loop3A_471 = arith.select %parallel_loop3A_420, %parallel_loop3A_454, %parallel_loop3A_470 : vector<16xi1>, vector<16xi32>
        %parallel_loop3A_472 = tpu.bitcast %parallel_loop3A_471 : vector<16xi32> -> vector<16xf32>
        %parallel_loop3A_473 = arith.constant 16 : i32
        %parallel_loop3A_474 = vector.broadcast %parallel_loop3A_473 : i32 to vector<16xi32>
        %parallel_loop3A_475 = arith.shli %parallel_loop3A_448, %parallel_loop3A_474 : vector<16xi32>
        %parallel_loop3A_476 = arith.select %parallel_loop3A_457, %parallel_loop3A_475, %parallel_loop3A_454 : vector<16xi1>, vector<16xi32>
        %parallel_loop3A_477 = tpu.bitcast %parallel_loop3A_476 : vector<16xi32> -> vector<16xf32>
        %parallel_loop3A_478 = arith.subf %parallel_loop3A_467, %parallel_loop3A_462 : vector<16xf32>
        %parallel_loop3A_479 = arith.mulf %parallel_loop3A_409, %parallel_loop3A_478 : vector<16xf32>
        %parallel_loop3A_480 = arith.addf %parallel_loop3A_462, %parallel_loop3A_479 : vector<16xf32>
        %parallel_loop3A_481 = arith.subf %parallel_loop3A_477, %parallel_loop3A_472 : vector<16xf32>
        %parallel_loop3A_482 = arith.mulf %parallel_loop3A_409, %parallel_loop3A_481 : vector<16xf32>
        %parallel_loop3A_483 = arith.addf %parallel_loop3A_472, %parallel_loop3A_482 : vector<16xf32>
        %parallel_loop3A_484 = arith.subf %parallel_loop3A_483, %parallel_loop3A_480 : vector<16xf32>
        %parallel_loop3A_485 = arith.mulf %parallel_loop3A_411, %parallel_loop3A_484 : vector<16xf32>
        %parallel_loop3A_486 = arith.addf %parallel_loop3A_480, %parallel_loop3A_485 : vector<16xf32>
        %parallel_loop3A_487 = arith.addf %parallel_loop3A_377, %parallel_loop3A_486 : vector<16xf32>
        %parallel_loop3A_488 = arith.constant 0 : i32
        %parallel_loop3A_489 = arith.addi %parallel_loop3A_488, %parallel_loop3A_230 : i32
        %parallel_loop3A_490 = arith.index_cast %parallel_loop3A_489 : i32 to index
        %parallel_loop3A_491 = tpu.vector_load %arg13[%parallel_loop3A_490] {strides = array<i32>} : memref<8192xf32, #tpu.memory_space<vmem>>, vector<16xf32>,
        tpu.vector_store %arg13[%parallel_loop3A_490], %parallel_loop3A_487 {strides = array<i32>} : memref<8192xf32, #tpu.memory_space<vmem>>, vector<16xf32>,
      } {sc.loop_unroll_factor = 4 : i64, sc.parallel_access}
      %and3A_134 = arith.constant 1 : i32
      %and3A_135 = arith.andi %add3A_109, %and3A_134 : i32
      %eq3A_136 = arith.cmpi eq, %and3A_135, %arg0 : i32
      %convert_element_type3A_137 = arith.extui %eq3A_136 : i1 to i32
      %cond3A_138 = arith.constant 0 : i32
      %cond3A_139 = arith.cmpi ne, %convert_element_type3A_137, %cond3A_138 : i32
      scf.if %cond3A_139 {
        %parallel_loop3A_206 = arith.constant 0 : i32
        %parallel_loop3A_207 = arith.constant 256 : i32
        %parallel_loop3A_208 = arith.constant 1 : i32
        scf.for %parallel_loop3A_209 = %parallel_loop3A_206 to %parallel_loop3A_207 step %parallel_loop3A_208  : i32 {
          %parallel_loop3A_210 = arith.constant 5 : i32
          %parallel_loop3A_211 = arith.shrui %parallel_loop3A_209, %parallel_loop3A_210 : i32
          %parallel_loop3A_212 = arith.constant 31 : i32
          %parallel_loop3A_213 = arith.andi %parallel_loop3A_209, %parallel_loop3A_212 : i32
          %parallel_loop3A_214 = arith.constant 3 : i32
          %parallel_loop3A_215 = arith.shrui %parallel_loop3A_213, %parallel_loop3A_214 : i32
          %parallel_loop3A_216 = arith.constant 7 : i32
          %parallel_loop3A_217 = arith.andi %parallel_loop3A_213, %parallel_loop3A_216 : i32
          %parallel_loop3A_218 = arith.constant 1024 : i32
          %parallel_loop3A_219 = arith.muli %parallel_loop3A_211, %parallel_loop3A_218 : i32
          %parallel_loop3A_220 = arith.constant 256 : i32
          %parallel_loop3A_221 = arith.muli %parallel_loop3A_215, %parallel_loop3A_220 : i32
          %parallel_loop3A_222 = arith.addi %parallel_loop3A_219, %parallel_loop3A_221 : i32
          %parallel_loop3A_223 = arith.constant 16 : i32
          %parallel_loop3A_224 = arith.muli %parallel_loop3A_217, %parallel_loop3A_223 : i32
          %parallel_loop3A_225 = arith.addi %parallel_loop3A_222, %parallel_loop3A_224 : i32
          %parallel_loop3A_226 = arith.constant 1024 : i32
          %parallel_loop3A_227 = arith.muli %parallel_loop3A_215, %parallel_loop3A_226 : i32
          %parallel_loop3A_228 = arith.constant 128 : i32
          %parallel_loop3A_229 = arith.muli %parallel_loop3A_211, %parallel_loop3A_228 : i32
          %parallel_loop3A_230 = arith.addi %parallel_loop3A_227, %parallel_loop3A_229 : i32
          %parallel_loop3A_231 = arith.constant 16 : i32
          %parallel_loop3A_232 = arith.muli %parallel_loop3A_217, %parallel_loop3A_231 : i32
          %parallel_loop3A_233 = arith.addi %parallel_loop3A_230, %parallel_loop3A_232 : i32
          %parallel_loop3A_234 = arith.constant 0 : i32
          %parallel_loop3A_235 = arith.addi %parallel_loop3A_234, %parallel_loop3A_225 : i32
          %parallel_loop3A_236 = arith.index_cast %parallel_loop3A_235 : i32 to index
          %parallel_loop3A_237 = tpu.vector_load %arg12[%parallel_loop3A_236] {strides = array<i32>} : memref<16384xf32, #tpu.memory_space<vmem>>, vector<16xf32>,
          %parallel_loop3A_238 = arith.constant 0 : i32
          %parallel_loop3A_239 = arith.addi %parallel_loop3A_238, %parallel_loop3A_225 : i32
          %parallel_loop3A_240 = arith.constant 128 : i32
          %parallel_loop3A_241 = arith.addi %parallel_loop3A_239, %parallel_loop3A_240 : i32
          %parallel_loop3A_242 = arith.index_cast %parallel_loop3A_241 : i32 to index
          %parallel_loop3A_243 = tpu.vector_load %arg12[%parallel_loop3A_242] {strides = array<i32>} : memref<16384xf32, #tpu.memory_space<vmem>>, vector<16xf32>,
          %parallel_loop3A_244 = arith.constant 6.400000e+01 : f32
          %parallel_loop3A_245 = arith.constant 5.000000e-01 : f32
          %parallel_loop3A_246 = arith.mulf %parallel_loop3A_244, %parallel_loop3A_245 : f32
          %parallel_loop3A_247 = vector.broadcast %parallel_loop3A_246 : f32 to vector<16xf32>
          %parallel_loop3A_248 = arith.mulf %parallel_loop3A_237, %parallel_loop3A_247 : vector<16xf32>
          %parallel_loop3A_249 = arith.constant 5.000000e-01 : f32
          %parallel_loop3A_250 = arith.subf %parallel_loop3A_246, %parallel_loop3A_249 : f32
          %parallel_loop3A_251 = vector.broadcast %parallel_loop3A_250 : f32 to vector<16xf32>
          %parallel_loop3A_252 = arith.addf %parallel_loop3A_248, %parallel_loop3A_251 : vector<16xf32>
          %parallel_loop3A_253 = arith.constant 6.400000e+01 : f32
          %parallel_loop3A_254 = arith.constant 1.000000e+00 : f32
          %parallel_loop3A_255 = arith.subf %parallel_loop3A_253, %parallel_loop3A_254 : f32
          %parallel_loop3A_256 = arith.constant 0.000000e+00 : f32
          %parallel_loop3A_257 = vector.broadcast %parallel_loop3A_256 : f32 to vector<16xf32>
          %parallel_loop3A_258 = arith.maximumf %parallel_loop3A_257, %parallel_loop3A_252 : vector<16xf32>
          %parallel_loop3A_259 = vector.broadcast %parallel_loop3A_255 : f32 to vector<16xf32>
          %parallel_loop3A_260 = arith.minimumf %parallel_loop3A_259, %parallel_loop3A_258 : vector<16xf32>
          %parallel_loop3A_261 = vector.broadcast %parallel_loop3A_246 : f32 to vector<16xf32>
          %parallel_loop3A_262 = arith.mulf %parallel_loop3A_243, %parallel_loop3A_261 : vector<16xf32>
          %parallel_loop3A_263 = arith.constant 5.000000e-01 : f32
          %parallel_loop3A_264 = arith.subf %parallel_loop3A_246, %parallel_loop3A_263 : f32
          %parallel_loop3A_265 = vector.broadcast %parallel_loop3A_264 : f32 to vector<16xf32>
          %parallel_loop3A_266 = arith.addf %parallel_loop3A_262, %parallel_loop3A_265 : vector<16xf32>
          %parallel_loop3A_267 = arith.constant 6.400000e+01 : f32
          %parallel_loop3A_268 = arith.constant 1.000000e+00 : f32
          %parallel_loop3A_269 = arith.subf %parallel_loop3A_267, %parallel_loop3A_268 : f32
          %parallel_loop3A_270 = arith.constant 0.000000e+00 : f32
          %parallel_loop3A_271 = vector.broadcast %parallel_loop3A_270 : f32 to vector<16xf32>
          %parallel_loop3A_272 = arith.maximumf %parallel_loop3A_271, %parallel_loop3A_266 : vector<16xf32>
          %parallel_loop3A_273 = vector.broadcast %parallel_loop3A_269 : f32 to vector<16xf32>
          %parallel_loop3A_274 = arith.minimumf %parallel_loop3A_273, %parallel_loop3A_272 : vector<16xf32>
          %parallel_loop3A_275 = arith.fptosi %parallel_loop3A_260 : vector<16xf32> to vector<16xi32>
          %parallel_loop3A_276 = arith.fptosi %parallel_loop3A_274 : vector<16xf32> to vector<16xi32>
          %parallel_loop3A_277 = arith.sitofp %parallel_loop3A_275 : vector<16xi32> to vector<16xf32>
          %parallel_loop3A_278 = arith.subf %parallel_loop3A_260, %parallel_loop3A_277 : vector<16xf32>
          %parallel_loop3A_279 = arith.sitofp %parallel_loop3A_276 : vector<16xi32> to vector<16xf32>
          %parallel_loop3A_280 = arith.subf %parallel_loop3A_274, %parallel_loop3A_279 : vector<16xf32>
          %parallel_loop3A_281 = arith.constant 64 : i32
          %parallel_loop3A_282 = vector.broadcast %parallel_loop3A_281 : i32 to vector<16xi32>
          %parallel_loop3A_283 = arith.muli %parallel_loop3A_276, %parallel_loop3A_282 : vector<16xi32>
          %parallel_loop3A_284 = arith.addi %parallel_loop3A_283, %parallel_loop3A_275 : vector<16xi32>
          %parallel_loop3A_285 = arith.constant 1 : i32
          %parallel_loop3A_286 = vector.broadcast %parallel_loop3A_285 : i32 to vector<16xi32>
          %parallel_loop3A_287 = arith.andi %parallel_loop3A_284, %parallel_loop3A_286 : vector<16xi32>
          %parallel_loop3A_288 = arith.constant 1 : i32
          %parallel_loop3A_289 = vector.broadcast %parallel_loop3A_288 : i32 to vector<16xi32>
          %parallel_loop3A_290 = arith.cmpi eq, %parallel_loop3A_287, %parallel_loop3A_289 : vector<16xi32>
          %parallel_loop3A_291 = arith.constant 63 : i32
          %parallel_loop3A_292 = vector.broadcast %parallel_loop3A_291 : i32 to vector<16xi32>
          %parallel_loop3A_293 = arith.cmpi eq, %parallel_loop3A_275, %parallel_loop3A_292 : vector<16xi32>
          %parallel_loop3A_294 = arith.constant 63 : i32
          %parallel_loop3A_295 = vector.broadcast %parallel_loop3A_294 : i32 to vector<16xi32>
          %parallel_loop3A_296 = arith.cmpi eq, %parallel_loop3A_276, %parallel_loop3A_295 : vector<16xi32>
          %parallel_loop3A_297 = arith.constant 1 : i32
          %parallel_loop3A_298 = vector.broadcast %parallel_loop3A_297 : i32 to vector<16xi32>
          %parallel_loop3A_299 = arith.shrsi %parallel_loop3A_284, %parallel_loop3A_298 : vector<16xi32>
          %parallel_loop3A_300 = arith.constant 1 : i32
          %parallel_loop3A_301 = vector.broadcast %parallel_loop3A_300 : i32 to vector<16xi32>
          %parallel_loop3A_302 = arith.addi %parallel_loop3A_299, %parallel_loop3A_301 : vector<16xi32>
          %parallel_loop3A_303 = arith.constant 2047 : i32
          %parallel_loop3A_304 = vector.broadcast %parallel_loop3A_303 : i32 to vector<16xi32>
          %parallel_loop3A_305 = arith.minsi %parallel_loop3A_302, %parallel_loop3A_304 : vector<16xi32>
          %parallel_loop3A_306 = arith.constant 32 : i32
          %parallel_loop3A_307 = vector.broadcast %parallel_loop3A_306 : i32 to vector<16xi32>
          %parallel_loop3A_308 = arith.addi %parallel_loop3A_299, %parallel_loop3A_307 : vector<16xi32>
          %parallel_loop3A_309 = arith.select %parallel_loop3A_296, %parallel_loop3A_299, %parallel_loop3A_308 : vector<16xi1>, vector<16xi32>
          %parallel_loop3A_310 = arith.constant 1 : i32
          %parallel_loop3A_311 = vector.broadcast %parallel_loop3A_310 : i32 to vector<16xi32>
          %parallel_loop3A_312 = arith.addi %parallel_loop3A_309, %parallel_loop3A_311 : vector<16xi32>
          %parallel_loop3A_313 = arith.constant 2047 : i32
          %parallel_loop3A_314 = vector.broadcast %parallel_loop3A_313 : i32 to vector<16xi32>
          %parallel_loop3A_315 = arith.minsi %parallel_loop3A_312, %parallel_loop3A_314 : vector<16xi32>
          %parallel_loop3A_316 = tpu.vector_load_idx %arg11[%parallel_loop3A_299] : memref<2048xi32, #tpu.memory_space<vmem>>[vector<16xi32>], vector<16xi32>,
          %parallel_loop3A_317 = tpu.vector_load_idx %arg11[%parallel_loop3A_305] : memref<2048xi32, #tpu.memory_space<vmem>>[vector<16xi32>], vector<16xi32>,
          %parallel_loop3A_318 = tpu.vector_load_idx %arg11[%parallel_loop3A_309] : memref<2048xi32, #tpu.memory_space<vmem>>[vector<16xi32>], vector<16xi32>,
          %parallel_loop3A_319 = tpu.vector_load_idx %arg11[%parallel_loop3A_315] : memref<2048xi32, #tpu.memory_space<vmem>>[vector<16xi32>], vector<16xi32>,
          %parallel_loop3A_320 = arith.constant -65536 : i32
          %parallel_loop3A_321 = vector.broadcast %parallel_loop3A_320 : i32 to vector<16xi32>
          %parallel_loop3A_322 = arith.andi %parallel_loop3A_316, %parallel_loop3A_321 : vector<16xi32>
          %parallel_loop3A_323 = arith.constant -65536 : i32
          %parallel_loop3A_324 = vector.broadcast %parallel_loop3A_323 : i32 to vector<16xi32>
          %parallel_loop3A_325 = arith.andi %parallel_loop3A_318, %parallel_loop3A_324 : vector<16xi32>
          %parallel_loop3A_326 = arith.constant dense<true> : vector<16xi1>
          %parallel_loop3A_327 = arith.xori %parallel_loop3A_293, %parallel_loop3A_326 : vector<16xi1>
          %parallel_loop3A_328 = arith.andi %parallel_loop3A_290, %parallel_loop3A_327 : vector<16xi1>
          %parallel_loop3A_329 = arith.constant 16 : i32
          %parallel_loop3A_330 = vector.broadcast %parallel_loop3A_329 : i32 to vector<16xi32>
          %parallel_loop3A_331 = arith.shli %parallel_loop3A_316, %parallel_loop3A_330 : vector<16xi32>
          %parallel_loop3A_332 = arith.select %parallel_loop3A_290, %parallel_loop3A_322, %parallel_loop3A_331 : vector<16xi1>, vector<16xi32>
          %parallel_loop3A_333 = tpu.bitcast %parallel_loop3A_332 : vector<16xi32> -> vector<16xf32>
          %parallel_loop3A_334 = arith.constant 16 : i32
          %parallel_loop3A_335 = vector.broadcast %parallel_loop3A_334 : i32 to vector<16xi32>
          %parallel_loop3A_336 = arith.shli %parallel_loop3A_317, %parallel_loop3A_335 : vector<16xi32>
          %parallel_loop3A_337 = arith.select %parallel_loop3A_328, %parallel_loop3A_336, %parallel_loop3A_322 : vector<16xi1>, vector<16xi32>
          %parallel_loop3A_338 = tpu.bitcast %parallel_loop3A_337 : vector<16xi32> -> vector<16xf32>
          %parallel_loop3A_339 = arith.constant 16 : i32
          %parallel_loop3A_340 = vector.broadcast %parallel_loop3A_339 : i32 to vector<16xi32>
          %parallel_loop3A_341 = arith.shli %parallel_loop3A_318, %parallel_loop3A_340 : vector<16xi32>
          %parallel_loop3A_342 = arith.select %parallel_loop3A_290, %parallel_loop3A_325, %parallel_loop3A_341 : vector<16xi1>, vector<16xi32>
          %parallel_loop3A_343 = tpu.bitcast %parallel_loop3A_342 : vector<16xi32> -> vector<16xf32>
          %parallel_loop3A_344 = arith.constant 16 : i32
          %parallel_loop3A_345 = vector.broadcast %parallel_loop3A_344 : i32 to vector<16xi32>
          %parallel_loop3A_346 = arith.shli %parallel_loop3A_319, %parallel_loop3A_345 : vector<16xi32>
          %parallel_loop3A_347 = arith.select %parallel_loop3A_328, %parallel_loop3A_346, %parallel_loop3A_325 : vector<16xi1>, vector<16xi32>
          %parallel_loop3A_348 = tpu.bitcast %parallel_loop3A_347 : vector<16xi32> -> vector<16xf32>
          %parallel_loop3A_349 = arith.subf %parallel_loop3A_338, %parallel_loop3A_333 : vector<16xf32>
          %parallel_loop3A_350 = arith.mulf %parallel_loop3A_278, %parallel_loop3A_349 : vector<16xf32>
          %parallel_loop3A_351 = arith.addf %parallel_loop3A_333, %parallel_loop3A_350 : vector<16xf32>
          %parallel_loop3A_352 = arith.subf %parallel_loop3A_348, %parallel_loop3A_343 : vector<16xf32>
          %parallel_loop3A_353 = arith.mulf %parallel_loop3A_278, %parallel_loop3A_352 : vector<16xf32>
          %parallel_loop3A_354 = arith.addf %parallel_loop3A_343, %parallel_loop3A_353 : vector<16xf32>
          %parallel_loop3A_355 = arith.subf %parallel_loop3A_354, %parallel_loop3A_351 : vector<16xf32>
          %parallel_loop3A_356 = arith.mulf %parallel_loop3A_280, %parallel_loop3A_355 : vector<16xf32>
          %parallel_loop3A_357 = arith.addf %parallel_loop3A_351, %parallel_loop3A_356 : vector<16xf32>
          %parallel_loop3A_358 = arith.constant 0 : i32
          %parallel_loop3A_359 = arith.addi %parallel_loop3A_358, %parallel_loop3A_233 : i32
          %parallel_loop3A_360 = arith.index_cast %parallel_loop3A_359 : i32 to index
          %parallel_loop3A_361 = tpu.vector_load %arg13[%parallel_loop3A_360] {strides = array<i32>} : memref<8192xf32, #tpu.memory_space<vmem>>, vector<16xf32>,
          %parallel_loop3A_362 = arith.addf %parallel_loop3A_361, %parallel_loop3A_357 : vector<16xf32>
          %parallel_loop3A_363 = arith.index_cast %parallel_loop3A_359 : i32 to index
          %parallel_loop3A_364 = tpu.vector_load %arg13[%parallel_loop3A_363] {strides = array<i32>} : memref<8192xf32, #tpu.memory_space<vmem>>, vector<16xf32>,
          tpu.vector_store %arg13[%parallel_loop3A_363], %parallel_loop3A_362 {strides = array<i32>} : memref<8192xf32, #tpu.memory_space<vmem>>, vector<16xf32>,
        } {sc.loop_unroll_factor = 4 : i64, sc.parallel_access}
      } else {
      }
      %mul3A_140 = arith.constant 32 : i32
      %mul3A_141 = arith.muli %arg1, %mul3A_140 : i32
      %add3A_142 = arith.addi %mul3A_141, %add3A_109 : i32
      %mul3A_143 = arith.constant 4096 : i32
      %mul3A_144 = arith.muli %add3A_142, %mul3A_143 : i32
      %eq3A_145 = arith.constant 0 : i32
      %eq3A_146 = arith.cmpi eq, %arg0, %eq3A_145 : i32
      %convert_element_type3A_147 = arith.extui %eq3A_146 : i1 to i32
      %cond3A_148 = arith.constant 0 : i32
      %cond3A_149 = arith.cmpi ne, %convert_element_type3A_147, %cond3A_148 : i32
      scf.if %cond3A_149 {
        %dma_start3A_206 = arith.constant 0 : i32
        %dma_start3A_207 = arith.constant 0 : i32
        %dma_start3A_208 = tpu.memref_slice %arg13[%dma_start3A_207] : memref<8192xf32, #tpu.memory_space<vmem>> -> memref<4096xf32, #tpu.memory_space<vmem>>
        %dma_start3A_209 = tpu.memref_slice %arg7[%mul3A_144] : memref<2097152xf32, #tpu.memory_space<hbm>> -> memref<4096xf32, #tpu.memory_space<hbm>>
        %dma_start3A_210 = tpu.memref_slice %arg16[%dma_start3A_206] : memref<2x!tpu.dma_semaphore, #tpu.memory_space<semaphore_mem>> -> memref<1x!tpu.dma_semaphore, #tpu.memory_space<semaphore_mem>>
        %dma_start3A_211 = tpu.memref_squeeze %dma_start3A_210 : memref<1x!tpu.dma_semaphore, #tpu.memory_space<semaphore_mem>> -> memref<!tpu.dma_semaphore, #tpu.memory_space<semaphore_mem>>
        %dma_start3A_212 = tpu.memref_slice %arg7[%mul3A_144] : memref<2097152xf32, #tpu.memory_space<hbm>> -> memref<4096xf32, #tpu.memory_space<hbm>>
        %dma_start3A_213 = arith.constant 0 : i32
        %dma_start3A_214 = tpu.memref_slice %arg13[%dma_start3A_213] : memref<8192xf32, #tpu.memory_space<vmem>> -> memref<4096xf32, #tpu.memory_space<vmem>>
        tpu.enqueue_dma source(%dma_start3A_214 : memref<4096xf32, #tpu.memory_space<vmem>>) target(%dma_start3A_212 : memref<4096xf32, #tpu.memory_space<hbm>>) target_semaphore(%dma_start3A_211 : memref<!tpu.dma_semaphore, #tpu.memory_space<semaphore_mem>>)
      } else {
      }
      %eq3A_150 = arith.constant 1 : i32
      %eq3A_151 = arith.cmpi eq, %arg0, %eq3A_150 : i32
      %convert_element_type3A_152 = arith.extui %eq3A_151 : i1 to i32
      %cond3A_153 = arith.constant 0 : i32
      %cond3A_154 = arith.cmpi ne, %convert_element_type3A_152, %cond3A_153 : i32
      scf.if %cond3A_154 {
        %dma_start3A_206 = arith.constant 0 : i32
        %dma_start3A_207 = arith.constant 0 : i32
        %dma_start3A_208 = tpu.memref_slice %arg13[%dma_start3A_207] : memref<8192xf32, #tpu.memory_space<vmem>> -> memref<4096xf32, #tpu.memory_space<vmem>>
        %dma_start3A_209 = tpu.memref_slice %arg8[%mul3A_144] : memref<2097152xf32, #tpu.memory_space<hbm>> -> memref<4096xf32, #tpu.memory_space<hbm>>
        %dma_start3A_210 = tpu.memref_slice %arg16[%dma_start3A_206] : memref<2x!tpu.dma_semaphore, #tpu.memory_space<semaphore_mem>> -> memref<1x!tpu.dma_semaphore, #tpu.memory_space<semaphore_mem>>
        %dma_start3A_211 = tpu.memref_squeeze %dma_start3A_210 : memref<1x!tpu.dma_semaphore, #tpu.memory_space<semaphore_mem>> -> memref<!tpu.dma_semaphore, #tpu.memory_space<semaphore_mem>>
        %dma_start3A_212 = tpu.memref_slice %arg8[%mul3A_144] : memref<2097152xf32, #tpu.memory_space<hbm>> -> memref<4096xf32, #tpu.memory_space<hbm>>
        %dma_start3A_213 = arith.constant 0 : i32
        %dma_start3A_214 = tpu.memref_slice %arg13[%dma_start3A_213] : memref<8192xf32, #tpu.memory_space<vmem>> -> memref<4096xf32, #tpu.memory_space<vmem>>
        tpu.enqueue_dma source(%dma_start3A_214 : memref<4096xf32, #tpu.memory_space<vmem>>) target(%dma_start3A_212 : memref<4096xf32, #tpu.memory_space<hbm>>) target_semaphore(%dma_start3A_211 : memref<!tpu.dma_semaphore, #tpu.memory_space<semaphore_mem>>)
      } else {
      }
      %mul3A_155 = arith.constant 2 : i32
      %mul3A_156 = arith.muli %scan3A_105, %mul3A_155 : i32
      %add3A_157 = arith.constant 1 : i32
      %add3A_158 = arith.addi %mul3A_156, %add3A_157 : i32
      %dma_wait3A_159 = arith.constant 1 : i32
      %dma_wait3A_160 = arith.constant 8192 : i32
      %dma_wait3A_161 = tpu.memref_slice %arg12[%dma_wait3A_160] : memref<16384xf32, #tpu.memory_space<vmem>> -> memref<8192xf32, #tpu.memory_space<vmem>>
      %dma_wait3A_162 = arith.constant 0 : i32
      %dma_wait3A_163 = tpu.memref_slice %arg2[%dma_wait3A_162] : memref<4194304xf32, #tpu.memory_space<hbm>> -> memref<8192xf32, #tpu.memory_space<hbm>>
      %dma_wait3A_164 = tpu.memref_slice %arg15[%dma_wait3A_159] : memref<2x!tpu.dma_semaphore, #tpu.memory_space<semaphore_mem>> -> memref<1x!tpu.dma_semaphore, #tpu.memory_space<semaphore_mem>>
      %dma_wait3A_165 = tpu.memref_squeeze %dma_wait3A_164 : memref<1x!tpu.dma_semaphore, #tpu.memory_space<semaphore_mem>> -> memref<!tpu.dma_semaphore, #tpu.memory_space<semaphore_mem>>
      %dma_wait3A_166 = arith.constant 8192 : i32
      %dma_wait3A_167 = tpu.memref_slice %arg12[%dma_wait3A_166] : memref<16384xf32, #tpu.memory_space<vmem>> -> memref<8192xf32, #tpu.memory_space<vmem>>
      %dma_wait3A_168 = arith.constant 0 : i32
      %dma_wait3A_169 = tpu.memref_slice %arg2[%dma_wait3A_168] : memref<4194304xf32, #tpu.memory_space<hbm>> -> memref<8192xf32, #tpu.memory_space<hbm>>
      tpu.wait_dma2 semaphore(%dma_wait3A_165 : memref<!tpu.dma_semaphore, #tpu.memory_space<semaphore_mem>>) src(%dma_wait3A_169 : memref<8192xf32, #tpu.memory_space<hbm>>) dst(%dma_wait3A_167 : memref<8192xf32, #tpu.memory_space<vmem>>)
      %add3A_170 = arith.constant 1 : i32
      %add3A_171 = arith.addi %add3A_158, %add3A_170 : i32
      %lt3A_172 = arith.constant 32 : i32
      %lt3A_173 = arith.cmpi slt, %add3A_171, %lt3A_172 : i32
      %convert_element_type3A_174 = arith.extui %lt3A_173 : i1 to i32
      %cond3A_175 = arith.constant 0 : i32
      %cond3A_176 = arith.cmpi ne, %convert_element_type3A_174, %cond3A_175 : i32
      scf.if %cond3A_176 {
        %add3A_206 = arith.constant 1 : i32
        %add3A_207 = arith.addi %add3A_158, %add3A_206 : i32
        %mul3A_208 = arith.constant 32 : i32
        %mul3A_209 = arith.muli %arg1, %mul3A_208 : i32
        %add3A_210 = arith.addi %mul3A_209, %add3A_207 : i32
        %mul3A_211 = arith.constant 4096 : i32
        %mul3A_212 = arith.muli %add3A_210, %mul3A_211 : i32
        %mul3A_213 = arith.constant 2 : i32
        %mul3A_214 = arith.muli %mul3A_212, %mul3A_213 : i32
        %dma_start3A_215 = arith.constant 0 : i32
        %dma_start3A_216 = arith.constant 0 : i32
        %dma_start3A_217 = tpu.memref_slice %arg12[%dma_start3A_216] : memref<16384xf32, #tpu.memory_space<vmem>> -> memref<8192xf32, #tpu.memory_space<vmem>>
        %dma_start3A_218 = tpu.memref_slice %arg2[%mul3A_214] : memref<4194304xf32, #tpu.memory_space<hbm>> -> memref<8192xf32, #tpu.memory_space<hbm>>
        %dma_start3A_219 = tpu.memref_slice %arg15[%dma_start3A_215] : memref<2x!tpu.dma_semaphore, #tpu.memory_space<semaphore_mem>> -> memref<1x!tpu.dma_semaphore, #tpu.memory_space<semaphore_mem>>
        %dma_start3A_220 = tpu.memref_squeeze %dma_start3A_219 : memref<1x!tpu.dma_semaphore, #tpu.memory_space<semaphore_mem>> -> memref<!tpu.dma_semaphore, #tpu.memory_space<semaphore_mem>>
        %dma_start3A_221 = arith.constant 0 : i32
        %dma_start3A_222 = tpu.memref_slice %arg12[%dma_start3A_221] : memref<16384xf32, #tpu.memory_space<vmem>> -> memref<8192xf32, #tpu.memory_space<vmem>>
        %dma_start3A_223 = tpu.memref_slice %arg2[%mul3A_214] : memref<4194304xf32, #tpu.memory_space<hbm>> -> memref<8192xf32, #tpu.memory_space<hbm>>
        tpu.enqueue_dma source(%dma_start3A_223 : memref<8192xf32, #tpu.memory_space<hbm>>) target(%dma_start3A_222 : memref<8192xf32, #tpu.memory_space<vmem>>) target_semaphore(%dma_start3A_220 : memref<!tpu.dma_semaphore, #tpu.memory_space<semaphore_mem>>)
      } else {
      }
      %ge3A_177 = arith.constant 2 : i32
      %ge3A_178 = arith.cmpi sge, %add3A_158, %ge3A_177 : i32
      %convert_element_type3A_179 = arith.extui %ge3A_178 : i1 to i32
      %cond3A_180 = arith.constant 0 : i32
      %cond3A_181 = arith.cmpi ne, %convert_element_type3A_179, %cond3A_180 : i32
      scf.if %cond3A_181 {
        %dma_wait3A_206 = arith.constant 1 : i32
        %dma_wait3A_207 = arith.constant 4096 : i32
        %dma_wait3A_208 = tpu.memref_slice %arg13[%dma_wait3A_207] : memref<8192xf32, #tpu.memory_space<vmem>> -> memref<4096xf32, #tpu.memory_space<vmem>>
        %dma_wait3A_209 = arith.constant 0 : i32
        %dma_wait3A_210 = tpu.memref_slice %arg7[%dma_wait3A_209] : memref<2097152xf32, #tpu.memory_space<hbm>> -> memref<4096xf32, #tpu.memory_space<hbm>>
        %dma_wait3A_211 = tpu.memref_slice %arg16[%dma_wait3A_206] : memref<2x!tpu.dma_semaphore, #tpu.memory_space<semaphore_mem>> -> memref<1x!tpu.dma_semaphore, #tpu.memory_space<semaphore_mem>>
        %dma_wait3A_212 = tpu.memref_squeeze %dma_wait3A_211 : memref<1x!tpu.dma_semaphore, #tpu.memory_space<semaphore_mem>> -> memref<!tpu.dma_semaphore, #tpu.memory_space<semaphore_mem>>
        %dma_wait3A_213 = arith.constant 0 : i32
        %dma_wait3A_214 = tpu.memref_slice %arg7[%dma_wait3A_213] : memref<2097152xf32, #tpu.memory_space<hbm>> -> memref<4096xf32, #tpu.memory_space<hbm>>
        %dma_wait3A_215 = arith.constant 4096 : i32
        %dma_wait3A_216 = tpu.memref_slice %arg13[%dma_wait3A_215] : memref<8192xf32, #tpu.memory_space<vmem>> -> memref<4096xf32, #tpu.memory_space<vmem>>
        tpu.wait_dma2 semaphore(%dma_wait3A_212 : memref<!tpu.dma_semaphore, #tpu.memory_space<semaphore_mem>>) src(%dma_wait3A_216 : memref<4096xf32, #tpu.memory_space<vmem>>) dst(%dma_wait3A_214 : memref<4096xf32, #tpu.memory_space<hbm>>)
      } else {
      }
      %parallel_loop3A_182 = arith.constant 0 : i32
      %parallel_loop3A_183 = arith.constant 256 : i32
      %parallel_loop3A_184 = arith.constant 1 : i32
      scf.for %parallel_loop3A_206 = %parallel_loop3A_182 to %parallel_loop3A_183 step %parallel_loop3A_184  : i32 {
        %parallel_loop3A_207 = arith.constant 5 : i32
        %parallel_loop3A_208 = arith.shrui %parallel_loop3A_206, %parallel_loop3A_207 : i32
        %parallel_loop3A_209 = arith.constant 31 : i32
        %parallel_loop3A_210 = arith.andi %parallel_loop3A_206, %parallel_loop3A_209 : i32
        %parallel_loop3A_211 = arith.constant 3 : i32
        %parallel_loop3A_212 = arith.shrui %parallel_loop3A_210, %parallel_loop3A_211 : i32
        %parallel_loop3A_213 = arith.constant 7 : i32
        %parallel_loop3A_214 = arith.andi %parallel_loop3A_210, %parallel_loop3A_213 : i32
        %parallel_loop3A_215 = arith.constant 1024 : i32
        %parallel_loop3A_216 = arith.muli %parallel_loop3A_208, %parallel_loop3A_215 : i32
        %parallel_loop3A_217 = arith.constant 256 : i32
        %parallel_loop3A_218 = arith.muli %parallel_loop3A_212, %parallel_loop3A_217 : i32
        %parallel_loop3A_219 = arith.addi %parallel_loop3A_216, %parallel_loop3A_218 : i32
        %parallel_loop3A_220 = arith.constant 16 : i32
        %parallel_loop3A_221 = arith.muli %parallel_loop3A_214, %parallel_loop3A_220 : i32
        %parallel_loop3A_222 = arith.addi %parallel_loop3A_219, %parallel_loop3A_221 : i32
        %parallel_loop3A_223 = arith.constant 1024 : i32
        %parallel_loop3A_224 = arith.muli %parallel_loop3A_212, %parallel_loop3A_223 : i32
        %parallel_loop3A_225 = arith.constant 128 : i32
        %parallel_loop3A_226 = arith.muli %parallel_loop3A_208, %parallel_loop3A_225 : i32
        %parallel_loop3A_227 = arith.addi %parallel_loop3A_224, %parallel_loop3A_226 : i32
        %parallel_loop3A_228 = arith.constant 16 : i32
        %parallel_loop3A_229 = arith.muli %parallel_loop3A_214, %parallel_loop3A_228 : i32
        %parallel_loop3A_230 = arith.addi %parallel_loop3A_227, %parallel_loop3A_229 : i32
        %parallel_loop3A_231 = arith.constant 8192 : i32
        %parallel_loop3A_232 = arith.addi %parallel_loop3A_231, %parallel_loop3A_222 : i32
        %parallel_loop3A_233 = arith.index_cast %parallel_loop3A_232 : i32 to index
        %parallel_loop3A_234 = tpu.vector_load %arg12[%parallel_loop3A_233] {strides = array<i32>} : memref<16384xf32, #tpu.memory_space<vmem>>, vector<16xf32>,
        %parallel_loop3A_235 = arith.constant 8192 : i32
        %parallel_loop3A_236 = arith.addi %parallel_loop3A_235, %parallel_loop3A_222 : i32
        %parallel_loop3A_237 = arith.constant 128 : i32
        %parallel_loop3A_238 = arith.addi %parallel_loop3A_236, %parallel_loop3A_237 : i32
        %parallel_loop3A_239 = arith.index_cast %parallel_loop3A_238 : i32 to index
        %parallel_loop3A_240 = tpu.vector_load %arg12[%parallel_loop3A_239] {strides = array<i32>} : memref<16384xf32, #tpu.memory_space<vmem>>, vector<16xf32>,
        %parallel_loop3A_241 = arith.constant 5.120000e+02 : f32
        %parallel_loop3A_242 = arith.constant 5.000000e-01 : f32
        %parallel_loop3A_243 = arith.mulf %parallel_loop3A_241, %parallel_loop3A_242 : f32
        %parallel_loop3A_244 = vector.broadcast %parallel_loop3A_243 : f32 to vector<16xf32>
        %parallel_loop3A_245 = arith.mulf %parallel_loop3A_234, %parallel_loop3A_244 : vector<16xf32>
        %parallel_loop3A_246 = arith.constant 5.000000e-01 : f32
        %parallel_loop3A_247 = arith.subf %parallel_loop3A_243, %parallel_loop3A_246 : f32
        %parallel_loop3A_248 = vector.broadcast %parallel_loop3A_247 : f32 to vector<16xf32>
        %parallel_loop3A_249 = arith.addf %parallel_loop3A_245, %parallel_loop3A_248 : vector<16xf32>
        %parallel_loop3A_250 = arith.constant 5.120000e+02 : f32
        %parallel_loop3A_251 = arith.constant 1.000000e+00 : f32
        %parallel_loop3A_252 = arith.subf %parallel_loop3A_250, %parallel_loop3A_251 : f32
        %parallel_loop3A_253 = arith.constant 0.000000e+00 : f32
        %parallel_loop3A_254 = vector.broadcast %parallel_loop3A_253 : f32 to vector<16xf32>
        %parallel_loop3A_255 = arith.maximumf %parallel_loop3A_254, %parallel_loop3A_249 : vector<16xf32>
        %parallel_loop3A_256 = vector.broadcast %parallel_loop3A_252 : f32 to vector<16xf32>
        %parallel_loop3A_257 = arith.minimumf %parallel_loop3A_256, %parallel_loop3A_255 : vector<16xf32>
        %parallel_loop3A_258 = vector.broadcast %parallel_loop3A_243 : f32 to vector<16xf32>
        %parallel_loop3A_259 = arith.mulf %parallel_loop3A_240, %parallel_loop3A_258 : vector<16xf32>
        %parallel_loop3A_260 = arith.constant 5.000000e-01 : f32
        %parallel_loop3A_261 = arith.subf %parallel_loop3A_243, %parallel_loop3A_260 : f32
        %parallel_loop3A_262 = vector.broadcast %parallel_loop3A_261 : f32 to vector<16xf32>
        %parallel_loop3A_263 = arith.addf %parallel_loop3A_259, %parallel_loop3A_262 : vector<16xf32>
        %parallel_loop3A_264 = arith.constant 5.120000e+02 : f32
        %parallel_loop3A_265 = arith.constant 1.000000e+00 : f32
        %parallel_loop3A_266 = arith.subf %parallel_loop3A_264, %parallel_loop3A_265 : f32
        %parallel_loop3A_267 = arith.constant 0.000000e+00 : f32
        %parallel_loop3A_268 = vector.broadcast %parallel_loop3A_267 : f32 to vector<16xf32>
        %parallel_loop3A_269 = arith.maximumf %parallel_loop3A_268, %parallel_loop3A_263 : vector<16xf32>
        %parallel_loop3A_270 = vector.broadcast %parallel_loop3A_266 : f32 to vector<16xf32>
        %parallel_loop3A_271 = arith.minimumf %parallel_loop3A_270, %parallel_loop3A_269 : vector<16xf32>
        %parallel_loop3A_272 = arith.fptosi %parallel_loop3A_257 : vector<16xf32> to vector<16xi32>
        %parallel_loop3A_273 = arith.fptosi %parallel_loop3A_271 : vector<16xf32> to vector<16xi32>
        %parallel_loop3A_274 = arith.sitofp %parallel_loop3A_272 : vector<16xi32> to vector<16xf32>
        %parallel_loop3A_275 = arith.subf %parallel_loop3A_257, %parallel_loop3A_274 : vector<16xf32>
        %parallel_loop3A_276 = arith.sitofp %parallel_loop3A_273 : vector<16xi32> to vector<16xf32>
        %parallel_loop3A_277 = arith.subf %parallel_loop3A_271, %parallel_loop3A_276 : vector<16xf32>
        %parallel_loop3A_278 = arith.constant 512 : i32
        %parallel_loop3A_279 = vector.broadcast %parallel_loop3A_278 : i32 to vector<16xi32>
        %parallel_loop3A_280 = arith.muli %parallel_loop3A_273, %parallel_loop3A_279 : vector<16xi32>
        %parallel_loop3A_281 = arith.addi %parallel_loop3A_280, %parallel_loop3A_272 : vector<16xi32>
        %parallel_loop3A_282 = arith.constant 1 : i32
        %parallel_loop3A_283 = vector.broadcast %parallel_loop3A_282 : i32 to vector<16xi32>
        %parallel_loop3A_284 = arith.andi %parallel_loop3A_281, %parallel_loop3A_283 : vector<16xi32>
        %parallel_loop3A_285 = arith.constant 1 : i32
        %parallel_loop3A_286 = vector.broadcast %parallel_loop3A_285 : i32 to vector<16xi32>
        %parallel_loop3A_287 = arith.cmpi eq, %parallel_loop3A_284, %parallel_loop3A_286 : vector<16xi32>
        %parallel_loop3A_288 = arith.constant 511 : i32
        %parallel_loop3A_289 = vector.broadcast %parallel_loop3A_288 : i32 to vector<16xi32>
        %parallel_loop3A_290 = arith.cmpi eq, %parallel_loop3A_272, %parallel_loop3A_289 : vector<16xi32>
        %parallel_loop3A_291 = arith.constant 511 : i32
        %parallel_loop3A_292 = vector.broadcast %parallel_loop3A_291 : i32 to vector<16xi32>
        %parallel_loop3A_293 = arith.cmpi eq, %parallel_loop3A_273, %parallel_loop3A_292 : vector<16xi32>
        %parallel_loop3A_294 = arith.constant 1 : i32
        %parallel_loop3A_295 = vector.broadcast %parallel_loop3A_294 : i32 to vector<16xi32>
        %parallel_loop3A_296 = arith.shrsi %parallel_loop3A_281, %parallel_loop3A_295 : vector<16xi32>
        %parallel_loop3A_297 = vector.broadcast %mul3A_38 : i32 to vector<16xi32>
        %parallel_loop3A_298 = arith.subi %parallel_loop3A_296, %parallel_loop3A_297 : vector<16xi32>
        %parallel_loop3A_299 = arith.constant 0 : i32
        %parallel_loop3A_300 = vector.broadcast %parallel_loop3A_299 : i32 to vector<16xi32>
        %parallel_loop3A_301 = arith.maxsi %parallel_loop3A_298, %parallel_loop3A_300 : vector<16xi32>
        %parallel_loop3A_302 = vector.broadcast %sub3A_41 : i32 to vector<16xi32>
        %parallel_loop3A_303 = arith.minsi %parallel_loop3A_301, %parallel_loop3A_302 : vector<16xi32>
        %parallel_loop3A_304 = arith.constant 1 : i32
        %parallel_loop3A_305 = vector.broadcast %parallel_loop3A_304 : i32 to vector<16xi32>
        %parallel_loop3A_306 = arith.addi %parallel_loop3A_298, %parallel_loop3A_305 : vector<16xi32>
        %parallel_loop3A_307 = arith.constant 0 : i32
        %parallel_loop3A_308 = vector.broadcast %parallel_loop3A_307 : i32 to vector<16xi32>
        %parallel_loop3A_309 = arith.maxsi %parallel_loop3A_306, %parallel_loop3A_308 : vector<16xi32>
        %parallel_loop3A_310 = vector.broadcast %sub3A_41 : i32 to vector<16xi32>
        %parallel_loop3A_311 = arith.minsi %parallel_loop3A_309, %parallel_loop3A_310 : vector<16xi32>
        %parallel_loop3A_312 = arith.constant 256 : i32
        %parallel_loop3A_313 = vector.broadcast %parallel_loop3A_312 : i32 to vector<16xi32>
        %parallel_loop3A_314 = arith.addi %parallel_loop3A_298, %parallel_loop3A_313 : vector<16xi32>
        %parallel_loop3A_315 = arith.select %parallel_loop3A_293, %parallel_loop3A_298, %parallel_loop3A_314 : vector<16xi1>, vector<16xi32>
        %parallel_loop3A_316 = arith.constant 0 : i32
        %parallel_loop3A_317 = vector.broadcast %parallel_loop3A_316 : i32 to vector<16xi32>
        %parallel_loop3A_318 = arith.maxsi %parallel_loop3A_315, %parallel_loop3A_317 : vector<16xi32>
        %parallel_loop3A_319 = vector.broadcast %sub3A_41 : i32 to vector<16xi32>
        %parallel_loop3A_320 = arith.minsi %parallel_loop3A_318, %parallel_loop3A_319 : vector<16xi32>
        %parallel_loop3A_321 = arith.constant 1 : i32
        %parallel_loop3A_322 = vector.broadcast %parallel_loop3A_321 : i32 to vector<16xi32>
        %parallel_loop3A_323 = arith.addi %parallel_loop3A_315, %parallel_loop3A_322 : vector<16xi32>
        %parallel_loop3A_324 = arith.constant 0 : i32
        %parallel_loop3A_325 = vector.broadcast %parallel_loop3A_324 : i32 to vector<16xi32>
        %parallel_loop3A_326 = arith.maxsi %parallel_loop3A_323, %parallel_loop3A_325 : vector<16xi32>
        %parallel_loop3A_327 = vector.broadcast %sub3A_41 : i32 to vector<16xi32>
        %parallel_loop3A_328 = arith.minsi %parallel_loop3A_326, %parallel_loop3A_327 : vector<16xi32>
        %parallel_loop3A_329 = tpu.vector_load_idx %arg9[%parallel_loop3A_303] : memref<65792xi32, #tpu.memory_space<vmem>>[vector<16xi32>], vector<16xi32>,
        %parallel_loop3A_330 = tpu.vector_load_idx %arg9[%parallel_loop3A_311] : memref<65792xi32, #tpu.memory_space<vmem>>[vector<16xi32>], vector<16xi32>,
        %parallel_loop3A_331 = tpu.vector_load_idx %arg9[%parallel_loop3A_320] : memref<65792xi32, #tpu.memory_space<vmem>>[vector<16xi32>], vector<16xi32>,
        %parallel_loop3A_332 = tpu.vector_load_idx %arg9[%parallel_loop3A_328] : memref<65792xi32, #tpu.memory_space<vmem>>[vector<16xi32>], vector<16xi32>,
        %parallel_loop3A_333 = arith.constant -65536 : i32
        %parallel_loop3A_334 = vector.broadcast %parallel_loop3A_333 : i32 to vector<16xi32>
        %parallel_loop3A_335 = arith.andi %parallel_loop3A_329, %parallel_loop3A_334 : vector<16xi32>
        %parallel_loop3A_336 = arith.constant -65536 : i32
        %parallel_loop3A_337 = vector.broadcast %parallel_loop3A_336 : i32 to vector<16xi32>
        %parallel_loop3A_338 = arith.andi %parallel_loop3A_331, %parallel_loop3A_337 : vector<16xi32>
        %parallel_loop3A_339 = arith.constant dense<true> : vector<16xi1>
        %parallel_loop3A_340 = arith.xori %parallel_loop3A_290, %parallel_loop3A_339 : vector<16xi1>
        %parallel_loop3A_341 = arith.andi %parallel_loop3A_287, %parallel_loop3A_340 : vector<16xi1>
        %parallel_loop3A_342 = arith.constant 16 : i32
        %parallel_loop3A_343 = vector.broadcast %parallel_loop3A_342 : i32 to vector<16xi32>
        %parallel_loop3A_344 = arith.shli %parallel_loop3A_329, %parallel_loop3A_343 : vector<16xi32>
        %parallel_loop3A_345 = arith.select %parallel_loop3A_287, %parallel_loop3A_335, %parallel_loop3A_344 : vector<16xi1>, vector<16xi32>
        %parallel_loop3A_346 = tpu.bitcast %parallel_loop3A_345 : vector<16xi32> -> vector<16xf32>
        %parallel_loop3A_347 = arith.constant 16 : i32
        %parallel_loop3A_348 = vector.broadcast %parallel_loop3A_347 : i32 to vector<16xi32>
        %parallel_loop3A_349 = arith.shli %parallel_loop3A_330, %parallel_loop3A_348 : vector<16xi32>
        %parallel_loop3A_350 = arith.select %parallel_loop3A_341, %parallel_loop3A_349, %parallel_loop3A_335 : vector<16xi1>, vector<16xi32>
        %parallel_loop3A_351 = tpu.bitcast %parallel_loop3A_350 : vector<16xi32> -> vector<16xf32>
        %parallel_loop3A_352 = arith.constant 16 : i32
        %parallel_loop3A_353 = vector.broadcast %parallel_loop3A_352 : i32 to vector<16xi32>
        %parallel_loop3A_354 = arith.shli %parallel_loop3A_331, %parallel_loop3A_353 : vector<16xi32>
        %parallel_loop3A_355 = arith.select %parallel_loop3A_287, %parallel_loop3A_338, %parallel_loop3A_354 : vector<16xi1>, vector<16xi32>
        %parallel_loop3A_356 = tpu.bitcast %parallel_loop3A_355 : vector<16xi32> -> vector<16xf32>
        %parallel_loop3A_357 = arith.constant 16 : i32
        %parallel_loop3A_358 = vector.broadcast %parallel_loop3A_357 : i32 to vector<16xi32>
        %parallel_loop3A_359 = arith.shli %parallel_loop3A_332, %parallel_loop3A_358 : vector<16xi32>
        %parallel_loop3A_360 = arith.select %parallel_loop3A_341, %parallel_loop3A_359, %parallel_loop3A_338 : vector<16xi1>, vector<16xi32>
        %parallel_loop3A_361 = tpu.bitcast %parallel_loop3A_360 : vector<16xi32> -> vector<16xf32>
        %parallel_loop3A_362 = arith.subf %parallel_loop3A_351, %parallel_loop3A_346 : vector<16xf32>
        %parallel_loop3A_363 = arith.mulf %parallel_loop3A_275, %parallel_loop3A_362 : vector<16xf32>
        %parallel_loop3A_364 = arith.addf %parallel_loop3A_346, %parallel_loop3A_363 : vector<16xf32>
        %parallel_loop3A_365 = arith.subf %parallel_loop3A_361, %parallel_loop3A_356 : vector<16xf32>
        %parallel_loop3A_366 = arith.mulf %parallel_loop3A_275, %parallel_loop3A_365 : vector<16xf32>
        %parallel_loop3A_367 = arith.addf %parallel_loop3A_356, %parallel_loop3A_366 : vector<16xf32>
        %parallel_loop3A_368 = arith.subf %parallel_loop3A_367, %parallel_loop3A_364 : vector<16xf32>
        %parallel_loop3A_369 = arith.mulf %parallel_loop3A_277, %parallel_loop3A_368 : vector<16xf32>
        %parallel_loop3A_370 = arith.addf %parallel_loop3A_364, %parallel_loop3A_369 : vector<16xf32>
        %parallel_loop3A_371 = arith.constant 256 : i32
        %parallel_loop3A_372 = vector.broadcast %parallel_loop3A_371 : i32 to vector<16xi32>
        %parallel_loop3A_373 = arith.cmpi sge, %parallel_loop3A_273, %parallel_loop3A_372 : vector<16xi32>
        %parallel_loop3A_374 = vector.broadcast %eq3A_61 : i1 to vector<16xi1>
        %parallel_loop3A_375 = arith.xori %parallel_loop3A_373, %parallel_loop3A_374 : vector<16xi1>
        %parallel_loop3A_376 = vector.broadcast %scan3A_78 : f32 to vector<16xf32>
        %parallel_loop3A_377 = arith.select %parallel_loop3A_375, %parallel_loop3A_370, %parallel_loop3A_376 : vector<16xi1>, vector<16xf32>
        %parallel_loop3A_378 = arith.constant 5.000000e-01 : f32
        %parallel_loop3A_379 = arith.mulf %select_n3A, %parallel_loop3A_378 : f32
        %parallel_loop3A_380 = vector.broadcast %parallel_loop3A_379 : f32 to vector<16xf32>
        %parallel_loop3A_381 = arith.mulf %parallel_loop3A_234, %parallel_loop3A_380 : vector<16xf32>
        %parallel_loop3A_382 = arith.constant 5.000000e-01 : f32
        %parallel_loop3A_383 = arith.subf %parallel_loop3A_379, %parallel_loop3A_382 : f32
        %parallel_loop3A_384 = vector.broadcast %parallel_loop3A_383 : f32 to vector<16xf32>
        %parallel_loop3A_385 = arith.addf %parallel_loop3A_381, %parallel_loop3A_384 : vector<16xf32>
        %parallel_loop3A_386 = arith.constant 1.000000e+00 : f32
        %parallel_loop3A_387 = arith.subf %select_n3A, %parallel_loop3A_386 : f32
        %parallel_loop3A_388 = arith.constant 0.000000e+00 : f32
        %parallel_loop3A_389 = vector.broadcast %parallel_loop3A_388 : f32 to vector<16xf32>
        %parallel_loop3A_390 = arith.maximumf %parallel_loop3A_389, %parallel_loop3A_385 : vector<16xf32>
        %parallel_loop3A_391 = vector.broadcast %parallel_loop3A_387 : f32 to vector<16xf32>
        %parallel_loop3A_392 = arith.minimumf %parallel_loop3A_391, %parallel_loop3A_390 : vector<16xf32>
        %parallel_loop3A_393 = vector.broadcast %parallel_loop3A_379 : f32 to vector<16xf32>
        %parallel_loop3A_394 = arith.mulf %parallel_loop3A_240, %parallel_loop3A_393 : vector<16xf32>
        %parallel_loop3A_395 = arith.constant 5.000000e-01 : f32
        %parallel_loop3A_396 = arith.subf %parallel_loop3A_379, %parallel_loop3A_395 : f32
        %parallel_loop3A_397 = vector.broadcast %parallel_loop3A_396 : f32 to vector<16xf32>
        %parallel_loop3A_398 = arith.addf %parallel_loop3A_394, %parallel_loop3A_397 : vector<16xf32>
        %parallel_loop3A_399 = arith.constant 1.000000e+00 : f32
        %parallel_loop3A_400 = arith.subf %select_n3A, %parallel_loop3A_399 : f32
        %parallel_loop3A_401 = arith.constant 0.000000e+00 : f32
        %parallel_loop3A_402 = vector.broadcast %parallel_loop3A_401 : f32 to vector<16xf32>
        %parallel_loop3A_403 = arith.maximumf %parallel_loop3A_402, %parallel_loop3A_398 : vector<16xf32>
        %parallel_loop3A_404 = vector.broadcast %parallel_loop3A_400 : f32 to vector<16xf32>
        %parallel_loop3A_405 = arith.minimumf %parallel_loop3A_404, %parallel_loop3A_403 : vector<16xf32>
        %parallel_loop3A_406 = arith.fptosi %parallel_loop3A_392 : vector<16xf32> to vector<16xi32>
        %parallel_loop3A_407 = arith.fptosi %parallel_loop3A_405 : vector<16xf32> to vector<16xi32>
        %parallel_loop3A_408 = arith.sitofp %parallel_loop3A_406 : vector<16xi32> to vector<16xf32>
        %parallel_loop3A_409 = arith.subf %parallel_loop3A_392, %parallel_loop3A_408 : vector<16xf32>
        %parallel_loop3A_410 = arith.sitofp %parallel_loop3A_407 : vector<16xi32> to vector<16xf32>
        %parallel_loop3A_411 = arith.subf %parallel_loop3A_405, %parallel_loop3A_410 : vector<16xf32>
        %parallel_loop3A_412 = vector.broadcast %select_n3A_49 : i32 to vector<16xi32>
        %parallel_loop3A_413 = arith.muli %parallel_loop3A_407, %parallel_loop3A_412 : vector<16xi32>
        %parallel_loop3A_414 = arith.addi %parallel_loop3A_413, %parallel_loop3A_406 : vector<16xi32>
        %parallel_loop3A_415 = arith.constant 1 : i32
        %parallel_loop3A_416 = vector.broadcast %parallel_loop3A_415 : i32 to vector<16xi32>
        %parallel_loop3A_417 = arith.andi %parallel_loop3A_414, %parallel_loop3A_416 : vector<16xi32>
        %parallel_loop3A_418 = arith.constant 1 : i32
        %parallel_loop3A_419 = vector.broadcast %parallel_loop3A_418 : i32 to vector<16xi32>
        %parallel_loop3A_420 = arith.cmpi eq, %parallel_loop3A_417, %parallel_loop3A_419 : vector<16xi32>
        %parallel_loop3A_421 = arith.constant 1 : i32
        %parallel_loop3A_422 = arith.subi %select_n3A_49, %parallel_loop3A_421 : i32
        %parallel_loop3A_423 = vector.broadcast %parallel_loop3A_422 : i32 to vector<16xi32>
        %parallel_loop3A_424 = arith.cmpi eq, %parallel_loop3A_406, %parallel_loop3A_423 : vector<16xi32>
        %parallel_loop3A_425 = arith.constant 1 : i32
        %parallel_loop3A_426 = arith.subi %select_n3A_49, %parallel_loop3A_425 : i32
        %parallel_loop3A_427 = vector.broadcast %parallel_loop3A_426 : i32 to vector<16xi32>
        %parallel_loop3A_428 = arith.cmpi eq, %parallel_loop3A_407, %parallel_loop3A_427 : vector<16xi32>
        %parallel_loop3A_429 = arith.constant 1 : i32
        %parallel_loop3A_430 = vector.broadcast %parallel_loop3A_429 : i32 to vector<16xi32>
        %parallel_loop3A_431 = arith.shrsi %parallel_loop3A_414, %parallel_loop3A_430 : vector<16xi32>
        %parallel_loop3A_432 = arith.constant 1 : i32
        %parallel_loop3A_433 = vector.broadcast %parallel_loop3A_432 : i32 to vector<16xi32>
        %parallel_loop3A_434 = arith.addi %parallel_loop3A_431, %parallel_loop3A_433 : vector<16xi32>
        %parallel_loop3A_435 = vector.broadcast %select_n3A_59 : i32 to vector<16xi32>
        %parallel_loop3A_436 = arith.minsi %parallel_loop3A_434, %parallel_loop3A_435 : vector<16xi32>
        %parallel_loop3A_437 = vector.broadcast %select_n3A_54 : i32 to vector<16xi32>
        %parallel_loop3A_438 = arith.addi %parallel_loop3A_431, %parallel_loop3A_437 : vector<16xi32>
        %parallel_loop3A_439 = arith.select %parallel_loop3A_428, %parallel_loop3A_431, %parallel_loop3A_438 : vector<16xi1>, vector<16xi32>
        %parallel_loop3A_440 = arith.constant 1 : i32
        %parallel_loop3A_441 = vector.broadcast %parallel_loop3A_440 : i32 to vector<16xi32>
        %parallel_loop3A_442 = arith.addi %parallel_loop3A_439, %parallel_loop3A_441 : vector<16xi32>
        %parallel_loop3A_443 = vector.broadcast %select_n3A_59 : i32 to vector<16xi32>
        %parallel_loop3A_444 = arith.minsi %parallel_loop3A_442, %parallel_loop3A_443 : vector<16xi32>
        %parallel_loop3A_445 = tpu.vector_load_idx %arg10[%parallel_loop3A_431] : memref<32768xi32, #tpu.memory_space<vmem>>[vector<16xi32>], vector<16xi32>,
        %parallel_loop3A_446 = tpu.vector_load_idx %arg10[%parallel_loop3A_436] : memref<32768xi32, #tpu.memory_space<vmem>>[vector<16xi32>], vector<16xi32>,
        %parallel_loop3A_447 = tpu.vector_load_idx %arg10[%parallel_loop3A_439] : memref<32768xi32, #tpu.memory_space<vmem>>[vector<16xi32>], vector<16xi32>,
        %parallel_loop3A_448 = tpu.vector_load_idx %arg10[%parallel_loop3A_444] : memref<32768xi32, #tpu.memory_space<vmem>>[vector<16xi32>], vector<16xi32>,
        %parallel_loop3A_449 = arith.constant -65536 : i32
        %parallel_loop3A_450 = vector.broadcast %parallel_loop3A_449 : i32 to vector<16xi32>
        %parallel_loop3A_451 = arith.andi %parallel_loop3A_445, %parallel_loop3A_450 : vector<16xi32>
        %parallel_loop3A_452 = arith.constant -65536 : i32
        %parallel_loop3A_453 = vector.broadcast %parallel_loop3A_452 : i32 to vector<16xi32>
        %parallel_loop3A_454 = arith.andi %parallel_loop3A_447, %parallel_loop3A_453 : vector<16xi32>
        %parallel_loop3A_455 = arith.constant dense<true> : vector<16xi1>
        %parallel_loop3A_456 = arith.xori %parallel_loop3A_424, %parallel_loop3A_455 : vector<16xi1>
        %parallel_loop3A_457 = arith.andi %parallel_loop3A_420, %parallel_loop3A_456 : vector<16xi1>
        %parallel_loop3A_458 = arith.constant 16 : i32
        %parallel_loop3A_459 = vector.broadcast %parallel_loop3A_458 : i32 to vector<16xi32>
        %parallel_loop3A_460 = arith.shli %parallel_loop3A_445, %parallel_loop3A_459 : vector<16xi32>
        %parallel_loop3A_461 = arith.select %parallel_loop3A_420, %parallel_loop3A_451, %parallel_loop3A_460 : vector<16xi1>, vector<16xi32>
        %parallel_loop3A_462 = tpu.bitcast %parallel_loop3A_461 : vector<16xi32> -> vector<16xf32>
        %parallel_loop3A_463 = arith.constant 16 : i32
        %parallel_loop3A_464 = vector.broadcast %parallel_loop3A_463 : i32 to vector<16xi32>
        %parallel_loop3A_465 = arith.shli %parallel_loop3A_446, %parallel_loop3A_464 : vector<16xi32>
        %parallel_loop3A_466 = arith.select %parallel_loop3A_457, %parallel_loop3A_465, %parallel_loop3A_451 : vector<16xi1>, vector<16xi32>
        %parallel_loop3A_467 = tpu.bitcast %parallel_loop3A_466 : vector<16xi32> -> vector<16xf32>
        %parallel_loop3A_468 = arith.constant 16 : i32
        %parallel_loop3A_469 = vector.broadcast %parallel_loop3A_468 : i32 to vector<16xi32>
        %parallel_loop3A_470 = arith.shli %parallel_loop3A_447, %parallel_loop3A_469 : vector<16xi32>
        %parallel_loop3A_471 = arith.select %parallel_loop3A_420, %parallel_loop3A_454, %parallel_loop3A_470 : vector<16xi1>, vector<16xi32>
        %parallel_loop3A_472 = tpu.bitcast %parallel_loop3A_471 : vector<16xi32> -> vector<16xf32>
        %parallel_loop3A_473 = arith.constant 16 : i32
        %parallel_loop3A_474 = vector.broadcast %parallel_loop3A_473 : i32 to vector<16xi32>
        %parallel_loop3A_475 = arith.shli %parallel_loop3A_448, %parallel_loop3A_474 : vector<16xi32>
        %parallel_loop3A_476 = arith.select %parallel_loop3A_457, %parallel_loop3A_475, %parallel_loop3A_454 : vector<16xi1>, vector<16xi32>
        %parallel_loop3A_477 = tpu.bitcast %parallel_loop3A_476 : vector<16xi32> -> vector<16xf32>
        %parallel_loop3A_478 = arith.subf %parallel_loop3A_467, %parallel_loop3A_462 : vector<16xf32>
        %parallel_loop3A_479 = arith.mulf %parallel_loop3A_409, %parallel_loop3A_478 : vector<16xf32>
        %parallel_loop3A_480 = arith.addf %parallel_loop3A_462, %parallel_loop3A_479 : vector<16xf32>
        %parallel_loop3A_481 = arith.subf %parallel_loop3A_477, %parallel_loop3A_472 : vector<16xf32>
        %parallel_loop3A_482 = arith.mulf %parallel_loop3A_409, %parallel_loop3A_481 : vector<16xf32>
        %parallel_loop3A_483 = arith.addf %parallel_loop3A_472, %parallel_loop3A_482 : vector<16xf32>
        %parallel_loop3A_484 = arith.subf %parallel_loop3A_483, %parallel_loop3A_480 : vector<16xf32>
        %parallel_loop3A_485 = arith.mulf %parallel_loop3A_411, %parallel_loop3A_484 : vector<16xf32>
        %parallel_loop3A_486 = arith.addf %parallel_loop3A_480, %parallel_loop3A_485 : vector<16xf32>
        %parallel_loop3A_487 = arith.addf %parallel_loop3A_377, %parallel_loop3A_486 : vector<16xf32>
        %parallel_loop3A_488 = arith.constant 4096 : i32
        %parallel_loop3A_489 = arith.addi %parallel_loop3A_488, %parallel_loop3A_230 : i32
        %parallel_loop3A_490 = arith.index_cast %parallel_loop3A_489 : i32 to index
        %parallel_loop3A_491 = tpu.vector_load %arg13[%parallel_loop3A_490] {strides = array<i32>} : memref<8192xf32, #tpu.memory_space<vmem>>, vector<16xf32>,
        tpu.vector_store %arg13[%parallel_loop3A_490], %parallel_loop3A_487 {strides = array<i32>} : memref<8192xf32, #tpu.memory_space<vmem>>, vector<16xf32>,
      } {sc.loop_unroll_factor = 4 : i64, sc.parallel_access}
      %and3A_185 = arith.constant 1 : i32
      %and3A_186 = arith.andi %add3A_158, %and3A_185 : i32
      %eq3A_187 = arith.cmpi eq, %and3A_186, %arg0 : i32
      %convert_element_type3A_188 = arith.extui %eq3A_187 : i1 to i32
      %cond3A_189 = arith.constant 0 : i32
      %cond3A_190 = arith.cmpi ne, %convert_element_type3A_188, %cond3A_189 : i32
      scf.if %cond3A_190 {
        %parallel_loop3A_206 = arith.constant 0 : i32
        %parallel_loop3A_207 = arith.constant 256 : i32
        %parallel_loop3A_208 = arith.constant 1 : i32
        scf.for %parallel_loop3A_209 = %parallel_loop3A_206 to %parallel_loop3A_207 step %parallel_loop3A_208  : i32 {
          %parallel_loop3A_210 = arith.constant 5 : i32
          %parallel_loop3A_211 = arith.shrui %parallel_loop3A_209, %parallel_loop3A_210 : i32
          %parallel_loop3A_212 = arith.constant 31 : i32
          %parallel_loop3A_213 = arith.andi %parallel_loop3A_209, %parallel_loop3A_212 : i32
          %parallel_loop3A_214 = arith.constant 3 : i32
          %parallel_loop3A_215 = arith.shrui %parallel_loop3A_213, %parallel_loop3A_214 : i32
          %parallel_loop3A_216 = arith.constant 7 : i32
          %parallel_loop3A_217 = arith.andi %parallel_loop3A_213, %parallel_loop3A_216 : i32
          %parallel_loop3A_218 = arith.constant 1024 : i32
          %parallel_loop3A_219 = arith.muli %parallel_loop3A_211, %parallel_loop3A_218 : i32
          %parallel_loop3A_220 = arith.constant 256 : i32
          %parallel_loop3A_221 = arith.muli %parallel_loop3A_215, %parallel_loop3A_220 : i32
          %parallel_loop3A_222 = arith.addi %parallel_loop3A_219, %parallel_loop3A_221 : i32
          %parallel_loop3A_223 = arith.constant 16 : i32
          %parallel_loop3A_224 = arith.muli %parallel_loop3A_217, %parallel_loop3A_223 : i32
          %parallel_loop3A_225 = arith.addi %parallel_loop3A_222, %parallel_loop3A_224 : i32
          %parallel_loop3A_226 = arith.constant 1024 : i32
          %parallel_loop3A_227 = arith.muli %parallel_loop3A_215, %parallel_loop3A_226 : i32
          %parallel_loop3A_228 = arith.constant 128 : i32
          %parallel_loop3A_229 = arith.muli %parallel_loop3A_211, %parallel_loop3A_228 : i32
          %parallel_loop3A_230 = arith.addi %parallel_loop3A_227, %parallel_loop3A_229 : i32
          %parallel_loop3A_231 = arith.constant 16 : i32
          %parallel_loop3A_232 = arith.muli %parallel_loop3A_217, %parallel_loop3A_231 : i32
          %parallel_loop3A_233 = arith.addi %parallel_loop3A_230, %parallel_loop3A_232 : i32
          %parallel_loop3A_234 = arith.constant 8192 : i32
          %parallel_loop3A_235 = arith.addi %parallel_loop3A_234, %parallel_loop3A_225 : i32
          %parallel_loop3A_236 = arith.index_cast %parallel_loop3A_235 : i32 to index
          %parallel_loop3A_237 = tpu.vector_load %arg12[%parallel_loop3A_236] {strides = array<i32>} : memref<16384xf32, #tpu.memory_space<vmem>>, vector<16xf32>,
          %parallel_loop3A_238 = arith.constant 8192 : i32
          %parallel_loop3A_239 = arith.addi %parallel_loop3A_238, %parallel_loop3A_225 : i32
          %parallel_loop3A_240 = arith.constant 128 : i32
          %parallel_loop3A_241 = arith.addi %parallel_loop3A_239, %parallel_loop3A_240 : i32
          %parallel_loop3A_242 = arith.index_cast %parallel_loop3A_241 : i32 to index
          %parallel_loop3A_243 = tpu.vector_load %arg12[%parallel_loop3A_242] {strides = array<i32>} : memref<16384xf32, #tpu.memory_space<vmem>>, vector<16xf32>,
          %parallel_loop3A_244 = arith.constant 6.400000e+01 : f32
          %parallel_loop3A_245 = arith.constant 5.000000e-01 : f32
          %parallel_loop3A_246 = arith.mulf %parallel_loop3A_244, %parallel_loop3A_245 : f32
          %parallel_loop3A_247 = vector.broadcast %parallel_loop3A_246 : f32 to vector<16xf32>
          %parallel_loop3A_248 = arith.mulf %parallel_loop3A_237, %parallel_loop3A_247 : vector<16xf32>
          %parallel_loop3A_249 = arith.constant 5.000000e-01 : f32
          %parallel_loop3A_250 = arith.subf %parallel_loop3A_246, %parallel_loop3A_249 : f32
          %parallel_loop3A_251 = vector.broadcast %parallel_loop3A_250 : f32 to vector<16xf32>
          %parallel_loop3A_252 = arith.addf %parallel_loop3A_248, %parallel_loop3A_251 : vector<16xf32>
          %parallel_loop3A_253 = arith.constant 6.400000e+01 : f32
          %parallel_loop3A_254 = arith.constant 1.000000e+00 : f32
          %parallel_loop3A_255 = arith.subf %parallel_loop3A_253, %parallel_loop3A_254 : f32
          %parallel_loop3A_256 = arith.constant 0.000000e+00 : f32
          %parallel_loop3A_257 = vector.broadcast %parallel_loop3A_256 : f32 to vector<16xf32>
          %parallel_loop3A_258 = arith.maximumf %parallel_loop3A_257, %parallel_loop3A_252 : vector<16xf32>
          %parallel_loop3A_259 = vector.broadcast %parallel_loop3A_255 : f32 to vector<16xf32>
          %parallel_loop3A_260 = arith.minimumf %parallel_loop3A_259, %parallel_loop3A_258 : vector<16xf32>
          %parallel_loop3A_261 = vector.broadcast %parallel_loop3A_246 : f32 to vector<16xf32>
          %parallel_loop3A_262 = arith.mulf %parallel_loop3A_243, %parallel_loop3A_261 : vector<16xf32>
          %parallel_loop3A_263 = arith.constant 5.000000e-01 : f32
          %parallel_loop3A_264 = arith.subf %parallel_loop3A_246, %parallel_loop3A_263 : f32
          %parallel_loop3A_265 = vector.broadcast %parallel_loop3A_264 : f32 to vector<16xf32>
          %parallel_loop3A_266 = arith.addf %parallel_loop3A_262, %parallel_loop3A_265 : vector<16xf32>
          %parallel_loop3A_267 = arith.constant 6.400000e+01 : f32
          %parallel_loop3A_268 = arith.constant 1.000000e+00 : f32
          %parallel_loop3A_269 = arith.subf %parallel_loop3A_267, %parallel_loop3A_268 : f32
          %parallel_loop3A_270 = arith.constant 0.000000e+00 : f32
          %parallel_loop3A_271 = vector.broadcast %parallel_loop3A_270 : f32 to vector<16xf32>
          %parallel_loop3A_272 = arith.maximumf %parallel_loop3A_271, %parallel_loop3A_266 : vector<16xf32>
          %parallel_loop3A_273 = vector.broadcast %parallel_loop3A_269 : f32 to vector<16xf32>
          %parallel_loop3A_274 = arith.minimumf %parallel_loop3A_273, %parallel_loop3A_272 : vector<16xf32>
          %parallel_loop3A_275 = arith.fptosi %parallel_loop3A_260 : vector<16xf32> to vector<16xi32>
          %parallel_loop3A_276 = arith.fptosi %parallel_loop3A_274 : vector<16xf32> to vector<16xi32>
          %parallel_loop3A_277 = arith.sitofp %parallel_loop3A_275 : vector<16xi32> to vector<16xf32>
          %parallel_loop3A_278 = arith.subf %parallel_loop3A_260, %parallel_loop3A_277 : vector<16xf32>
          %parallel_loop3A_279 = arith.sitofp %parallel_loop3A_276 : vector<16xi32> to vector<16xf32>
          %parallel_loop3A_280 = arith.subf %parallel_loop3A_274, %parallel_loop3A_279 : vector<16xf32>
          %parallel_loop3A_281 = arith.constant 64 : i32
          %parallel_loop3A_282 = vector.broadcast %parallel_loop3A_281 : i32 to vector<16xi32>
          %parallel_loop3A_283 = arith.muli %parallel_loop3A_276, %parallel_loop3A_282 : vector<16xi32>
          %parallel_loop3A_284 = arith.addi %parallel_loop3A_283, %parallel_loop3A_275 : vector<16xi32>
          %parallel_loop3A_285 = arith.constant 1 : i32
          %parallel_loop3A_286 = vector.broadcast %parallel_loop3A_285 : i32 to vector<16xi32>
          %parallel_loop3A_287 = arith.andi %parallel_loop3A_284, %parallel_loop3A_286 : vector<16xi32>
          %parallel_loop3A_288 = arith.constant 1 : i32
          %parallel_loop3A_289 = vector.broadcast %parallel_loop3A_288 : i32 to vector<16xi32>
          %parallel_loop3A_290 = arith.cmpi eq, %parallel_loop3A_287, %parallel_loop3A_289 : vector<16xi32>
          %parallel_loop3A_291 = arith.constant 63 : i32
          %parallel_loop3A_292 = vector.broadcast %parallel_loop3A_291 : i32 to vector<16xi32>
          %parallel_loop3A_293 = arith.cmpi eq, %parallel_loop3A_275, %parallel_loop3A_292 : vector<16xi32>
          %parallel_loop3A_294 = arith.constant 63 : i32
          %parallel_loop3A_295 = vector.broadcast %parallel_loop3A_294 : i32 to vector<16xi32>
          %parallel_loop3A_296 = arith.cmpi eq, %parallel_loop3A_276, %parallel_loop3A_295 : vector<16xi32>
          %parallel_loop3A_297 = arith.constant 1 : i32
          %parallel_loop3A_298 = vector.broadcast %parallel_loop3A_297 : i32 to vector<16xi32>
          %parallel_loop3A_299 = arith.shrsi %parallel_loop3A_284, %parallel_loop3A_298 : vector<16xi32>
          %parallel_loop3A_300 = arith.constant 1 : i32
          %parallel_loop3A_301 = vector.broadcast %parallel_loop3A_300 : i32 to vector<16xi32>
          %parallel_loop3A_302 = arith.addi %parallel_loop3A_299, %parallel_loop3A_301 : vector<16xi32>
          %parallel_loop3A_303 = arith.constant 2047 : i32
          %parallel_loop3A_304 = vector.broadcast %parallel_loop3A_303 : i32 to vector<16xi32>
          %parallel_loop3A_305 = arith.minsi %parallel_loop3A_302, %parallel_loop3A_304 : vector<16xi32>
          %parallel_loop3A_306 = arith.constant 32 : i32
          %parallel_loop3A_307 = vector.broadcast %parallel_loop3A_306 : i32 to vector<16xi32>
          %parallel_loop3A_308 = arith.addi %parallel_loop3A_299, %parallel_loop3A_307 : vector<16xi32>
          %parallel_loop3A_309 = arith.select %parallel_loop3A_296, %parallel_loop3A_299, %parallel_loop3A_308 : vector<16xi1>, vector<16xi32>
          %parallel_loop3A_310 = arith.constant 1 : i32
          %parallel_loop3A_311 = vector.broadcast %parallel_loop3A_310 : i32 to vector<16xi32>
          %parallel_loop3A_312 = arith.addi %parallel_loop3A_309, %parallel_loop3A_311 : vector<16xi32>
          %parallel_loop3A_313 = arith.constant 2047 : i32
          %parallel_loop3A_314 = vector.broadcast %parallel_loop3A_313 : i32 to vector<16xi32>
          %parallel_loop3A_315 = arith.minsi %parallel_loop3A_312, %parallel_loop3A_314 : vector<16xi32>
          %parallel_loop3A_316 = tpu.vector_load_idx %arg11[%parallel_loop3A_299] : memref<2048xi32, #tpu.memory_space<vmem>>[vector<16xi32>], vector<16xi32>,
          %parallel_loop3A_317 = tpu.vector_load_idx %arg11[%parallel_loop3A_305] : memref<2048xi32, #tpu.memory_space<vmem>>[vector<16xi32>], vector<16xi32>,
          %parallel_loop3A_318 = tpu.vector_load_idx %arg11[%parallel_loop3A_309] : memref<2048xi32, #tpu.memory_space<vmem>>[vector<16xi32>], vector<16xi32>,
          %parallel_loop3A_319 = tpu.vector_load_idx %arg11[%parallel_loop3A_315] : memref<2048xi32, #tpu.memory_space<vmem>>[vector<16xi32>], vector<16xi32>,
          %parallel_loop3A_320 = arith.constant -65536 : i32
          %parallel_loop3A_321 = vector.broadcast %parallel_loop3A_320 : i32 to vector<16xi32>
          %parallel_loop3A_322 = arith.andi %parallel_loop3A_316, %parallel_loop3A_321 : vector<16xi32>
          %parallel_loop3A_323 = arith.constant -65536 : i32
          %parallel_loop3A_324 = vector.broadcast %parallel_loop3A_323 : i32 to vector<16xi32>
          %parallel_loop3A_325 = arith.andi %parallel_loop3A_318, %parallel_loop3A_324 : vector<16xi32>
          %parallel_loop3A_326 = arith.constant dense<true> : vector<16xi1>
          %parallel_loop3A_327 = arith.xori %parallel_loop3A_293, %parallel_loop3A_326 : vector<16xi1>
          %parallel_loop3A_328 = arith.andi %parallel_loop3A_290, %parallel_loop3A_327 : vector<16xi1>
          %parallel_loop3A_329 = arith.constant 16 : i32
          %parallel_loop3A_330 = vector.broadcast %parallel_loop3A_329 : i32 to vector<16xi32>
          %parallel_loop3A_331 = arith.shli %parallel_loop3A_316, %parallel_loop3A_330 : vector<16xi32>
          %parallel_loop3A_332 = arith.select %parallel_loop3A_290, %parallel_loop3A_322, %parallel_loop3A_331 : vector<16xi1>, vector<16xi32>
          %parallel_loop3A_333 = tpu.bitcast %parallel_loop3A_332 : vector<16xi32> -> vector<16xf32>
          %parallel_loop3A_334 = arith.constant 16 : i32
          %parallel_loop3A_335 = vector.broadcast %parallel_loop3A_334 : i32 to vector<16xi32>
          %parallel_loop3A_336 = arith.shli %parallel_loop3A_317, %parallel_loop3A_335 : vector<16xi32>
          %parallel_loop3A_337 = arith.select %parallel_loop3A_328, %parallel_loop3A_336, %parallel_loop3A_322 : vector<16xi1>, vector<16xi32>
          %parallel_loop3A_338 = tpu.bitcast %parallel_loop3A_337 : vector<16xi32> -> vector<16xf32>
          %parallel_loop3A_339 = arith.constant 16 : i32
          %parallel_loop3A_340 = vector.broadcast %parallel_loop3A_339 : i32 to vector<16xi32>
          %parallel_loop3A_341 = arith.shli %parallel_loop3A_318, %parallel_loop3A_340 : vector<16xi32>
          %parallel_loop3A_342 = arith.select %parallel_loop3A_290, %parallel_loop3A_325, %parallel_loop3A_341 : vector<16xi1>, vector<16xi32>
          %parallel_loop3A_343 = tpu.bitcast %parallel_loop3A_342 : vector<16xi32> -> vector<16xf32>
          %parallel_loop3A_344 = arith.constant 16 : i32
          %parallel_loop3A_345 = vector.broadcast %parallel_loop3A_344 : i32 to vector<16xi32>
          %parallel_loop3A_346 = arith.shli %parallel_loop3A_319, %parallel_loop3A_345 : vector<16xi32>
          %parallel_loop3A_347 = arith.select %parallel_loop3A_328, %parallel_loop3A_346, %parallel_loop3A_325 : vector<16xi1>, vector<16xi32>
          %parallel_loop3A_348 = tpu.bitcast %parallel_loop3A_347 : vector<16xi32> -> vector<16xf32>
          %parallel_loop3A_349 = arith.subf %parallel_loop3A_338, %parallel_loop3A_333 : vector<16xf32>
          %parallel_loop3A_350 = arith.mulf %parallel_loop3A_278, %parallel_loop3A_349 : vector<16xf32>
          %parallel_loop3A_351 = arith.addf %parallel_loop3A_333, %parallel_loop3A_350 : vector<16xf32>
          %parallel_loop3A_352 = arith.subf %parallel_loop3A_348, %parallel_loop3A_343 : vector<16xf32>
          %parallel_loop3A_353 = arith.mulf %parallel_loop3A_278, %parallel_loop3A_352 : vector<16xf32>
          %parallel_loop3A_354 = arith.addf %parallel_loop3A_343, %parallel_loop3A_353 : vector<16xf32>
          %parallel_loop3A_355 = arith.subf %parallel_loop3A_354, %parallel_loop3A_351 : vector<16xf32>
          %parallel_loop3A_356 = arith.mulf %parallel_loop3A_280, %parallel_loop3A_355 : vector<16xf32>
          %parallel_loop3A_357 = arith.addf %parallel_loop3A_351, %parallel_loop3A_356 : vector<16xf32>
          %parallel_loop3A_358 = arith.constant 4096 : i32
          %parallel_loop3A_359 = arith.addi %parallel_loop3A_358, %parallel_loop3A_233 : i32
          %parallel_loop3A_360 = arith.index_cast %parallel_loop3A_359 : i32 to index
          %parallel_loop3A_361 = tpu.vector_load %arg13[%parallel_loop3A_360] {strides = array<i32>} : memref<8192xf32, #tpu.memory_space<vmem>>, vector<16xf32>,
          %parallel_loop3A_362 = arith.addf %parallel_loop3A_361, %parallel_loop3A_357 : vector<16xf32>
          %parallel_loop3A_363 = arith.index_cast %parallel_loop3A_359 : i32 to index
          %parallel_loop3A_364 = tpu.vector_load %arg13[%parallel_loop3A_363] {strides = array<i32>} : memref<8192xf32, #tpu.memory_space<vmem>>, vector<16xf32>,
          tpu.vector_store %arg13[%parallel_loop3A_363], %parallel_loop3A_362 {strides = array<i32>} : memref<8192xf32, #tpu.memory_space<vmem>>, vector<16xf32>,
        } {sc.loop_unroll_factor = 4 : i64, sc.parallel_access}
      } else {
      }
      %mul3A_191 = arith.constant 32 : i32
      %mul3A_192 = arith.muli %arg1, %mul3A_191 : i32
      %add3A_193 = arith.addi %mul3A_192, %add3A_158 : i32
      %mul3A_194 = arith.constant 4096 : i32
      %mul3A_195 = arith.muli %add3A_193, %mul3A_194 : i32
      %eq3A_196 = arith.constant 0 : i32
      %eq3A_197 = arith.cmpi eq, %arg0, %eq3A_196 : i32
      %convert_element_type3A_198 = arith.extui %eq3A_197 : i1 to i32
      %cond3A_199 = arith.constant 0 : i32
      %cond3A_200 = arith.cmpi ne, %convert_element_type3A_198, %cond3A_199 : i32
      scf.if %cond3A_200 {
        %dma_start3A_206 = arith.constant 1 : i32
        %dma_start3A_207 = arith.constant 4096 : i32
        %dma_start3A_208 = tpu.memref_slice %arg13[%dma_start3A_207] : memref<8192xf32, #tpu.memory_space<vmem>> -> memref<4096xf32, #tpu.memory_space<vmem>>
        %dma_start3A_209 = tpu.memref_slice %arg7[%mul3A_195] : memref<2097152xf32, #tpu.memory_space<hbm>> -> memref<4096xf32, #tpu.memory_space<hbm>>
        %dma_start3A_210 = tpu.memref_slice %arg16[%dma_start3A_206] : memref<2x!tpu.dma_semaphore, #tpu.memory_space<semaphore_mem>> -> memref<1x!tpu.dma_semaphore, #tpu.memory_space<semaphore_mem>>
        %dma_start3A_211 = tpu.memref_squeeze %dma_start3A_210 : memref<1x!tpu.dma_semaphore, #tpu.memory_space<semaphore_mem>> -> memref<!tpu.dma_semaphore, #tpu.memory_space<semaphore_mem>>
        %dma_start3A_212 = tpu.memref_slice %arg7[%mul3A_195] : memref<2097152xf32, #tpu.memory_space<hbm>> -> memref<4096xf32, #tpu.memory_space<hbm>>
        %dma_start3A_213 = arith.constant 4096 : i32
        %dma_start3A_214 = tpu.memref_slice %arg13[%dma_start3A_213] : memref<8192xf32, #tpu.memory_space<vmem>> -> memref<4096xf32, #tpu.memory_space<vmem>>
        tpu.enqueue_dma source(%dma_start3A_214 : memref<4096xf32, #tpu.memory_space<vmem>>) target(%dma_start3A_212 : memref<4096xf32, #tpu.memory_space<hbm>>) target_semaphore(%dma_start3A_211 : memref<!tpu.dma_semaphore, #tpu.memory_space<semaphore_mem>>)
      } else {
      }
      %eq3A_201 = arith.constant 1 : i32
      %eq3A_202 = arith.cmpi eq, %arg0, %eq3A_201 : i32
      %convert_element_type3A_203 = arith.extui %eq3A_202 : i1 to i32
      %cond3A_204 = arith.constant 0 : i32
      %cond3A_205 = arith.cmpi ne, %convert_element_type3A_203, %cond3A_204 : i32
      scf.if %cond3A_205 {
        %dma_start3A_206 = arith.constant 1 : i32
        %dma_start3A_207 = arith.constant 4096 : i32
        %dma_start3A_208 = tpu.memref_slice %arg13[%dma_start3A_207] : memref<8192xf32, #tpu.memory_space<vmem>> -> memref<4096xf32, #tpu.memory_space<vmem>>
        %dma_start3A_209 = tpu.memref_slice %arg8[%mul3A_195] : memref<2097152xf32, #tpu.memory_space<hbm>> -> memref<4096xf32, #tpu.memory_space<hbm>>
        %dma_start3A_210 = tpu.memref_slice %arg16[%dma_start3A_206] : memref<2x!tpu.dma_semaphore, #tpu.memory_space<semaphore_mem>> -> memref<1x!tpu.dma_semaphore, #tpu.memory_space<semaphore_mem>>
        %dma_start3A_211 = tpu.memref_squeeze %dma_start3A_210 : memref<1x!tpu.dma_semaphore, #tpu.memory_space<semaphore_mem>> -> memref<!tpu.dma_semaphore, #tpu.memory_space<semaphore_mem>>
        %dma_start3A_212 = tpu.memref_slice %arg8[%mul3A_195] : memref<2097152xf32, #tpu.memory_space<hbm>> -> memref<4096xf32, #tpu.memory_space<hbm>>
        %dma_start3A_213 = arith.constant 4096 : i32
        %dma_start3A_214 = tpu.memref_slice %arg13[%dma_start3A_213] : memref<8192xf32, #tpu.memory_space<vmem>> -> memref<4096xf32, #tpu.memory_space<vmem>>
        tpu.enqueue_dma source(%dma_start3A_214 : memref<4096xf32, #tpu.memory_space<vmem>>) target(%dma_start3A_212 : memref<4096xf32, #tpu.memory_space<hbm>>) target_semaphore(%dma_start3A_211 : memref<!tpu.dma_semaphore, #tpu.memory_space<semaphore_mem>>)
      } else {
      }
    }
    %scan3A_83 = arith.constant 16 : i32
    %dma_wait3A = arith.constant 0 : i32
    %dma_wait3A_84 = arith.constant 0 : i32
    %dma_wait3A_85 = tpu.memref_slice %arg13[%dma_wait3A_84] : memref<8192xf32, #tpu.memory_space<vmem>> -> memref<4096xf32, #tpu.memory_space<vmem>>
    %dma_wait3A_86 = arith.constant 0 : i32
    %dma_wait3A_87 = tpu.memref_slice %arg7[%dma_wait3A_86] : memref<2097152xf32, #tpu.memory_space<hbm>> -> memref<4096xf32, #tpu.memory_space<hbm>>
    %dma_wait3A_88 = tpu.memref_slice %arg16[%dma_wait3A] : memref<2x!tpu.dma_semaphore, #tpu.memory_space<semaphore_mem>> -> memref<1x!tpu.dma_semaphore, #tpu.memory_space<semaphore_mem>>
    %dma_wait3A_89 = tpu.memref_squeeze %dma_wait3A_88 : memref<1x!tpu.dma_semaphore, #tpu.memory_space<semaphore_mem>> -> memref<!tpu.dma_semaphore, #tpu.memory_space<semaphore_mem>>
    %dma_wait3A_90 = arith.constant 0 : i32
    %dma_wait3A_91 = tpu.memref_slice %arg7[%dma_wait3A_90] : memref<2097152xf32, #tpu.memory_space<hbm>> -> memref<4096xf32, #tpu.memory_space<hbm>>
    %dma_wait3A_92 = arith.constant 0 : i32
    %dma_wait3A_93 = tpu.memref_slice %arg13[%dma_wait3A_92] : memref<8192xf32, #tpu.memory_space<vmem>> -> memref<4096xf32, #tpu.memory_space<vmem>>
    tpu.wait_dma2 semaphore(%dma_wait3A_89 : memref<!tpu.dma_semaphore, #tpu.memory_space<semaphore_mem>>) src(%dma_wait3A_93 : memref<4096xf32, #tpu.memory_space<vmem>>) dst(%dma_wait3A_91 : memref<4096xf32, #tpu.memory_space<hbm>>)
    %dma_wait3A_94 = arith.constant 1 : i32
    %dma_wait3A_95 = arith.constant 4096 : i32
    %dma_wait3A_96 = tpu.memref_slice %arg13[%dma_wait3A_95] : memref<8192xf32, #tpu.memory_space<vmem>> -> memref<4096xf32, #tpu.memory_space<vmem>>
    %dma_wait3A_97 = arith.constant 0 : i32
    %dma_wait3A_98 = tpu.memref_slice %arg7[%dma_wait3A_97] : memref<2097152xf32, #tpu.memory_space<hbm>> -> memref<4096xf32, #tpu.memory_space<hbm>>
    %dma_wait3A_99 = tpu.memref_slice %arg16[%dma_wait3A_94] : memref<2x!tpu.dma_semaphore, #tpu.memory_space<semaphore_mem>> -> memref<1x!tpu.dma_semaphore, #tpu.memory_space<semaphore_mem>>
    %dma_wait3A_100 = tpu.memref_squeeze %dma_wait3A_99 : memref<1x!tpu.dma_semaphore, #tpu.memory_space<semaphore_mem>> -> memref<!tpu.dma_semaphore, #tpu.memory_space<semaphore_mem>>
    %dma_wait3A_101 = arith.constant 0 : i32
    %dma_wait3A_102 = tpu.memref_slice %arg7[%dma_wait3A_101] : memref<2097152xf32, #tpu.memory_space<hbm>> -> memref<4096xf32, #tpu.memory_space<hbm>>
    %dma_wait3A_103 = arith.constant 4096 : i32
    %dma_wait3A_104 = tpu.memref_slice %arg13[%dma_wait3A_103] : memref<8192xf32, #tpu.memory_space<vmem>> -> memref<4096xf32, #tpu.memory_space<vmem>>
    tpu.wait_dma2 semaphore(%dma_wait3A_100 : memref<!tpu.dma_semaphore, #tpu.memory_space<semaphore_mem>>) src(%dma_wait3A_104 : memref<4096xf32, #tpu.memory_space<vmem>>) dst(%dma_wait3A_102 : memref<4096xf32, #tpu.memory_space<hbm>>)
    return
  }
}

module attributes {stable_mosaic.version = 14 : i64} {
  func.func @_add_body(%arg0: i32, %arg1: memref<1024x128xf32, #tpu.memory_space<vmem>>, %arg2: memref<1024x128xf32, #tpu.memory_space<vmem>>, %arg3: memref<1024x128xf32, #tpu.memory_space<vmem>>) attributes {dimension_semantics = [#tpu.dimension_semantics<arbitrary>], iteration_bounds = array<i64: 16>, scalar_prefetch = 0 : i64, scratch_operands = 0 : i64, tpu.core_type = #tpu.core_type<tc>, window_params = [{transform_indices = @transform_0, window_bounds = array<i64: 1024, 128>}, {transform_indices = @transform_1, window_bounds = array<i64: 1024, 128>}, {transform_indices = @transform_2, window_bounds = array<i64: 1024, 128>}]} {
    %get3A = arith.constant 0 : index
    %get3A_0 = arith.constant 0 : index
    %get3A_1 = vector.load %arg1[%get3A, %get3A_0] : memref<1024x128xf32, #tpu.memory_space<vmem>>, vector<1024x128xf32>
    %get3A_2 = arith.constant 0 : index
    %get3A_3 = arith.constant 0 : index
    %get3A_4 = vector.load %arg2[%get3A_2, %get3A_3] : memref<1024x128xf32, #tpu.memory_space<vmem>>, vector<1024x128xf32>
    %add3A = arith.addf %get3A_1, %get3A_4 : vector<1024x128xf32>
    %swap3A = arith.constant 0 : index
    %swap3A_5 = arith.constant 0 : index
    %swap3A_6 = vector.load %arg3[%swap3A, %swap3A_5] : memref<1024x128xf32, #tpu.memory_space<vmem>>, vector<1024x128xf32>
    tpu.vector_store %arg3[%swap3A, %swap3A_5], %add3A {strides = array<i32>} : memref<1024x128xf32, #tpu.memory_space<vmem>>, vector<1024x128xf32>,
    return
  }
  func.func @transform_0(%arg0: i32) -> (i32, i32) {
    %c0_i32 = arith.constant 0 : i32
    %c0_i32_0 = arith.constant 0 : i32
    return %arg0, %c0_i32 : i32, i32
  }
  func.func @transform_1(%arg0: i32) -> (i32, i32) {
    %c0_i32 = arith.constant 0 : i32
    %c0_i32_0 = arith.constant 0 : i32
    return %arg0, %c0_i32 : i32, i32
  }
  func.func @transform_2(%arg0: i32) -> (i32, i32) {
    %c0_i32 = arith.constant 0 : i32
    %c0_i32_0 = arith.constant 0 : i32
    return %arg0, %c0_i32 : i32, i32
  }
}

</mosaic_0001>

<sc_bundles>
// kernel: kernel.4.cloned.1.call-start
scs
__scs_entry_jumppad:
0x0: {  	(pc) =	sbr.rel $0x88, $3  }
0x1: {  	(tag) =	ssettag $0x0;
	lr =	simm.s32 $0x1  }
0x2: {  	[smem:$0x3F9C] =	sst lr;
	_ =	strace $0xD0000000  }
0x3: {  	_ = 	snop  }
0x4: {  	_ = 	snop  }
0x5: {  	_ = 	snop  }
0x6: {  	_ = 	snop  }
0x7: {  	_ = 	snop  }
__scs_overlays_trampoline_lowered:
0x8: {  	[smem:$0x3FAB] =	sst s0  }
0x9: {  	[smem:$0x3FAC] =	sst s1  }
0xa: {  	[smem:$0x3FAD] =	sst s2  }
0xb: {  	[smem:$0x3FAE] =	sst s3  }
0xc: {  	[smem:$0x3FAF] =	sst s4  }
0xd: {  	[smem:$0x3FB0] =	sst s5  }
0xe: {  	[smem:$0x3FB1] =	sst s6  }
0xf: {  	[smem:$0x3FB2] =	sst s7  }
0x10: {  	[smem:$0x3FB3] =	sst s8  }
0x11: {  	[smem:$0x3FB4] =	sst s9;
	s0 =	simm.s32 @!p0 $0x0  }
0x12: {  	s1 =	sld [smem:$0x3F9A];
	s0 =	simm.s32 @p0 $0x1  }
0x13: {  	[smem:$0x3FB5] =	sst s0;
	s0 =	simm.s32 @!p1 $0x0  }
0x14: {  	s2 =	sld [smem:$0x3F99];
	s0 =	simm.s32 @p1 $0x1  }
0x15: {  	[smem:$0x3FB6] =	sst s0;
	s0 =	simm.s32 @!p2 $0x0  }
0x16: {  	s3 =	sld [smem:$0x3FDB];
	s0 =	simm.s32 @p2 $0x1  }
0x17: {  	s4 =	simm.s32 $0x1BF5;
	[smem:$0x3FB8] =	sst s0  }
0x18: {  	s0 =	sld [smem:$0x3F9B];
	_ =	swait.ge [sflag:s4], $0x0  }
0x19: {  	s7 =	sld [smem:$0x3F9C]  }
0x1a: {  	s8 =	sadd.s32 $0xFFFFE003, lr  }
0x1b: {  	s9 =	sadd.s32 $0xFFFFFEF7, lr;
	s5 =	simm.s32 $0xFFFFFFFF;
	p2 =	slt.u32 s8, $0xFFFFF086  }
0x1c: {  	p1 =	slt.u32 s9, $0xF7A;
	s5 =	simm.s32 @!p2 $0x0  }
0x1d: {  	s5 =	simm.s32 @p1 $0x1;
	p0 =	seq.s32 s7, s2  }
0x1e: {  	s7 =	smul.u32 @!p0 $0xF7A, s2;
	p2 =	seq.s32 @!p0 s5, $0x0  }
0x1f: {  	s9 =	smul.u32 $0xF7A, s1;
	s8 =	simm.s32 @!p0 $0x1BF5;
	p2 =	por !p2, p0  }
0x20: {  	[sflag:s8] =	ssyncset.s32 @!p0 $0xFFFFF086;
	s6 =	sadd.s32 @!p0 s3, s7;
	s7 =	simm.s32 @!p0 $0x108  }
0x21: {  	s3 =	sadd.s32 s3, s9;
	s6 =	sadd.s32 @!p0 $0x88, s6;
	s7 =	simm.s32 @p2 $0x1082  }
0x22: {  	[simem:s7], [sflag:s8] =	dma.local @!p0 [hbm:s6], $0xF7A  }
0x23: {  	s9 =	sor.u32 $0xD0000000, s2;
	s6 =	simm.s32 $0x108;
	_ =	swait.ge @!p0 [sflag:s8], $0x0  }
0x24: {  	s3 =	sadd.s32 $0x88, s3;
	s6 =	simm.s32 @!p1 $0x1082;
	[sflag:s4] =	ssyncset.s32 $0xFFFFF086  }
0x25: {  	[simem:s6], [sflag:s4] =	dma.local [hbm:s3], $0xF7A  }
0x26: {  	[smem:$0x3F9C] =	sst s1;
	(tag) =	ssettag s2;
	_ =	strace s9  }
0x27: {  	s1 =	sld [smem:$0x3FAC]  }
0x28: {  	s2 =	sld [smem:$0x3FAD]  }
0x29: {  	s4 =	sld [smem:$0x3FAF]  }
0x2a: {  	p0 =	seq.s32 s5, $0x0;
	s5 =	sld [smem:$0x3FB0]  }
0x2b: {  	s6 =	sld [smem:$0x3FB1]  }
0x2c: {  	s7 =	sld [smem:$0x3FB2]  }
0x2d: {  	s3 =	simm.s32 $0x108;
	s8 =	sld [smem:$0x3FB3]  }
0x2e: {  	s3 =	simm.s32 @!p0 $0x1082;
	s9 =	sld [smem:$0x3FB4]  }
0x2f: {  	lr =	sadd.s32 s0, s3;
	s0 =	sld [smem:$0x3FAB]  }
0x30: {  	s3 =	sld [smem:$0x3FAE]  }
0x31: {  	[smem:$0x3FB7] =	sst s10  }
0x32: {  	s10 =	sld [smem:$0x3FB5];
	_ =	sdelay $0x3  }
0x33: {  	p0 =	seq.s32 s10, $0x1;
	s10 =	sld [smem:$0x3FB7];
	_ =	sdelay $0x3  }
0x34: {  	[smem:$0x3FB7] =	sst s10  }
0x35: {  	s10 =	sld [smem:$0x3FB6];
	_ =	sdelay $0x3  }
0x36: {  	p1 =	seq.s32 s10, $0x1;
	s10 =	sld [smem:$0x3FB7];
	_ =	sdelay $0x3  }
0x37: {  	[smem:$0x3FB7] =	sst s10  }
0x38: {  	s10 =	sld [smem:$0x3FB8]  }
0x39: {  	_ = 	snop;
	(pc) =	sbr.ind lr, $3  }
0x3a: {  	_ = 	snop  }
0x3b: {  	_ = 	snop  }
0x3c: {  	p2 =	seq.s32 s10, $0x1;
	s10 =	sld [smem:$0x3FB7]  }
0x3d: {  	_ =	shalt  }
0x3e: {  	_ =	shalt  }
0x3f: {  	_ =	shalt  }
0x40: {  	_ =	shalt  }
0x41: {  	_ =	shalt  }
0x42: {  	_ =	shalt  }
0x43: {  	_ =	shalt  }
0x44: {  	_ =	shalt  }
0x45: {  	_ =	shalt  }
0x46: {  	_ =	shalt  }
0x47: {  	_ =	shalt  }
0x48: {  	_ =	shalt  }
0x49: {  	_ =	shalt  }
0x4a: {  	_ =	shalt  }
0x4b: {  	_ =	shalt  }
0x4c: {  	_ =	shalt  }
0x4d: {  	_ =	shalt  }
0x4e: {  	_ =	shalt  }
0x4f: {  	_ =	shalt  }
0x50: {  	_ =	shalt  }
0x51: {  	_ =	shalt  }
0x52: {  	_ =	shalt  }
0x53: {  	_ =	shalt  }
0x54: {  	_ =	shalt  }
0x55: {  	_ =	shalt  }
0x56: {  	_ =	shalt  }
0x57: {  	_ =	shalt  }
0x58: {  	_ =	shalt  }
0x59: {  	_ =	shalt  }
0x5a: {  	_ =	shalt  }
0x5b: {  	_ =	shalt  }
0x5c: {  	_ =	shalt  }
0x5d: {  	_ =	shalt  }
0x5e: {  	_ =	shalt  }
0x5f: {  	_ =	shalt  }
0x60: {  	_ =	shalt  }
0x61: {  	_ =	shalt  }
0x62: {  	_ =	shalt  }
0x63: {  	_ =	shalt  }
0x64: {  	_ =	shalt  }
0x65: {  	_ =	shalt  }
0x66: {  	_ =	shalt  }
0x67: {  	_ =	shalt  }
0x68: {  	_ =	shalt  }
0x69: {  	_ =	shalt  }
0x6a: {  	_ =	shalt  }
0x6b: {  	_ =	shalt  }
0x6c: {  	_ =	shalt  }
0x6d: {  	_ =	shalt  }
0x6e: {  	_ =	shalt  }
0x6f: {  	_ =	shalt  }
0x70: {  	_ =	shalt  }
0x71: {  	_ =	shalt  }
0x72: {  	_ =	shalt  }
0x73: {  	_ =	shalt  }
0x74: {  	_ =	shalt  }
0x75: {  	_ =	shalt  }
0x76: {  	_ =	shalt  }
0x77: {  	_ =	shalt  }
0x78: {  	_ =	shalt  }
0x79: {  	_ =	shalt  }
0x7a: {  	_ =	shalt  }
0x7b: {  	_ =	shalt  }
0x7c: {  	_ =	shalt  }
0x7d: {  	_ =	shalt  }
0x7e: {  	_ =	shalt  }
0x7f: {  	_ =	shalt  }
0x80: {  	_ =	shalt  }
0x81: {  	_ =	shalt  }
0x82: {  	_ =	shalt  }
0x83: {  	_ =	shalt  }
0x84: {  	_ =	shalt  }
0x85: {  	_ =	shalt  }
0x86: {  	_ =	shalt  }
0x87: {  	_ =	shalt  }
.Lfunc_end0:
.L_simem_size_0:
called_computation_lowered:
.L_overlay_start_0:
0x88: {  	s2 =	sld [smem:$0x3FD9]  }
0x89: {  	s3 =	sld [smem:$0x3FFE];
	_ =	sdelay $0x1  }
0x8a: {  	s1 =	srdreg.scid  }
0x8b: {  	s0 =	sand.u32 $0x1, s1  }
0x8c: {  	s17 =	sshll.u32 s0, $0xA;
	s2 =	sadd.s32 s3, s2  }
0x8d: {  	s2 =	sadd.s32 s2, s17  }
0x8e: {  	[smem:$0x3FC3] =	sst s2  }
0x8f: {  	_ = 	snop  }
0x90: {  	s2 =	sld [smem:$0x3FC9]  }
0x91: {  	s18 =	sld [smem:$0x3FC8]  }
0x92: {  	s4 =	sld [smem:$0x3FD0];
	(tm) =	ssettm $0x1  }
0x93: {  	s5 =	sld [smem:$0x3FFB];
	_ =	sdelay $0x3  }
0x94: {  	_ =	strace s5  }
0x95: {  	s5 =	sld [smem:$0x3FFC];
	_ =	sdelay $0x3  }
0x96: {  	_ =	strace s5  }
0x97: {  	s5 =	sld [smem:$0x3FFD];
	_ =	sdelay $0x3  }
0x98: {  	_ =	strace s5  }
0x99: {  	_ =	strace $0x8FFFFFFF  }
0x9a: {  	s19 =	sld [smem:$0x3FDB];
	_ =	sdelay $0x1  }
0x9b: {  	s6 =	simm.s32 $_scs_section_size  }
0x9c: {  	s7 =	simm.s32 $_size__tile_overlayer_lowered;
	s8 =	simm.s32 $_tile_overlayer_lowered  }
0x9d: {  	s22 =	simm.s32 $0x1BFF;
	s21 =	sshll.u32 s8, $0x1;
	s5 =	sadd.s32 s6, s19  }
0x9e: {  	s9 =	simm.s32 $0x0;
	s20 =	sshll.u32 s7, $0x1;
	s7 =	sadd.s32 s21, s5  }
0x9f: {  	[timem:s9], [sflag:s22] =	dma.local [hbm:s7], s20  }
0xa0: {  	_ =	swait.ge [sflag:s22], s20  }
0xa1: {  	s6 =	ssub.s32 $0x0, s20;
	[sflag:s22] =	ssyncset.done $0x0  }
0xa2: {  	[sflag:s22] =	ssyncadd.s32 s6;
	_ =	sdelay $0x1  }
0xa3: {  	s23 =	simm.s32 $0x1B8B  }
0xa4: {  	_ =	swait.ge [sflag:s23], $0x1  }
0xa5: {  	[sflag:s23] =	ssyncset.done $0x0  }
0xa6: {  	s25 =	simm.s32 $0x1B8E;
	s24 =	sld [smem:$0x3FFE];
	[sflag:s23] =	ssyncadd.s32 $0xFFFFFFFF  }
0xa7: {  	s26 =	simm.s32 $execute0_lowered;
	[smem:$0x3FD2] =	sst s25  }
0xa8: {  	s7 =	sshll.u32 s26, $0x1;
	_ =	strace $0x80000046;
	[dreg:$0x1] =	wrdreg $0xFFFFFFFF  }
0xa9: {  	s28 =	simm.s32 $_size_execute0_lowered;
	s5 =	sadd.s32 s5, s7;
	[dreg:$0x0] =	wrdreg $0x0  }
0xaa: {  	s7 =	sshll.u32 s28, $0x1;
	[dreg:$0x2] =	wrdreg s5  }
0xab: {  	[dreg:$0x3] =	wrdreg s7  }
0xac: {  	[dreg:$0x4] =	wrdreg $0xC0  }
0xad: {  	_ =	task [dreg:s9], $0x5FFFF  }
0xae: {  	[dreg:$0x1] =	wrdreg $0xFFFFFFFF  }
0xaf: {  	[dreg:$0x0] =	wrdreg $0x60  }
0xb0: {  	[dreg:$0x2] =	wrdreg s2  }
0xb1: {  	[dreg:$0x3] =	wrdreg s18  }
0xb2: {  	[dreg:$0x4] =	wrdreg s24  }
0xb3: {  	[dreg:$0x5] =	wrdreg s4  }
0xb4: {  	[dreg:$0x6] =	wrdreg $0x1E9000  }
0xb5: {  	[dreg:$0x7] =	wrdreg $0x9  }
0xb6: {  	_ =	task.clear_ibuf [dreg:s9], $0x8FFFF;
	_ =	strace $0x90000046  }
0xb7: {  	s29 =	simm.s32 $0x9;
	_ =	strace $0x80000048  }
0xb8: {  	_ =	swait.ge [sflag:s29], $0x1  }
0xb9: {  	[sflag:s29] =	ssyncadd.s32 $0xFFFFFFFF  }
0xba: {  	_ =	strace $0x90000048  }
0xbb: {  	_ =	sfence  }
0xbc: {  	s30 =	sld [smem:$0x0];
	_ =	sdelay $0x2  }
0xbd: {  	s31 =	sshll.u32 s1, $0xD;
	s1 =	sshrl.u32 s1, $0x2  }
0xbe: {  	s3 =	sand.u32 $0x4000, s31;
	s1 =	sadd.s32 s1, s30  }
0xbf: {  	s0 =	sor.u32 s3, s0;
	s1 =	sshll.u32 s1, $0x11  }
0xc0: {  	s0 =	sor.u32 s1, s0  }
0xc1: {  	s0 =	sadd.s32 $0x8F2B, s0  }
0xc2: {  	[sflag:s0] =	ssyncadd.remote.s32 $0x1  }
0xc3: {  	_ =	sfence.sel $0xFFFF  }
0xc4: {  	[dreg:$0x0] =	wrdreg $0xFFFFFFFF;
	(pc) =	sbr.abs _section_cstart, $3  }
0xc5: {  	[dreg:$0x1] =	wrdreg $0xFFFFFFFF  }
0xc6: {  	_ =	task.clear_ibuf [dreg:s9], $0x2FFFF;
	_ =	strace $0x9FFFFFFF  }
0xc7: {  	(tm) =	ssettm $0x7FFFFFFF  }
tec
execute0_lowered:
.L_overlay_start_1:
0x0: {  	(tag) =	ssettag $0x1  }
0x1: {  	s18 =	rddreg [dreg:$0x0]  }
0x2: {  	s0 =	rddreg [dreg:$0x1]  }
0x3: {  	s3 =	rddreg [dreg:$0x2]  }
0x4: {  	s15 =	rddreg [dreg:$0x3]  }
0x5: {  	s7 =	rddreg [dreg:$0x4];
	s6 =	simm.s32 $0x0  }
0x6: {  	s1 =	srdreg.scid;
	s8 =	stileid.u32;
	s13 =	simm.s32 $0x1  }
0x7: {  	s16 =	simm.s32 $0x1A900;
	[smem:$0x7FF] =	sst s6;
	s1 =	sand.u32 $0x1, s1  }
0x8: {  	s2 =	sadd.s32 $0x600, s3;
	s4 =	sshll.u32 s8, $0xA;
	s5 =	sadd.s32 $0x200, s3  }
0x9: {  	s30 =	sadd.s32 $0x1600, s3;
	s23 =	sshll.u32 s8, $0xC;
	s26 =	sadd.s32 $0x10000, s7  }
0xa: {  	s31 =	sshll.u32 s8, $0xF;
	_ =	strace $0x80000047;
	[dreg:$0x6] =	wrdreg s2  }
0xb: {  	s9 =	sshll.u32 s8, $0x5;
	s17 =	sshll.u32 s1, $0xE;
	[dreg:$0x7] =	wrdreg s5  }
0xc: {  	s19 =	ssub.s32 $0x2, s1;
	s24 =	sadd.s32 s23, s7;
	p0 =	seq.s32 s1, $0x0  }
0xd: {  	s25 =	sor.u32 s8, s1;
	[dreg:$0xc] =	wrdreg s26;
	s28 =	sshll.u32 s1, $0x8  }
0xe: {  	s29 =	sshll.u32 s1, $0x10;
	s23 =	sadd.s32 s18, s31;
	s26 =	sor.u32 $0x2, s9  }
0xf: {  	p2 =	sne.s32 s1, $0x0;
	s2 =	sor.u32 s4, s17;
	s20 =	sshrl.u32 s19, $0x1  }
0x10: {  	[dreg:$0xa] =	wrdreg s24;
	p1 =	sne.s32 s25, $0x0;
	s21 =	sadd.s32 s0, s2  }
.Ltmp0:
0x11: {  	s22 =	ssub.s32 s19, s20;
	s0 =	sadd.s32 $0x4000, s0;
	(pc) =	sbr.rel .LBB2_1-.Ltmp0, $4  }
0x12: {  	s19 =	simm.s32 $0x18900;
	[dreg:$0x8] =	wrdreg s21;
	s3 =	sadd.s32 $0x200, s21  }
0x13: {  	v2 =	vlaneseq.u32;
	[dreg:$0xb] =	wrdreg s0;
	s0 =	ssub.s32 $0x100FF, s28;
	s2 =	smax.u32 s22, $0x1  }
0x14: {  	vm0 =	vmxor vm0, vm0;
	v2 =	vmul.u32 $0x2, v2;
	s21 =	simm.s32 $0x10100;
	s22 =	simm.s32 $0x18100;
	[dreg:$0x9] =	wrdreg s3  }
0x15: {  	v0 =	vmov s29;
	vm0 =	vmneg @p0 vm0;
	[dreg:$0xd] =	wrdreg s2;
	s3 =	simm.s32 $0x5;
	v1 =	vmov s0;
	s2 =	simm.s32 $0x0  }
.LBB2_23:
0x16: {  	s0 =	simm.s32 $0x3  }
0x17: {  	_ =	swait.ge [sflag:s0], $0x1000  }
0x18: {  	[sflag:s0] =	ssyncset.done $0x0  }
0x19: {  	s1 =	simm.s32 $0x4;
	[sflag:s0] =	ssyncadd.s32 $0xFFFFF000  }
0x1a: {  	_ =	swait.ge [sflag:s1], $0x1000  }
0x1b: {  	s2 =	rddreg [dreg:$0xe]  }
0x1c: {  	s31 =	rddreg [dreg:$0xd];
	s2 =	sadd.s32 $0x1, s2  }
0x1d: {  	p3 =	sne.s32 s2, s31  }
.Ltmp1:
0x1e: {  	_ = 	snop;
	(pc) =	sbr.rel @!p3 .LBB2_24-.Ltmp1, $3  }
0x1f: {  	_ =	sdelay $0x1  }
0x20: {  	[sflag:s1] =	ssyncset.done $0x0  }
0x21: {  	s3 =	simm.s32 $0x5;
	[sflag:s1] =	ssyncadd.s32 $0xFFFFF000  }
.LBB2_1:
0x22: {  	s0 =	simm.s32 $0x0;
	s1 =	simm.s32 $0x10  }
0x23: {  	s20 =	simm.s32 $0x20;
	s25 =	simm.s32 $0x50;
	s31 =	simm.s32 $0x70;
	v3 =	vmov s0;
	v4 =	vmov s1  }
0x24: {  	v8 =	vmov s20;
	v11 =	vmov s25;
	v63 =	vmov s31  }
0x25: {  	v5 =	vshll.u32 v3, $0x4;
	v6 =	vshrl.u32 v3, $0x1;
	v3 =	vshll.u32 v3, $0x1  }
0x26: {  	v7 =	vshll.u32 v4, $0x1;
	v9 =	vshrl.u32 v8, $0x1;
	v12 =	vshll.u32 v11, $0x1  }
0x27: {  	v5 =	vand.u32 $0xC00, v5;
	v6 =	vand.u32 $0x380, v6;
	v3 =	vor.u32 v2, v3  }
0x28: {  	v7 =	vor.u32 v2, v7;
	v9 =	vand.u32 $0x380, v9;
	v5 =	vor.u32 v6, v5  }
0x29: {  	[dreg:$0xe] =	wrdreg s2;
	v3 =	vand.u32 $0x5E, v3;
	v6 =	vshll.u32 v4, $0x4;
	v4 =	vshrl.u32 v4, $0x1  }
0x2a: {  	s17 =	simm.s32 $0x30;
	s24 =	rddreg [dreg:$0x8];
	v3 =	vor.u32 v3, v5;
	v5 =	vand.u32 $0xC00, v6;
	v4 =	vand.u32 $0x380, v4  }
0x2b: {  	[tilespmem:s19], [sflag:$0x5] =	stream.linear.gather [hbm4b:s24+s6], $0x1000, $0x38;
	v6 =	vor.u32 $0x1, v3;
	v4 =	vor.u32 v4, v5;
	v5 =	vand.u32 $0x7E, v7;
	[tilespmem:$0x1F910] =	vst v63  }
0x2c: {  	_ =	swait.ge [sflag:s3], $0x1000;
	v7 =	vmov s17;
	v4 =	vor.u32 v5, v4;
	v5 =	vshll.u32 v8, $0x4  }
0x2d: {  	[sflag:s3] =	ssyncset.done $0x0;
	v8 =	vshll.u32 v8, $0x1;
	v10 =	vshll.u32 v7, $0x1;
	v5 =	vand.u32 $0xC00, v5  }
0x2e: {  	[sflag:s3] =	ssyncadd.s32 $0xFFFFF000;
	v8 =	vor.u32 v2, v8;
	v10 =	vor.u32 v2, v10;
	v5 =	vor.u32 v9, v5  }
0x2f: {  	v8 =	vand.u32 $0x5E, v8;
	v9 =	vshll.u32 v7, $0x4;
	v7 =	vshrl.u32 v7, $0x1;
	v3 =	vld.idx.msk [tilespmem:v3+s19+$0x0], $0xffff  }
0x30: {  	v5 =	vor.u32 v8, v5;
	v8 =	vand.u32 $0xC00, v9;
	v7 =	vand.u32 $0x380, v7;
	v6 =	vld.idx.msk [tilespmem:v6+s19+$0x0], $0xffff  }
0x31: {  	s28 =	simm.s32 $0x40;
	v9 =	vor.u32 $0x1, v5;
	v7 =	vor.u32 v7, v8;
	v8 =	vand.u32 $0x7E, v10  }
0x32: {  	v10 =	vor.u32 $0x1, v4;
	v7 =	vor.u32 v8, v7;
	v8 =	vmov s28  }
0x33: {  	v13 =	vshll.u32 v8, $0x1;
	v14 =	vshll.u32 v8, $0x4;
	v8 =	vshrl.u32 v8, $0x1  }
0x34: {  	v14 =	vand.u32 $0xC00, v14;
	v8 =	vand.u32 $0x380, v8;
	v13 =	vor.u32 v2, v13  }
0x35: {  	v15 =	vpack.i.f32.bf16 v6, v3;
	v3 =	vor.u32 v8, v14;
	v6 =	vand.u32 $0x5E, v13  }
0x36: {  	v5 =	vld.idx.msk [tilespmem:v5+s19+$0x0], $0xffff;
	v8 =	vshll.u32 v11, $0x4;
	v13 =	vor.u32 v6, v3;
	v3 =	vshrl.u32 v11, $0x1  }
0x37: {  	v9 =	vld.idx.msk [tilespmem:v9+s19+$0x0], $0xffff;
	v6 =	vand.u32 $0xC00, v8;
	v8 =	vor.u32 v2, v12;
	v3 =	vand.u32 $0x380, v3  }
0x38: {  	s29 =	simm.s32 $0x60;
	v11 =	vor.u32 $0x1, v13;
	v3 =	vor.u32 v3, v6;
	v6 =	vand.u32 $0x7E, v8  }
0x39: {  	v8 =	vor.u32 $0x1, v7;
	v12 =	vor.u32 v6, v3;
	v6 =	vmov s29;
	v3 =	vld.idx.msk [tilespmem:v4+s19+$0x0], $0xffff  }
0x3a: {  	v4 =	vld.idx.msk [tilespmem:v10+s19+$0x0], $0xffff;
	v14 =	vshll.u32 v6, $0x1;
	v16 =	vshll.u32 v6, $0x4;
	v6 =	vshrl.u32 v6, $0x1  }
0x3b: {  	v10 =	vand.u32 $0xC00, v16;
	v62 =	vand.u32 $0x380, v6;
	v14 =	vor.u32 v2, v14;
	v6 =	vld.idx.msk [tilespmem:v7+s19+$0x0], $0xffff  }
0x3c: {  	v9 =	vpack.i.f32.bf16 v9, v5;
	v5 =	vld.idx.msk [tilespmem:v13+s19+$0x0], $0xffff;
	v7 =	vor.u32 v62, v10;
	v10 =	vand.u32 $0x5E, v14  }
0x3d: {  	s2 =	simm.s32 $0x10110;
	v13 =	vshll.u32 v63, $0x4;
	v10 =	vor.u32 v10, v7;
	v7 =	vld.idx.msk [tilespmem:v11+s19+$0x0], $0xffff  }
0x3e: {  	s1 =	simm.s32 $0x10130;
	[tilespmem:s2+$0xFFFFFFF0] =	vst v15;
	v16 =	vshrl.u32 v63, $0x1;
	v14 =	vshll.u32 v63, $0x1;
	v13 =	vand.u32 $0xC00, v13;
	v8 =	vld.idx.msk [tilespmem:v8+s19+$0x0], $0xffff  }
0x3f: {  	[tilespmem:s1+$0xFFFFFFF0] =	vst v9;
	v15 =	vand.u32 $0x380, v16;
	v14 =	vor.u32 v2, v14;
	v11 =	vor.u32 $0x1, v10;
	v9 =	vld.idx.msk [tilespmem:v12+s19+$0x0], $0xffff  }
0x40: {  	s4 =	simm.s32 $0x90;
	s0 =	simm.s32 $0x6;
	v13 =	vor.u32 v15, v13;
	v14 =	vand.u32 $0x7E, v14;
	v12 =	vor.u32 $0x1, v12  }
.LBB2_2:
0x41: {  	s5 =	sadd.s32 $0xFFFFFFF0, s4;
	v15 =	vmov s4;
	s0 =	sadd.s32 $0x2, s0;
	v16 =	vor.u32 v14, v13;
	v18 =	vpack.i.f32.bf16 v4, v3;
	v3 =	vmovc v6  }
0x42: {  	v7 =	vpack.i.f32.bf16 v7, v5;
	v19 =	vmov s5;
	v13 =	vshll.u32 v15, $0x1;
	p3 =	slt.u32 s0, $0x7E;
	[tilespmem:s2+$0x0] =	vst v18;
	s2 =	smov.u32 s1;
	s1 =	sadd.s32 $0x20, s1  }
0x43: {  	v4 =	vmovc v8;
	v14 =	vshll.u32 v19, $0x1;
	v17 =	vshll.u32 v19, $0x4;
	v18 =	vshrl.u32 v19, $0x1;
	v5 =	vld.idx.msk [tilespmem:v10+s19+$0x0], $0xffff;
	[tilespmem:s1+$0xFFFFFFF0] =	vst v7  }
.Ltmp2:
0x44: {  	v6 =	vmovc v9;
	v8 =	vand.u32 $0xC00, v17;
	v10 =	vand.u32 $0x380, v18;
	v14 =	vor.u32 v2, v14;
	v7 =	vld.idx.msk [tilespmem:v11+s19+$0x0], $0xffff;
	(pc) =	sbr.rel @p3 .LBB2_2-.Ltmp2, $4  }
0x45: {  	v11 =	vshll.u32 v15, $0x4;
	v9 =	vor.u32 v10, v8;
	v10 =	vand.u32 $0x5E, v14;
	v8 =	vld.idx.msk [tilespmem:v12+s19+$0x0], $0xffff  }
0x46: {  	v12 =	vand.u32 $0xC00, v11;
	v14 =	vshrl.u32 v15, $0x1;
	v10 =	vor.u32 v10, v9;
	v9 =	vld.idx.msk [tilespmem:v16+s19+$0x0], $0xffff  }
0x47: {  	v15 =	vor.u32 v2, v13;
	v14 =	vand.u32 $0x380, v14;
	v11 =	vor.u32 $0x1, v10  }
0x48: {  	s4 =	sadd.s32 $0x20, s4;
	v13 =	vor.u32 v14, v12;
	v14 =	vand.u32 $0x7E, v15;
	v12 =	vor.u32 $0x1, v16  }
0x49: {  	_ =	sdelay $0x3  }
0x4a: {  	v10 =	vld.idx.msk [tilespmem:v10+s19+$0x0], $0xffff  }
0x4b: {  	v12 =	vld.idx.msk [tilespmem:v12+s19+$0x0], $0xffff  }
0x4c: {  	v13 =	vor.u32 v14, v13;
	v11 =	vld.idx.msk [tilespmem:v11+s19+$0x0], $0xffff  }
0x4d: {  	v14 =	vor.u32 $0x1, v13;
	_ =	sdelay $0x1  }
0x4e: {  	v3 =	vpack.i.f32.bf16 v4, v3;
	v4 =	vpack.i.f32.bf16 v7, v5;
	s0 =	simm.s32 $0x0  }
0x4f: {  	s4 =	simm.s32 $0x10;
	v5 =	vpack.i.f32.bf16 v8, v6;
	v7 =	vpack.i.f32.bf16 v12, v9;
	v9 =	vmov s0  }
0x50: {  	s14 =	sadd.s32 $0x20, s1;
	[tilespmem:s2+$0x0] =	vst v3;
	v13 =	vld.idx.msk [tilespmem:v13+s19+$0x0], $0xffff;
	v6 =	vpack.i.f32.bf16 v11, v10;
	v10 =	vmov s4;
	v11 =	vshll.u32 v9, $0x4  }
0x51: {  	[tilespmem:s14+$0xFFFFFFF0] =	vst v4;
	v14 =	vld.idx.msk [tilespmem:v14+s19+$0x0], $0xffff;
	v12 =	vshrl.u32 v9, $0x1;
	v3 =	vshll.u32 v9, $0x1;
	v4 =	vshll.u32 v10, $0x1  }
0x52: {  	[tilespmem:s1+$0x0] =	vst v5;
	v5 =	vshll.u32 v10, $0x4;
	v10 =	vshrl.u32 v10, $0x1;
	v9 =	vand.u32 $0xC00, v11  }
0x53: {  	s5 =	sadd.s32 $0x20, s14;
	v11 =	vand.u32 $0x380, v12;
	v3 =	vor.u32 v2, v3;
	v5 =	vand.u32 $0xC00, v5  }
0x54: {  	[tilespmem:s5+$0xFFFFFFF0] =	vst v6;
	v6 =	vand.u32 $0x380, v10;
	v4 =	vor.u32 v2, v4;
	v9 =	vor.u32 v11, v9  }
0x55: {  	s17 =	simm.s32 $0x30;
	v3 =	vand.u32 $0x5E, v3;
	v5 =	vor.u32 v6, v5;
	v4 =	vand.u32 $0x7E, v4  }
0x56: {  	s20 =	simm.s32 $0x20;
	[tilespmem:s14+$0x0] =	vst v7;
	v6 =	vmov s17;
	v3 =	vor.u32 v3, v9;
	v8 =	vpack.i.f32.bf16 v14, v13  }
0x57: {  	v4 =	vor.u32 v4, v5;
	v10 =	vshll.u32 v6, $0x1;
	[tilespmem:s5+$0x0] =	vst v8;
	v8 =	vmov s20  }
0x58: {  	v7 =	vor.u32 $0x1, v3;
	s24 =	rddreg [dreg:$0x9];
	v5 =	vshll.u32 v8, $0x4;
	v9 =	vshrl.u32 v8, $0x1  }
0x59: {  	v8 =	vshll.u32 v8, $0x1;
	[tilespmem:s19], [sflag:$0x5] =	stream.linear.gather [hbm4b:s24+s6], $0x1000, $0x38;
	v5 =	vand.u32 $0xC00, v5;
	v9 =	vand.u32 $0x380, v9;
	[tilespmem:$0x1F910] =	vst v63  }
0x5a: {  	v10 =	vor.u32 v2, v10;
	v8 =	vor.u32 v2, v8;
	_ =	swait.ge [sflag:s3], $0x1000;
	v5 =	vor.u32 v9, v5  }
0x5b: {  	v8 =	vand.u32 $0x5E, v8;
	v9 =	vshll.u32 v6, $0x4;
	v6 =	vshrl.u32 v6, $0x1;
	[sflag:s3] =	ssyncset.done $0x0  }
0x5c: {  	v5 =	vor.u32 v8, v5;
	v8 =	vand.u32 $0xC00, v9;
	v6 =	vand.u32 $0x380, v6;
	[sflag:s3] =	ssyncadd.s32 $0xFFFFF000  }
0x5d: {  	s25 =	simm.s32 $0x50;
	v6 =	vor.u32 v6, v8;
	v8 =	vand.u32 $0x7E, v10;
	v10 =	vor.u32 $0x1, v4;
	v3 =	vld.idx.msk [tilespmem:v3+s19+$0x0], $0xffff  }
0x5e: {  	v11 =	vmov s25;
	v9 =	vor.u32 $0x1, v5;
	v7 =	vld.idx.msk [tilespmem:v7+s19+$0x0], $0xffff  }
0x5f: {  	s28 =	simm.s32 $0x40;
	v12 =	vshll.u32 v11, $0x1  }
0x60: {  	v12 =	vor.u32 v2, v12;
	v6 =	vor.u32 v8, v6;
	v8 =	vmov s28;
	v17 =	vld.idx.msk [tilespmem:v4+s19+$0x0], $0xffff  }
0x61: {  	v13 =	vshll.u32 v8, $0x1;
	v14 =	vshll.u32 v8, $0x4;
	v8 =	vshrl.u32 v8, $0x1;
	v5 =	vld.idx.msk [tilespmem:v5+s19+$0x0], $0xffff  }
0x62: {  	v14 =	vand.u32 $0xC00, v14;
	v8 =	vand.u32 $0x380, v8;
	v13 =	vor.u32 v2, v13;
	v10 =	vld.idx.msk [tilespmem:v10+s19+$0x0], $0xffff  }
0x63: {  	v8 =	vor.u32 v8, v14;
	v7 =	vpack.i.f32.bf16 v7, v3;
	v3 =	vld.idx.msk [tilespmem:v9+s19+$0x0], $0xffff;
	v9 =	vand.u32 $0x5E, v13  }
0x64: {  	s29 =	simm.s32 $0x70;
	v13 =	vshll.u32 v11, $0x4;
	v8 =	vor.u32 v9, v8;
	v9 =	vshrl.u32 v11, $0x1  }
0x65: {  	v14 =	vmov s29;
	v11 =	vand.u32 $0xC00, v13;
	v9 =	vand.u32 $0x380, v9  }
0x66: {  	v15 =	vshll.u32 v14, $0x1;
	v9 =	vor.u32 v9, v11;
	v11 =	vand.u32 $0x7E, v12  }
0x67: {  	s1 =	simm.s32 $0x60;
	v13 =	vor.u32 $0x1, v8;
	v12 =	vor.u32 $0x1, v6;
	v9 =	vor.u32 v11, v9  }
0x68: {  	v11 =	vmov s1;
	v17 =	vpack.i.f32.bf16 v10, v17;
	v16 =	vpack.i.f32.bf16 v3, v5  }
0x69: {  	v3 =	vshll.u32 v11, $0x1;
	v5 =	vshll.u32 v11, $0x4;
	v11 =	vshrl.u32 v11, $0x1  }
0x6a: {  	v5 =	vand.u32 $0xC00, v5;
	v11 =	vand.u32 $0x380, v11;
	v3 =	vor.u32 v2, v3  }
0x6b: {  	v4 =	vor.u32 v11, v5;
	v3 =	vand.u32 $0x5E, v3;
	v5 =	vshll.u32 v14, $0x4  }
0x6c: {  	v13 =	vld.idx.msk [tilespmem:v13+s19+$0x0], $0xffff;
	v11 =	vor.u32 v3, v4;
	v3 =	vand.u32 $0xC00, v5;
	v4 =	vshrl.u32 v14, $0x1  }
0x6d: {  	v5 =	vld.idx.msk [tilespmem:v8+s19+$0x0], $0xffff;
	v14 =	vor.u32 v2, v15;
	v15 =	vor.u32 $0x1, v9;
	v4 =	vand.u32 $0x380, v4  }
0x6e: {  	s31 =	simm.s32 $0x90;
	s4 =	simm.s32 $0x80;
	v8 =	vor.u32 $0x1, v11;
	v3 =	vor.u32 v4, v3;
	v4 =	vand.u32 $0x7E, v14  }
0x6f: {  	v14 =	vmov s31;
	v18 =	vor.u32 v4, v3;
	v4 =	vmov s4;
	v3 =	vld.idx.msk [tilespmem:v6+s19+$0x0], $0xffff  }
0x70: {  	v6 =	vshll.u32 v4, $0x1;
	v19 =	vshll.u32 v4, $0x4;
	v20 =	vshrl.u32 v4, $0x1;
	v4 =	vld.idx.msk [tilespmem:v12+s19+$0x0], $0xffff  }
0x71: {  	s0 =	sand.u32 $0x7E0, s0;
	v12 =	vand.u32 $0xC00, v19;
	v62 =	vand.u32 $0x380, v20;
	v63 =	vor.u32 v2, v6;
	v6 =	vld.idx.msk [tilespmem:v9+s19+$0x0], $0xffff  }
0x72: {  	[tilespmem:s0+$0x10900] =	vst v7;
	v7 =	vpack.i.f32.bf16 v13, v5;
	v5 =	vld.idx.msk [tilespmem:v11+s19+$0x0], $0xffff;
	v10 =	vor.u32 v62, v12;
	v9 =	vand.u32 $0x5E, v63  }
0x73: {  	s0 =	simm.s32 $0x10910;
	v11 =	vshll.u32 v14, $0x4;
	v10 =	vor.u32 v9, v10;
	v9 =	vld.idx.msk [tilespmem:v8+s19+$0x0], $0xffff  }
0x74: {  	s5 =	sand.u32 $0x7E0, s28;
	[tilespmem:s0+$0x0] =	vst v17;
	v12 =	vshll.u32 v14, $0x1;
	v13 =	vand.u32 $0xC00, v11;
	v14 =	vshrl.u32 v14, $0x1;
	v8 =	vld.idx.msk [tilespmem:v15+s19+$0x0], $0xffff  }
0x75: {  	s2 =	sand.u32 $0x7E0, s20;
	[tilespmem:s5+$0x10900] =	vst v7;
	v14 =	vand.u32 $0x380, v14;
	v12 =	vor.u32 v2, v12;
	v11 =	vor.u32 $0x1, v10;
	v7 =	vld.idx.msk [tilespmem:v18+s19+$0x0], $0xffff  }
0x76: {  	[tilespmem:s2+$0x10900] =	vst v16;
	s2 =	simm.s32 $0x8;
	s5 =	simm.s32 $0xB0;
	v13 =	vor.u32 v14, v13;
	v14 =	vand.u32 $0x7E, v12;
	v12 =	vor.u32 $0x1, v18  }
.LBB2_4:
0x77: {  	s7 =	sadd.s32 $0xFFFFFFF0, s5;
	v15 =	vmov s5;
	s2 =	sadd.s32 $0x2, s2;
	v16 =	vor.u32 v14, v13;
	v18 =	vpack.i.f32.bf16 v4, v3;
	s0 =	sadd.s32 $0x20, s0;
	v3 =	vmovc v6  }
0x78: {  	v9 =	vpack.i.f32.bf16 v9, v5;
	s8 =	sand.u32 $0x7E0, s1;
	s1 =	smov.u32 s4;
	v19 =	vmov s7;
	v13 =	vshll.u32 v15, $0x1;
	p3 =	slt.u32 s2, $0x7E;
	[tilespmem:s0+$0x0] =	vst v18  }
0x79: {  	v4 =	vmovc v8;
	s4 =	smov.u32 s7;
	v14 =	vshll.u32 v19, $0x1;
	v17 =	vshll.u32 v19, $0x4;
	v18 =	vshrl.u32 v19, $0x1;
	v5 =	vld.idx.msk [tilespmem:v10+s19+$0x0], $0xffff;
	[tilespmem:s8+$0x10900] =	vst v9  }
.Ltmp3:
0x7a: {  	v6 =	vmovc v7;
	v8 =	vand.u32 $0xC00, v17;
	v10 =	vand.u32 $0x380, v18;
	v14 =	vor.u32 v2, v14;
	v9 =	vld.idx.msk [tilespmem:v11+s19+$0x0], $0xffff;
	(pc) =	sbr.rel @p3 .LBB2_4-.Ltmp3, $4  }
0x7b: {  	v11 =	vshll.u32 v15, $0x4;
	v7 =	vor.u32 v10, v8;
	v10 =	vand.u32 $0x5E, v14;
	v8 =	vld.idx.msk [tilespmem:v12+s19+$0x0], $0xffff  }
0x7c: {  	v12 =	vand.u32 $0xC00, v11;
	v14 =	vshrl.u32 v15, $0x1;
	v10 =	vor.u32 v10, v7;
	v7 =	vld.idx.msk [tilespmem:v16+s19+$0x0], $0xffff  }
0x7d: {  	v15 =	vor.u32 v2, v13;
	v14 =	vand.u32 $0x380, v14;
	v11 =	vor.u32 $0x1, v10  }
0x7e: {  	s5 =	sadd.s32 $0x20, s5;
	v13 =	vor.u32 v14, v12;
	v14 =	vand.u32 $0x7E, v15;
	v12 =	vor.u32 $0x1, v16  }
0x7f: {  	_ =	sdelay $0x1  }
0x80: {  	v13 =	vor.u32 v14, v13  }
0x81: {  	v14 =	vor.u32 $0x1, v13  }
0x82: {  	v10 =	vld.idx.msk [tilespmem:v10+s19+$0x0], $0xffff  }
0x83: {  	v11 =	vld.idx.msk [tilespmem:v11+s19+$0x0], $0xffff  }
0x84: {  	v12 =	vld.idx.msk [tilespmem:v12+s19+$0x0], $0xffff  }
0x85: {  	v13 =	vld.idx.msk [tilespmem:v13+s19+$0x0], $0xffff  }
0x86: {  	v3 =	vpack.i.f32.bf16 v4, v3;
	s0 =	sadd.s32 $0x20, s0;
	v62 =	vld.idx.msk [tilespmem:v14+s19+$0x0], $0xffff  }
0x87: {  	v5 =	vpack.i.f32.bf16 v9, v5;
	s1 =	sand.u32 $0x7E0, s1;
	[tilespmem:s0+$0x0] =	vst v3  }
0x88: {  	[tilespmem:s1+$0x10900] =	vst v5;
	v3 =	vpack.i.f32.bf16 v8, v6;
	s0 =	sadd.s32 $0x20, s0  }
0x89: {  	s31 =	sand.u32 $0x7E0, s4;
	[tilespmem:s0+$0x0] =	vst v3;
	v63 =	vpack.i.f32.bf16 v11, v10  }
0x8a: {  	s0 =	sadd.s32 $0x20, s0;
	v3 =	vpack.i.f32.bf16 v12, v7;
	[tilespmem:s31+$0x10900] =	vst v63  }
0x8b: {  	[tilespmem:s0+$0x0] =	vst v3;
	s0 =	sadd.s32 $0x20, s0;
	v3 =	vpack.i.f32.bf16 v62, v13  }
0x8c: {  	[tilespmem:s0+$0x0] =	vst v3  }
.Ltmp4:
0x8d: {  	s0 =	rddreg [dreg:$0xa];
	(pc) =	sbr.rel @p1 .LBB2_9-.Ltmp4, $4  }
0x8e: {  	[spmem:s0] =	stream.linear.scatter [tilespmem:s21], [sflag:$0x5], $0x1000, $0x38;
	[tilespmem:$0x1F910] =	vst v63  }
0x8f: {  	_ =	swait.ge [sflag:s3], $0x1000  }
0x90: {  	[sflag:s3] =	ssyncset.done $0x0  }
0x91: {  	[sflag:s3] =	ssyncadd.s32 $0xFFFFF000  }
0x92: {  	s0 =	simm.s32 $0x0  }
0x93: {  	v3 =	vmov s0  }
0x94: {  	v4 =	vshll.u32 v3, $0x1  }
0x95: {  	v3 =	vshll.u32 v3, $0x4;
	v4 =	vor.u32 v2, v4  }
0x96: {  	v3 =	vand.u32 $0xC00, v3;
	v4 =	vand.u32 $0x7E, v4  }
0x97: {  	s1 =	rddreg [dreg:$0xb];
	s29 =	simm.s32 $0x10;
	v3 =	vor.u32 v3, v4  }
0x98: {  	[tilespmem:s19], [sflag:$0x5] =	stream.linear.gather [hbm4b:s1+s0], $0x1000, $0x38;
	v4 =	vor.u32 $0x1, v3;
	[tilespmem:$0x1F910] =	vst v63  }
0x99: {  	v5 =	vmov s29;
	_ =	swait.ge [sflag:s3], $0x1000  }
0x9a: {  	v6 =	vshll.u32 v5, $0x1;
	[sflag:s3] =	ssyncset.done $0x0  }
0x9b: {  	v5 =	vshll.u32 v5, $0x4;
	v6 =	vor.u32 v2, v6;
	[sflag:s3] =	ssyncadd.s32 $0xFFFFF000  }
0x9c: {  	v5 =	vand.u32 $0xC00, v5;
	v6 =	vand.u32 $0x7E, v6;
	v7 =	vld.idx.msk [tilespmem:v3+s19+$0x0], $0xffff  }
0x9d: {  	s31 =	simm.s32 $0x20;
	v3 =	vor.u32 v5, v6;
	v5 =	vld.idx.msk [tilespmem:v4+s19+$0x0], $0xffff  }
0x9e: {  	v6 =	vor.u32 $0x1, v3;
	v4 =	vmov s31  }
0x9f: {  	v8 =	vshll.u32 v4, $0x1  }
0xa0: {  	v4 =	vshll.u32 v4, $0x4;
	v8 =	vor.u32 v2, v8  }
0xa1: {  	v4 =	vand.u32 $0xC00, v4;
	v8 =	vand.u32 $0x7E, v8  }
0xa2: {  	s0 =	simm.s32 $0x10100;
	v3 =	vld.idx.msk [tilespmem:v3+s19+$0x0], $0xffff;
	v4 =	vor.u32 v4, v8;
	v7 =	vpack.i.f32.bf16 v5, v7  }
0xa3: {  	s1 =	simm.s32 $0x30;
	v5 =	vld.idx.msk [tilespmem:v6+s19+$0x0], $0xffff;
	v6 =	vor.u32 $0x1, v4;
	[tilespmem:s0+$0x0] =	vst v7  }
.LBB2_7:
0xa4: {  	v7 =	vmov s1;
	p3 =	sne.s32 s1, $0xF0;
	s1 =	sadd.s32 $0x10, s1  }
.Ltmp5:
0xa5: {  	v8 =	vshll.u32 v7, $0x1;
	(pc) =	sbr.rel @p3 .LBB2_7-.Ltmp5, $4  }
0xa6: {  	v7 =	vshll.u32 v7, $0x4;
	v8 =	vor.u32 v2, v8  }
0xa7: {  	v7 =	vand.u32 $0xC00, v7;
	v9 =	vmov v3;
	v8 =	vand.u32 $0x7E, v8;
	v3 =	vld.idx.msk [tilespmem:v4+s19+$0x0], $0xffff  }
0xa8: {  	s0 =	sadd.s32 $0x10, s0;
	v4 =	vor.u32 v7, v8;
	v7 =	vpack.i.f32.bf16 v5, v9;
	v5 =	vld.idx.msk [tilespmem:v6+s19+$0x0], $0xffff  }
0xa9: {  	v6 =	vor.u32 $0x1, v4;
	[tilespmem:s0+$0x0] =	vst v7  }
0xaa: {  	_ =	sdelay $0x3  }
0xab: {  	v4 =	vld.idx.msk [tilespmem:v4+s19+$0x0], $0xffff  }
0xac: {  	v6 =	vld.idx.msk [tilespmem:v6+s19+$0x0], $0xffff;
	_ =	sdelay $0x3  }
0xad: {  	s0 =	sadd.s32 $0x10, s0;
	v3 =	vpack.i.f32.bf16 v5, v3  }
0xae: {  	[tilespmem:s0+$0x0] =	vst v3;
	s0 =	sadd.s32 $0x10, s0;
	v3 =	vpack.i.f32.bf16 v6, v4  }
0xaf: {  	[tilespmem:s0+$0x0] =	vst v3  }
0xb0: {  	s0 =	rddreg [dreg:$0xc]  }
0xb1: {  	[spmem:s0] =	stream.linear.scatter [tilespmem:s21], [sflag:$0x5], $0x100, $0x38;
	[tilespmem:$0x1F910] =	vst v63  }
0xb2: {  	_ =	swait.ge [sflag:s3], $0x100  }
0xb3: {  	[sflag:s3] =	ssyncset.done $0x0  }
0xb4: {  	[sflag:s3] =	ssyncadd.s32 $0xFFFFFF00  }
.LBB2_9:
0xb5: {  	[bflag:$0x0] =	sbarrier.arrive $0xFFFF  }
0xb6: {  	s0 =	rddreg [dreg:$0x4]  }
0xb7: {  	[tilespmem:s6], [sflag:$0x5] =	stream.linear.gather [spmem:s0], $0x10100, $0x38;
	[tilespmem:$0x1F910] =	vst v63  }
0xb8: {  	_ =	swait.ge [sflag:s3], $0x10100  }
0xb9: {  	s1 =	simm.s32 @p2 $0x10100;
	[sflag:s3] =	ssyncset.done $0x0  }
0xba: {  	s0 =	simm.s32 @p2 $0x0;
	s2 =	rddreg [dreg:$0x7];
	[sflag:s3] =	ssyncadd.s32 $0xFFFEFF00  }
0xbb: {  	[tilespmem:s1], [sflag:$0x5] =	stream.linear.gather @p2 [hbm4b:s2+s0], $0x2000, $0x38;
	[tilespmem:$0x1F910] =	vst v63  }
0xbc: {  	s0 =	simm.s32 @p2 $0x5  }
0xbd: {  	_ =	swait.ge @p2 [sflag:s0], $0x2000  }
0xbe: {  	s1 =	simm.s32 @!p2 $0x10100;
	[sflag:s0] =	ssyncset.done @p2 $0x0  }
0xbf: {  	s2 =	rddreg [dreg:$0x6];
	[sflag:s0] =	ssyncadd.s32 @p2 $0xFFFFE000;
	s0 =	simm.s32 @!p2 $0x0  }
0xc0: {  	[tilespmem:s1], [sflag:$0x5] =	stream.linear.gather @!p2 [hbm4b:s2+s0], $0x8000, $0x38;
	[tilespmem:$0x1F910] =	vst v63  }
0xc1: {  	s0 =	simm.s32 @!p2 $0x5  }
0xc2: {  	s10 =	simm.s32 $0x0;
	_ =	swait.ge @!p2 [sflag:s0], $0x8000  }
0xc3: {  	s4 =	simm.s32 @!p2 $0x100;
	s1 =	simm.f32 @!p2 $2.560000000e+02;
	[sflag:s0] =	ssyncset.done @!p2 $0x0  }
0xc4: {  	s5 =	simm.s32 @!p2 $0x80;
	s1 =	simm.f32 @p2 $1.280000000e+02;
	[sflag:s0] =	ssyncadd.s32 @!p2 $0xFFFF8000  }
0xc5: {  	s7 =	simm.s32 @!p2 $0x7FFF;
	s29 =	smul.f32 $5.000000000e-01, s1;
	s0 =	rddreg [dreg:$0x2]  }
0xc6: {  	[tilespmem:s22], [sflag:$0x5] =	stream.linear.gather [hbm4b:s0+s10], $0x800, $0x38;
	[tilespmem:$0x1F910] =	vst v63  }
.Ltmp6:
0xc7: {  	s4 =	simm.s32 @p2 $0x80;
	s7 =	simm.s32 @p2 $0x1FFF;
	(pc) =	sbr.rel .LBB2_10-.Ltmp6, $4  }
0xc8: {  	s5 =	simm.s32 @p2 $0x40;
	s1 =	sadd.f32 $-1.000000000e+00, s1;
	_ =	swait.ge [sflag:s3], $0x800  }
0xc9: {  	v6 =	vmov s4;
	s31 =	sadd.s32 $0xFFFFFFFF, s4;
	s8 =	sadd.f32 $-5.000000000e-01, s29;
	[sflag:s3] =	ssyncset.done $0x0  }
0xca: {  	v8 =	vmov s7;
	v9 =	vmov s5;
	s5 =	simm.s32 $0x0;
	v7 =	vmov s31;
	[sflag:s3] =	ssyncadd.s32 $0xFFFFF800  }
0xcb: {  	v3 =	vmov s29;
	v5 =	vmov s1;
	v4 =	vmov s8;
	[tilespmem:s19], [sflag:$0x1] =	stream.linear.gather [hbm4b:s23+s10], $0x2000, $0x38;
	[tilespmem:$0x1F910] =	vst v63  }
.LBB2_22:
0xcc: {  	s5 =	sadd.s32 $0x1, s5  }
0xcd: {  	p3 =	sne.s32 s5, $0x10  }
.Ltmp7:
0xce: {  	s0 =	rddreg [dreg:$0xf];
	(pc) =	sbr.rel @!p3 .LBB2_23-.Ltmp7, $4  }
0xcf: {  	s0 =	sadd.s32 s0, s9  }
0xd0: {  	s0 =	sshll.u32 s0, $0x9  }
0xd1: {  	s31 =	simm.s32 $0x1D900;
	s0 =	sadd.s32 s1, s0  }
0xd2: {  	[hbm4b:s0+s6] =	stream.linear.scatter [tilespmem:s31], [sflag:$0x4], $0x1000, $0x38;
	[tilespmem:$0x1F910] =	vst v63  }
.LBB2_10:
0xd3: {  	_ =	swait.ge [sflag:s13], $0x2000;
	s0 =	sshllo.u32 s5, $0x1;
	s14 =	simm.s32 $0x0  }
0xd4: {  	p3 =	seq.s32 s5, $0x0;
	s2 =	simm.s32 $0x0;
	s17 =	simm.s32 $0x0  }
0xd5: {  	[sflag:s13] =	ssyncset.done $0x0;
	[dreg:$0xf] =	wrdreg s0;
	s1 =	sshll.u32 s0, $0xA  }
0xd6: {  	s4 =	sand.u32 $0xC00, s14;
	[sflag:s13] =	ssyncadd.s32 $0xFFFFE000;
	s1 =	sadd.s32 s1, s23  }
0xd7: {  	[tilespmem:s16], [sflag:$0x2] =	stream.linear.gather [hbm4b:s1+s6], $0x2000, $0x38;
	[tilespmem:$0x1F910] =	vst v63  }
0xd8: {  	s7 =	sand.u32 $0x3FFFFC00, s2;
	s8 =	sshrl.u32 s4, $0x2;
	s1 =	simm.s32 @!p3 $0x3  }
0xd9: {  	s20 =	sand.u32 $0x40, s17;
	s7 =	sor.u32 s8, s7;
	_ =	swait.ge @!p3 [sflag:s1], $0x1000  }
0xda: {  	s11 =	sor.u32 $0x30, s20;
	s8 =	sadd.s32 $0x18900, s7;
	[sflag:s1] =	ssyncset.done @!p3 $0x0  }
0xdb: {  	s24 =	sor.u32 s11, s8;
	[sflag:s1] =	ssyncadd.s32 @!p3 $0xFFFFF000  }
0xdc: {  	v10 =	vld [tilespmem:s24+$0x80]  }
0xdd: {  	s25 =	sor.u32 $0x10, s20;
	s10 =	sor.u32 s20, s8;
	v11 =	vld [tilespmem:s24+$0x0]  }
0xde: {  	s12 =	sor.u32 $0x20, s20;
	s28 =	sor.u32 s25, s8;
	v12 =	vld [tilespmem:s10+$0x80]  }
0xdf: {  	s8 =	sor.u32 s12, s8;
	v15 =	vld [tilespmem:s28+$0x80]  }
0xe0: {  	v16 =	vld [tilespmem:s8+$0x80]  }
0xe1: {  	v34 =	vld [tilespmem:s8+$0x0];
	_ =	sdelay $0x1  }
0xe2: {  	v13 =	vmul.f32 v10, v3;
	v14 =	vmul.f32 $2.560000000e+02, v11  }
0xe3: {  	v10 =	vmul.f32 $2.560000000e+02, v10;
	v17 =	vmul.f32 $2.560000000e+02, v12  }
0xe4: {  	v11 =	vmul.f32 v11, v3;
	v18 =	vmul.f32 $2.560000000e+02, v15  }
0xe5: {  	v19 =	vmul.f32 $2.560000000e+02, v16;
	v37 =	vmul.f32 $2.560000000e+02, v34;
	v13 =	vadd.f32 v13, v4  }
0xe6: {  	v38 =	vmul.f32 v12, v3;
	v14 =	vadd.f32 $2.555000000e+02, v14;
	v10 =	vadd.f32 $2.555000000e+02, v10  }
0xe7: {  	v16 =	vmul.f32 v16, v3;
	v11 =	vadd.f32 v11, v4;
	v17 =	vadd.f32 $2.555000000e+02, v17  }
0xe8: {  	v15 =	vmul.f32 v15, v3;
	v18 =	vadd.f32 $2.555000000e+02, v18;
	v19 =	vadd.f32 $2.555000000e+02, v19  }
0xe9: {  	v49 =	vadd.f32 $2.555000000e+02, v37;
	v16 =	vadd.f32 v16, v4;
	v20 =	vmax.f32 v13, $0.0e+00  }
0xea: {  	v21 =	vmax.f32 v14, $0.0e+00;
	v10 =	vmax.f32 v10, $0.0e+00;
	v20 =	vmin.f32 v5, v20  }
0xeb: {  	v21 =	vmin.f32 v21, $5.110000000e+02;
	v10 =	vmin.f32 v10, $5.110000000e+02;
	v22 =	vtrunc.f32 v20  }
0xec: {  	v11 =	vmax.f32 v11, $0.0e+00;
	v23 =	vtrunc.f32 v21;
	v24 =	vtrunc.f32 v10  }
0xed: {  	v11 =	vmin.f32 v5, v11;
	v24 =	vcvt.f32.s32 v24;
	v22 =	vcvt.f32.s32 v22  }
0xee: {  	v17 =	vmax.f32 v17, $0.0e+00;
	v25 =	vtrunc.f32 v11;
	v23 =	vcvt.f32.s32 v23  }
0xef: {  	v25 =	vcvt.f32.s32 v25;
	v26 =	vshll.u32 v24, $0x9;
	v27 =	vmul.u32 v22, v6  }
0xf0: {  	v18 =	vmax.f32 v18, $0.0e+00;
	v19 =	vmax.f32 v19, $0.0e+00;
	v26 =	vadd.s32 v23, v26  }
0xf1: {  	vm1 =	veq.s32 v7, v22;
	v26 =	vshra.s32 v26, $0x1;
	v27 =	vadd.s32 v25, v27  }
0xf2: {  	vm2 =	veq.s32 v24, $0x1FF;
	v26 =	vsub.s32 v26, v0;
	v27 =	vshra.s32 v27, $0x1  }
0xf3: {  	v31 =	vsel vm1, $0x0, v9;
	vm3 =	vgt.s32 v26, $0x0;
	v30 =	vadd.s32 $0x1, v27  }
0xf4: {  	v32 =	vadd.s32 $0x1, v26;
	v33 =	vadd.s32 $0x100, v26;
	v31 =	vadd.s32 v31, v27  }
0xf5: {  	v13 =	vld [tilespmem:s10+$0x0];
	v35 =	vnsel vm3, $0x0, v26;
	vm1 =	vlt.s32 v30, v8;
	v36 =	vadd.s32 $0x1, v31  }
0xf6: {  	v14 =	vld [tilespmem:s28+$0x0];
	vm3 =	vgt.s32 v32, $0x0;
	v26 =	vsel vm2, v26, v33;
	v30 =	vsel vm1, v30, v8  }
0xf7: {  	v47 =	vmin.u32 v35, v1;
	v32 =	vnsel vm3, $0x0, v32;
	vm1 =	vlt.s32 v36, v8  }
0xf8: {  	vm2 =	vgt.s32 v26, $0x0;
	v48 =	vadd.s32 $0x1, v26;
	v36 =	vsel vm1, v36, v8  }
0xf9: {  	v32 =	vmin.u32 v32, v1;
	v26 =	vnsel vm2, $0x0, v26;
	vm1 =	vgt.s32 v48, $0x0;
	v27 =	vld.idx.msk [tilespmem:v27+s21+$0x0], $0xffff  }
0xfa: {  	v28 =	vmul.f32 $2.560000000e+02, v13;
	v26 =	vmin.u32 v26, v1;
	v35 =	vnsel vm1, $0x0, v48;
	v31 =	vld.idx.msk [tilespmem:v31+s21+$0x0], $0xffff  }
0xfb: {  	v29 =	vmul.f32 $2.560000000e+02, v14;
	v50 =	vcvt.s32.f32 v25;
	v35 =	vmin.u32 v35, v1;
	v30 =	vld.idx.msk [tilespmem:v30+s21+$0x0], $0xffff  }
0xfc: {  	v39 =	vcvt.s32.f32 v23;
	v40 =	vand.u32 $0x1, v25;
	v51 =	vand.u32 $0x1, v23;
	v12 =	vld.idx.msk [tilespmem:v47+s6+$0x0], $0xffff  }
0xfd: {  	vm4 =	veq.s32 v51, $0x1;
	v28 =	vadd.f32 $2.555000000e+02, v28;
	v29 =	vadd.f32 $2.555000000e+02, v29;
	v36 =	vld.idx.msk [tilespmem:v36+s21+$0x0], $0xffff  }
0xfe: {  	v21 =	vsub.f32 v21, v39;
	vm2 =	vne.s32 v23, $0x1FF;
	vm1 =	vne.s32 v7, v25;
	v25 =	vld.idx.msk [tilespmem:v32+s6+$0x0], $0xffff  }
0xff: {  	v11 =	vsub.f32 v11, v50;
	vm3 =	veq.s32 v40, $0x1;
	vm2 =	vmand vm2, vm4;
	v23 =	vld.idx.msk [tilespmem:v26+s6+$0x0], $0xffff  }
0x100: {  	vm1 =	vmand vm1, vm3;
	v52 =	vand.u32 $0xFFFF0000, v27;
	v27 =	vshll.u32 v27, $0x10;
	v26 =	vld.idx.msk [tilespmem:v35+s6+$0x0], $0xffff  }
0x101: {  	v53 =	vand.u32 $0xFFFF0000, v31;
	v31 =	vshll.u32 v31, $0x10;
	v27 =	vsel vm3, v52, v27  }
0x102: {  	v30 =	vshll.u32 v30, $0x10;
	v54 =	vand.u32 $0xFFFF0000, v12;
	v12 =	vshll.u32 v12, $0x10  }
0x103: {  	v31 =	vsel vm3, v53, v31;
	v30 =	vsel vm1, v30, v52;
	v12 =	vsel vm4, v54, v12  }
0x104: {  	v25 =	vshll.u32 v25, $0x10;
	v55 =	vshll.u32 v36, $0x10;
	v56 =	vand.u32 $0xFFFF0000, v23  }
0x105: {  	v23 =	vshll.u32 v23, $0x10;
	v25 =	vsel vm2, v25, v54;
	v26 =	vshll.u32 v26, $0x10  }
0x106: {  	v23 =	vsel vm4, v56, v23;
	v25 =	vsub.f32 v25, v12;
	v26 =	vsel vm2, v26, v56  }
0x107: {  	v32 =	vsel vm1, v55, v53;
	v30 =	vsub.f32 v30, v27;
	v26 =	vsub.f32 v26, v23  }
0x108: {  	vm1 =	vgt.s32 v24, $0xFF;
	v32 =	vsub.f32 v32, v31;
	v25 =	vmul.f32 v25, v21  }
0x109: {  	vm1 =	vmxor vm0, vm1;
	v21 =	vmul.f32 v26, v21;
	v26 =	vmul.f32 v30, v11  }
0x10a: {  	v11 =	vmul.f32 v32, v11;
	v30 =	vcvt.s32.f32 v24;
	v25 =	vadd.f32 v12, v25  }
0x10b: {  	v12 =	vadd.f32 v23, v21;
	v21 =	vcvt.s32.f32 v22;
	v22 =	vadd.f32 v27, v26  }
0x10c: {  	v11 =	vadd.f32 v31, v11;
	v23 =	vsub.f32 v10, v30;
	v10 =	vmin.f32 v19, $5.110000000e+02  }
0x10d: {  	v19 =	vmax.f32 v28, $0.0e+00;
	v27 =	vadd.f32 v38, v4;
	v28 =	vmul.f32 v14, v3  }
0x10e: {  	v30 =	vmax.f32 v16, $0.0e+00;
	v26 =	vsub.f32 v12, v25;
	v12 =	vmin.f32 v17, $5.110000000e+02  }
0x10f: {  	v17 =	vsub.f32 v20, v21;
	v20 =	vsub.f32 v11, v22;
	v11 =	vmin.f32 v18, $5.110000000e+02  }
0x110: {  	v21 =	vmax.f32 v29, $0.0e+00;
	v28 =	vadd.f32 v28, v4;
	v14 =	vtrunc.f32 v11  }
0x111: {  	v24 =	vmin.f32 v21, $5.110000000e+02;
	v18 =	vmul.f32 v26, v23;
	v17 =	vmul.f32 v20, v17  }
0x112: {  	v26 =	vmax.f32 v49, $0.0e+00;
	v23 =	vmin.f32 v19, $5.110000000e+02;
	v19 =	vtrunc.f32 v10  }
0x113: {  	v14 =	vcvt.f32.s32 v14;
	v28 =	vmax.f32 v28, $0.0e+00;
	v21 =	vtrunc.f32 v23  }
0x114: {  	v18 =	vadd.f32 v18, v25;
	v17 =	vadd.f32 v17, v22;
	v25 =	vmin.f32 v26, $5.110000000e+02  }
0x115: {  	v22 =	vadd.f32 v15, v4;
	v26 =	vmax.f32 v27, $0.0e+00;
	v27 =	vtrunc.f32 v25  }
0x116: {  	v15 =	vnsel vm1, $0x0, v18;
	v18 =	vmul.f32 v13, v3;
	v13 =	vtrunc.f32 v12  }
0x117: {  	v33 =	vcvt.f32.s32 v27;
	v20 =	vadd.f32 v17, v15;
	v17 =	vmul.f32 v34, v3  }
0x118: {  	vm2 =	veq.s32 v14, $0x1FF;
	v15 =	vcvt.f32.s32 v13;
	v13 =	vcvt.f32.s32 v19  }
0x119: {  	v22 =	vmax.f32 v22, $0.0e+00;
	v19 =	vtrunc.f32 v24;
	v34 =	vcvt.f32.s32 v21  }
0x11a: {  	v16 =	vmin.f32 v5, v22;
	v22 =	vshll.u32 v14, $0x9;
	v29 =	vadd.f32 v18, v4  }
0x11b: {  	v32 =	vcvt.f32.s32 v19;
	v18 =	vmin.f32 v5, v26;
	v27 =	vtrunc.f32 v16  }
0x11c: {  	v19 =	vadd.f32 v17, v4;
	v21 =	vshll.u32 v15, $0x9;
	v17 =	vmin.f32 v5, v30  }
0x11d: {  	v26 =	vtrunc.f32 v18;
	v30 =	vshll.u32 v13, $0x9;
	vm1 =	veq.s32 v15, $0x1FF  }
0x11e: {  	v29 =	vmax.f32 v29, $0.0e+00;
	v31 =	vtrunc.f32 v17;
	v57 =	vadd.s32 v34, v21  }
0x11f: {  	v58 =	vadd.s32 v32, v22;
	v22 =	vcvt.f32.s32 v26;
	v21 =	vcvt.f32.s32 v27  }
0x120: {  	v30 =	vadd.s32 v33, v30;
	v26 =	vmin.f32 v5, v28;
	v59 =	vmax.f32 v19, $0.0e+00  }
0x121: {  	v27 =	vmin.f32 v5, v29;
	v19 =	vcvt.f32.s32 v31;
	v29 =	vshra.s32 v57, $0x1  }
0x122: {  	v31 =	vshra.s32 v58, $0x1;
	v61 =	vtrunc.f32 v26;
	v30 =	vshra.s32 v30, $0x1  }
0x123: {  	v28 =	vmin.f32 v5, v59;
	v60 =	vtrunc.f32 v27;
	v62 =	vsub.s32 v29, v0  }
0x124: {  	v63 =	vsub.s32 v31, v0;
	v54 =	vmul.u32 v22, v6;
	v55 =	vmul.u32 v21, v6  }
0x125: {  	v41 =	vsub.s32 v30, v0;
	v30 =	vcvt.f32.s32 v61;
	v31 =	vtrunc.f32 v28  }
0x126: {  	v29 =	vcvt.f32.s32 v60;
	v56 =	vmul.u32 v19, v6;
	v57 =	vadd.s32 $0x100, v62  }
0x127: {  	v42 =	vadd.s32 $0x100, v63;
	v43 =	vadd.s32 $0x100, v41;
	vm3 =	veq.s32 v7, v19  }
0x128: {  	v48 =	vadd.s32 $0x1, v62;
	v49 =	vadd.s32 $0x1, v63;
	v59 =	vadd.s32 $0x1, v41  }
0x129: {  	vm9 =	vgt.s32 v62, $0x0;
	vm11 =	vgt.s32 v63, $0x0;
	vm12 =	vgt.s32 v41, $0x0  }
0x12a: {  	v31 =	vcvt.f32.s32 v31;
	v44 =	vsel vm1, v62, v57;
	v42 =	vsel vm2, v63, v42  }
0x12b: {  	vm1 =	veq.s32 v13, $0x1FF;
	v40 =	vadd.s32 v30, v55;
	vm2 =	veq.s32 v7, v21  }
0x12c: {  	v60 =	vsel vm3, $0x0, v9;
	vm6 =	vgt.s32 v48, $0x0;
	vm7 =	vgt.s32 v49, $0x0  }
0x12d: {  	vm10 =	vgt.s32 v59, $0x0;
	v38 =	vnsel vm9, $0x0, v62;
	v39 =	vnsel vm11, $0x0, v63  }
0x12e: {  	vm14 =	vne.s32 v7, v30;
	v58 =	vadd.s32 v29, v54;
	v43 =	vsel vm1, v41, v43  }
0x12f: {  	vm1 =	veq.s32 v7, v22;
	v46 =	vadd.s32 $0x1, v44;
	v47 =	vadd.s32 $0x1, v42  }
0x130: {  	v35 =	vshra.s32 v40, $0x1;
	v52 =	vsel vm2, $0x0, v9;
	vm3 =	vgt.s32 v44, $0x0  }
0x131: {  	vm4 =	vgt.s32 v42, $0x0;
	v48 =	vnsel vm6, $0x0, v48;
	v49 =	vnsel vm7, $0x0, v49  }
0x132: {  	v40 =	vnsel vm10, $0x0, v59;
	v41 =	vnsel vm12, $0x0, v41;
	v38 =	vmin.u32 v38, v1  }
0x133: {  	v39 =	vmin.u32 v39, v1;
	v59 =	vand.u32 $0x1, v34;
	vm13 =	vne.s32 v7, v29  }
0x134: {  	v45 =	vadd.s32 v31, v56;
	v50 =	vadd.s32 $0x1, v43;
	v37 =	vshra.s32 v58, $0x1  }
0x135: {  	v51 =	vsel vm1, $0x0, v9;
	vm1 =	vgt.s32 v46, $0x0;
	vm2 =	vgt.s32 v47, $0x0  }
0x136: {  	vm8 =	vgt.s32 v43, $0x0;
	v52 =	vadd.s32 v52, v35;
	v44 =	vnsel vm3, $0x0, v44  }
0x137: {  	v42 =	vnsel vm4, $0x0, v42;
	v56 =	vadd.s32 $0x1, v35;
	v48 =	vmin.u32 v48, v1  }
0x138: {  	v49 =	vmin.u32 v49, v1;
	v40 =	vmin.u32 v40, v1;
	v41 =	vmin.u32 v41, v1  }
0x139: {  	v61 =	vand.u32 $0x1, v31;
	vm15 =	vne.s32 v7, v31;
	v31 =	vcvt.s32.f32 v31  }
0x13a: {  	v36 =	vshra.s32 v45, $0x1;
	vm5 =	vgt.s32 v50, $0x0;
	v51 =	vadd.s32 v51, v37  }
0x13b: {  	v46 =	vnsel vm1, $0x0, v46;
	v47 =	vnsel vm2, $0x0, v47;
	v43 =	vnsel vm8, $0x0, v43  }
0x13c: {  	v54 =	vadd.s32 $0x1, v52;
	v55 =	vadd.s32 $0x1, v37;
	v44 =	vmin.u32 v44, v1  }
0x13d: {  	v42 =	vmin.u32 v42, v1;
	vm11 =	vlt.s32 v56, v8;
	v45 =	vadd.s32 v60, v36  }
0x13e: {  	v50 =	vnsel vm5, $0x0, v50;
	v53 =	vadd.s32 $0x1, v51;
	v46 =	vmin.u32 v46, v1  }
0x13f: {  	v47 =	vmin.u32 v47, v1;
	v58 =	vadd.s32 $0x1, v36;
	v43 =	vmin.u32 v43, v1  }
0x140: {  	vm2 =	vlt.s32 v54, v8;
	vm3 =	vlt.s32 v55, v8;
	v56 =	vsel vm11, v56, v8  }
0x141: {  	v60 =	vand.u32 $0x1, v32;
	vm5 =	veq.s32 v59, $0x1;
	v59 =	vand.u32 $0x1, v33  }
0x142: {  	v57 =	vadd.s32 $0x1, v45;
	v50 =	vmin.u32 v50, v1;
	vm1 =	vlt.s32 v53, v8  }
0x143: {  	v54 =	vsel vm2, v54, v8;
	v55 =	vsel vm3, v55, v8;
	vm4 =	veq.s32 v60, $0x1  }
0x144: {  	v60 =	vand.u32 $0x1, v29;
	vm6 =	veq.s32 v59, $0x1;
	vm2 =	vne.s32 v32, $0x1FF;
	v38 =	vld.idx.msk [tilespmem:v38+s6+$0x0], $0xffff  }
0x145: {  	vm3 =	vne.s32 v33, $0x1FF;
	v32 =	vcvt.s32.f32 v32;
	v33 =	vcvt.s32.f32 v33;
	v39 =	vld.idx.msk [tilespmem:v39+s6+$0x0], $0xffff  }
0x146: {  	v59 =	vand.u32 $0x1, v30;
	v29 =	vcvt.s32.f32 v29;
	v30 =	vcvt.s32.f32 v30;
	v35 =	vld.idx.msk [tilespmem:v35+s21+$0x0], $0xffff  }
0x147: {  	vm12 =	vlt.s32 v57, v8;
	v53 =	vsel vm1, v53, v8;
	vm1 =	vlt.s32 v58, v8;
	v52 =	vld.idx.msk [tilespmem:v52+s21+$0x0], $0xffff  }
0x148: {  	vm11 =	vmand vm2, vm4;
	vm2 =	veq.s32 v59, $0x1;
	v57 =	vsel vm12, v57, v8;
	v48 =	vld.idx.msk [tilespmem:v48+s6+$0x0], $0xffff  }
0x149: {  	v58 =	vsel vm1, v58, v8;
	vm1 =	vne.s32 v34, $0x1FF;
	v49 =	vld.idx.msk [tilespmem:v49+s6+$0x0], $0xffff;
	vm12 =	vmand vm3, vm6  }
0x14a: {  	v40 =	vld.idx.msk [tilespmem:v40+s6+$0x0], $0xffff;
	v34 =	vcvt.s32.f32 v34;
	vm3 =	veq.s32 v61, $0x1;
	v24 =	vsub.f32 v24, v32  }
0x14b: {  	vm14 =	vmand vm14, vm2;
	v25 =	vsub.f32 v25, v33;
	v26 =	vsub.f32 v26, v30;
	v44 =	vld.idx.msk [tilespmem:v44+s6+$0x0], $0xffff  }
0x14c: {  	v30 =	vsub.f32 v28, v31;
	v42 =	vld.idx.msk [tilespmem:v42+s6+$0x0], $0xffff;
	vm10 =	vmand vm1, vm5;
	vm1 =	veq.s32 v60, $0x1  }
0x14d: {  	vm15 =	vmand vm15, vm3;
	v46 =	vld.idx.msk [tilespmem:v46+s6+$0x0], $0xffff;
	vm13 =	vmand vm13, vm1;
	v34 =	vsub.f32 v23, v34  }
0x14e: {  	v47 =	vld.idx.msk [tilespmem:v47+s6+$0x0], $0xffff;
	v23 =	vcvt.s32.f32 v15;
	v61 =	vand.u32 $0xFFFF0000, v38;
	v38 =	vshll.u32 v38, $0x10  }
0x14f: {  	v43 =	vld.idx.msk [tilespmem:v43+s6+$0x0], $0xffff;
	v63 =	vand.u32 $0xFFFF0000, v39;
	v39 =	vshll.u32 v39, $0x10;
	v48 =	vshll.u32 v48, $0x10  }
0x150: {  	v56 =	vld.idx.msk [tilespmem:v56+s21+$0x0], $0xffff;
	v49 =	vshll.u32 v49, $0x10;
	v40 =	vshll.u32 v40, $0x10;
	v38 =	vsel vm5, v61, v38  }
0x151: {  	v45 =	vld.idx.msk [tilespmem:v45+s21+$0x0], $0xffff;
	v39 =	vsel vm4, v63, v39;
	v62 =	vand.u32 $0xFFFF0000, v44;
	v44 =	vshll.u32 v44, $0x10  }
0x152: {  	v50 =	vld.idx.msk [tilespmem:v50+s6+$0x0], $0xffff;
	v60 =	vand.u32 $0xFFFF0000, v42;
	v42 =	vshll.u32 v42, $0x10;
	v48 =	vsel vm10, v48, v61  }
0x153: {  	v41 =	vld.idx.msk [tilespmem:v41+s6+$0x0], $0xffff;
	v49 =	vsel vm11, v49, v63;
	v63 =	vand.u32 $0xFFFF0000, v35;
	v35 =	vshll.u32 v35, $0x10  }
0x154: {  	v54 =	vld.idx.msk [tilespmem:v54+s21+$0x0], $0xffff;
	v46 =	vshll.u32 v46, $0x10;
	v47 =	vshll.u32 v47, $0x10;
	v59 =	vand.u32 $0xFFFF0000, v43  }
0x155: {  	v55 =	vld.idx.msk [tilespmem:v55+s21+$0x0], $0xffff;
	v43 =	vshll.u32 v43, $0x10;
	v44 =	vsel vm5, v62, v44;
	v42 =	vsel vm4, v60, v42  }
0x156: {  	v37 =	vld.idx.msk [tilespmem:v37+s21+$0x0], $0xffff;
	v56 =	vshll.u32 v56, $0x10;
	v61 =	vand.u32 $0xFFFF0000, v45;
	v45 =	vshll.u32 v45, $0x10  }
0x157: {  	v53 =	vld.idx.msk [tilespmem:v53+s21+$0x0], $0xffff;
	v48 =	vsub.f32 v48, v38;
	v49 =	vsub.f32 v49, v39;
	v50 =	vshll.u32 v50, $0x10  }
0x158: {  	v51 =	vld.idx.msk [tilespmem:v51+s21+$0x0], $0xffff;
	v46 =	vsel vm10, v46, v62;
	v47 =	vsel vm11, v47, v60;
	v62 =	vand.u32 $0xFFFF0000, v41  }
0x159: {  	v41 =	vshll.u32 v41, $0x10;
	v43 =	vsel vm6, v59, v43;
	v54 =	vshll.u32 v54, $0x10  }
0x15a: {  	v57 =	vld.idx.msk [tilespmem:v57+s21+$0x0], $0xffff;
	v55 =	vshll.u32 v55, $0x10;
	v60 =	vand.u32 $0xFFFF0000, v52;
	v52 =	vshll.u32 v52, $0x10  }
0x15b: {  	v58 =	vld.idx.msk [tilespmem:v58+s21+$0x0], $0xffff;
	v56 =	vsel vm14, v56, v63;
	v45 =	vsel vm3, v61, v45;
	v50 =	vsel vm12, v50, v59  }
0x15c: {  	v36 =	vld.idx.msk [tilespmem:v36+s21+$0x0], $0xffff;
	v53 =	vshll.u32 v53, $0x10;
	v40 =	vsel vm12, v40, v62;
	v41 =	vsel vm6, v62, v41  }
0x15d: {  	v59 =	vand.u32 $0xFFFF0000, v51;
	v51 =	vshll.u32 v51, $0x10;
	v62 =	vand.u32 $0xFFFF0000, v37  }
0x15e: {  	v37 =	vshll.u32 v37, $0x10;
	v46 =	vsub.f32 v46, v44;
	v47 =	vsub.f32 v47, v42  }
0x15f: {  	v54 =	vsel vm14, v54, v60;
	v52 =	vsel vm2, v60, v52;
	v60 =	vsel vm2, v63, v35  }
0x160: {  	v31 =	vmul.f32 v49, v24;
	v57 =	vshll.u32 v57, $0x10;
	v58 =	vshll.u32 v58, $0x10  }
0x161: {  	v53 =	vsel vm13, v53, v59;
	v51 =	vsel vm1, v59, v51;
	v59 =	vand.u32 $0xFFFF0000, v36  }
0x162: {  	v36 =	vshll.u32 v36, $0x10;
	v50 =	vsub.f32 v50, v43;
	v40 =	vsub.f32 v40, v41  }
0x163: {  	v55 =	vsel vm13, v55, v62;
	v37 =	vsel vm1, v62, v37;
	v35 =	vsub.f32 v54, v52  }
0x164: {  	v62 =	vsub.f32 v27, v29;
	v57 =	vsel vm15, v57, v61;
	v58 =	vsel vm15, v58, v59  }
0x165: {  	v59 =	vsel vm3, v59, v36;
	v32 =	vsub.f32 v53, v51;
	v33 =	vmul.f32 v46, v34  }
0x166: {  	v61 =	vsub.f32 v55, v37;
	v47 =	vmul.f32 v47, v24;
	v53 =	vsub.f32 v56, v60  }
0x167: {  	v34 =	vmul.f32 v48, v34;
	v36 =	vsub.f32 v57, v45;
	v50 =	vmul.f32 v50, v25  }
0x168: {  	v63 =	vsub.f32 v58, v59;
	v25 =	vmul.f32 v40, v25;
	v57 =	vmul.f32 v35, v26  }
0x169: {  	s29 =	simm.s32 $0x0;
	v35 =	vcvt.s32.f32 v14;
	v27 =	vadd.f32 v44, v33;
	v32 =	vmul.f32 v32, v62  }
0x16a: {  	s1 =	sand.u32 $0x3FFFFF80, s29;
	v29 =	vadd.f32 v42, v47;
	v58 =	vmul.f32 v61, v62;
	v24 =	vadd.f32 v38, v34  }
0x16b: {  	s1 =	sadd.s32 s1, s4;
	v62 =	vmul.f32 v53, v26;
	v26 =	vadd.f32 v39, v31;
	v34 =	vcvt.s32.f32 v21  }
0x16c: {  	s1 =	sadd.s32 $0x1C900, s1;
	v28 =	vadd.f32 v43, v50;
	v61 =	vmul.f32 v36, v30;
	v25 =	vadd.f32 v41, v25  }
0x16d: {  	s31 =	sor.u32 s11, s1;
	v63 =	vmul.f32 v63, v30;
	v30 =	vadd.f32 v52, v57;
	v31 =	vadd.f32 v51, v32  }
0x16e: {  	s14 =	sshll.u32 s5, $0x1;
	s2 =	simm.s32 $0x0;
	s4 =	simm.s32 $0x0;
	[tilespmem:s31+$0x0] =	vst v20;
	v32 =	vcvt.s32.f32 v22;
	v22 =	vadd.f32 v37, v58;
	v20 =	vadd.f32 v60, v62  }
0x16f: {  	s8 =	sor.u32 s20, s1;
	s7 =	sor.u32 s25, s1;
	s11 =	sor.u32 s12, s1;
	v36 =	vcvt.s32.f32 v13;
	v33 =	vadd.f32 v45, v61;
	v21 =	vadd.f32 v59, v63  }
.LBB2_11:
0x170: {  	s4 =	sadd.s32 $0x4, s4;
	v27 =	vsub.f32 v27, v24;
	v29 =	vsub.f32 v29, v26;
	v19 =	vcvt.s32.f32 v19  }
0x171: {  	v12 =	vsub.f32 v12, v23;
	vm1 =	vgt.s32 v15, $0xFF;
	v15 =	vsub.f32 v28, v25;
	s1 =	sshll.u32 s4, $0x7  }
0x172: {  	v11 =	vsub.f32 v11, v35;
	vm2 =	vgt.s32 v14, $0xFF;
	v10 =	vsub.f32 v10, v36;
	s10 =	sshll.u32 s4, $0x5;
	s17 =	sand.u32 $0xC00, s1  }
0x173: {  	v14 =	vsub.f32 v31, v22;
	s2 =	sadd.s32 $0x40, s2;
	v23 =	vsub.f32 v30, v20;
	s1 =	sand.u32 $0x3FFFFC00, s10;
	v12 =	vmul.f32 v27, v12;
	s10 =	sshrl.u32 s17, $0x2  }
0x174: {  	v18 =	vsub.f32 v18, v32;
	s12 =	sand.u32 $0x40, s2;
	p3 =	slt.u32 s4, $0xFC;
	v11 =	vmul.f32 v29, v11;
	v27 =	vsub.f32 v33, v21;
	s1 =	sor.u32 s10, s1  }
0x175: {  	v16 =	vsub.f32 v16, v34;
	s29 =	sor.u32 $0x10, s12;
	v10 =	vmul.f32 v15, v10;
	v15 =	vsub.f32 v17, v19;
	s10 =	sor.u32 $0x30, s12;
	s1 =	sadd.s32 $0x18900, s1  }
0x176: {  	s31 =	sor.u32 $0x20, s12;
	v14 =	vmul.f32 v14, v18;
	v12 =	vadd.f32 v12, v24;
	v11 =	vadd.f32 v11, v26;
	s20 =	sor.u32 s12, s1;
	s24 =	sor.u32 s10, s1  }
0x177: {  	v16 =	vmul.f32 v23, v16;
	v18 =	vadd.f32 v10, v25;
	v10 =	vmul.f32 v27, v15;
	s25 =	sor.u32 s29, s1;
	s1 =	sor.u32 s31, s1;
	v17 =	vld [tilespmem:s24+$0x80]  }
0x178: {  	vm3 =	vgt.s32 v13, $0xFF;
	vm1 =	vmxor vm0, vm1;
	v14 =	vadd.f32 v14, v22;
	v19 =	vld [tilespmem:s24+$0x0]  }
0x179: {  	vm2 =	vmxor vm0, vm2;
	v13 =	vadd.f32 v16, v20;
	v15 =	vadd.f32 v10, v21;
	v22 =	vld [tilespmem:s20+$0x80]  }
0x17a: {  	v12 =	vnsel vm1, $0x0, v12;
	v11 =	vnsel vm2, $0x0, v11;
	vm1 =	vmxor vm0, vm3;
	v20 =	vld [tilespmem:s25+$0x80]  }
0x17b: {  	v12 =	vadd.f32 v14, v12;
	v11 =	vadd.f32 v13, v11;
	v14 =	vnsel vm1, $0x0, v18;
	v10 =	vld [tilespmem:s1+$0x80]  }
0x17c: {  	v18 =	vadd.f32 v15, v14;
	v13 =	vld [tilespmem:s20+$0x0];
	v16 =	vmul.f32 v17, v3  }
0x17d: {  	v17 =	vmul.f32 $2.560000000e+02, v17;
	v15 =	vld [tilespmem:s25+$0x0];
	v21 =	vmul.f32 $2.560000000e+02, v19;
	[tilespmem:s8+$0x0] =	vst v12  }
0x17e: {  	v12 =	vmul.f32 v19, v3;
	v23 =	vmul.f32 $2.560000000e+02, v22;
	v14 =	vld [tilespmem:s1+$0x0];
	v16 =	vadd.f32 v16, v4;
	[tilespmem:s7+$0x0] =	vst v11  }
0x17f: {  	v17 =	vadd.f32 $2.555000000e+02, v17;
	v19 =	vmul.f32 $2.560000000e+02, v20;
	v11 =	vadd.f32 $2.555000000e+02, v21;
	[tilespmem:s11+$0x0] =	vst v18  }
0x180: {  	v21 =	vadd.f32 v12, v4;
	v18 =	vmul.f32 $2.560000000e+02, v10;
	v12 =	vmax.f32 v16, $0.0e+00  }
0x181: {  	v17 =	vmax.f32 v17, $0.0e+00;
	v16 =	vmax.f32 v11, $0.0e+00;
	v11 =	vmin.f32 v5, v12  }
0x182: {  	v12 =	vmin.f32 v17, $5.110000000e+02;
	v24 =	vmin.f32 v16, $5.110000000e+02;
	v17 =	vtrunc.f32 v11  }
0x183: {  	v21 =	vmax.f32 v21, $0.0e+00;
	v16 =	vtrunc.f32 v12;
	v25 =	vtrunc.f32 v24  }
0x184: {  	v21 =	vmin.f32 v5, v21;
	v16 =	vcvt.f32.s32 v16;
	v17 =	vcvt.f32.s32 v17  }
0x185: {  	v23 =	vadd.f32 $2.555000000e+02, v23;
	v26 =	vtrunc.f32 v21;
	v25 =	vcvt.f32.s32 v25  }
0x186: {  	v26 =	vcvt.f32.s32 v26;
	v27 =	vshll.u32 v16, $0x9;
	v28 =	vmul.u32 v17, v6  }
0x187: {  	v29 =	vmul.f32 $2.560000000e+02, v13;
	v30 =	vmul.f32 $2.560000000e+02, v15;
	v27 =	vadd.s32 v25, v27  }
0x188: {  	vm1 =	veq.s32 v7, v17;
	v27 =	vshra.s32 v27, $0x1;
	v28 =	vadd.s32 v26, v28  }
0x189: {  	vm2 =	veq.s32 v16, $0x1FF;
	v27 =	vsub.s32 v27, v0;
	v28 =	vshra.s32 v28, $0x1  }
0x18a: {  	v32 =	vsel vm1, $0x0, v9;
	vm3 =	vgt.s32 v27, $0x0;
	v31 =	vadd.s32 $0x1, v28  }
0x18b: {  	v33 =	vadd.s32 $0x1, v27;
	v34 =	vadd.s32 $0x100, v27;
	v32 =	vadd.s32 v32, v28  }
0x18c: {  	v35 =	vnsel vm3, $0x0, v27;
	vm1 =	vlt.s32 v31, v8;
	v36 =	vadd.s32 $0x1, v32  }
0x18d: {  	vm3 =	vgt.s32 v33, $0x0;
	v27 =	vsel vm2, v27, v34;
	v31 =	vsel vm1, v31, v8  }
0x18e: {  	v34 =	vmin.u32 v35, v1;
	v33 =	vnsel vm3, $0x0, v33;
	vm1 =	vlt.s32 v36, v8  }
0x18f: {  	vm2 =	vgt.s32 v27, $0x0;
	v35 =	vadd.s32 $0x1, v27;
	v36 =	vsel vm1, v36, v8  }
0x190: {  	v33 =	vmin.u32 v33, v1;
	v27 =	vnsel vm2, $0x0, v27;
	vm1 =	vgt.s32 v35, $0x0;
	v28 =	vld.idx.msk [tilespmem:v28+s21+$0x0], $0xffff  }
0x191: {  	v37 =	vmul.f32 $2.560000000e+02, v14;
	v27 =	vmin.u32 v27, v1;
	v35 =	vnsel vm1, $0x0, v35;
	v32 =	vld.idx.msk [tilespmem:v32+s21+$0x0], $0xffff  }
0x192: {  	v19 =	vadd.f32 $2.555000000e+02, v19;
	v18 =	vadd.f32 $2.555000000e+02, v18;
	v35 =	vmin.u32 v35, v1;
	v31 =	vld.idx.msk [tilespmem:v31+s21+$0x0], $0xffff  }
0x193: {  	v22 =	vmul.f32 v22, v3;
	v29 =	vadd.f32 $2.555000000e+02, v29;
	v30 =	vadd.f32 $2.555000000e+02, v30;
	v34 =	vld.idx.msk [tilespmem:v34+s6+$0x0], $0xffff  }
0x194: {  	v20 =	vmul.f32 v20, v3;
	v37 =	vadd.f32 $2.555000000e+02, v37;
	v38 =	vcvt.s32.f32 v26;
	v36 =	vld.idx.msk [tilespmem:v36+s21+$0x0], $0xffff  }
0x195: {  	v39 =	vcvt.s32.f32 v25;
	v40 =	vand.u32 $0x1, v26;
	vm1 =	vne.s32 v7, v26;
	v33 =	vld.idx.msk [tilespmem:v33+s6+$0x0], $0xffff  }
0x196: {  	vm3 =	veq.s32 v40, $0x1;
	vm2 =	vne.s32 v25, $0x1FF;
	v26 =	vand.u32 $0x1, v25;
	v25 =	vld.idx.msk [tilespmem:v27+s6+$0x0], $0xffff  }
0x197: {  	v24 =	vsub.f32 v24, v39;
	v21 =	vsub.f32 v21, v38;
	vm4 =	veq.s32 v26, $0x1;
	v26 =	vld.idx.msk [tilespmem:v35+s6+$0x0], $0xffff  }
0x198: {  	vm1 =	vmand vm1, vm3;
	vm2 =	vmand vm2, vm4;
	v27 =	vand.u32 $0xFFFF0000, v28  }
0x199: {  	v28 =	vshll.u32 v28, $0x10;
	v35 =	vand.u32 $0xFFFF0000, v32;
	v32 =	vshll.u32 v32, $0x10  }
0x19a: {  	v28 =	vsel vm3, v27, v28;
	v31 =	vshll.u32 v31, $0x10;
	v32 =	vsel vm3, v35, v32  }
0x19b: {  	v38 =	vand.u32 $0xFFFF0000, v34;
	v34 =	vshll.u32 v34, $0x10;
	v27 =	vsel vm1, v31, v27  }
0x19c: {  	v31 =	vsel vm4, v38, v34;
	v34 =	vshll.u32 v36, $0x10;
	v33 =	vshll.u32 v33, $0x10  }
0x19d: {  	v36 =	vand.u32 $0xFFFF0000, v25;
	v25 =	vshll.u32 v25, $0x10;
	v26 =	vshll.u32 v26, $0x10  }
0x19e: {  	v33 =	vsel vm2, v33, v38;
	v25 =	vsel vm4, v36, v25;
	v26 =	vsel vm2, v26, v36  }
0x19f: {  	v34 =	vsel vm1, v34, v35;
	v33 =	vsub.f32 v33, v31;
	v26 =	vsub.f32 v26, v25  }
0x1a0: {  	v35 =	vmul.f32 v10, v3;
	v10 =	vsub.f32 v27, v28;
	v27 =	vsub.f32 v34, v32  }
0x1a1: {  	v23 =	vmax.f32 v23, $0.0e+00;
	v33 =	vmul.f32 v33, v24;
	v24 =	vmul.f32 v26, v24  }
0x1a2: {  	v19 =	vmax.f32 v19, $0.0e+00;
	v10 =	vmul.f32 v10, v21;
	v21 =	vmul.f32 v27, v21  }
0x1a3: {  	v26 =	vcvt.s32.f32 v16;
	v27 =	vadd.f32 v31, v33;
	v24 =	vadd.f32 v25, v24  }
0x1a4: {  	v17 =	vcvt.s32.f32 v17;
	v25 =	vadd.f32 v28, v10;
	v10 =	vadd.f32 v32, v21  }
0x1a5: {  	v18 =	vmax.f32 v18, $0.0e+00;
	v21 =	vsub.f32 v12, v26;
	v24 =	vsub.f32 v24, v27  }
0x1a6: {  	v17 =	vsub.f32 v11, v17;
	v12 =	vmin.f32 v23, $5.110000000e+02;
	v23 =	vsub.f32 v10, v25  }
0x1a7: {  	v11 =	vmin.f32 v19, $5.110000000e+02;
	v10 =	vmin.f32 v18, $5.110000000e+02;
	v18 =	vmul.f32 v24, v21  }
0x1a8: {  	v19 =	vmax.f32 v29, $0.0e+00;
	v21 =	vmax.f32 v30, $0.0e+00;
	v17 =	vmul.f32 v23, v17  }
0x1a9: {  	s1 =	sshll.u32 s4, $0x2;
	vm1 =	vgt.s32 v16, $0xFF;
	v24 =	vmax.f32 v37, $0.0e+00;
	v18 =	vadd.f32 v18, v27  }
0x1aa: {  	s1 =	sand.u32 $0x3FFFFF80, s1;
	vm1 =	vmxor vm0, vm1;
	v16 =	vadd.f32 v22, v4;
	v17 =	vadd.f32 v17, v25  }
0x1ab: {  	s1 =	sadd.s32 s1, s17;
	v22 =	vadd.f32 v20, v4;
	v25 =	vadd.f32 v35, v4;
	v18 =	vnsel vm1, $0x0, v18  }
0x1ac: {  	s1 =	sadd.s32 $0x1C900, s1;
	v26 =	vmul.f32 v13, v3;
	v27 =	vmul.f32 v15, v3;
	v13 =	vadd.f32 v17, v18  }
0x1ad: {  	s8 =	sor.u32 s12, s1;
	s7 =	sor.u32 s29, s1;
	s10 =	sor.u32 s10, s1;
	v20 =	vmin.f32 v19, $5.110000000e+02;
	v15 =	vtrunc.f32 v12;
	v17 =	vmul.f32 v14, v3  }
0x1ae: {  	s11 =	sor.u32 s31, s1;
	v23 =	vmin.f32 v21, $5.110000000e+02;
	v14 =	vtrunc.f32 v11;
	v18 =	vtrunc.f32 v10;
	[tilespmem:s10+$0x0] =	vst v13  }
0x1af: {  	v24 =	vmin.f32 v24, $5.110000000e+02;
	v15 =	vcvt.f32.s32 v15;
	v14 =	vcvt.f32.s32 v14  }
0x1b0: {  	v19 =	vtrunc.f32 v20;
	v16 =	vmax.f32 v16, $0.0e+00;
	v13 =	vcvt.f32.s32 v18  }
0x1b1: {  	v21 =	vmax.f32 v22, $0.0e+00;
	v22 =	vtrunc.f32 v24;
	v18 =	vtrunc.f32 v23  }
0x1b2: {  	v26 =	vadd.f32 v26, v4;
	v27 =	vadd.f32 v27, v4;
	v25 =	vmax.f32 v25, $0.0e+00  }
0x1b3: {  	v33 =	vcvt.f32.s32 v19;
	v19 =	vadd.f32 v17, v4;
	v31 =	vcvt.f32.s32 v18  }
0x1b4: {  	v32 =	vcvt.f32.s32 v22;
	v18 =	vmin.f32 v5, v16;
	v16 =	vmin.f32 v5, v21  }
0x1b5: {  	v17 =	vmin.f32 v5, v25;
	v22 =	vshll.u32 v14, $0x9;
	v21 =	vshll.u32 v15, $0x9  }
0x1b6: {  	v25 =	vtrunc.f32 v18;
	v28 =	vtrunc.f32 v16;
	v29 =	vshll.u32 v13, $0x9  }
0x1b7: {  	v26 =	vmax.f32 v26, $0.0e+00;
	v27 =	vmax.f32 v27, $0.0e+00;
	v30 =	vtrunc.f32 v17  }
0x1b8: {  	v36 =	vmax.f32 v19, $0.0e+00;
	v34 =	vadd.s32 v33, v21;
	v35 =	vadd.s32 v31, v22  }
0x1b9: {  	v22 =	vcvt.f32.s32 v25;
	v21 =	vcvt.f32.s32 v28;
	v28 =	vadd.s32 v32, v29  }
0x1ba: {  	v26 =	vmin.f32 v5, v26;
	v19 =	vcvt.f32.s32 v30;
	v25 =	vmin.f32 v5, v27  }
0x1bb: {  	v29 =	vshra.s32 v34, $0x1;
	v27 =	vmin.f32 v5, v36;
	v30 =	vshra.s32 v35, $0x1  }
0x1bc: {  	v34 =	vtrunc.f32 v26;
	v35 =	vtrunc.f32 v25;
	v28 =	vshra.s32 v28, $0x1  }
0x1bd: {  	v37 =	vsub.s32 v29, v0;
	v38 =	vsub.s32 v30, v0;
	v30 =	vtrunc.f32 v27  }
0x1be: {  	v36 =	vmul.u32 v22, v6;
	v39 =	vmul.u32 v21, v6;
	v40 =	vsub.s32 v28, v0  }
0x1bf: {  	v28 =	vcvt.f32.s32 v34;
	v29 =	vcvt.f32.s32 v35;
	v34 =	vmul.u32 v19, v6  }
0x1c0: {  	v35 =	vadd.s32 $0x100, v37;
	v41 =	vadd.s32 $0x100, v38;
	v30 =	vcvt.f32.s32 v30  }
0x1c1: {  	vm1 =	veq.s32 v15, $0x1FF;
	vm2 =	veq.s32 v14, $0x1FF;
	v42 =	vadd.s32 $0x100, v40  }
0x1c2: {  	v43 =	vsel vm1, v37, v35;
	vm1 =	veq.s32 v13, $0x1FF;
	v41 =	vsel vm2, v38, v41  }
0x1c3: {  	v35 =	vadd.s32 v28, v36;
	v36 =	vadd.s32 v29, v39;
	v39 =	vsel vm1, v40, v42  }
0x1c4: {  	vm1 =	veq.s32 v7, v22;
	vm2 =	veq.s32 v7, v21;
	v34 =	vadd.s32 v30, v34  }
0x1c5: {  	vm3 =	veq.s32 v7, v19;
	v42 =	vadd.s32 $0x1, v43;
	v44 =	vadd.s32 $0x1, v41  }
0x1c6: {  	v45 =	vadd.s32 $0x1, v37;
	v46 =	vadd.s32 $0x1, v38;
	v47 =	vadd.s32 $0x1, v39  }
0x1c7: {  	v50 =	vadd.s32 $0x1, v40;
	v48 =	vshra.s32 v35, $0x1;
	v49 =	vshra.s32 v36, $0x1  }
0x1c8: {  	v35 =	vsel vm1, $0x0, v9;
	v36 =	vsel vm2, $0x0, v9;
	v51 =	vshra.s32 v34, $0x1  }
0x1c9: {  	v52 =	vsel vm3, $0x0, v9;
	vm1 =	vgt.s32 v42, $0x0;
	vm2 =	vgt.s32 v44, $0x0  }
0x1ca: {  	vm3 =	vgt.s32 v43, $0x0;
	vm4 =	vgt.s32 v41, $0x0;
	vm5 =	vgt.s32 v47, $0x0  }
0x1cb: {  	vm6 =	vgt.s32 v45, $0x0;
	vm7 =	vgt.s32 v46, $0x0;
	vm8 =	vgt.s32 v39, $0x0  }
0x1cc: {  	vm9 =	vgt.s32 v37, $0x0;
	vm10 =	vgt.s32 v50, $0x0;
	v53 =	vadd.s32 v35, v48;
	v34 =	vld.idx.msk [tilespmem:v48+s21+$0x0], $0xffff  }
0x1cd: {  	vm11 =	vgt.s32 v38, $0x0;
	vm12 =	vgt.s32 v40, $0x0;
	v54 =	vadd.s32 v36, v49;
	v35 =	vld.idx.msk [tilespmem:v49+s21+$0x0], $0xffff  }
0x1ce: {  	v42 =	vnsel vm1, $0x0, v42;
	v44 =	vnsel vm2, $0x0, v44;
	v52 =	vadd.s32 v52, v51;
	v36 =	vld.idx.msk [tilespmem:v51+s21+$0x0], $0xffff  }
0x1cf: {  	v43 =	vnsel vm3, $0x0, v43;
	v41 =	vnsel vm4, $0x0, v41;
	v47 =	vnsel vm5, $0x0, v47  }
0x1d0: {  	v45 =	vnsel vm6, $0x0, v45;
	v46 =	vnsel vm7, $0x0, v46;
	v55 =	vnsel vm8, $0x0, v39  }
0x1d1: {  	v56 =	vnsel vm9, $0x0, v37;
	v50 =	vnsel vm10, $0x0, v50;
	v57 =	vadd.s32 $0x1, v53;
	v37 =	vld.idx.msk [tilespmem:v53+s21+$0x0], $0xffff  }
0x1d2: {  	v40 =	vnsel vm12, $0x0, v40;
	v58 =	vadd.s32 $0x1, v54;
	v53 =	vnsel vm11, $0x0, v38;
	v38 =	vld.idx.msk [tilespmem:v54+s21+$0x0], $0xffff  }
0x1d3: {  	v48 =	vadd.s32 $0x1, v48;
	v49 =	vadd.s32 $0x1, v49;
	v54 =	vadd.s32 $0x1, v52;
	v39 =	vld.idx.msk [tilespmem:v52+s21+$0x0], $0xffff  }
0x1d4: {  	v42 =	vmin.u32 v42, v1;
	v44 =	vmin.u32 v44, v1;
	v51 =	vadd.s32 $0x1, v51  }
0x1d5: {  	v43 =	vmin.u32 v43, v1;
	v41 =	vmin.u32 v41, v1;
	v47 =	vmin.u32 v47, v1  }
0x1d6: {  	v45 =	vmin.u32 v45, v1;
	v46 =	vmin.u32 v46, v1;
	v52 =	vmin.u32 v55, v1  }
0x1d7: {  	v50 =	vmin.u32 v50, v1;
	vm1 =	vlt.s32 v57, v8;
	v55 =	vmin.u32 v56, v1  }
0x1d8: {  	v40 =	vmin.u32 v40, v1;
	vm2 =	vlt.s32 v58, v8;
	v53 =	vmin.u32 v53, v1  }
0x1d9: {  	vm3 =	vlt.s32 v48, v8;
	vm4 =	vlt.s32 v49, v8;
	vm5 =	vlt.s32 v54, v8;
	v42 =	vld.idx.msk [tilespmem:v42+s6+$0x0], $0xffff  }
0x1da: {  	v56 =	vsel vm1, v57, v8;
	v57 =	vsel vm2, v58, v8;
	vm1 =	vlt.s32 v51, v8;
	v44 =	vld.idx.msk [tilespmem:v44+s6+$0x0], $0xffff  }
0x1db: {  	v48 =	vsel vm3, v48, v8;
	v49 =	vsel vm4, v49, v8;
	v54 =	vsel vm5, v54, v8;
	v47 =	vld.idx.msk [tilespmem:v47+s6+$0x0], $0xffff  }
0x1dc: {  	v59 =	vand.u32 $0x1, v31;
	v58 =	vand.u32 $0x1, v33;
	v51 =	vsel vm1, v51, v8;
	v43 =	vld.idx.msk [tilespmem:v43+s6+$0x0], $0xffff  }
0x1dd: {  	vm4 =	veq.s32 v59, $0x1;
	vm5 =	veq.s32 v58, $0x1;
	v58 =	vand.u32 $0x1, v32;
	v41 =	vld.idx.msk [tilespmem:v41+s6+$0x0], $0xffff  }
0x1de: {  	v59 =	vand.u32 $0x1, v28;
	vm1 =	vne.s32 v33, $0x1FF;
	vm6 =	veq.s32 v58, $0x1;
	v52 =	vld.idx.msk [tilespmem:v52+s6+$0x0], $0xffff  }
0x1df: {  	vm3 =	vne.s32 v32, $0x1FF;
	vm2 =	vne.s32 v31, $0x1FF;
	v58 =	vand.u32 $0x1, v29;
	v45 =	vld.idx.msk [tilespmem:v45+s6+$0x0], $0xffff  }
0x1e0: {  	v60 =	vand.u32 $0x1, v30;
	v42 =	vshll.u32 v42, $0x10;
	v44 =	vshll.u32 v44, $0x10;
	v46 =	vld.idx.msk [tilespmem:v46+s6+$0x0], $0xffff  }
0x1e1: {  	vm10 =	vmand vm2, vm4;
	vm9 =	vmand vm1, vm5;
	v47 =	vshll.u32 v47, $0x10;
	v50 =	vld.idx.msk [tilespmem:v50+s6+$0x0], $0xffff  }
0x1e2: {  	vm12 =	vmand vm3, vm6;
	v61 =	vand.u32 $0xFFFF0000, v43;
	v43 =	vshll.u32 v43, $0x10;
	v55 =	vld.idx.msk [tilespmem:v55+s6+$0x0], $0xffff  }
0x1e3: {  	vm1 =	veq.s32 v59, $0x1;
	v59 =	vand.u32 $0xFFFF0000, v41;
	v41 =	vshll.u32 v41, $0x10;
	v53 =	vld.idx.msk [tilespmem:v53+s6+$0x0], $0xffff  }
0x1e4: {  	vm2 =	veq.s32 v58, $0x1;
	v58 =	vand.u32 $0xFFFF0000, v52;
	v52 =	vshll.u32 v52, $0x10;
	v40 =	vld.idx.msk [tilespmem:v40+s6+$0x0], $0xffff  }
0x1e5: {  	v33 =	vcvt.s32.f32 v33;
	vm3 =	veq.s32 v60, $0x1;
	v45 =	vshll.u32 v45, $0x10;
	v56 =	vld.idx.msk [tilespmem:v56+s21+$0x0], $0xffff  }
0x1e6: {  	vm7 =	vne.s32 v7, v28;
	v31 =	vcvt.s32.f32 v31;
	v46 =	vshll.u32 v46, $0x10;
	v57 =	vld.idx.msk [tilespmem:v57+s21+$0x0], $0xffff  }
0x1e7: {  	vm8 =	vne.s32 v7, v29;
	v32 =	vcvt.s32.f32 v32;
	v50 =	vshll.u32 v50, $0x10;
	v54 =	vld.idx.msk [tilespmem:v54+s21+$0x0], $0xffff  }
0x1e8: {  	vm11 =	vne.s32 v7, v30;
	v60 =	vand.u32 $0xFFFF0000, v55;
	v55 =	vshll.u32 v55, $0x10;
	v48 =	vld.idx.msk [tilespmem:v48+s21+$0x0], $0xffff  }
0x1e9: {  	v42 =	vsel vm9, v42, v61;
	v62 =	vand.u32 $0xFFFF0000, v53;
	v53 =	vshll.u32 v53, $0x10;
	v49 =	vld.idx.msk [tilespmem:v49+s21+$0x0], $0xffff  }
0x1ea: {  	v44 =	vsel vm10, v44, v59;
	v63 =	vand.u32 $0xFFFF0000, v40;
	v40 =	vshll.u32 v40, $0x10;
	v51 =	vld.idx.msk [tilespmem:v51+s21+$0x0], $0xffff  }
0x1eb: {  	v43 =	vsel vm5, v61, v43;
	v41 =	vsel vm4, v59, v41;
	v47 =	vsel vm12, v47, v58  }
0x1ec: {  	v52 =	vsel vm6, v58, v52;
	v45 =	vsel vm9, v45, v60;
	v46 =	vsel vm10, v46, v62  }
0x1ed: {  	v55 =	vsel vm5, v60, v55;
	v56 =	vshll.u32 v56, $0x10;
	v50 =	vsel vm12, v50, v63  }
0x1ee: {  	v53 =	vsel vm4, v62, v53;
	v40 =	vsel vm6, v63, v40;
	v57 =	vshll.u32 v57, $0x10  }
0x1ef: {  	v54 =	vshll.u32 v54, $0x10;
	v48 =	vshll.u32 v48, $0x10;
	v49 =	vshll.u32 v49, $0x10  }
0x1f0: {  	v58 =	vand.u32 $0xFFFF0000, v37;
	v37 =	vshll.u32 v37, $0x10;
	v51 =	vshll.u32 v51, $0x10  }
0x1f1: {  	v59 =	vand.u32 $0xFFFF0000, v38;
	v38 =	vshll.u32 v38, $0x10;
	v60 =	vand.u32 $0xFFFF0000, v39  }
0x1f2: {  	v61 =	vand.u32 $0xFFFF0000, v34;
	v34 =	vshll.u32 v34, $0x10;
	v39 =	vshll.u32 v39, $0x10  }
0x1f3: {  	v62 =	vand.u32 $0xFFFF0000, v35;
	v35 =	vshll.u32 v35, $0x10;
	v63 =	vand.u32 $0xFFFF0000, v36  }
0x1f4: {  	vm5 =	vmand vm8, vm2;
	vm4 =	vmand vm7, vm1;
	v36 =	vshll.u32 v36, $0x10  }
0x1f5: {  	v28 =	vcvt.s32.f32 v28;
	v29 =	vcvt.s32.f32 v29;
	vm6 =	vmand vm11, vm3  }
0x1f6: {  	v30 =	vcvt.s32.f32 v30;
	v42 =	vsub.f32 v42, v43;
	v44 =	vsub.f32 v44, v41  }
0x1f7: {  	v47 =	vsub.f32 v47, v52;
	v45 =	vsub.f32 v45, v55;
	v56 =	vsel vm4, v56, v58  }
0x1f8: {  	v46 =	vsub.f32 v46, v53;
	v50 =	vsub.f32 v50, v40;
	v57 =	vsel vm5, v57, v59  }
0x1f9: {  	v54 =	vsel vm6, v54, v60;
	v48 =	vsel vm4, v48, v61;
	v49 =	vsel vm5, v49, v62  }
0x1fa: {  	v38 =	vsel vm2, v59, v38;
	v37 =	vsel vm1, v58, v37;
	v51 =	vsel vm6, v51, v63  }
0x1fb: {  	v34 =	vsel vm1, v61, v34;
	v39 =	vsel vm3, v60, v39;
	v58 =	vsel vm2, v62, v35  }
0x1fc: {  	v31 =	vsub.f32 v23, v31;
	v20 =	vsub.f32 v20, v33;
	v59 =	vsel vm3, v63, v36  }
0x1fd: {  	v23 =	vcvt.s32.f32 v15;
	v24 =	vsub.f32 v24, v32;
	v33 =	vsub.f32 v56, v37  }
0x1fe: {  	v32 =	vmul.f32 v42, v20;
	v35 =	vsub.f32 v57, v38;
	v36 =	vsub.f32 v54, v39  }
0x1ff: {  	v44 =	vmul.f32 v44, v31;
	v42 =	vsub.f32 v48, v34;
	v48 =	vsub.f32 v49, v58  }
0x200: {  	v26 =	vsub.f32 v26, v28;
	v28 =	vmul.f32 v47, v24;
	v47 =	vsub.f32 v51, v59  }
0x201: {  	v30 =	vsub.f32 v27, v30;
	v25 =	vsub.f32 v25, v29;
	v20 =	vmul.f32 v45, v20  }
0x202: {  	v27 =	vadd.f32 v43, v32;
	v31 =	vmul.f32 v46, v31;
	v32 =	vmul.f32 v50, v24  }
0x203: {  	v29 =	vadd.f32 v41, v44;
	v33 =	vmul.f32 v33, v26;
	v41 =	vmul.f32 v35, v25  }
0x204: {  	v28 =	vadd.f32 v52, v28;
	v43 =	vmul.f32 v36, v30;
	v42 =	vmul.f32 v42, v26  }
.Ltmp8:
0x205: {  	v24 =	vadd.f32 v55, v20;
	v20 =	vmul.f32 v48, v25;
	v44 =	vmul.f32 v47, v30;
	(pc) =	sbr.rel @p3 .LBB2_11-.Ltmp8, $4  }
0x206: {  	v35 =	vcvt.s32.f32 v14;
	v26 =	vadd.f32 v53, v31;
	v25 =	vadd.f32 v40, v32  }
0x207: {  	v36 =	vcvt.s32.f32 v13;
	v31 =	vadd.f32 v37, v33;
	v30 =	vadd.f32 v38, v41  }
0x208: {  	v32 =	vcvt.s32.f32 v22;
	v33 =	vadd.f32 v39, v43;
	v22 =	vadd.f32 v34, v42  }
0x209: {  	v34 =	vcvt.s32.f32 v21;
	v20 =	vadd.f32 v58, v20;
	v21 =	vadd.f32 v59, v44  }
0x20a: {  	v27 =	vsub.f32 v27, v24  }
0x20b: {  	v29 =	vsub.f32 v29, v26;
	v19 =	vcvt.s32.f32 v19;
	v12 =	vsub.f32 v12, v23  }
0x20c: {  	vm1 =	vgt.s32 v15, $0xFF;
	v58 =	vsub.f32 v28, v25;
	v11 =	vsub.f32 v11, v35  }
0x20d: {  	vm2 =	vgt.s32 v14, $0xFF;
	v10 =	vsub.f32 v10, v36;
	v59 =	vsub.f32 v31, v22  }
0x20e: {  	v18 =	vsub.f32 v18, v32;
	vm3 =	vgt.s32 v13, $0xFF;
	v60 =	vsub.f32 v30, v20  }
0x20f: {  	v61 =	vsub.f32 v33, v21;
	v16 =	vsub.f32 v16, v34;
	v12 =	vmul.f32 v27, v12  }
0x210: {  	v11 =	vmul.f32 v29, v11;
	v10 =	vmul.f32 v58, v10;
	v62 =	vsub.f32 v17, v19  }
0x211: {  	vm1 =	vmxor vm0, vm1;
	v14 =	vmul.f32 v59, v18;
	v16 =	vmul.f32 v60, v16  }
0x212: {  	v12 =	vadd.f32 v12, v24;
	v11 =	vadd.f32 v11, v26;
	v15 =	vmul.f32 v61, v62  }
0x213: {  	vm2 =	vmxor vm0, vm2;
	v10 =	vadd.f32 v10, v25;
	v14 =	vadd.f32 v14, v22  }
0x214: {  	v63 =	vadd.f32 v16, v20;
	v15 =	vadd.f32 v15, v21;
	v12 =	vnsel vm1, $0x0, v12  }
.Ltmp9:
0x215: {  	v11 =	vnsel vm2, $0x0, v11;
	vm1 =	vmxor vm0, vm3;
	v12 =	vadd.f32 v14, v12;
	(pc) =	sbr.rel @p2 .LBB2_16-.Ltmp9, $4  }
0x216: {  	v11 =	vadd.f32 v63, v11;
	v10 =	vnsel vm1, $0x0, v10  }
0x217: {  	v10 =	vadd.f32 v15, v10;
	[tilespmem:s8+$0x0] =	vst v12  }
0x218: {  	[tilespmem:s7+$0x0] =	vst v11  }
0x219: {  	s1 =	smov.u32 s30;
	[tilespmem:s11+$0x0] =	vst v10  }
0x21a: {  	s1 =	simm.s32 $0x0  }
0x21b: {  	s4 =	simm.s32 $0x0;
	s2 =	sand.u32 $0xC00, s1  }
0x21c: {  	s10 =	simm.s32 $0x0;
	s7 =	sand.u32 $0x3FFFFC00, s4;
	s8 =	sshrl.u32 s2, $0x2  }
0x21d: {  	s4 =	sand.u32 $0x40, s10;
	s11 =	sor.u32 s8, s7  }
0x21e: {  	s10 =	sor.u32 $0x30, s4;
	s1 =	sadd.s32 $0x18900, s11  }
0x21f: {  	s12 =	sor.u32 s10, s1  }
0x220: {  	v10 =	vld [tilespmem:s12+$0x80]  }
0x221: {  	s8 =	sor.u32 $0x10, s4;
	s11 =	sor.u32 s4, s1;
	v11 =	vld [tilespmem:s12+$0x0]  }
0x222: {  	s7 =	sor.u32 $0x20, s4;
	s12 =	sor.u32 s8, s1;
	v15 =	vld [tilespmem:s11+$0x0]  }
0x223: {  	s1 =	sor.u32 s7, s1;
	v13 =	vld [tilespmem:s12+$0x80]  }
0x224: {  	v14 =	vld [tilespmem:s1+$0x80]  }
0x225: {  	v12 =	vld [tilespmem:s11+$0x80];
	_ =	sdelay $0x1  }
0x226: {  	v10 =	vmul.f32 $3.200000000e+01, v10  }
0x227: {  	v16 =	vld [tilespmem:s12+$0x0];
	v11 =	vmul.f32 $3.200000000e+01, v11;
	v15 =	vmul.f32 $3.200000000e+01, v15  }
0x228: {  	v13 =	vmul.f32 $3.200000000e+01, v13;
	v14 =	vmul.f32 $3.200000000e+01, v14;
	v10 =	vadd.f32 $3.150000000e+01, v10  }
0x229: {  	v17 =	vld [tilespmem:s1+$0x0];
	v12 =	vmul.f32 $3.200000000e+01, v12;
	v11 =	vadd.f32 $3.150000000e+01, v11;
	v15 =	vadd.f32 $3.150000000e+01, v15  }
0x22a: {  	v13 =	vadd.f32 $3.150000000e+01, v13;
	v14 =	vadd.f32 $3.150000000e+01, v14;
	v10 =	vmax.f32 v10, $0.0e+00  }
0x22b: {  	v11 =	vmax.f32 v11, $0.0e+00;
	v15 =	vmax.f32 v15, $0.0e+00;
	v19 =	vmin.f32 v10, $6.300000000e+01  }
0x22c: {  	v10 =	vmul.f32 $3.200000000e+01, v16;
	v20 =	vmin.f32 v11, $6.300000000e+01;
	v11 =	vadd.f32 $3.150000000e+01, v12  }
0x22d: {  	v13 =	vmax.f32 v13, $0.0e+00;
	v12 =	vtrunc.f32 v19;
	v16 =	vtrunc.f32 v20  }
0x22e: {  	v14 =	vmax.f32 v14, $0.0e+00;
	v21 =	vcvt.f32.s32 v12;
	v12 =	vmul.f32 $3.200000000e+01, v17  }
0x22f: {  	v22 =	vcvt.f32.s32 v16;
	v16 =	vadd.f32 $3.150000000e+01, v10;
	v11 =	vmax.f32 v11, $0.0e+00  }
0x230: {  	v10 =	vshll.u32 v21, $0x6;
	v17 =	vadd.f32 $3.150000000e+01, v12;
	v12 =	vmin.f32 v11, $6.300000000e+01  }
0x231: {  	vm1 =	veq.s32 v21, $0x3F;
	v11 =	vmin.f32 v13, $6.300000000e+01;
	v24 =	vmax.f32 v16, $0.0e+00  }
0x232: {  	v16 =	vmin.f32 v15, $6.300000000e+01;
	v32 =	vcvt.s32.f32 v22;
	v33 =	vand.u32 $0x1, v22  }
0x233: {  	v21 =	vcvt.s32.f32 v21;
	v10 =	vadd.s32 v22, v10;
	v15 =	vtrunc.f32 v11  }
0x234: {  	v28 =	vtrunc.f32 v16;
	v18 =	vshra.s32 v10, $0x1;
	v25 =	vmax.f32 v17, $0.0e+00  }
0x235: {  	v17 =	vtrunc.f32 v12;
	v28 =	vcvt.f32.s32 v28;
	v20 =	vsub.f32 v20, v32  }
0x236: {  	v19 =	vsub.f32 v19, v21;
	v10 =	vadd.s32 $0x20, v18;
	vm2 =	vlt.s32 v18, $0x7FE  }
0x237: {  	v13 =	vsel vm1, v18, v10;
	v10 =	vmin.f32 v14, $6.300000000e+01;
	v14 =	vnsel vm2, $0x7FE, v18  }
0x238: {  	vm2 =	vne.s32 v22, $0x3F;
	vm1 =	vlt.s32 v13, $0x7FE;
	v23 =	vadd.s32 $0x1, v14  }
0x239: {  	v35 =	vand.u32 $0x1, v28;
	vm9 =	vne.s32 v28, $0x3F;
	v14 =	vnsel vm1, $0x7FE, v13  }
0x23a: {  	v27 =	vtrunc.f32 v10;
	v26 =	vadd.s32 $0x1, v14;
	v14 =	vmin.f32 v24, $6.300000000e+01  }
0x23b: {  	v24 =	vld.idx.msk [tilespmem:v18+s22+$0x0], $0xffff;
	v18 =	vcvt.f32.s32 v17;
	v17 =	vcvt.f32.s32 v15;
	v15 =	vmin.f32 v25, $6.300000000e+01  }
0x23c: {  	vm1 =	veq.s32 v33, $0x1;
	v29 =	vtrunc.f32 v14;
	v30 =	vtrunc.f32 v15;
	v25 =	vld.idx.msk [tilespmem:v13+s22+$0x0], $0xffff  }
0x23d: {  	vm2 =	vmand vm2, vm1;
	v13 =	vcvt.f32.s32 v27;
	v29 =	vcvt.f32.s32 v29;
	v23 =	vld.idx.msk [tilespmem:v23+s22+$0x0], $0xffff  }
0x23e: {  	v27 =	vshll.u32 v18, $0x6;
	v31 =	vshll.u32 v17, $0x6;
	v30 =	vcvt.f32.s32 v30  }
0x23f: {  	v34 =	vshll.u32 v13, $0x6;
	vm3 =	veq.s32 v13, $0x3F;
	v36 =	vand.u32 $0x1, v29;
	v26 =	vld.idx.msk [tilespmem:v26+s22+$0x0], $0xffff  }
0x240: {  	v37 =	vand.u32 $0x1, v30;
	v22 =	vand.u32 $0xFFFF0000, v24;
	v24 =	vshll.u32 v24, $0x10  }
0x241: {  	vm10 =	vne.s32 v29, $0x3F;
	vm6 =	vne.s32 v30, $0x3F;
	v24 =	vsel vm1, v22, v24  }
0x242: {  	v56 =	vand.u32 $0xFFFF0000, v25;
	v25 =	vshll.u32 v25, $0x10;
	v23 =	vshll.u32 v23, $0x10  }
0x243: {  	v22 =	vsel vm2, v23, v22;
	v23 =	vsel vm1, v56, v25;
	vm1 =	veq.s32 v18, $0x3F  }
0x244: {  	v18 =	vcvt.s32.f32 v18;
	v26 =	vshll.u32 v26, $0x10;
	v22 =	vsub.f32 v22, v24  }
0x245: {  	v25 =	vsel vm2, v26, v56;
	v26 =	vadd.s32 v28, v27;
	v27 =	vadd.s32 v29, v31  }
0x246: {  	v31 =	vadd.s32 v30, v34;
	v28 =	vcvt.s32.f32 v28;
	v29 =	vcvt.s32.f32 v29  }
0x247: {  	vm2 =	veq.s32 v17, $0x3F;
	v30 =	vcvt.s32.f32 v30;
	v17 =	vcvt.s32.f32 v17  }
0x248: {  	v12 =	vsub.f32 v12, v18;
	v25 =	vsub.f32 v25, v23;
	v26 =	vshra.s32 v26, $0x1  }
0x249: {  	v27 =	vshra.s32 v27, $0x1;
	v22 =	vmul.f32 v22, v20;
	v31 =	vshra.s32 v31, $0x1  }
0x24a: {  	v57 =	vadd.s32 $0x20, v27;
	vm4 =	vlt.s32 v27, $0x7FE;
	v16 =	vsub.f32 v16, v28  }
0x24b: {  	v14 =	vsub.f32 v14, v29;
	v20 =	vmul.f32 v25, v20;
	v25 =	vadd.s32 $0x20, v26  }
0x24c: {  	v15 =	vsub.f32 v15, v30;
	v22 =	vadd.f32 v24, v22;
	v21 =	vsel vm1, v26, v25  }
0x24d: {  	v24 =	vsel vm2, v27, v57;
	v20 =	vadd.f32 v23, v20;
	v23 =	vadd.s32 $0x20, v31  }
0x24e: {  	vm2 =	vlt.s32 v24, $0x7FE;
	vm1 =	vlt.s32 v21, $0x7FE;
	v23 =	vsel vm3, v31, v23  }
0x24f: {  	vm3 =	vlt.s32 v26, $0x7FE;
	v59 =	vld.idx.msk [tilespmem:v27+s22+$0x0], $0xffff;
	v27 =	vnsel vm4, $0x7FE, v27;
	v20 =	vsub.f32 v20, v22  }
0x250: {  	vm5 =	vlt.s32 v23, $0x7FE;
	v25 =	vnsel vm3, $0x7FE, v26;
	v27 =	vadd.s32 $0x1, v27  }
0x251: {  	v19 =	vmul.f32 v20, v19;
	v20 =	vnsel vm1, $0x7FE, v21;
	vm1 =	vlt.s32 v31, $0x7FE;
	v21 =	vld.idx.msk [tilespmem:v21+s22+$0x0], $0xffff  }
0x252: {  	v58 =	vnsel vm5, $0x7FE, v23;
	v25 =	vadd.s32 $0x1, v25;
	v60 =	vnsel vm1, $0x7FE, v31;
	v31 =	vld.idx.msk [tilespmem:v31+s22+$0x0], $0xffff  }
0x253: {  	vm3 =	veq.s32 v35, $0x1;
	v32 =	vadd.s32 $0x1, v58;
	v19 =	vadd.f32 v19, v22;
	v22 =	vld.idx.msk [tilespmem:v26+s22+$0x0], $0xffff  }
0x254: {  	vm4 =	vmand vm9, vm3;
	v20 =	vadd.s32 $0x1, v20;
	v26 =	vnsel vm2, $0x7FE, v24;
	v24 =	vld.idx.msk [tilespmem:v24+s22+$0x0], $0xffff  }
0x255: {  	vm1 =	veq.s32 v37, $0x1;
	v34 =	vadd.s32 $0x1, v60;
	v23 =	vld.idx.msk [tilespmem:v23+s22+$0x0], $0xffff;
	vm2 =	veq.s32 v36, $0x1  }
0x256: {  	v38 =	vand.u32 $0xFFFF0000, v59;
	v33 =	vshll.u32 v59, $0x10;
	v26 =	vadd.s32 $0x1, v26;
	v27 =	vld.idx.msk [tilespmem:v27+s22+$0x0], $0xffff  }
0x257: {  	vm6 =	vmand vm6, vm1;
	vm5 =	vmand vm10, vm2;
	v33 =	vsel vm2, v38, v33;
	v25 =	vld.idx.msk [tilespmem:v25+s22+$0x0], $0xffff  }
0x258: {  	v62 =	vand.u32 $0xFFFF0000, v21;
	v21 =	vshll.u32 v21, $0x10;
	v32 =	vld.idx.msk [tilespmem:v32+s22+$0x0], $0xffff;
	v40 =	vand.u32 $0xFFFF0000, v31  }
0x259: {  	v20 =	vld.idx.msk [tilespmem:v20+s22+$0x0], $0xffff;
	v31 =	vshll.u32 v31, $0x10;
	v21 =	vsel vm3, v62, v21;
	v61 =	vand.u32 $0xFFFF0000, v22  }
0x25a: {  	v22 =	vshll.u32 v22, $0x10;
	v63 =	vand.u32 $0xFFFF0000, v24;
	v24 =	vshll.u32 v24, $0x10;
	v34 =	vld.idx.msk [tilespmem:v34+s22+$0x0], $0xffff  }
0x25b: {  	v39 =	vand.u32 $0xFFFF0000, v23;
	v23 =	vshll.u32 v23, $0x10;
	v31 =	vsel vm1, v40, v31;
	v26 =	vld.idx.msk [tilespmem:v26+s22+$0x0], $0xffff  }
0x25c: {  	v24 =	vsel vm2, v63, v24;
	v23 =	vsel vm1, v39, v23;
	v27 =	vshll.u32 v27, $0x10  }
0x25d: {  	v22 =	vsel vm3, v61, v22;
	v25 =	vshll.u32 v25, $0x10;
	v27 =	vsel vm5, v27, v38  }
0x25e: {  	s20 =	simm.s32 $0x200;
	v32 =	vshll.u32 v32, $0x10;
	v25 =	vsel vm4, v25, v61;
	v20 =	vshll.u32 v20, $0x10  }
0x25f: {  	s17 =	simm.s32 $0x0;
	s28 =	sand.u32 $0xC00, s20;
	v32 =	vsel vm6, v32, v39;
	v25 =	vsub.f32 v25, v22;
	v20 =	vsel vm4, v20, v62  }
0x260: {  	s25 =	simm.s32 $0x80;
	s20 =	sshrl.u32 s28, $0x2;
	s1 =	sand.u32 $0x3FFFFF80, s17;
	v34 =	vshll.u32 v34, $0x10;
	v26 =	vshll.u32 v26, $0x10;
	v20 =	vsub.f32 v20, v21  }
0x261: {  	s17 =	sand.u32 $0x3FFFFC00, s25;
	s24 =	sadd.s32 s1, s2;
	s2 =	simm.s32 $0x40;
	v32 =	vsub.f32 v32, v23;
	v34 =	vsel vm6, v34, v40;
	v26 =	vsel vm5, v26, v63  }
0x262: {  	s17 =	sor.u32 s20, s17;
	s12 =	sadd.s32 $0x1C900, s24;
	s11 =	sand.u32 $0x40, s2;
	v28 =	vsub.f32 v34, v31;
	v26 =	vsub.f32 v26, v24;
	v18 =	vmul.f32 v20, v16  }
0x263: {  	s20 =	sadd.s32 $0x18900, s17;
	s10 =	sor.u32 s10, s12;
	s0 =	sor.u32 $0x30, s11;
	v27 =	vsub.f32 v27, v33;
	v16 =	vmul.f32 v25, v16;
	v25 =	vmul.f32 v32, v15  }
0x264: {  	s24 =	sor.u32 s0, s20;
	v11 =	vsub.f32 v11, v17;
	v20 =	vld [tilespmem:s10+$0x0];
	v15 =	vmul.f32 v28, v15;
	v17 =	vmul.f32 v26, v14  }
0x265: {  	s29 =	sor.u32 $0x10, s11;
	s25 =	sor.u32 s11, s20;
	v18 =	vadd.f32 v21, v18;
	v14 =	vmul.f32 v27, v14;
	v21 =	vld [tilespmem:s24+$0x80];
	v16 =	vadd.f32 v22, v16  }
0x266: {  	s3 =	sor.u32 s29, s20;
	v22 =	vadd.f32 v23, v25;
	v23 =	vld [tilespmem:s25+$0x80];
	v25 =	vadd.f32 v31, v15  }
0x267: {  	v13 =	vcvt.s32.f32 v13;
	v15 =	vld [tilespmem:s3+$0x80];
	v17 =	vadd.f32 v24, v17;
	v14 =	vadd.f32 v33, v14  }
0x268: {  	v18 =	vsub.f32 v18, v16  }
0x269: {  	s31 =	sor.u32 $0x20, s11;
	v10 =	vsub.f32 v10, v13;
	v24 =	vld [tilespmem:s24+$0x0];
	v13 =	vsub.f32 v17, v14  }
0x26a: {  	s20 =	sor.u32 s31, s20;
	v27 =	vld [tilespmem:s25+$0x0];
	v12 =	vmul.f32 v18, v12  }
0x26b: {  	v22 =	vsub.f32 v22, v25;
	v17 =	vld [tilespmem:s20+$0x80];
	v21 =	vmul.f32 $3.200000000e+01, v21;
	v13 =	vmul.f32 v13, v11  }
0x26c: {  	v26 =	vadd.f32 v19, v20;
	v18 =	vld [tilespmem:s3+$0x0];
	v11 =	vmul.f32 $3.200000000e+01, v23;
	v15 =	vmul.f32 $3.200000000e+01, v15  }
0x26d: {  	v28 =	vmul.f32 v22, v10;
	v10 =	vadd.f32 v12, v16;
	v20 =	vadd.f32 $3.150000000e+01, v21  }
0x26e: {  	v19 =	vmul.f32 $3.200000000e+01, v24;
	v11 =	vadd.f32 $3.150000000e+01, v11;
	v15 =	vadd.f32 $3.150000000e+01, v15  }
0x26f: {  	v14 =	vadd.f32 v13, v14;
	v13 =	vadd.f32 v28, v25  }
0x270: {  	v21 =	vld [tilespmem:s20+$0x0];
	v19 =	vadd.f32 $3.150000000e+01, v19;
	v12 =	vmul.f32 $3.200000000e+01, v17;
	v16 =	vmax.f32 v20, $0.0e+00  }
0x271: {  	v17 =	vmul.f32 $3.200000000e+01, v27;
	v18 =	vmul.f32 $3.200000000e+01, v18;
	v16 =	vmin.f32 v16, $6.300000000e+01  }
0x272: {  	v11 =	vmax.f32 v11, $0.0e+00;
	v19 =	vmax.f32 v19, $0.0e+00;
	v12 =	vadd.f32 $3.150000000e+01, v12  }
0x273: {  	v17 =	vadd.f32 $3.150000000e+01, v17;
	v27 =	vmin.f32 v19, $6.300000000e+01;
	v19 =	vtrunc.f32 v16  }
0x274: {  	v18 =	vadd.f32 $3.150000000e+01, v18;
	v20 =	vtrunc.f32 v27;
	v29 =	vcvt.f32.s32 v19  }
0x275: {  	v19 =	vmul.f32 $3.200000000e+01, v21;
	v21 =	vmax.f32 v15, $0.0e+00;
	v22 =	vmax.f32 v12, $0.0e+00  }
0x276: {  	v15 =	vmin.f32 v11, $6.300000000e+01;
	v17 =	vmax.f32 v17, $0.0e+00;
	v18 =	vmax.f32 v18, $0.0e+00  }
0x277: {  	v30 =	vcvt.f32.s32 v20;
	v12 =	vmin.f32 v21, $6.300000000e+01;
	v21 =	vmin.f32 v17, $6.300000000e+01  }
0x278: {  	v17 =	vtrunc.f32 v15;
	v20 =	vshll.u32 v29, $0x6;
	v19 =	vadd.f32 $3.150000000e+01, v19  }
0x279: {  	vm1 =	veq.s32 v29, $0x3F;
	v24 =	vcvt.f32.s32 v17;
	v29 =	vcvt.s32.f32 v29  }
0x27a: {  	v20 =	vadd.s32 v30, v20;
	v43 =	vcvt.s32.f32 v30;
	v44 =	vand.u32 $0x1, v30  }
0x27b: {  	v23 =	vshra.s32 v20, $0x1;
	v19 =	vmax.f32 v19, $0.0e+00;
	v25 =	vshll.u32 v24, $0x6  }
0x27c: {  	v16 =	vsub.f32 v16, v29;
	v11 =	vadd.s32 $0x20, v23;
	vm2 =	vlt.s32 v23, $0x7FE  }
0x27d: {  	v19 =	vmin.f32 v19, $6.300000000e+01;
	v27 =	vsub.f32 v27, v43;
	v31 =	vsel vm1, v23, v11  }
0x27e: {  	v11 =	vmin.f32 v22, $6.300000000e+01;
	v20 =	vnsel vm2, $0x7FE, v23;
	v22 =	vtrunc.f32 v12  }
0x27f: {  	v41 =	vtrunc.f32 v19;
	vm1 =	vlt.s32 v31, $0x7FE;
	v38 =	vadd.s32 $0x1, v20  }
0x280: {  	vm2 =	vne.s32 v30, $0x3F;
	v32 =	vcvt.f32.s32 v41;
	v20 =	vnsel vm1, $0x7FE, v31  }
0x281: {  	vm1 =	veq.s32 v44, $0x1;
	v39 =	vadd.s32 $0x1, v20;
	v20 =	vmin.f32 v18, $6.300000000e+01  }
0x282: {  	v18 =	vtrunc.f32 v11;
	v40 =	vld.idx.msk [tilespmem:v23+s22+$0x0], $0xffff;
	v23 =	vcvt.f32.s32 v22;
	vm2 =	vmand vm2, vm1  }
0x283: {  	v58 =	vand.u32 $0x1, v32;
	v37 =	vcvt.s32.f32 v32;
	v22 =	vcvt.f32.s32 v18;
	v17 =	vld.idx.msk [tilespmem:v31+s22+$0x0], $0xffff  }
0x284: {  	vm15 =	vne.s32 v32, $0x3F;
	v28 =	vtrunc.f32 v20;
	v31 =	vtrunc.f32 v21;
	v18 =	vld.idx.msk [tilespmem:v38+s22+$0x0], $0xffff  }
0x285: {  	v28 =	vcvt.f32.s32 v28;
	v42 =	vshll.u32 v23, $0x6;
	v45 =	vshll.u32 v22, $0x6  }
0x286: {  	v31 =	vcvt.f32.s32 v31;
	vm3 =	veq.s32 v22, $0x3F;
	v48 =	vadd.s32 v32, v45;
	v33 =	vld.idx.msk [tilespmem:v39+s22+$0x0], $0xffff  }
0x287: {  	v47 =	vadd.s32 v28, v42;
	v57 =	vand.u32 $0x1, v28;
	v35 =	vshra.s32 v48, $0x1  }
0x288: {  	vm14 =	vne.s32 v28, $0x3F;
	v30 =	vand.u32 $0xFFFF0000, v40;
	v34 =	vshll.u32 v40, $0x10  }
0x289: {  	v25 =	vadd.s32 v31, v25;
	v34 =	vsel vm1, v30, v34;
	v18 =	vshll.u32 v18, $0x10  }
0x28a: {  	v25 =	vshra.s32 v25, $0x1;
	v46 =	vand.u32 $0xFFFF0000, v17;
	v18 =	vsel vm2, v18, v30  }
0x28b: {  	v17 =	vshll.u32 v17, $0x10;
	v33 =	vshll.u32 v33, $0x10;
	v18 =	vsub.f32 v18, v34  }
0x28c: {  	v17 =	vsel vm1, v46, v17;
	vm1 =	veq.s32 v24, $0x3F;
	v41 =	vld.idx.msk [tilespmem:v35+s22+$0x0], $0xffff;
	v30 =	vsel vm2, v33, v46  }
0x28d: {  	v33 =	vshra.s32 v47, $0x1;
	v30 =	vsub.f32 v30, v17;
	v18 =	vmul.f32 v18, v27  }
0x28e: {  	vm2 =	veq.s32 v23, $0x3F;
	v49 =	vadd.s32 $0x20, v33;
	vm11 =	vlt.s32 v33, $0x7FE  }
0x28f: {  	v27 =	vmul.f32 v30, v27;
	v30 =	vadd.s32 $0x20, v25;
	v18 =	vadd.f32 v34, v18  }
0x290: {  	s25 =	simm.s32 $0x10;
	v34 =	vcvt.s32.f32 v28;
	v29 =	vsel vm1, v25, v30;
	v30 =	vsel vm2, v33, v49  }
0x291: {  	s20 =	sand.u32 $0x3FFFFF80, s25;
	v49 =	vshll.u32 v41, $0x10;
	v17 =	vadd.f32 v17, v27;
	v27 =	vadd.s32 $0x20, v35  }
0x292: {  	s1 =	sadd.s32 s20, s28;
	vm1 =	vlt.s32 v29, $0x7FE;
	vm2 =	vlt.s32 v30, $0x7FE;
	v52 =	vld.idx.msk [tilespmem:v33+s22+$0x0], $0xffff;
	v33 =	vnsel vm11, $0x7FE, v33  }
0x293: {  	s1 =	sadd.s32 $0x1C900, s1;
	v27 =	vsel vm3, v35, v27;
	vm3 =	vlt.s32 v25, $0x7FE;
	v36 =	vnsel vm2, $0x7FE, v30  }
0x294: {  	s28 =	sor.u32 s0, s1;
	v33 =	vadd.s32 $0x1, v33;
	v17 =	vsub.f32 v17, v18;
	vm12 =	vlt.s32 v27, $0x7FE  }
0x295: {  	v50 =	vld [tilespmem:s28+$0x0];
	vm2 =	veq.s32 v58, $0x1;
	v54 =	vadd.s32 $0x1, v36;
	v51 =	vnsel vm12, $0x7FE, v27  }
0x296: {  	v16 =	vmul.f32 v17, v16;
	v17 =	vnsel vm1, $0x7FE, v29;
	vm1 =	vlt.s32 v35, $0x7FE;
	v29 =	vld.idx.msk [tilespmem:v29+s22+$0x0], $0xffff  }
0x297: {  	v36 =	vcvt.s32.f32 v31;
	v55 =	vadd.s32 $0x1, v51;
	v30 =	vld.idx.msk [tilespmem:v30+s22+$0x0], $0xffff;
	v53 =	vnsel vm1, $0x7FE, v35  }
0x298: {  	v17 =	vadd.s32 $0x1, v17;
	vm1 =	vne.s32 v31, $0x3F;
	v16 =	vadd.f32 v16, v18;
	v18 =	vld.idx.msk [tilespmem:v25+s22+$0x0], $0xffff  }
0x299: {  	v46 =	vand.u32 $0xFFFF0000, v52;
	v25 =	vnsel vm3, $0x7FE, v25;
	v56 =	vadd.s32 $0x1, v53;
	v27 =	vld.idx.msk [tilespmem:v27+s22+$0x0], $0xffff  }
0x29a: {  	v38 =	vshll.u32 v52, $0x10;
	v35 =	vand.u32 $0xFFFF0000, v41;
	v33 =	vld.idx.msk [tilespmem:v33+s22+$0x0], $0xffff;
	v25 =	vadd.s32 $0x1, v25  }
0x29b: {  	vm3 =	veq.s32 v57, $0x1;
	v45 =	vld.idx.msk [tilespmem:v54+s22+$0x0], $0xffff;
	v42 =	vadd.f32 v16, v50;
	v16 =	vand.u32 $0x1, v31  }
0x29c: {  	vm5 =	vmand vm14, vm3;
	v32 =	vsel vm3, v46, v38;
	vm13 =	veq.s32 v16, $0x1;
	v48 =	vld.idx.msk [tilespmem:v55+s22+$0x0], $0xffff  }
0x29d: {  	v60 =	vand.u32 $0xFFFF0000, v29;
	v29 =	vshll.u32 v29, $0x10;
	v44 =	vand.u32 $0xFFFF0000, v30;
	v17 =	vld.idx.msk [tilespmem:v17+s22+$0x0], $0xffff  }
0x29e: {  	s4 =	sor.u32 s4, s12;
	vm7 =	vmand vm1, vm13;
	vm1 =	vmand vm15, vm2;
	v59 =	vand.u32 $0xFFFF0000, v18;
	v50 =	vld.idx.msk [tilespmem:v56+s22+$0x0], $0xffff  }
0x29f: {  	s8 =	sor.u32 s8, s12;
	s7 =	sor.u32 s7, s12;
	s12 =	sor.u32 s29, s1;
	v43 =	vshll.u32 v18, $0x10;
	v18 =	vshll.u32 v30, $0x10;
	v47 =	vand.u32 $0xFFFF0000, v27;
	v61 =	vld.idx.msk [tilespmem:v25+s22+$0x0], $0xffff  }
0x2a0: {  	[tilespmem:s10+$0x0] =	vst v26;
	v26 =	vld [tilespmem:s12+$0x0];
	v27 =	vshll.u32 v27, $0x10;
	v30 =	vsel vm13, v60, v29;
	v63 =	vshll.u32 v33, $0x10  }
0x2a1: {  	v16 =	vld [tilespmem:s4+$0x0];
	v33 =	vsel vm2, v35, v49;
	v29 =	vsel vm3, v44, v18;
	v28 =	vsel vm2, v47, v27  }
0x2a2: {  	v18 =	vld [tilespmem:s7+$0x0];
	v31 =	vsel vm13, v59, v43;
	v27 =	vshll.u32 v48, $0x10;
	v25 =	vshll.u32 v17, $0x10  }
0x2a3: {  	s10 =	sor.u32 s31, s1;
	[tilespmem:s28+$0x0] =	vst v42;
	v42 =	vsel vm5, v63, v46;
	v17 =	vld [tilespmem:s8+$0x0];
	v41 =	vsel vm1, v27, v47;
	v51 =	vsel vm7, v25, v60  }
0x2a4: {  	s17 =	sor.u32 s11, s1;
	v27 =	vld [tilespmem:s10+$0x0];
	v25 =	vshll.u32 v45, $0x10;
	v43 =	vshll.u32 v50, $0x10;
	v62 =	vshll.u32 v61, $0x10  }
0x2a5: {  	s11 =	simm.s32 $0x4;
	v39 =	vsel vm5, v25, v44;
	v25 =	vld [tilespmem:s17+$0x0];
	v38 =	vsub.f32 v51, v30;
	v40 =	vsel vm7, v62, v59  }
.LBB2_14:
0x2a6: {  	s11 =	sadd.s32 $0x4, s11;
	v39 =	vsub.f32 v39, v29;
	v35 =	vsel vm1, v43, v35;
	v41 =	vsub.f32 v41, v28  }
0x2a7: {  	v24 =	vcvt.s32.f32 v24;
	v40 =	vsub.f32 v40, v31;
	v42 =	vsub.f32 v42, v32;
	s1 =	sshll.u32 s11, $0x7;
	p3 =	slt.u32 s11, $0xFC  }
0x2a8: {  	v21 =	vsub.f32 v21, v36;
	v23 =	vcvt.s32.f32 v23;
	s24 =	sshll.u32 s11, $0x5;
	v35 =	vsub.f32 v35, v33;
	s20 =	sand.u32 $0xC00, s1  }
0x2a9: {  	v20 =	vsub.f32 v20, v34;
	v19 =	vsub.f32 v19, v37;
	v22 =	vcvt.s32.f32 v22;
	s2 =	sadd.s32 $0x40, s2;
	s1 =	sand.u32 $0x3FFFFC00, s24;
	s24 =	sshrl.u32 s20, $0x2  }
0x2aa: {  	s29 =	sand.u32 $0x40, s2;
	v15 =	vsub.f32 v15, v24;
	v24 =	vmul.f32 v40, v21;
	v21 =	vmul.f32 v38, v21;
	s1 =	sor.u32 s24, s1  }
0x2ab: {  	v12 =	vsub.f32 v12, v23;
	v23 =	vmul.f32 v39, v20;
	v34 =	vmul.f32 v41, v19;
	s24 =	sor.u32 $0x10, s29;
	s25 =	sadd.s32 $0x18900, s1;
	s1 =	sor.u32 $0x30, s29  }
0x2ac: {  	s31 =	sor.u32 $0x20, s29;
	v20 =	vmul.f32 v42, v20;
	v19 =	vmul.f32 v35, v19;
	v21 =	vadd.f32 v30, v21;
	s28 =	sor.u32 s29, s25;
	s0 =	sor.u32 s1, s25  }
0x2ad: {  	v23 =	vadd.f32 v29, v23;
	v28 =	vadd.f32 v28, v34;
	s3 =	sor.u32 s24, s25;
	s25 =	sor.u32 s31, s25;
	v30 =	vld [tilespmem:s0+$0x80]  }
0x2ae: {  	v24 =	vadd.f32 v31, v24;
	v31 =	vadd.f32 v32, v20;
	v29 =	vld [tilespmem:s0+$0x0]  }
0x2af: {  	v11 =	vsub.f32 v11, v22;
	v32 =	vadd.f32 v33, v19;
	v20 =	vld [tilespmem:s28+$0x80]  }
0x2b0: {  	v21 =	vsub.f32 v21, v24;
	v22 =	vsub.f32 v23, v31;
	v19 =	vld [tilespmem:s3+$0x80]  }
0x2b1: {  	v10 =	vadd.f32 v10, v16;
	v16 =	vmov v25;
	v28 =	vsub.f32 v28, v32;
	v23 =	vld [tilespmem:s25+$0x80]  }
0x2b2: {  	v14 =	vadd.f32 v14, v17;
	v17 =	vmovc v26;
	v15 =	vmul.f32 v21, v15;
	v25 =	vld [tilespmem:s28+$0x0];
	v30 =	vmul.f32 $3.200000000e+01, v30  }
0x2b3: {  	v22 =	vmul.f32 v22, v12;
	v12 =	vadd.f32 v13, v18;
	v18 =	vmovc v27;
	v21 =	vld [tilespmem:s3+$0x0];
	v26 =	vmul.f32 $3.200000000e+01, v29;
	[tilespmem:s4+$0x0] =	vst v10;
	s4 =	smov.u32 s17  }
0x2b4: {  	v28 =	vmul.f32 v28, v11;
	v13 =	vmul.f32 $3.200000000e+01, v20;
	v20 =	vld [tilespmem:s25+$0x0];
	v27 =	vadd.f32 $3.150000000e+01, v30;
	[tilespmem:s8+$0x0] =	vst v14;
	s8 =	smov.u32 s12  }
0x2b5: {  	v10 =	vadd.f32 v15, v24;
	v11 =	vmul.f32 $3.200000000e+01, v19;
	v14 =	vadd.f32 $3.150000000e+01, v26;
	[tilespmem:s7+$0x0] =	vst v12;
	s7 =	smov.u32 s10  }
0x2b6: {  	v12 =	vadd.f32 $3.150000000e+01, v13;
	v13 =	vmul.f32 $3.200000000e+01, v23;
	v15 =	vmax.f32 v27, $0.0e+00  }
0x2b7: {  	v19 =	vmul.f32 $3.200000000e+01, v25;
	v14 =	vmax.f32 v14, $0.0e+00;
	v25 =	vmin.f32 v15, $6.300000000e+01  }
0x2b8: {  	v15 =	vmul.f32 $3.200000000e+01, v21;
	v26 =	vmin.f32 v14, $6.300000000e+01;
	v14 =	vtrunc.f32 v25  }
0x2b9: {  	v11 =	vadd.f32 $3.150000000e+01, v11;
	v21 =	vtrunc.f32 v26;
	v27 =	vcvt.f32.s32 v14  }
0x2ba: {  	v13 =	vadd.f32 $3.150000000e+01, v13;
	v14 =	vmul.f32 $3.200000000e+01, v20;
	v33 =	vcvt.f32.s32 v21  }
0x2bb: {  	v19 =	vadd.f32 $3.150000000e+01, v19;
	v20 =	vadd.f32 $3.150000000e+01, v15;
	v15 =	vshll.u32 v27, $0x6  }
0x2bc: {  	v12 =	vmax.f32 v12, $0.0e+00;
	v14 =	vadd.f32 $3.150000000e+01, v14;
	v15 =	vadd.s32 v33, v15  }
0x2bd: {  	v11 =	vmax.f32 v11, $0.0e+00;
	v13 =	vmax.f32 v13, $0.0e+00;
	v23 =	vshra.s32 v15, $0x1  }
0x2be: {  	vm1 =	veq.s32 v27, $0x3F;
	v15 =	vmin.f32 v12, $6.300000000e+01;
	v21 =	vadd.s32 $0x20, v23  }
0x2bf: {  	v12 =	vmin.f32 v11, $6.300000000e+01;
	vm2 =	vlt.s32 v23, $0x7FE;
	v29 =	vsel vm1, v23, v21  }
0x2c0: {  	v11 =	vmin.f32 v13, $6.300000000e+01;
	v13 =	vnsel vm2, $0x7FE, v23;
	vm1 =	vlt.s32 v29, $0x7FE  }
0x2c1: {  	v19 =	vmax.f32 v19, $0.0e+00;
	v13 =	vadd.s32 $0x1, v13;
	v21 =	vnsel vm1, $0x7FE, v29  }
0x2c2: {  	v20 =	vmax.f32 v20, $0.0e+00;
	v14 =	vmax.f32 v14, $0.0e+00;
	v30 =	vadd.s32 $0x1, v21  }
0x2c3: {  	v24 =	vtrunc.f32 v15;
	v34 =	vtrunc.f32 v12;
	v21 =	vmin.f32 v19, $6.300000000e+01  }
0x2c4: {  	v20 =	vmin.f32 v20, $6.300000000e+01;
	v35 =	vtrunc.f32 v11;
	v19 =	vmin.f32 v14, $6.300000000e+01;
	v36 =	vld.idx.msk [tilespmem:v23+s22+$0x0], $0xffff  }
0x2c5: {  	v24 =	vcvt.f32.s32 v24;
	v14 =	vadd.f32 v22, v31;
	v23 =	vcvt.f32.s32 v34;
	v34 =	vld.idx.msk [tilespmem:v29+s22+$0x0], $0xffff  }
0x2c6: {  	v22 =	vcvt.f32.s32 v35;
	v29 =	vtrunc.f32 v21;
	v31 =	vld.idx.msk [tilespmem:v13+s22+$0x0], $0xffff;
	v13 =	vadd.f32 v28, v32  }
0x2c7: {  	v35 =	vtrunc.f32 v19;
	v32 =	vshll.u32 v24, $0x6;
	v28 =	vtrunc.f32 v20;
	v37 =	vld.idx.msk [tilespmem:v30+s22+$0x0], $0xffff  }
0x2c8: {  	v38 =	vshll.u32 v23, $0x6;
	v30 =	vcvt.f32.s32 v29;
	v29 =	vcvt.f32.s32 v28  }
0x2c9: {  	v39 =	vand.u32 $0x1, v33;
	v28 =	vcvt.f32.s32 v35;
	v35 =	vcvt.s32.f32 v33  }
0x2ca: {  	vm2 =	vne.s32 v33, $0x3F;
	vm1 =	veq.s32 v39, $0x1;
	v40 =	vshll.u32 v22, $0x6  }
0x2cb: {  	v26 =	vsub.f32 v26, v35;
	v33 =	vand.u32 $0xFFFF0000, v36;
	v35 =	vshll.u32 v36, $0x10  }
0x2cc: {  	vm2 =	vmand vm2, vm1;
	v36 =	vand.u32 $0xFFFF0000, v34;
	v35 =	vsel vm1, v33, v35  }
0x2cd: {  	v34 =	vshll.u32 v34, $0x10;
	v31 =	vshll.u32 v31, $0x10;
	v37 =	vshll.u32 v37, $0x10  }
0x2ce: {  	v31 =	vsel vm2, v31, v33;
	v33 =	vsel vm1, v36, v34;
	v34 =	vsel vm2, v37, v36  }
0x2cf: {  	v32 =	vadd.s32 v30, v32;
	v31 =	vsub.f32 v31, v35;
	v34 =	vsub.f32 v34, v33  }
0x2d0: {  	v32 =	vshra.s32 v32, $0x1;
	v36 =	vadd.s32 v29, v38;
	v37 =	vadd.s32 v28, v40  }
0x2d1: {  	s0 =	sshll.u32 s11, $0x2;
	v36 =	vshra.s32 v36, $0x1;
	v31 =	vmul.f32 v31, v26;
	v26 =	vmul.f32 v34, v26  }
0x2d2: {  	s0 =	sand.u32 $0x3FFFFF80, s0;
	v37 =	vshra.s32 v37, $0x1;
	v38 =	vadd.s32 $0x20, v36;
	v34 =	vadd.s32 $0x20, v32  }
0x2d3: {  	s0 =	sadd.s32 s0, s20;
	v27 =	vcvt.s32.f32 v27;
	v31 =	vadd.f32 v35, v31;
	v26 =	vadd.f32 v33, v26  }
0x2d4: {  	s0 =	sadd.s32 $0x1C900, s0;
	vm1 =	veq.s32 v24, $0x3F;
	vm2 =	veq.s32 v23, $0x3F;
	v33 =	vadd.s32 $0x20, v37  }
0x2d5: {  	s1 =	sor.u32 s1, s0;
	s17 =	sor.u32 s29, s0;
	s12 =	sor.u32 s24, s0;
	v25 =	vsub.f32 v25, v27;
	vm3 =	veq.s32 v22, $0x3F;
	v26 =	vsub.f32 v26, v31;
	v35 =	vld.idx.msk [tilespmem:v32+s22+$0x0], $0xffff  }
0x2d6: {  	s10 =	sor.u32 s31, s0;
	v27 =	vsel vm1, v32, v34;
	v34 =	vsel vm2, v36, v38;
	v33 =	vsel vm3, v37, v33;
	v38 =	vld [tilespmem:s1+$0x0]  }
0x2d7: {  	vm1 =	vlt.s32 v27, $0x7FE;
	vm2 =	vlt.s32 v34, $0x7FE;
	v26 =	vmul.f32 v26, v25;
	v39 =	vld.idx.msk [tilespmem:v36+s22+$0x0], $0xffff  }
0x2d8: {  	vm4 =	vlt.s32 v36, $0x7FE;
	vm3 =	vlt.s32 v32, $0x7FE;
	vm5 =	vlt.s32 v33, $0x7FE;
	v40 =	vld.idx.msk [tilespmem:v37+s22+$0x0], $0xffff  }
0x2d9: {  	v41 =	vnsel vm1, $0x7FE, v27;
	vm1 =	vlt.s32 v37, $0x7FE;
	v31 =	vadd.f32 v26, v31;
	v25 =	vld [tilespmem:s17+$0x0]  }
0x2da: {  	v42 =	vnsel vm2, $0x7FE, v34;
	v32 =	vnsel vm3, $0x7FE, v32;
	v43 =	vnsel vm5, $0x7FE, v33;
	v26 =	vld [tilespmem:s12+$0x0]  }
0x2db: {  	v44 =	vld.idx.msk [tilespmem:v27+s22+$0x0], $0xffff;
	v27 =	vnsel vm4, $0x7FE, v36;
	v36 =	vnsel vm1, $0x7FE, v37;
	v31 =	vadd.f32 v31, v38  }
0x2dc: {  	v37 =	vadd.s32 $0x1, v41;
	v38 =	vadd.s32 $0x1, v42;
	v41 =	vadd.s32 $0x1, v43;
	v34 =	vld.idx.msk [tilespmem:v34+s22+$0x0], $0xffff  }
0x2dd: {  	v32 =	vadd.s32 $0x1, v32;
	v42 =	vadd.s32 $0x1, v27;
	v43 =	vadd.s32 $0x1, v36;
	v33 =	vld.idx.msk [tilespmem:v33+s22+$0x0], $0xffff;
	[tilespmem:s1+$0x0] =	vst v31  }
0x2de: {  	v45 =	vand.u32 $0x1, v28;
	v36 =	vand.u32 $0x1, v29;
	v31 =	vand.u32 $0x1, v30;
	v27 =	vld [tilespmem:s10+$0x0]  }
0x2df: {  	vm2 =	veq.s32 v45, $0x1;
	vm3 =	veq.s32 v36, $0x1;
	vm4 =	veq.s32 v31, $0x1  }
0x2e0: {  	vm6 =	vne.s32 v28, $0x3F;
	vm5 =	vne.s32 v29, $0x3F;
	vm1 =	vne.s32 v30, $0x3F  }
0x2e1: {  	v45 =	vand.u32 $0xFFFF0000, v35;
	v46 =	vand.u32 $0xFFFF0000, v44;
	v31 =	vld.idx.msk [tilespmem:v37+s22+$0x0], $0xffff;
	v37 =	vshll.u32 v44, $0x10  }
0x2e2: {  	v44 =	vshll.u32 v35, $0x10;
	v47 =	vand.u32 $0xFFFF0000, v34;
	v48 =	vshll.u32 v34, $0x10;
	v38 =	vld.idx.msk [tilespmem:v38+s22+$0x0], $0xffff  }
0x2e3: {  	v49 =	vand.u32 $0xFFFF0000, v39;
	v50 =	vand.u32 $0xFFFF0000, v33;
	v33 =	vshll.u32 v33, $0x10;
	v41 =	vld.idx.msk [tilespmem:v41+s22+$0x0], $0xffff  }
0x2e4: {  	v51 =	vshll.u32 v39, $0x10;
	v52 =	vshll.u32 v40, $0x10;
	v35 =	vand.u32 $0xFFFF0000, v40;
	v32 =	vld.idx.msk [tilespmem:v32+s22+$0x0], $0xffff  }
0x2e5: {  	vm5 =	vmand vm5, vm3;
	vm7 =	vmand vm1, vm4;
	vm1 =	vmand vm6, vm2;
	v42 =	vld.idx.msk [tilespmem:v42+s22+$0x0], $0xffff  }
0x2e6: {  	v36 =	vcvt.s32.f32 v30;
	v34 =	vcvt.s32.f32 v29;
	v30 =	vsel vm4, v46, v37;
	v43 =	vld.idx.msk [tilespmem:v43+s22+$0x0], $0xffff  }
0x2e7: {  	v29 =	vsel vm3, v47, v48;
	v37 =	vcvt.s32.f32 v28;
	v31 =	vshll.u32 v31, $0x10  }
.Ltmp10:
0x2e8: {  	v28 =	vsel vm2, v50, v33;
	v46 =	vsel vm7, v31, v46;
	v38 =	vshll.u32 v38, $0x10;
	(pc) =	sbr.rel @p3 .LBB2_14-.Ltmp10, $4  }
0x2e9: {  	v31 =	vsel vm4, v45, v44;
	v39 =	vsel vm5, v38, v47;
	v33 =	vshll.u32 v41, $0x10  }
0x2ea: {  	v38 =	vshll.u32 v32, $0x10;
	v32 =	vsel vm3, v49, v51;
	v41 =	vsel vm1, v33, v50  }
0x2eb: {  	v33 =	vsel vm2, v35, v52;
	v40 =	vsel vm7, v38, v45;
	v42 =	vshll.u32 v42, $0x10  }
0x2ec: {  	v38 =	vsub.f32 v46, v30;
	v42 =	vsel vm5, v42, v49;
	v43 =	vshll.u32 v43, $0x10  }
0x2ed: {  	v39 =	vsub.f32 v39, v29;
	v41 =	vsub.f32 v41, v28  }
0x2ee: {  	v35 =	vsel vm1, v43, v35;
	v40 =	vsub.f32 v40, v31;
	v21 =	vsub.f32 v21, v36  }
0x2ef: {  	v24 =	vcvt.s32.f32 v24;
	v55 =	vsub.f32 v42, v32;
	v20 =	vsub.f32 v20, v34  }
0x2f0: {  	v19 =	vsub.f32 v19, v37;
	v56 =	vsub.f32 v35, v33;
	v57 =	vmul.f32 v38, v21  }
0x2f1: {  	v15 =	vsub.f32 v15, v24;
	v21 =	vmul.f32 v40, v21;
	v58 =	vmul.f32 v39, v20  }
0x2f2: {  	v37 =	vmul.f32 v41, v19;
	v20 =	vmul.f32 v55, v20;
	v30 =	vadd.f32 v30, v57  }
0x2f3: {  	v19 =	vmul.f32 v56, v19;
	v24 =	vadd.f32 v29, v58;
	v21 =	vadd.f32 v31, v21  }
0x2f4: {  	v23 =	vcvt.s32.f32 v23;
	v59 =	vadd.f32 v28, v37;
	v20 =	vadd.f32 v32, v20  }
0x2f5: {  	v22 =	vcvt.s32.f32 v22;
	v19 =	vadd.f32 v33, v19;
	v60 =	vsub.f32 v30, v21  }
0x2f6: {  	v12 =	vsub.f32 v12, v23;
	v61 =	vsub.f32 v24, v20  }
0x2f7: {  	v11 =	vsub.f32 v11, v22;
	v62 =	vsub.f32 v59, v19;
	v15 =	vmul.f32 v60, v15  }
0x2f8: {  	v10 =	vadd.f32 v10, v16;
	v12 =	vmul.f32 v61, v12  }
0x2f9: {  	v14 =	vadd.f32 v14, v17;
	v11 =	vmul.f32 v62, v11;
	v15 =	vadd.f32 v15, v21  }
0x2fa: {  	[tilespmem:s4+$0x0] =	vst v10;
	v10 =	vadd.f32 v13, v18;
	v12 =	vadd.f32 v12, v20  }
0x2fb: {  	[tilespmem:s8+$0x0] =	vst v14;
	v11 =	vadd.f32 v11, v19;
	v63 =	vadd.f32 v15, v25  }
0x2fc: {  	[tilespmem:s7+$0x0] =	vst v10;
	v10 =	vadd.f32 v12, v26  }
0x2fd: {  	v11 =	vadd.f32 v11, v27;
	[tilespmem:s17+$0x0] =	vst v63  }
0x2fe: {  	[tilespmem:s12+$0x0] =	vst v10  }
0x2ff: {  	s1 =	smov.u32 s15;
	[tilespmem:s10+$0x0] =	vst v11  }
.LBB2_16:
0x300: {  	s0 =	sadd.s32 s9, s14  }
0x301: {  	s4 =	simm.s32 $0x1C900;
	s0 =	sshll.u32 s0, $0x9  }
0x302: {  	s7 =	simm.s32 $0x2;
	p3 =	seq.s32 s5, $0xF;
	s0 =	sadd.s32 s1, s0  }
0x303: {  	[hbm4b:s0+s6] =	stream.linear.scatter [tilespmem:s4], [sflag:$0x3], $0x1000, $0x38;
	[tilespmem:$0x1F910] =	vst v63  }
0x304: {  	p4 =	seq.s32 @!p3 s5, $0x0;
	s0 =	sadd.s32 @!p3 s26, s14;
	_ =	swait.ge [sflag:s7], $0x2000  }
0x305: {  	s2 =	simm.s32 @!p3 $0x18900;
	s0 =	sshll.u32 @!p3 s0, $0xA;
	[sflag:s7] =	ssyncset.done $0x0  }
0x306: {  	s1 =	simm.s32 @!p3 $0x0;
	s0 =	sadd.s32 @!p3 s18, s0;
	[sflag:s7] =	ssyncadd.s32 $0xFFFFE000  }
0x307: {  	[tilespmem:s2], [sflag:$0x1] =	stream.linear.gather @!p3 [hbm4b:s0+s1], $0x2000, $0x38;
	[tilespmem:$0x1F910] =	vst v63  }
0x308: {  	p3 =	por p3, !p4  }
0x309: {  	s0 =	simm.s32 @p3 $0x4  }
0x30a: {  	s8 =	simm.s32 $0x0;
	s10 =	simm.s32 $0x0;
	_ =	swait.ge @p3 [sflag:s0], $0x1000  }
0x30b: {  	s4 =	sand.u32 $0x3, s8;
	s14 =	simm.s32 $0x0;
	[sflag:s0] =	ssyncset.done @p3 $0x0  }
0x30c: {  	s11 =	sshll.u32 s4, $0x8;
	[sflag:s0] =	ssyncadd.s32 @p3 $0xFFFFF000;
	s0 =	sand.u32 $0x3FFFFC00, s10  }
0x30d: {  	s12 =	sand.u32 $0x40, s14;
	s0 =	sor.u32 s11, s0  }
0x30e: {  	s8 =	sor.u32 $0x30, s12;
	s1 =	sadd.s32 $0x1A980, s0  }
0x30f: {  	s0 =	sadd.s32 $0x1A900, s0;
	s3 =	sor.u32 s8, s1  }
0x310: {  	s10 =	sor.u32 s8, s0;
	v10 =	vld [tilespmem:s3+$0x0]  }
0x311: {  	s7 =	sor.u32 $0x10, s12;
	s17 =	sor.u32 s12, s1;
	v11 =	vld [tilespmem:s10+$0x0]  }
0x312: {  	s11 =	sor.u32 $0x20, s12;
	s20 =	sor.u32 s7, s1;
	v12 =	vld [tilespmem:s17+$0x0]  }
0x313: {  	s1 =	sor.u32 s11, s1;
	v15 =	vld [tilespmem:s20+$0x0]  }
0x314: {  	s24 =	sor.u32 s12, s0;
	s25 =	sor.u32 s7, s0;
	s0 =	sor.u32 s11, s0;
	v16 =	vld [tilespmem:s1+$0x0]  }
0x315: {  	v34 =	vld [tilespmem:s0+$0x0];
	_ =	sdelay $0x1  }
0x316: {  	v13 =	vmul.f32 v10, v3;
	v14 =	vmul.f32 $2.560000000e+02, v11  }
0x317: {  	v10 =	vmul.f32 $2.560000000e+02, v10;
	v17 =	vmul.f32 $2.560000000e+02, v12  }
0x318: {  	v11 =	vmul.f32 v11, v3;
	v18 =	vmul.f32 $2.560000000e+02, v15  }
0x319: {  	v19 =	vmul.f32 $2.560000000e+02, v16;
	v37 =	vmul.f32 $2.560000000e+02, v34;
	v13 =	vadd.f32 v13, v4  }
0x31a: {  	v38 =	vmul.f32 v12, v3;
	v14 =	vadd.f32 $2.555000000e+02, v14;
	v10 =	vadd.f32 $2.555000000e+02, v10  }
0x31b: {  	v16 =	vmul.f32 v16, v3;
	v11 =	vadd.f32 v11, v4;
	v17 =	vadd.f32 $2.555000000e+02, v17  }
0x31c: {  	v15 =	vmul.f32 v15, v3;
	v18 =	vadd.f32 $2.555000000e+02, v18;
	v19 =	vadd.f32 $2.555000000e+02, v19  }
0x31d: {  	v49 =	vadd.f32 $2.555000000e+02, v37;
	v16 =	vadd.f32 v16, v4;
	v20 =	vmax.f32 v13, $0.0e+00  }
0x31e: {  	v21 =	vmax.f32 v14, $0.0e+00;
	v10 =	vmax.f32 v10, $0.0e+00;
	v20 =	vmin.f32 v5, v20  }
0x31f: {  	v21 =	vmin.f32 v21, $5.110000000e+02;
	v10 =	vmin.f32 v10, $5.110000000e+02;
	v22 =	vtrunc.f32 v20  }
0x320: {  	v11 =	vmax.f32 v11, $0.0e+00;
	v23 =	vtrunc.f32 v21;
	v24 =	vtrunc.f32 v10  }
0x321: {  	v11 =	vmin.f32 v5, v11;
	v24 =	vcvt.f32.s32 v24;
	v22 =	vcvt.f32.s32 v22  }
0x322: {  	v17 =	vmax.f32 v17, $0.0e+00;
	v25 =	vtrunc.f32 v11;
	v23 =	vcvt.f32.s32 v23  }
0x323: {  	v25 =	vcvt.f32.s32 v25;
	v26 =	vshll.u32 v24, $0x9;
	v27 =	vmul.u32 v22, v6  }
0x324: {  	v18 =	vmax.f32 v18, $0.0e+00;
	v19 =	vmax.f32 v19, $0.0e+00;
	v26 =	vadd.s32 v23, v26  }
0x325: {  	vm1 =	veq.s32 v7, v22;
	v26 =	vshra.s32 v26, $0x1;
	v27 =	vadd.s32 v25, v27  }
0x326: {  	vm2 =	veq.s32 v24, $0x1FF;
	v26 =	vsub.s32 v26, v0;
	v27 =	vshra.s32 v27, $0x1  }
0x327: {  	v31 =	vsel vm1, $0x0, v9;
	vm3 =	vgt.s32 v26, $0x0;
	v30 =	vadd.s32 $0x1, v27  }
0x328: {  	v32 =	vadd.s32 $0x1, v26;
	v33 =	vadd.s32 $0x100, v26;
	v31 =	vadd.s32 v31, v27  }
0x329: {  	v13 =	vld [tilespmem:s24+$0x0];
	v35 =	vnsel vm3, $0x0, v26;
	vm1 =	vlt.s32 v30, v8;
	v36 =	vadd.s32 $0x1, v31  }
0x32a: {  	v14 =	vld [tilespmem:s25+$0x0];
	vm3 =	vgt.s32 v32, $0x0;
	v26 =	vsel vm2, v26, v33;
	v30 =	vsel vm1, v30, v8  }
0x32b: {  	v47 =	vmin.u32 v35, v1;
	v32 =	vnsel vm3, $0x0, v32;
	vm1 =	vlt.s32 v36, v8  }
0x32c: {  	vm2 =	vgt.s32 v26, $0x0;
	v48 =	vadd.s32 $0x1, v26;
	v36 =	vsel vm1, v36, v8  }
0x32d: {  	v32 =	vmin.u32 v32, v1;
	v26 =	vnsel vm2, $0x0, v26;
	vm1 =	vgt.s32 v48, $0x0;
	v27 =	vld.idx.msk [tilespmem:v27+s21+$0x0], $0xffff  }
0x32e: {  	v28 =	vmul.f32 $2.560000000e+02, v13;
	v26 =	vmin.u32 v26, v1;
	v35 =	vnsel vm1, $0x0, v48;
	v31 =	vld.idx.msk [tilespmem:v31+s21+$0x0], $0xffff  }
0x32f: {  	v29 =	vmul.f32 $2.560000000e+02, v14;
	v50 =	vcvt.s32.f32 v25;
	v35 =	vmin.u32 v35, v1;
	v30 =	vld.idx.msk [tilespmem:v30+s21+$0x0], $0xffff  }
0x330: {  	v39 =	vcvt.s32.f32 v23;
	v40 =	vand.u32 $0x1, v25;
	v51 =	vand.u32 $0x1, v23;
	v12 =	vld.idx.msk [tilespmem:v47+s6+$0x0], $0xffff  }
0x331: {  	vm4 =	veq.s32 v51, $0x1;
	v28 =	vadd.f32 $2.555000000e+02, v28;
	v29 =	vadd.f32 $2.555000000e+02, v29;
	v36 =	vld.idx.msk [tilespmem:v36+s21+$0x0], $0xffff  }
0x332: {  	v21 =	vsub.f32 v21, v39;
	vm2 =	vne.s32 v23, $0x1FF;
	vm1 =	vne.s32 v7, v25;
	v25 =	vld.idx.msk [tilespmem:v32+s6+$0x0], $0xffff  }
0x333: {  	v11 =	vsub.f32 v11, v50;
	vm3 =	veq.s32 v40, $0x1;
	vm2 =	vmand vm2, vm4;
	v23 =	vld.idx.msk [tilespmem:v26+s6+$0x0], $0xffff  }
0x334: {  	vm1 =	vmand vm1, vm3;
	v52 =	vand.u32 $0xFFFF0000, v27;
	v27 =	vshll.u32 v27, $0x10;
	v26 =	vld.idx.msk [tilespmem:v35+s6+$0x0], $0xffff  }
0x335: {  	v53 =	vand.u32 $0xFFFF0000, v31;
	v31 =	vshll.u32 v31, $0x10;
	v27 =	vsel vm3, v52, v27  }
0x336: {  	v30 =	vshll.u32 v30, $0x10;
	v54 =	vand.u32 $0xFFFF0000, v12;
	v12 =	vshll.u32 v12, $0x10  }
0x337: {  	v31 =	vsel vm3, v53, v31;
	v30 =	vsel vm1, v30, v52;
	v12 =	vsel vm4, v54, v12  }
0x338: {  	v25 =	vshll.u32 v25, $0x10;
	v55 =	vshll.u32 v36, $0x10;
	v56 =	vand.u32 $0xFFFF0000, v23  }
0x339: {  	v23 =	vshll.u32 v23, $0x10;
	v25 =	vsel vm2, v25, v54;
	v26 =	vshll.u32 v26, $0x10  }
0x33a: {  	v23 =	vsel vm4, v56, v23;
	v25 =	vsub.f32 v25, v12;
	v26 =	vsel vm2, v26, v56  }
0x33b: {  	v32 =	vsel vm1, v55, v53;
	v30 =	vsub.f32 v30, v27;
	v26 =	vsub.f32 v26, v23  }
0x33c: {  	vm1 =	vgt.s32 v24, $0xFF;
	v32 =	vsub.f32 v32, v31;
	v25 =	vmul.f32 v25, v21  }
0x33d: {  	vm1 =	vmxor vm0, vm1;
	v21 =	vmul.f32 v26, v21;
	v26 =	vmul.f32 v30, v11  }
0x33e: {  	v11 =	vmul.f32 v32, v11;
	v30 =	vcvt.s32.f32 v24;
	v25 =	vadd.f32 v12, v25  }
0x33f: {  	v12 =	vadd.f32 v23, v21;
	v21 =	vcvt.s32.f32 v22;
	v22 =	vadd.f32 v27, v26  }
0x340: {  	v11 =	vadd.f32 v31, v11;
	v23 =	vsub.f32 v10, v30;
	v10 =	vmin.f32 v19, $5.110000000e+02  }
0x341: {  	v19 =	vmax.f32 v28, $0.0e+00;
	v27 =	vadd.f32 v38, v4;
	v28 =	vmul.f32 v14, v3  }
0x342: {  	v30 =	vmax.f32 v16, $0.0e+00;
	v26 =	vsub.f32 v12, v25;
	v12 =	vmin.f32 v17, $5.110000000e+02  }
0x343: {  	v17 =	vsub.f32 v20, v21;
	v20 =	vsub.f32 v11, v22;
	v11 =	vmin.f32 v18, $5.110000000e+02  }
0x344: {  	v21 =	vmax.f32 v29, $0.0e+00;
	v28 =	vadd.f32 v28, v4;
	v14 =	vtrunc.f32 v11  }
0x345: {  	v24 =	vmin.f32 v21, $5.110000000e+02;
	v18 =	vmul.f32 v26, v23;
	v17 =	vmul.f32 v20, v17  }
0x346: {  	v26 =	vmax.f32 v49, $0.0e+00;
	v23 =	vmin.f32 v19, $5.110000000e+02;
	v19 =	vtrunc.f32 v10  }
0x347: {  	v14 =	vcvt.f32.s32 v14;
	v28 =	vmax.f32 v28, $0.0e+00;
	v21 =	vtrunc.f32 v23  }
0x348: {  	v18 =	vadd.f32 v18, v25;
	v17 =	vadd.f32 v17, v22;
	v25 =	vmin.f32 v26, $5.110000000e+02  }
0x349: {  	v22 =	vadd.f32 v15, v4;
	v26 =	vmax.f32 v27, $0.0e+00;
	v27 =	vtrunc.f32 v25  }
0x34a: {  	v15 =	vnsel vm1, $0x0, v18;
	v18 =	vmul.f32 v13, v3;
	v13 =	vtrunc.f32 v12  }
0x34b: {  	v33 =	vcvt.f32.s32 v27;
	v20 =	vadd.f32 v17, v15;
	v17 =	vmul.f32 v34, v3  }
0x34c: {  	vm2 =	veq.s32 v14, $0x1FF;
	v15 =	vcvt.f32.s32 v13;
	v13 =	vcvt.f32.s32 v19  }
0x34d: {  	v22 =	vmax.f32 v22, $0.0e+00;
	v19 =	vtrunc.f32 v24;
	v34 =	vcvt.f32.s32 v21  }
0x34e: {  	v16 =	vmin.f32 v5, v22;
	v22 =	vshll.u32 v14, $0x9;
	v29 =	vadd.f32 v18, v4  }
0x34f: {  	v32 =	vcvt.f32.s32 v19;
	v18 =	vmin.f32 v5, v26;
	v27 =	vtrunc.f32 v16  }
0x350: {  	v19 =	vadd.f32 v17, v4;
	v21 =	vshll.u32 v15, $0x9;
	v17 =	vmin.f32 v5, v30  }
0x351: {  	v26 =	vtrunc.f32 v18;
	v30 =	vshll.u32 v13, $0x9;
	vm1 =	veq.s32 v15, $0x1FF  }
0x352: {  	v29 =	vmax.f32 v29, $0.0e+00;
	v31 =	vtrunc.f32 v17;
	v57 =	vadd.s32 v34, v21  }
0x353: {  	v58 =	vadd.s32 v32, v22;
	v22 =	vcvt.f32.s32 v26;
	v21 =	vcvt.f32.s32 v27  }
0x354: {  	v30 =	vadd.s32 v33, v30;
	v26 =	vmin.f32 v5, v28;
	v59 =	vmax.f32 v19, $0.0e+00  }
0x355: {  	v27 =	vmin.f32 v5, v29;
	v19 =	vcvt.f32.s32 v31;
	v29 =	vshra.s32 v57, $0x1  }
0x356: {  	v31 =	vshra.s32 v58, $0x1;
	v61 =	vtrunc.f32 v26;
	v30 =	vshra.s32 v30, $0x1  }
0x357: {  	v28 =	vmin.f32 v5, v59;
	v60 =	vtrunc.f32 v27;
	v62 =	vsub.s32 v29, v0  }
0x358: {  	v63 =	vsub.s32 v31, v0;
	v54 =	vmul.u32 v22, v6;
	v55 =	vmul.u32 v21, v6  }
0x359: {  	v41 =	vsub.s32 v30, v0;
	v30 =	vcvt.f32.s32 v61;
	v31 =	vtrunc.f32 v28  }
0x35a: {  	v29 =	vcvt.f32.s32 v60;
	v56 =	vmul.u32 v19, v6;
	v57 =	vadd.s32 $0x100, v62  }
0x35b: {  	v42 =	vadd.s32 $0x100, v63;
	v43 =	vadd.s32 $0x100, v41;
	vm3 =	veq.s32 v7, v19  }
0x35c: {  	v48 =	vadd.s32 $0x1, v62;
	v49 =	vadd.s32 $0x1, v63;
	v59 =	vadd.s32 $0x1, v41  }
0x35d: {  	vm9 =	vgt.s32 v62, $0x0;
	vm11 =	vgt.s32 v63, $0x0;
	vm12 =	vgt.s32 v41, $0x0  }
0x35e: {  	v31 =	vcvt.f32.s32 v31;
	v44 =	vsel vm1, v62, v57;
	v42 =	vsel vm2, v63, v42  }
0x35f: {  	vm1 =	veq.s32 v13, $0x1FF;
	v40 =	vadd.s32 v30, v55;
	vm2 =	veq.s32 v7, v21  }
0x360: {  	v60 =	vsel vm3, $0x0, v9;
	vm6 =	vgt.s32 v48, $0x0;
	vm7 =	vgt.s32 v49, $0x0  }
0x361: {  	vm10 =	vgt.s32 v59, $0x0;
	v38 =	vnsel vm9, $0x0, v62;
	v39 =	vnsel vm11, $0x0, v63  }
0x362: {  	vm14 =	vne.s32 v7, v30;
	v58 =	vadd.s32 v29, v54;
	v43 =	vsel vm1, v41, v43  }
0x363: {  	vm1 =	veq.s32 v7, v22;
	v46 =	vadd.s32 $0x1, v44;
	v47 =	vadd.s32 $0x1, v42  }
0x364: {  	v35 =	vshra.s32 v40, $0x1;
	v52 =	vsel vm2, $0x0, v9;
	vm3 =	vgt.s32 v44, $0x0  }
0x365: {  	vm4 =	vgt.s32 v42, $0x0;
	v48 =	vnsel vm6, $0x0, v48;
	v49 =	vnsel vm7, $0x0, v49  }
0x366: {  	v40 =	vnsel vm10, $0x0, v59;
	v41 =	vnsel vm12, $0x0, v41;
	v38 =	vmin.u32 v38, v1  }
0x367: {  	v39 =	vmin.u32 v39, v1;
	v59 =	vand.u32 $0x1, v34;
	vm13 =	vne.s32 v7, v29  }
0x368: {  	v45 =	vadd.s32 v31, v56;
	v50 =	vadd.s32 $0x1, v43;
	v37 =	vshra.s32 v58, $0x1  }
0x369: {  	v51 =	vsel vm1, $0x0, v9;
	vm1 =	vgt.s32 v46, $0x0;
	vm2 =	vgt.s32 v47, $0x0  }
0x36a: {  	vm8 =	vgt.s32 v43, $0x0;
	v52 =	vadd.s32 v52, v35;
	v44 =	vnsel vm3, $0x0, v44  }
0x36b: {  	v42 =	vnsel vm4, $0x0, v42;
	v56 =	vadd.s32 $0x1, v35;
	v48 =	vmin.u32 v48, v1  }
0x36c: {  	v49 =	vmin.u32 v49, v1;
	v40 =	vmin.u32 v40, v1;
	v41 =	vmin.u32 v41, v1  }
0x36d: {  	v61 =	vand.u32 $0x1, v31;
	vm15 =	vne.s32 v7, v31;
	v31 =	vcvt.s32.f32 v31  }
0x36e: {  	v36 =	vshra.s32 v45, $0x1;
	vm5 =	vgt.s32 v50, $0x0;
	v51 =	vadd.s32 v51, v37  }
0x36f: {  	v46 =	vnsel vm1, $0x0, v46;
	v47 =	vnsel vm2, $0x0, v47;
	v43 =	vnsel vm8, $0x0, v43  }
0x370: {  	v54 =	vadd.s32 $0x1, v52;
	v55 =	vadd.s32 $0x1, v37;
	v44 =	vmin.u32 v44, v1  }
0x371: {  	v42 =	vmin.u32 v42, v1;
	vm11 =	vlt.s32 v56, v8;
	v45 =	vadd.s32 v60, v36  }
0x372: {  	v50 =	vnsel vm5, $0x0, v50;
	v53 =	vadd.s32 $0x1, v51;
	v46 =	vmin.u32 v46, v1  }
0x373: {  	v47 =	vmin.u32 v47, v1;
	v58 =	vadd.s32 $0x1, v36;
	v43 =	vmin.u32 v43, v1  }
0x374: {  	vm2 =	vlt.s32 v54, v8;
	vm3 =	vlt.s32 v55, v8;
	v56 =	vsel vm11, v56, v8  }
0x375: {  	v60 =	vand.u32 $0x1, v32;
	vm5 =	veq.s32 v59, $0x1;
	v59 =	vand.u32 $0x1, v33  }
0x376: {  	v57 =	vadd.s32 $0x1, v45;
	v50 =	vmin.u32 v50, v1;
	vm1 =	vlt.s32 v53, v8  }
0x377: {  	v54 =	vsel vm2, v54, v8;
	v55 =	vsel vm3, v55, v8;
	vm4 =	veq.s32 v60, $0x1  }
0x378: {  	v60 =	vand.u32 $0x1, v29;
	vm6 =	veq.s32 v59, $0x1;
	vm2 =	vne.s32 v32, $0x1FF;
	v38 =	vld.idx.msk [tilespmem:v38+s6+$0x0], $0xffff  }
0x379: {  	vm3 =	vne.s32 v33, $0x1FF;
	v32 =	vcvt.s32.f32 v32;
	v33 =	vcvt.s32.f32 v33;
	v39 =	vld.idx.msk [tilespmem:v39+s6+$0x0], $0xffff  }
0x37a: {  	v59 =	vand.u32 $0x1, v30;
	v29 =	vcvt.s32.f32 v29;
	v30 =	vcvt.s32.f32 v30;
	v35 =	vld.idx.msk [tilespmem:v35+s21+$0x0], $0xffff  }
0x37b: {  	vm12 =	vlt.s32 v57, v8;
	v53 =	vsel vm1, v53, v8;
	vm1 =	vlt.s32 v58, v8;
	v52 =	vld.idx.msk [tilespmem:v52+s21+$0x0], $0xffff  }
0x37c: {  	vm11 =	vmand vm2, vm4;
	vm2 =	veq.s32 v59, $0x1;
	v57 =	vsel vm12, v57, v8;
	v48 =	vld.idx.msk [tilespmem:v48+s6+$0x0], $0xffff  }
0x37d: {  	v58 =	vsel vm1, v58, v8;
	vm1 =	vne.s32 v34, $0x1FF;
	v49 =	vld.idx.msk [tilespmem:v49+s6+$0x0], $0xffff;
	vm12 =	vmand vm3, vm6  }
0x37e: {  	v40 =	vld.idx.msk [tilespmem:v40+s6+$0x0], $0xffff;
	v34 =	vcvt.s32.f32 v34;
	vm3 =	veq.s32 v61, $0x1;
	v24 =	vsub.f32 v24, v32  }
0x37f: {  	vm14 =	vmand vm14, vm2;
	v25 =	vsub.f32 v25, v33;
	v26 =	vsub.f32 v26, v30;
	v44 =	vld.idx.msk [tilespmem:v44+s6+$0x0], $0xffff  }
0x380: {  	v30 =	vsub.f32 v28, v31;
	v42 =	vld.idx.msk [tilespmem:v42+s6+$0x0], $0xffff;
	vm10 =	vmand vm1, vm5;
	vm1 =	veq.s32 v60, $0x1  }
0x381: {  	vm15 =	vmand vm15, vm3;
	v46 =	vld.idx.msk [tilespmem:v46+s6+$0x0], $0xffff;
	vm13 =	vmand vm13, vm1;
	v34 =	vsub.f32 v23, v34  }
0x382: {  	v47 =	vld.idx.msk [tilespmem:v47+s6+$0x0], $0xffff;
	v23 =	vcvt.s32.f32 v15;
	v61 =	vand.u32 $0xFFFF0000, v38;
	v38 =	vshll.u32 v38, $0x10  }
0x383: {  	v43 =	vld.idx.msk [tilespmem:v43+s6+$0x0], $0xffff;
	v63 =	vand.u32 $0xFFFF0000, v39;
	v39 =	vshll.u32 v39, $0x10;
	v48 =	vshll.u32 v48, $0x10  }
0x384: {  	v56 =	vld.idx.msk [tilespmem:v56+s21+$0x0], $0xffff;
	v49 =	vshll.u32 v49, $0x10;
	v40 =	vshll.u32 v40, $0x10;
	v38 =	vsel vm5, v61, v38  }
0x385: {  	v45 =	vld.idx.msk [tilespmem:v45+s21+$0x0], $0xffff;
	v39 =	vsel vm4, v63, v39;
	v62 =	vand.u32 $0xFFFF0000, v44;
	v44 =	vshll.u32 v44, $0x10  }
0x386: {  	v50 =	vld.idx.msk [tilespmem:v50+s6+$0x0], $0xffff;
	v60 =	vand.u32 $0xFFFF0000, v42;
	v42 =	vshll.u32 v42, $0x10;
	v48 =	vsel vm10, v48, v61  }
0x387: {  	v41 =	vld.idx.msk [tilespmem:v41+s6+$0x0], $0xffff;
	v49 =	vsel vm11, v49, v63;
	v63 =	vand.u32 $0xFFFF0000, v35;
	v35 =	vshll.u32 v35, $0x10  }
0x388: {  	v54 =	vld.idx.msk [tilespmem:v54+s21+$0x0], $0xffff;
	v46 =	vshll.u32 v46, $0x10;
	v47 =	vshll.u32 v47, $0x10;
	v59 =	vand.u32 $0xFFFF0000, v43  }
0x389: {  	v55 =	vld.idx.msk [tilespmem:v55+s21+$0x0], $0xffff;
	v43 =	vshll.u32 v43, $0x10;
	v44 =	vsel vm5, v62, v44;
	v42 =	vsel vm4, v60, v42  }
0x38a: {  	v37 =	vld.idx.msk [tilespmem:v37+s21+$0x0], $0xffff;
	v56 =	vshll.u32 v56, $0x10;
	v61 =	vand.u32 $0xFFFF0000, v45;
	v45 =	vshll.u32 v45, $0x10  }
0x38b: {  	v53 =	vld.idx.msk [tilespmem:v53+s21+$0x0], $0xffff;
	v48 =	vsub.f32 v48, v38;
	v49 =	vsub.f32 v49, v39;
	v50 =	vshll.u32 v50, $0x10  }
0x38c: {  	v51 =	vld.idx.msk [tilespmem:v51+s21+$0x0], $0xffff;
	v46 =	vsel vm10, v46, v62;
	v47 =	vsel vm11, v47, v60;
	v62 =	vand.u32 $0xFFFF0000, v41  }
0x38d: {  	v41 =	vshll.u32 v41, $0x10;
	v43 =	vsel vm6, v59, v43;
	v54 =	vshll.u32 v54, $0x10  }
0x38e: {  	v57 =	vld.idx.msk [tilespmem:v57+s21+$0x0], $0xffff;
	v55 =	vshll.u32 v55, $0x10;
	v60 =	vand.u32 $0xFFFF0000, v52;
	v52 =	vshll.u32 v52, $0x10  }
0x38f: {  	v58 =	vld.idx.msk [tilespmem:v58+s21+$0x0], $0xffff;
	v56 =	vsel vm14, v56, v63;
	v45 =	vsel vm3, v61, v45;
	v50 =	vsel vm12, v50, v59  }
0x390: {  	v36 =	vld.idx.msk [tilespmem:v36+s21+$0x0], $0xffff;
	v53 =	vshll.u32 v53, $0x10;
	v40 =	vsel vm12, v40, v62;
	v41 =	vsel vm6, v62, v41  }
0x391: {  	v59 =	vand.u32 $0xFFFF0000, v51;
	v51 =	vshll.u32 v51, $0x10;
	v62 =	vand.u32 $0xFFFF0000, v37  }
0x392: {  	v37 =	vshll.u32 v37, $0x10;
	v46 =	vsub.f32 v46, v44;
	v47 =	vsub.f32 v47, v42  }
0x393: {  	v54 =	vsel vm14, v54, v60;
	v52 =	vsel vm2, v60, v52;
	v60 =	vsel vm2, v63, v35  }
0x394: {  	v57 =	vshll.u32 v57, $0x10;
	v58 =	vshll.u32 v58, $0x10;
	v53 =	vsel vm13, v53, v59  }
0x395: {  	v51 =	vsel vm1, v59, v51;
	v59 =	vand.u32 $0xFFFF0000, v36;
	v36 =	vshll.u32 v36, $0x10  }
0x396: {  	v50 =	vsub.f32 v50, v43;
	v40 =	vsub.f32 v40, v41;
	v55 =	vsel vm13, v55, v62  }
0x397: {  	v37 =	vsel vm1, v62, v37;
	v35 =	vsub.f32 v54, v52;
	v62 =	vsub.f32 v27, v29  }
0x398: {  	v57 =	vsel vm15, v57, v61;
	v58 =	vsel vm15, v58, v59;
	v59 =	vsel vm3, v59, v36  }
0x399: {  	v32 =	vsub.f32 v53, v51;
	v33 =	vmul.f32 v46, v34;
	v61 =	vsub.f32 v55, v37  }
0x39a: {  	v47 =	vmul.f32 v47, v24;
	v53 =	vsub.f32 v56, v60;
	v34 =	vmul.f32 v48, v34  }
0x39b: {  	v24 =	vmul.f32 v49, v24;
	v36 =	vsub.f32 v57, v45;
	v50 =	vmul.f32 v50, v25  }
0x39c: {  	v63 =	vsub.f32 v58, v59;
	v31 =	vmul.f32 v40, v25;
	v57 =	vmul.f32 v35, v26  }
0x39d: {  	s28 =	simm.s32 $0x0;
	v35 =	vcvt.s32.f32 v14;
	v27 =	vadd.f32 v44, v33;
	v32 =	vmul.f32 v32, v62  }
0x39e: {  	s29 =	sshll.u32 s4, $0xA;
	s0 =	sand.u32 $0x3FFFFF80, s28;
	v29 =	vadd.f32 v42, v47;
	v58 =	vmul.f32 v61, v62;
	v25 =	vadd.f32 v38, v34  }
0x39f: {  	s0 =	sadd.s32 s0, s29;
	v62 =	vmul.f32 v53, v26;
	v26 =	vadd.f32 v39, v24;
	v34 =	vcvt.s32.f32 v21  }
0x3a0: {  	s0 =	sadd.s32 $0x1D900, s0;
	v28 =	vadd.f32 v43, v50;
	v61 =	vmul.f32 v36, v30;
	v24 =	vadd.f32 v41, v31  }
0x3a1: {  	s31 =	sor.u32 s8, s0;
	v63 =	vmul.f32 v63, v30;
	v30 =	vadd.f32 v52, v57;
	v33 =	vadd.f32 v51, v32  }
0x3a2: {  	s4 =	simm.s32 $0x0;
	[tilespmem:s31+$0x0] =	vst v20;
	v31 =	vcvt.s32.f32 v22;
	v22 =	vadd.f32 v37, v58;
	v20 =	vadd.f32 v60, v62  }
0x3a3: {  	s8 =	sor.u32 s12, s0;
	s2 =	sor.u32 s7, s0;
	s7 =	sor.u32 s11, s0;
	v36 =	vcvt.s32.f32 v13;
	v32 =	vadd.f32 v45, v61;
	v21 =	vadd.f32 v59, v63  }
.LBB2_17:
0x3a4: {  	s4 =	sadd.s32 $0x4, s4;
	v27 =	vsub.f32 v27, v25;
	v29 =	vsub.f32 v29, v26;
	v19 =	vcvt.s32.f32 v19  }
0x3a5: {  	v12 =	vsub.f32 v12, v23;
	vm1 =	vgt.s32 v15, $0xFF;
	v15 =	vsub.f32 v28, v24;
	s0 =	sshrl.u32 s4, $0x3  }
0x3a6: {  	v11 =	vsub.f32 v11, v35;
	vm2 =	vgt.s32 v14, $0xFF;
	v10 =	vsub.f32 v10, v36;
	s12 =	sand.u32 $0x3, s0;
	s0 =	sshll.u32 s4, $0x5  }
0x3a7: {  	v14 =	vsub.f32 v33, v22;
	s14 =	sadd.s32 $0x40, s14;
	v23 =	vsub.f32 v30, v20;
	v12 =	vmul.f32 v27, v12;
	s0 =	sand.u32 $0x3FFFFC00, s0;
	s1 =	sshll.u32 s12, $0x8  }
0x3a8: {  	v18 =	vsub.f32 v18, v31;
	s11 =	sand.u32 $0x40, s14;
	p3 =	slt.u32 s4, $0xFC;
	v11 =	vmul.f32 v29, v11;
	v27 =	vsub.f32 v32, v21;
	s0 =	sor.u32 s1, s0  }
0x3a9: {  	v16 =	vsub.f32 v16, v34;
	s10 =	sor.u32 $0x10, s11;
	s17 =	sor.u32 $0x30, s11;
	v10 =	vmul.f32 v15, v10;
	v15 =	vsub.f32 v17, v19;
	s1 =	sadd.s32 $0x1A980, s0  }
0x3aa: {  	s29 =	sor.u32 $0x20, s11;
	v14 =	vmul.f32 v14, v18;
	v12 =	vadd.f32 v12, v25;
	v11 =	vadd.f32 v11, v26;
	s0 =	sadd.s32 $0x1A900, s0;
	s3 =	sor.u32 s17, s1  }
0x3ab: {  	v16 =	vmul.f32 v23, v16;
	v18 =	vadd.f32 v10, v24;
	v10 =	vmul.f32 v27, v15;
	s20 =	sor.u32 s11, s1;
	s24 =	sor.u32 s10, s1;
	s25 =	sor.u32 s17, s0;
	v17 =	vld [tilespmem:s3+$0x0]  }
0x3ac: {  	vm3 =	vgt.s32 v13, $0xFF;
	vm1 =	vmxor vm0, vm1;
	v14 =	vadd.f32 v14, v22;
	s28 =	sor.u32 s10, s0;
	s1 =	sor.u32 s29, s1;
	s3 =	sor.u32 s11, s0;
	v19 =	vld [tilespmem:s25+$0x0]  }
0x3ad: {  	vm2 =	vmxor vm0, vm2;
	v13 =	vadd.f32 v16, v20;
	v15 =	vadd.f32 v10, v21;
	s0 =	sor.u32 s29, s0;
	v22 =	vld [tilespmem:s20+$0x0]  }
0x3ae: {  	v12 =	vnsel vm1, $0x0, v12;
	v11 =	vnsel vm2, $0x0, v11;
	vm1 =	vmxor vm0, vm3;
	v20 =	vld [tilespmem:s24+$0x0]  }
0x3af: {  	v12 =	vadd.f32 v14, v12;
	v11 =	vadd.f32 v13, v11;
	v14 =	vnsel vm1, $0x0, v18;
	v10 =	vld [tilespmem:s1+$0x0]  }
0x3b0: {  	v18 =	vadd.f32 v15, v14;
	v13 =	vld [tilespmem:s3+$0x0];
	v16 =	vmul.f32 v17, v3  }
0x3b1: {  	v17 =	vmul.f32 $2.560000000e+02, v17;
	v15 =	vld [tilespmem:s28+$0x0];
	v21 =	vmul.f32 $2.560000000e+02, v19;
	[tilespmem:s8+$0x0] =	vst v12  }
0x3b2: {  	v12 =	vmul.f32 v19, v3;
	v23 =	vmul.f32 $2.560000000e+02, v22;
	v14 =	vld [tilespmem:s0+$0x0];
	v16 =	vadd.f32 v16, v4;
	[tilespmem:s2+$0x0] =	vst v11  }
0x3b3: {  	v17 =	vadd.f32 $2.555000000e+02, v17;
	v19 =	vmul.f32 $2.560000000e+02, v20;
	v11 =	vadd.f32 $2.555000000e+02, v21;
	[tilespmem:s7+$0x0] =	vst v18  }
0x3b4: {  	v21 =	vadd.f32 v12, v4;
	v18 =	vmul.f32 $2.560000000e+02, v10;
	v12 =	vmax.f32 v16, $0.0e+00  }
0x3b5: {  	v17 =	vmax.f32 v17, $0.0e+00;
	v16 =	vmax.f32 v11, $0.0e+00;
	v11 =	vmin.f32 v5, v12  }
0x3b6: {  	v12 =	vmin.f32 v17, $5.110000000e+02;
	v24 =	vmin.f32 v16, $5.110000000e+02;
	v17 =	vtrunc.f32 v11  }
0x3b7: {  	v21 =	vmax.f32 v21, $0.0e+00;
	v16 =	vtrunc.f32 v12;
	v25 =	vtrunc.f32 v24  }
0x3b8: {  	v21 =	vmin.f32 v5, v21;
	v16 =	vcvt.f32.s32 v16;
	v17 =	vcvt.f32.s32 v17  }
0x3b9: {  	v23 =	vadd.f32 $2.555000000e+02, v23;
	v26 =	vtrunc.f32 v21;
	v25 =	vcvt.f32.s32 v25  }
0x3ba: {  	v26 =	vcvt.f32.s32 v26;
	v27 =	vshll.u32 v16, $0x9;
	v28 =	vmul.u32 v17, v6  }
0x3bb: {  	v29 =	vmul.f32 $2.560000000e+02, v13;
	v30 =	vmul.f32 $2.560000000e+02, v15;
	v27 =	vadd.s32 v25, v27  }
0x3bc: {  	vm1 =	veq.s32 v7, v17;
	v27 =	vshra.s32 v27, $0x1;
	v28 =	vadd.s32 v26, v28  }
0x3bd: {  	vm2 =	veq.s32 v16, $0x1FF;
	v27 =	vsub.s32 v27, v0;
	v28 =	vshra.s32 v28, $0x1  }
0x3be: {  	v32 =	vsel vm1, $0x0, v9;
	vm3 =	vgt.s32 v27, $0x0;
	v31 =	vadd.s32 $0x1, v28  }
0x3bf: {  	v33 =	vadd.s32 $0x1, v27;
	v34 =	vadd.s32 $0x100, v27;
	v32 =	vadd.s32 v32, v28  }
0x3c0: {  	v35 =	vnsel vm3, $0x0, v27;
	vm1 =	vlt.s32 v31, v8;
	v36 =	vadd.s32 $0x1, v32  }
0x3c1: {  	vm3 =	vgt.s32 v33, $0x0;
	v27 =	vsel vm2, v27, v34;
	v31 =	vsel vm1, v31, v8  }
0x3c2: {  	v34 =	vmin.u32 v35, v1;
	v33 =	vnsel vm3, $0x0, v33;
	vm1 =	vlt.s32 v36, v8  }
0x3c3: {  	vm2 =	vgt.s32 v27, $0x0;
	v35 =	vadd.s32 $0x1, v27;
	v36 =	vsel vm1, v36, v8  }
0x3c4: {  	v33 =	vmin.u32 v33, v1;
	v27 =	vnsel vm2, $0x0, v27;
	vm1 =	vgt.s32 v35, $0x0;
	v28 =	vld.idx.msk [tilespmem:v28+s21+$0x0], $0xffff  }
0x3c5: {  	v37 =	vmul.f32 $2.560000000e+02, v14;
	v27 =	vmin.u32 v27, v1;
	v35 =	vnsel vm1, $0x0, v35;
	v32 =	vld.idx.msk [tilespmem:v32+s21+$0x0], $0xffff  }
0x3c6: {  	v19 =	vadd.f32 $2.555000000e+02, v19;
	v18 =	vadd.f32 $2.555000000e+02, v18;
	v35 =	vmin.u32 v35, v1;
	v31 =	vld.idx.msk [tilespmem:v31+s21+$0x0], $0xffff  }
0x3c7: {  	v22 =	vmul.f32 v22, v3;
	v29 =	vadd.f32 $2.555000000e+02, v29;
	v30 =	vadd.f32 $2.555000000e+02, v30;
	v34 =	vld.idx.msk [tilespmem:v34+s6+$0x0], $0xffff  }
0x3c8: {  	v20 =	vmul.f32 v20, v3;
	v37 =	vadd.f32 $2.555000000e+02, v37;
	v38 =	vcvt.s32.f32 v26;
	v36 =	vld.idx.msk [tilespmem:v36+s21+$0x0], $0xffff  }
0x3c9: {  	v39 =	vcvt.s32.f32 v25;
	v40 =	vand.u32 $0x1, v26;
	vm1 =	vne.s32 v7, v26;
	v33 =	vld.idx.msk [tilespmem:v33+s6+$0x0], $0xffff  }
0x3ca: {  	vm3 =	veq.s32 v40, $0x1;
	vm2 =	vne.s32 v25, $0x1FF;
	v26 =	vand.u32 $0x1, v25;
	v25 =	vld.idx.msk [tilespmem:v27+s6+$0x0], $0xffff  }
0x3cb: {  	v24 =	vsub.f32 v24, v39;
	v21 =	vsub.f32 v21, v38;
	vm4 =	veq.s32 v26, $0x1;
	v26 =	vld.idx.msk [tilespmem:v35+s6+$0x0], $0xffff  }
0x3cc: {  	vm1 =	vmand vm1, vm3;
	vm2 =	vmand vm2, vm4;
	v27 =	vand.u32 $0xFFFF0000, v28  }
0x3cd: {  	v28 =	vshll.u32 v28, $0x10;
	v35 =	vand.u32 $0xFFFF0000, v32;
	v32 =	vshll.u32 v32, $0x10  }
0x3ce: {  	v28 =	vsel vm3, v27, v28;
	v31 =	vshll.u32 v31, $0x10;
	v32 =	vsel vm3, v35, v32  }
0x3cf: {  	v38 =	vand.u32 $0xFFFF0000, v34;
	v34 =	vshll.u32 v34, $0x10;
	v27 =	vsel vm1, v31, v27  }
0x3d0: {  	v31 =	vsel vm4, v38, v34;
	v34 =	vshll.u32 v36, $0x10;
	v33 =	vshll.u32 v33, $0x10  }
0x3d1: {  	v36 =	vand.u32 $0xFFFF0000, v25;
	v25 =	vshll.u32 v25, $0x10;
	v26 =	vshll.u32 v26, $0x10  }
0x3d2: {  	v33 =	vsel vm2, v33, v38;
	v25 =	vsel vm4, v36, v25;
	v26 =	vsel vm2, v26, v36  }
0x3d3: {  	v34 =	vsel vm1, v34, v35;
	v33 =	vsub.f32 v33, v31;
	v26 =	vsub.f32 v26, v25  }
0x3d4: {  	v35 =	vmul.f32 v10, v3;
	v10 =	vsub.f32 v27, v28;
	v27 =	vsub.f32 v34, v32  }
0x3d5: {  	v23 =	vmax.f32 v23, $0.0e+00;
	v33 =	vmul.f32 v33, v24;
	v24 =	vmul.f32 v26, v24  }
0x3d6: {  	v19 =	vmax.f32 v19, $0.0e+00;
	v10 =	vmul.f32 v10, v21;
	v21 =	vmul.f32 v27, v21  }
0x3d7: {  	v26 =	vcvt.s32.f32 v16;
	v27 =	vadd.f32 v31, v33;
	v24 =	vadd.f32 v25, v24  }
0x3d8: {  	v17 =	vcvt.s32.f32 v17;
	v25 =	vadd.f32 v28, v10;
	v10 =	vadd.f32 v32, v21  }
0x3d9: {  	v18 =	vmax.f32 v18, $0.0e+00;
	v21 =	vsub.f32 v12, v26;
	v24 =	vsub.f32 v24, v27  }
0x3da: {  	v17 =	vsub.f32 v11, v17;
	v12 =	vmin.f32 v23, $5.110000000e+02;
	v23 =	vsub.f32 v10, v25  }
0x3db: {  	v11 =	vmin.f32 v19, $5.110000000e+02;
	v10 =	vmin.f32 v18, $5.110000000e+02;
	v18 =	vmul.f32 v24, v21  }
0x3dc: {  	v19 =	vmax.f32 v29, $0.0e+00;
	v21 =	vmax.f32 v30, $0.0e+00;
	v17 =	vmul.f32 v23, v17  }
0x3dd: {  	s0 =	sshll.u32 s4, $0x2;
	vm1 =	vgt.s32 v16, $0xFF;
	v24 =	vmax.f32 v37, $0.0e+00;
	v18 =	vadd.f32 v18, v27  }
0x3de: {  	s1 =	sshll.u32 s12, $0xA;
	s0 =	sand.u32 $0x3FFFFF80, s0;
	vm1 =	vmxor vm0, vm1;
	v16 =	vadd.f32 v22, v4;
	v17 =	vadd.f32 v17, v25  }
0x3df: {  	s0 =	sadd.s32 s0, s1;
	v22 =	vadd.f32 v20, v4;
	v25 =	vadd.f32 v35, v4;
	v18 =	vnsel vm1, $0x0, v18  }
0x3e0: {  	s0 =	sadd.s32 $0x1D900, s0;
	v26 =	vmul.f32 v13, v3;
	v27 =	vmul.f32 v15, v3;
	v13 =	vadd.f32 v17, v18  }
0x3e1: {  	s8 =	sor.u32 s11, s0;
	s2 =	sor.u32 s10, s0;
	s1 =	sor.u32 s17, s0;
	v20 =	vmin.f32 v19, $5.110000000e+02;
	v15 =	vtrunc.f32 v12;
	v17 =	vmul.f32 v14, v3  }
0x3e2: {  	s7 =	sor.u32 s29, s0;
	v23 =	vmin.f32 v21, $5.110000000e+02;
	v14 =	vtrunc.f32 v11;
	v18 =	vtrunc.f32 v10;
	[tilespmem:s1+$0x0] =	vst v13  }
0x3e3: {  	v24 =	vmin.f32 v24, $5.110000000e+02;
	v15 =	vcvt.f32.s32 v15;
	v14 =	vcvt.f32.s32 v14  }
0x3e4: {  	v19 =	vtrunc.f32 v20;
	v16 =	vmax.f32 v16, $0.0e+00;
	v13 =	vcvt.f32.s32 v18  }
0x3e5: {  	v21 =	vmax.f32 v22, $0.0e+00;
	v22 =	vtrunc.f32 v24;
	v18 =	vtrunc.f32 v23  }
0x3e6: {  	v26 =	vadd.f32 v26, v4;
	v27 =	vadd.f32 v27, v4;
	v25 =	vmax.f32 v25, $0.0e+00  }
0x3e7: {  	v33 =	vcvt.f32.s32 v19;
	v19 =	vadd.f32 v17, v4;
	v31 =	vcvt.f32.s32 v18  }
0x3e8: {  	v32 =	vcvt.f32.s32 v22;
	v18 =	vmin.f32 v5, v16;
	v16 =	vmin.f32 v5, v21  }
0x3e9: {  	v17 =	vmin.f32 v5, v25;
	v22 =	vshll.u32 v14, $0x9;
	v21 =	vshll.u32 v15, $0x9  }
0x3ea: {  	v25 =	vtrunc.f32 v18;
	v28 =	vtrunc.f32 v16;
	v29 =	vshll.u32 v13, $0x9  }
0x3eb: {  	v26 =	vmax.f32 v26, $0.0e+00;
	v27 =	vmax.f32 v27, $0.0e+00;
	v30 =	vtrunc.f32 v17  }
0x3ec: {  	v36 =	vmax.f32 v19, $0.0e+00;
	v34 =	vadd.s32 v33, v21;
	v35 =	vadd.s32 v31, v22  }
0x3ed: {  	v22 =	vcvt.f32.s32 v25;
	v21 =	vcvt.f32.s32 v28;
	v28 =	vadd.s32 v32, v29  }
0x3ee: {  	v26 =	vmin.f32 v5, v26;
	v19 =	vcvt.f32.s32 v30;
	v25 =	vmin.f32 v5, v27  }
0x3ef: {  	v29 =	vshra.s32 v34, $0x1;
	v27 =	vmin.f32 v5, v36;
	v30 =	vshra.s32 v35, $0x1  }
0x3f0: {  	v34 =	vtrunc.f32 v26;
	v35 =	vtrunc.f32 v25;
	v28 =	vshra.s32 v28, $0x1  }
0x3f1: {  	v37 =	vsub.s32 v29, v0;
	v38 =	vsub.s32 v30, v0;
	v30 =	vtrunc.f32 v27  }
0x3f2: {  	v36 =	vmul.u32 v22, v6;
	v39 =	vmul.u32 v21, v6;
	v40 =	vsub.s32 v28, v0  }
0x3f3: {  	v28 =	vcvt.f32.s32 v34;
	v29 =	vcvt.f32.s32 v35;
	v34 =	vmul.u32 v19, v6  }
0x3f4: {  	v35 =	vadd.s32 $0x100, v37;
	v41 =	vadd.s32 $0x100, v38;
	v30 =	vcvt.f32.s32 v30  }
0x3f5: {  	vm1 =	veq.s32 v15, $0x1FF;
	vm2 =	veq.s32 v14, $0x1FF;
	v42 =	vadd.s32 $0x100, v40  }
0x3f6: {  	v43 =	vsel vm1, v37, v35;
	vm1 =	veq.s32 v13, $0x1FF;
	v41 =	vsel vm2, v38, v41  }
0x3f7: {  	v35 =	vadd.s32 v28, v36;
	v36 =	vadd.s32 v29, v39;
	v39 =	vsel vm1, v40, v42  }
0x3f8: {  	vm1 =	veq.s32 v7, v22;
	vm2 =	veq.s32 v7, v21;
	v34 =	vadd.s32 v30, v34  }
0x3f9: {  	vm3 =	veq.s32 v7, v19;
	v42 =	vadd.s32 $0x1, v43;
	v44 =	vadd.s32 $0x1, v41  }
0x3fa: {  	v45 =	vadd.s32 $0x1, v37;
	v46 =	vadd.s32 $0x1, v38;
	v47 =	vadd.s32 $0x1, v39  }
0x3fb: {  	v50 =	vadd.s32 $0x1, v40;
	v48 =	vshra.s32 v35, $0x1;
	v49 =	vshra.s32 v36, $0x1  }
0x3fc: {  	v35 =	vsel vm1, $0x0, v9;
	v36 =	vsel vm2, $0x0, v9;
	v51 =	vshra.s32 v34, $0x1  }
0x3fd: {  	v52 =	vsel vm3, $0x0, v9;
	vm1 =	vgt.s32 v42, $0x0;
	vm2 =	vgt.s32 v44, $0x0  }
0x3fe: {  	vm3 =	vgt.s32 v43, $0x0;
	vm4 =	vgt.s32 v41, $0x0;
	vm5 =	vgt.s32 v47, $0x0  }
0x3ff: {  	vm6 =	vgt.s32 v45, $0x0;
	vm7 =	vgt.s32 v46, $0x0;
	vm8 =	vgt.s32 v39, $0x0  }
0x400: {  	vm9 =	vgt.s32 v37, $0x0;
	vm10 =	vgt.s32 v50, $0x0;
	v53 =	vadd.s32 v35, v48;
	v34 =	vld.idx.msk [tilespmem:v48+s21+$0x0], $0xffff  }
0x401: {  	vm11 =	vgt.s32 v38, $0x0;
	vm12 =	vgt.s32 v40, $0x0;
	v54 =	vadd.s32 v36, v49;
	v35 =	vld.idx.msk [tilespmem:v49+s21+$0x0], $0xffff  }
0x402: {  	v42 =	vnsel vm1, $0x0, v42;
	v44 =	vnsel vm2, $0x0, v44;
	v52 =	vadd.s32 v52, v51;
	v36 =	vld.idx.msk [tilespmem:v51+s21+$0x0], $0xffff  }
0x403: {  	v43 =	vnsel vm3, $0x0, v43;
	v41 =	vnsel vm4, $0x0, v41;
	v47 =	vnsel vm5, $0x0, v47  }
0x404: {  	v45 =	vnsel vm6, $0x0, v45;
	v46 =	vnsel vm7, $0x0, v46;
	v55 =	vnsel vm8, $0x0, v39  }
0x405: {  	v56 =	vnsel vm9, $0x0, v37;
	v50 =	vnsel vm10, $0x0, v50;
	v57 =	vadd.s32 $0x1, v53;
	v37 =	vld.idx.msk [tilespmem:v53+s21+$0x0], $0xffff  }
0x406: {  	v40 =	vnsel vm12, $0x0, v40;
	v58 =	vadd.s32 $0x1, v54;
	v53 =	vnsel vm11, $0x0, v38;
	v38 =	vld.idx.msk [tilespmem:v54+s21+$0x0], $0xffff  }
0x407: {  	v48 =	vadd.s32 $0x1, v48;
	v49 =	vadd.s32 $0x1, v49;
	v54 =	vadd.s32 $0x1, v52;
	v39 =	vld.idx.msk [tilespmem:v52+s21+$0x0], $0xffff  }
0x408: {  	v42 =	vmin.u32 v42, v1;
	v44 =	vmin.u32 v44, v1;
	v51 =	vadd.s32 $0x1, v51  }
0x409: {  	v43 =	vmin.u32 v43, v1;
	v41 =	vmin.u32 v41, v1;
	v47 =	vmin.u32 v47, v1  }
0x40a: {  	v45 =	vmin.u32 v45, v1;
	v46 =	vmin.u32 v46, v1;
	v52 =	vmin.u32 v55, v1  }
0x40b: {  	v50 =	vmin.u32 v50, v1;
	vm1 =	vlt.s32 v57, v8;
	v55 =	vmin.u32 v56, v1  }
0x40c: {  	v40 =	vmin.u32 v40, v1;
	vm2 =	vlt.s32 v58, v8;
	v53 =	vmin.u32 v53, v1  }
0x40d: {  	vm3 =	vlt.s32 v48, v8;
	vm4 =	vlt.s32 v49, v8;
	vm5 =	vlt.s32 v54, v8;
	v42 =	vld.idx.msk [tilespmem:v42+s6+$0x0], $0xffff  }
0x40e: {  	v56 =	vsel vm1, v57, v8;
	v57 =	vsel vm2, v58, v8;
	vm1 =	vlt.s32 v51, v8;
	v44 =	vld.idx.msk [tilespmem:v44+s6+$0x0], $0xffff  }
0x40f: {  	v48 =	vsel vm3, v48, v8;
	v49 =	vsel vm4, v49, v8;
	v54 =	vsel vm5, v54, v8;
	v47 =	vld.idx.msk [tilespmem:v47+s6+$0x0], $0xffff  }
0x410: {  	v59 =	vand.u32 $0x1, v31;
	v58 =	vand.u32 $0x1, v33;
	v51 =	vsel vm1, v51, v8;
	v43 =	vld.idx.msk [tilespmem:v43+s6+$0x0], $0xffff  }
0x411: {  	vm4 =	veq.s32 v59, $0x1;
	vm5 =	veq.s32 v58, $0x1;
	v58 =	vand.u32 $0x1, v32;
	v41 =	vld.idx.msk [tilespmem:v41+s6+$0x0], $0xffff  }
0x412: {  	v59 =	vand.u32 $0x1, v28;
	vm1 =	vne.s32 v33, $0x1FF;
	vm6 =	veq.s32 v58, $0x1;
	v52 =	vld.idx.msk [tilespmem:v52+s6+$0x0], $0xffff  }
0x413: {  	vm3 =	vne.s32 v32, $0x1FF;
	vm2 =	vne.s32 v31, $0x1FF;
	v58 =	vand.u32 $0x1, v29;
	v45 =	vld.idx.msk [tilespmem:v45+s6+$0x0], $0xffff  }
0x414: {  	v60 =	vand.u32 $0x1, v30;
	v42 =	vshll.u32 v42, $0x10;
	v44 =	vshll.u32 v44, $0x10;
	v46 =	vld.idx.msk [tilespmem:v46+s6+$0x0], $0xffff  }
0x415: {  	vm10 =	vmand vm2, vm4;
	vm9 =	vmand vm1, vm5;
	v47 =	vshll.u32 v47, $0x10;
	v50 =	vld.idx.msk [tilespmem:v50+s6+$0x0], $0xffff  }
0x416: {  	vm12 =	vmand vm3, vm6;
	v61 =	vand.u32 $0xFFFF0000, v43;
	v43 =	vshll.u32 v43, $0x10;
	v55 =	vld.idx.msk [tilespmem:v55+s6+$0x0], $0xffff  }
0x417: {  	vm1 =	veq.s32 v59, $0x1;
	v59 =	vand.u32 $0xFFFF0000, v41;
	v41 =	vshll.u32 v41, $0x10;
	v53 =	vld.idx.msk [tilespmem:v53+s6+$0x0], $0xffff  }
0x418: {  	vm2 =	veq.s32 v58, $0x1;
	v58 =	vand.u32 $0xFFFF0000, v52;
	v52 =	vshll.u32 v52, $0x10;
	v40 =	vld.idx.msk [tilespmem:v40+s6+$0x0], $0xffff  }
0x419: {  	v33 =	vcvt.s32.f32 v33;
	vm3 =	veq.s32 v60, $0x1;
	v45 =	vshll.u32 v45, $0x10;
	v56 =	vld.idx.msk [tilespmem:v56+s21+$0x0], $0xffff  }
0x41a: {  	vm7 =	vne.s32 v7, v28;
	v31 =	vcvt.s32.f32 v31;
	v46 =	vshll.u32 v46, $0x10;
	v57 =	vld.idx.msk [tilespmem:v57+s21+$0x0], $0xffff  }
0x41b: {  	vm8 =	vne.s32 v7, v29;
	v32 =	vcvt.s32.f32 v32;
	v50 =	vshll.u32 v50, $0x10;
	v54 =	vld.idx.msk [tilespmem:v54+s21+$0x0], $0xffff  }
0x41c: {  	vm11 =	vne.s32 v7, v30;
	v60 =	vand.u32 $0xFFFF0000, v55;
	v55 =	vshll.u32 v55, $0x10;
	v48 =	vld.idx.msk [tilespmem:v48+s21+$0x0], $0xffff  }
0x41d: {  	v42 =	vsel vm9, v42, v61;
	v62 =	vand.u32 $0xFFFF0000, v53;
	v53 =	vshll.u32 v53, $0x10;
	v49 =	vld.idx.msk [tilespmem:v49+s21+$0x0], $0xffff  }
0x41e: {  	v44 =	vsel vm10, v44, v59;
	v63 =	vand.u32 $0xFFFF0000, v40;
	v40 =	vshll.u32 v40, $0x10;
	v51 =	vld.idx.msk [tilespmem:v51+s21+$0x0], $0xffff  }
0x41f: {  	v43 =	vsel vm5, v61, v43;
	v41 =	vsel vm4, v59, v41;
	v47 =	vsel vm12, v47, v58  }
0x420: {  	v52 =	vsel vm6, v58, v52;
	v45 =	vsel vm9, v45, v60;
	v46 =	vsel vm10, v46, v62  }
0x421: {  	v55 =	vsel vm5, v60, v55;
	v56 =	vshll.u32 v56, $0x10;
	v50 =	vsel vm12, v50, v63  }
0x422: {  	v53 =	vsel vm4, v62, v53;
	v40 =	vsel vm6, v63, v40;
	v57 =	vshll.u32 v57, $0x10  }
0x423: {  	v54 =	vshll.u32 v54, $0x10;
	v48 =	vshll.u32 v48, $0x10;
	v49 =	vshll.u32 v49, $0x10  }
0x424: {  	v58 =	vand.u32 $0xFFFF0000, v37;
	v37 =	vshll.u32 v37, $0x10;
	v51 =	vshll.u32 v51, $0x10  }
0x425: {  	v59 =	vand.u32 $0xFFFF0000, v38;
	v38 =	vshll.u32 v38, $0x10;
	v60 =	vand.u32 $0xFFFF0000, v39  }
0x426: {  	v61 =	vand.u32 $0xFFFF0000, v34;
	v34 =	vshll.u32 v34, $0x10;
	v39 =	vshll.u32 v39, $0x10  }
0x427: {  	v62 =	vand.u32 $0xFFFF0000, v35;
	v35 =	vshll.u32 v35, $0x10;
	v63 =	vand.u32 $0xFFFF0000, v36  }
0x428: {  	vm5 =	vmand vm8, vm2;
	vm4 =	vmand vm7, vm1;
	v36 =	vshll.u32 v36, $0x10  }
0x429: {  	v28 =	vcvt.s32.f32 v28;
	v29 =	vcvt.s32.f32 v29;
	vm6 =	vmand vm11, vm3  }
0x42a: {  	v30 =	vcvt.s32.f32 v30;
	v42 =	vsub.f32 v42, v43;
	v44 =	vsub.f32 v44, v41  }
0x42b: {  	v47 =	vsub.f32 v47, v52;
	v45 =	vsub.f32 v45, v55;
	v56 =	vsel vm4, v56, v58  }
0x42c: {  	v46 =	vsub.f32 v46, v53;
	v50 =	vsub.f32 v50, v40;
	v57 =	vsel vm5, v57, v59  }
0x42d: {  	v54 =	vsel vm6, v54, v60;
	v48 =	vsel vm4, v48, v61;
	v49 =	vsel vm5, v49, v62  }
0x42e: {  	v38 =	vsel vm2, v59, v38;
	v37 =	vsel vm1, v58, v37;
	v51 =	vsel vm6, v51, v63  }
0x42f: {  	v34 =	vsel vm1, v61, v34;
	v39 =	vsel vm3, v60, v39;
	v58 =	vsel vm2, v62, v35  }
0x430: {  	v31 =	vsub.f32 v23, v31;
	v20 =	vsub.f32 v20, v33;
	v59 =	vsel vm3, v63, v36  }
0x431: {  	v23 =	vcvt.s32.f32 v15;
	v24 =	vsub.f32 v24, v32;
	v33 =	vsub.f32 v56, v37  }
0x432: {  	v32 =	vmul.f32 v42, v20;
	v35 =	vsub.f32 v57, v38;
	v36 =	vsub.f32 v54, v39  }
0x433: {  	v44 =	vmul.f32 v44, v31;
	v42 =	vsub.f32 v48, v34;
	v48 =	vsub.f32 v49, v58  }
0x434: {  	v26 =	vsub.f32 v26, v28;
	v28 =	vmul.f32 v47, v24;
	v47 =	vsub.f32 v51, v59  }
0x435: {  	v30 =	vsub.f32 v27, v30;
	v20 =	vmul.f32 v45, v20;
	v45 =	vsub.f32 v25, v29  }
0x436: {  	v27 =	vadd.f32 v43, v32;
	v31 =	vmul.f32 v46, v31;
	v24 =	vmul.f32 v50, v24  }
0x437: {  	v29 =	vadd.f32 v41, v44;
	v32 =	vmul.f32 v33, v26;
	v41 =	vmul.f32 v35, v45  }
0x438: {  	v28 =	vadd.f32 v52, v28;
	v43 =	vmul.f32 v36, v30;
	v42 =	vmul.f32 v42, v26  }
.Ltmp11:
0x439: {  	v25 =	vadd.f32 v55, v20;
	v20 =	vmul.f32 v48, v45;
	v44 =	vmul.f32 v47, v30;
	(pc) =	sbr.rel @p3 .LBB2_17-.Ltmp11, $4  }
0x43a: {  	v35 =	vcvt.s32.f32 v14;
	v24 =	vadd.f32 v40, v24;
	v26 =	vadd.f32 v53, v31  }
0x43b: {  	v33 =	vadd.f32 v37, v32;
	v36 =	vcvt.s32.f32 v13;
	v30 =	vadd.f32 v38, v41  }
0x43c: {  	v31 =	vcvt.s32.f32 v22;
	v32 =	vadd.f32 v39, v43;
	v22 =	vadd.f32 v34, v42  }
0x43d: {  	v34 =	vcvt.s32.f32 v21;
	v20 =	vadd.f32 v58, v20;
	v21 =	vadd.f32 v59, v44  }
0x43e: {  	v27 =	vsub.f32 v27, v25  }
0x43f: {  	v29 =	vsub.f32 v29, v26;
	v19 =	vcvt.s32.f32 v19;
	v12 =	vsub.f32 v12, v23  }
0x440: {  	vm1 =	vgt.s32 v15, $0xFF;
	v58 =	vsub.f32 v28, v24;
	v11 =	vsub.f32 v11, v35  }
0x441: {  	vm2 =	vgt.s32 v14, $0xFF;
	v10 =	vsub.f32 v10, v36;
	v59 =	vsub.f32 v33, v22  }
0x442: {  	v18 =	vsub.f32 v18, v31;
	vm3 =	vgt.s32 v13, $0xFF;
	v60 =	vsub.f32 v30, v20  }
0x443: {  	v61 =	vsub.f32 v32, v21;
	v16 =	vsub.f32 v16, v34;
	v12 =	vmul.f32 v27, v12  }
0x444: {  	v11 =	vmul.f32 v29, v11;
	v10 =	vmul.f32 v58, v10;
	v62 =	vsub.f32 v17, v19  }
0x445: {  	vm1 =	vmxor vm0, vm1;
	v14 =	vmul.f32 v59, v18;
	v16 =	vmul.f32 v60, v16  }
0x446: {  	v12 =	vadd.f32 v12, v25;
	v11 =	vadd.f32 v11, v26;
	v15 =	vmul.f32 v61, v62  }
0x447: {  	vm2 =	vmxor vm0, vm2;
	v10 =	vadd.f32 v10, v24;
	v14 =	vadd.f32 v14, v22  }
0x448: {  	v63 =	vadd.f32 v16, v20;
	v15 =	vadd.f32 v15, v21;
	v12 =	vnsel vm1, $0x0, v12  }
.Ltmp12:
0x449: {  	v11 =	vnsel vm2, $0x0, v11;
	vm1 =	vmxor vm0, vm3;
	v12 =	vadd.f32 v14, v12;
	(pc) =	sbr.rel @p0 .LBB2_22-.Ltmp12, $4  }
0x44a: {  	v11 =	vadd.f32 v63, v11;
	v10 =	vnsel vm1, $0x0, v10  }
0x44b: {  	v10 =	vadd.f32 v15, v10;
	[tilespmem:s8+$0x0] =	vst v12  }
0x44c: {  	[tilespmem:s2+$0x0] =	vst v11  }
0x44d: {  	s1 =	smov.u32 s15;
	[tilespmem:s7+$0x0] =	vst v10  }
0x44e: {  	s0 =	simm.s32 $0x0  }
0x44f: {  	s16 =	smov.u32 s30;
	s30 =	simm.s32 $0x0;
	s2 =	sand.u32 $0x3, s0  }
0x450: {  	s1 =	simm.s32 $0x0;
	s0 =	sand.u32 $0x3FFFFC00, s30;
	s3 =	sshll.u32 s2, $0x8  }
0x451: {  	s8 =	sand.u32 $0x40, s1;
	s0 =	sor.u32 s3, s0  }
0x452: {  	s10 =	sor.u32 $0x30, s8;
	s31 =	sadd.s32 $0x1A980, s0  }
0x453: {  	s0 =	sadd.s32 $0x1A900, s0;
	s12 =	sor.u32 s10, s31  }
0x454: {  	s7 =	sor.u32 $0x10, s8;
	s4 =	sor.u32 s10, s0;
	v10 =	vld [tilespmem:s12+$0x0]  }
0x455: {  	s11 =	sor.u32 s7, s31;
	v11 =	vld [tilespmem:s4+$0x0]  }
0x456: {  	s17 =	sor.u32 s8, s0;
	s4 =	sor.u32 $0x20, s8;
	v13 =	vld [tilespmem:s11+$0x0]  }
0x457: {  	v15 =	vld [tilespmem:s17+$0x0];
	s1 =	sor.u32 s4, s31  }
0x458: {  	s14 =	sor.u32 s8, s31;
	v14 =	vld [tilespmem:s1+$0x0]  }
0x459: {  	s13 =	smov.u32 s9;
	s9 =	smov.u32 s26;
	s26 =	smov.u32 s23;
	v12 =	vld [tilespmem:s14+$0x0]  }
0x45a: {  	s23 =	smov.u32 s15;
	s15 =	smov.u32 s18;
	s18 =	sor.u32 s7, s0;
	v10 =	vmul.f32 $3.200000000e+01, v10  }
0x45b: {  	v16 =	vld [tilespmem:s18+$0x0];
	v11 =	vmul.f32 $3.200000000e+01, v11;
	v13 =	vmul.f32 $3.200000000e+01, v13  }
0x45c: {  	s0 =	sor.u32 s4, s0;
	v15 =	vmul.f32 $3.200000000e+01, v15;
	v10 =	vadd.f32 $3.150000000e+01, v10  }
0x45d: {  	v17 =	vld [tilespmem:s0+$0x0];
	v11 =	vadd.f32 $3.150000000e+01, v11;
	v14 =	vmul.f32 $3.200000000e+01, v14;
	v13 =	vadd.f32 $3.150000000e+01, v13  }
0x45e: {  	v12 =	vmul.f32 $3.200000000e+01, v12;
	v15 =	vadd.f32 $3.150000000e+01, v15;
	v10 =	vmax.f32 v10, $0.0e+00  }
0x45f: {  	v11 =	vmax.f32 v11, $0.0e+00;
	v14 =	vadd.f32 $3.150000000e+01, v14;
	v13 =	vmax.f32 v13, $0.0e+00  }
0x460: {  	v19 =	vmin.f32 v10, $6.300000000e+01;
	v10 =	vmul.f32 $3.200000000e+01, v16;
	v20 =	vmin.f32 v11, $6.300000000e+01  }
0x461: {  	v11 =	vadd.f32 $3.150000000e+01, v12;
	v12 =	vtrunc.f32 v19;
	v16 =	vtrunc.f32 v20  }
0x462: {  	v15 =	vmax.f32 v15, $0.0e+00;
	v21 =	vcvt.f32.s32 v12;
	v12 =	vmul.f32 $3.200000000e+01, v17  }
0x463: {  	v14 =	vmax.f32 v14, $0.0e+00;
	v22 =	vcvt.f32.s32 v16;
	v16 =	vadd.f32 $3.150000000e+01, v10  }
0x464: {  	v11 =	vmax.f32 v11, $0.0e+00;
	v10 =	vshll.u32 v21, $0x6;
	v17 =	vadd.f32 $3.150000000e+01, v12  }
0x465: {  	v12 =	vmin.f32 v11, $6.300000000e+01;
	vm1 =	veq.s32 v21, $0x3F;
	v11 =	vmin.f32 v13, $6.300000000e+01  }
0x466: {  	v24 =	vmax.f32 v16, $0.0e+00;
	v16 =	vmin.f32 v15, $6.300000000e+01;
	v32 =	vcvt.s32.f32 v22  }
0x467: {  	v33 =	vand.u32 $0x1, v22;
	v21 =	vcvt.s32.f32 v21;
	v10 =	vadd.s32 v22, v10  }
0x468: {  	v15 =	vtrunc.f32 v11;
	v28 =	vtrunc.f32 v16;
	v18 =	vshra.s32 v10, $0x1  }
0x469: {  	v25 =	vmax.f32 v17, $0.0e+00;
	v17 =	vtrunc.f32 v12;
	v28 =	vcvt.f32.s32 v28  }
0x46a: {  	v20 =	vsub.f32 v20, v32;
	v10 =	vadd.s32 $0x20, v18;
	vm2 =	vlt.s32 v18, $0x7FE  }
0x46b: {  	v13 =	vsel vm1, v18, v10;
	v10 =	vmin.f32 v14, $6.300000000e+01;
	v14 =	vnsel vm2, $0x7FE, v18  }
0x46c: {  	v19 =	vsub.f32 v19, v21;
	vm1 =	vlt.s32 v13, $0x7FE;
	v23 =	vadd.s32 $0x1, v14  }
0x46d: {  	vm2 =	vne.s32 v22, $0x3F;
	v35 =	vand.u32 $0x1, v28;
	v14 =	vnsel vm1, $0x7FE, v13  }
0x46e: {  	vm9 =	vne.s32 v28, $0x3F;
	v27 =	vtrunc.f32 v10;
	v26 =	vadd.s32 $0x1, v14  }
0x46f: {  	vm1 =	veq.s32 v33, $0x1;
	v14 =	vmin.f32 v24, $6.300000000e+01;
	v24 =	vld.idx.msk [tilespmem:v18+s22+$0x0], $0xffff;
	v18 =	vcvt.f32.s32 v17  }
0x470: {  	v17 =	vcvt.f32.s32 v15;
	v15 =	vmin.f32 v25, $6.300000000e+01;
	v29 =	vtrunc.f32 v14;
	v25 =	vld.idx.msk [tilespmem:v13+s22+$0x0], $0xffff  }
0x471: {  	vm2 =	vmand vm2, vm1;
	v30 =	vtrunc.f32 v15;
	v13 =	vcvt.f32.s32 v27;
	v23 =	vld.idx.msk [tilespmem:v23+s22+$0x0], $0xffff  }
0x472: {  	v27 =	vshll.u32 v18, $0x6;
	v29 =	vcvt.f32.s32 v29;
	v30 =	vcvt.f32.s32 v30  }
0x473: {  	v31 =	vshll.u32 v17, $0x6;
	v34 =	vshll.u32 v13, $0x6;
	vm3 =	veq.s32 v13, $0x3F;
	v26 =	vld.idx.msk [tilespmem:v26+s22+$0x0], $0xffff  }
0x474: {  	v36 =	vand.u32 $0x1, v29;
	v37 =	vand.u32 $0x1, v30;
	vm10 =	vne.s32 v29, $0x3F  }
0x475: {  	vm6 =	vne.s32 v30, $0x3F;
	v22 =	vand.u32 $0xFFFF0000, v24;
	v24 =	vshll.u32 v24, $0x10  }
0x476: {  	v13 =	vcvt.s32.f32 v13;
	v24 =	vsel vm1, v22, v24;
	v23 =	vshll.u32 v23, $0x10  }
0x477: {  	v56 =	vand.u32 $0xFFFF0000, v25;
	v25 =	vshll.u32 v25, $0x10;
	v22 =	vsel vm2, v23, v22  }
0x478: {  	v23 =	vsel vm1, v56, v25;
	vm1 =	veq.s32 v18, $0x3F;
	v26 =	vshll.u32 v26, $0x10  }
0x479: {  	v18 =	vcvt.s32.f32 v18;
	v22 =	vsub.f32 v22, v24;
	v25 =	vsel vm2, v26, v56  }
0x47a: {  	v26 =	vadd.s32 v28, v27;
	v27 =	vadd.s32 v29, v31;
	v31 =	vadd.s32 v30, v34  }
0x47b: {  	vm2 =	veq.s32 v17, $0x3F;
	v28 =	vcvt.s32.f32 v28;
	v29 =	vcvt.s32.f32 v29  }
0x47c: {  	v30 =	vcvt.s32.f32 v30;
	v17 =	vcvt.s32.f32 v17;
	v12 =	vsub.f32 v12, v18  }
0x47d: {  	v25 =	vsub.f32 v25, v23;
	v26 =	vshra.s32 v26, $0x1;
	v27 =	vshra.s32 v27, $0x1  }
0x47e: {  	v22 =	vmul.f32 v22, v20;
	v31 =	vshra.s32 v31, $0x1;
	v57 =	vadd.s32 $0x20, v27  }
0x47f: {  	vm4 =	vlt.s32 v27, $0x7FE;
	v16 =	vsub.f32 v16, v28;
	v14 =	vsub.f32 v14, v29  }
0x480: {  	v15 =	vsub.f32 v15, v30;
	v20 =	vmul.f32 v25, v20;
	v25 =	vadd.s32 $0x20, v26  }
0x481: {  	v11 =	vsub.f32 v11, v17;
	v22 =	vadd.f32 v24, v22;
	v21 =	vsel vm1, v26, v25  }
0x482: {  	v24 =	vsel vm2, v27, v57;
	v20 =	vadd.f32 v23, v20;
	v23 =	vadd.s32 $0x20, v31  }
0x483: {  	vm2 =	vlt.s32 v24, $0x7FE;
	vm1 =	vlt.s32 v21, $0x7FE;
	v23 =	vsel vm3, v31, v23  }
0x484: {  	vm3 =	vlt.s32 v26, $0x7FE;
	v59 =	vld.idx.msk [tilespmem:v27+s22+$0x0], $0xffff;
	v27 =	vnsel vm4, $0x7FE, v27;
	v20 =	vsub.f32 v20, v22  }
0x485: {  	vm5 =	vlt.s32 v23, $0x7FE;
	v25 =	vnsel vm3, $0x7FE, v26;
	v27 =	vadd.s32 $0x1, v27  }
0x486: {  	v19 =	vmul.f32 v20, v19;
	v20 =	vnsel vm1, $0x7FE, v21;
	vm1 =	vlt.s32 v31, $0x7FE;
	v21 =	vld.idx.msk [tilespmem:v21+s22+$0x0], $0xffff  }
0x487: {  	v58 =	vnsel vm5, $0x7FE, v23;
	v25 =	vadd.s32 $0x1, v25;
	v60 =	vnsel vm1, $0x7FE, v31;
	v31 =	vld.idx.msk [tilespmem:v31+s22+$0x0], $0xffff  }
0x488: {  	vm3 =	veq.s32 v35, $0x1;
	v32 =	vadd.s32 $0x1, v58;
	v19 =	vadd.f32 v19, v22;
	v22 =	vld.idx.msk [tilespmem:v26+s22+$0x0], $0xffff  }
0x489: {  	vm4 =	vmand vm9, vm3;
	v20 =	vadd.s32 $0x1, v20;
	v26 =	vnsel vm2, $0x7FE, v24;
	v24 =	vld.idx.msk [tilespmem:v24+s22+$0x0], $0xffff  }
0x48a: {  	vm1 =	veq.s32 v37, $0x1;
	v34 =	vadd.s32 $0x1, v60;
	v23 =	vld.idx.msk [tilespmem:v23+s22+$0x0], $0xffff;
	vm2 =	veq.s32 v36, $0x1  }
0x48b: {  	v38 =	vand.u32 $0xFFFF0000, v59;
	v33 =	vshll.u32 v59, $0x10;
	v26 =	vadd.s32 $0x1, v26;
	v27 =	vld.idx.msk [tilespmem:v27+s22+$0x0], $0xffff  }
0x48c: {  	vm6 =	vmand vm6, vm1;
	vm5 =	vmand vm10, vm2;
	v33 =	vsel vm2, v38, v33;
	v25 =	vld.idx.msk [tilespmem:v25+s22+$0x0], $0xffff  }
0x48d: {  	v62 =	vand.u32 $0xFFFF0000, v21;
	v21 =	vshll.u32 v21, $0x10;
	v32 =	vld.idx.msk [tilespmem:v32+s22+$0x0], $0xffff;
	v40 =	vand.u32 $0xFFFF0000, v31  }
0x48e: {  	v20 =	vld.idx.msk [tilespmem:v20+s22+$0x0], $0xffff;
	v31 =	vshll.u32 v31, $0x10;
	v21 =	vsel vm3, v62, v21;
	v61 =	vand.u32 $0xFFFF0000, v22  }
0x48f: {  	v22 =	vshll.u32 v22, $0x10;
	v63 =	vand.u32 $0xFFFF0000, v24;
	v24 =	vshll.u32 v24, $0x10;
	v34 =	vld.idx.msk [tilespmem:v34+s22+$0x0], $0xffff  }
0x490: {  	v39 =	vand.u32 $0xFFFF0000, v23;
	v23 =	vshll.u32 v23, $0x10;
	v31 =	vsel vm1, v40, v31;
	v26 =	vld.idx.msk [tilespmem:v26+s22+$0x0], $0xffff  }
0x491: {  	v24 =	vsel vm2, v63, v24;
	v23 =	vsel vm1, v39, v23;
	v27 =	vshll.u32 v27, $0x10  }
0x492: {  	s28 =	simm.s32 $0x80;
	v22 =	vsel vm3, v61, v22;
	v25 =	vshll.u32 v25, $0x10;
	v27 =	vsel vm5, v27, v38  }
0x493: {  	s20 =	simm.s32 $0x0;
	s25 =	simm.s32 $0x0;
	s29 =	sand.u32 $0x3FFFFC00, s28;
	v32 =	vshll.u32 v32, $0x10;
	v25 =	vsel vm4, v25, v61;
	v20 =	vshll.u32 v20, $0x10  }
0x494: {  	s24 =	sshll.u32 s2, $0xA;
	s0 =	sand.u32 $0x3FFFFF80, s20;
	s1 =	sand.u32 $0x3, s25;
	v32 =	vsel vm6, v32, v39;
	v25 =	vsub.f32 v25, v22;
	v20 =	vsel vm4, v20, v62  }
0x495: {  	s2 =	simm.s32 $0x40;
	s0 =	sadd.s32 s0, s24;
	s14 =	sshll.u32 s1, $0x8;
	v34 =	vshll.u32 v34, $0x10;
	v26 =	vshll.u32 v26, $0x10;
	v20 =	vsub.f32 v20, v21  }
0x496: {  	s11 =	sand.u32 $0x40, s2;
	s12 =	sadd.s32 $0x1D900, s0;
	s30 =	sor.u32 s14, s29;
	v32 =	vsub.f32 v32, v23;
	v34 =	vsel vm6, v34, v40;
	v26 =	vsel vm5, v26, v63  }
0x497: {  	s31 =	sor.u32 $0x30, s11;
	s10 =	sor.u32 s10, s12;
	s3 =	sadd.s32 $0x1A980, s30;
	v28 =	vsub.f32 v34, v31;
	v26 =	vsub.f32 v26, v24;
	v18 =	vmul.f32 v20, v16  }
0x498: {  	s17 =	sor.u32 s31, s3;
	v27 =	vsub.f32 v27, v33;
	v20 =	vld [tilespmem:s10+$0x0];
	v16 =	vmul.f32 v25, v16;
	v25 =	vmul.f32 v32, v15  }
0x499: {  	s0 =	sadd.s32 $0x1A900, s30;
	s24 =	sor.u32 s11, s3;
	v15 =	vmul.f32 v28, v15;
	v17 =	vmul.f32 v26, v14;
	v18 =	vadd.f32 v21, v18;
	v21 =	vld [tilespmem:s17+$0x0]  }
0x49a: {  	s25 =	sor.u32 s11, s0;
	v14 =	vmul.f32 v27, v14;
	v16 =	vadd.f32 v22, v16;
	v22 =	vadd.f32 v23, v25;
	v23 =	vld [tilespmem:s24+$0x0]  }
0x49b: {  	s20 =	sor.u32 s31, s0;
	v10 =	vsub.f32 v10, v13;
	s17 =	sor.u32 $0x10, s11;
	v27 =	vld [tilespmem:s25+$0x0];
	v15 =	vadd.f32 v31, v15  }
0x49c: {  	s29 =	sor.u32 $0x20, s11;
	s18 =	sor.u32 s17, s3;
	v17 =	vadd.f32 v24, v17;
	v24 =	vld [tilespmem:s20+$0x0];
	v14 =	vadd.f32 v33, v14  }
0x49d: {  	s28 =	sor.u32 s17, s0;
	s0 =	sor.u32 s29, s0;
	v25 =	vld [tilespmem:s18+$0x0];
	v18 =	vsub.f32 v18, v16;
	v22 =	vsub.f32 v22, v15  }
0x49e: {  	s3 =	sor.u32 s29, s3;
	v26 =	vadd.f32 v19, v20;
	v20 =	vld [tilespmem:s0+$0x0];
	v13 =	vsub.f32 v17, v14  }
0x49f: {  	v17 =	vld [tilespmem:s3+$0x0];
	v12 =	vmul.f32 v18, v12;
	v21 =	vmul.f32 $3.200000000e+01, v21  }
0x4a0: {  	v18 =	vld [tilespmem:s28+$0x0];
	v29 =	vmul.f32 v22, v10;
	v28 =	vmul.f32 v13, v11  }
0x4a1: {  	v11 =	vmul.f32 $3.200000000e+01, v23;
	v10 =	vadd.f32 v12, v16;
	v16 =	vmul.f32 $3.200000000e+01, v27  }
0x4a2: {  	v19 =	vmul.f32 $3.200000000e+01, v24;
	v13 =	vadd.f32 $3.150000000e+01, v21;
	v21 =	vmul.f32 $3.200000000e+01, v25  }
0x4a3: {  	v11 =	vadd.f32 $3.150000000e+01, v11;
	v20 =	vmul.f32 $3.200000000e+01, v20;
	v14 =	vadd.f32 v28, v14  }
0x4a4: {  	v19 =	vadd.f32 $3.150000000e+01, v19;
	v12 =	vmul.f32 $3.200000000e+01, v17;
	v13 =	vmax.f32 v13, $0.0e+00  }
0x4a5: {  	v25 =	vmin.f32 v13, $6.300000000e+01;
	v13 =	vmul.f32 $3.200000000e+01, v18;
	v11 =	vmax.f32 v11, $0.0e+00  }
0x4a6: {  	v20 =	vadd.f32 $3.150000000e+01, v20;
	v17 =	vmax.f32 v19, $0.0e+00;
	v18 =	vtrunc.f32 v25  }
0x4a7: {  	v19 =	vadd.f32 $3.150000000e+01, v21;
	v12 =	vadd.f32 $3.150000000e+01, v12;
	v17 =	vmin.f32 v17, $6.300000000e+01  }
0x4a8: {  	v18 =	vcvt.f32.s32 v18;
	v22 =	vadd.f32 $3.150000000e+01, v13;
	v24 =	vmax.f32 v20, $0.0e+00  }
0x4a9: {  	v21 =	vtrunc.f32 v17;
	v19 =	vmax.f32 v19, $0.0e+00;
	v12 =	vmax.f32 v12, $0.0e+00  }
0x4aa: {  	v27 =	vcvt.f32.s32 v21;
	v21 =	vadd.f32 $3.150000000e+01, v16;
	v13 =	vshll.u32 v18, $0x6  }
0x4ab: {  	vm1 =	veq.s32 v18, $0x3F;
	v22 =	vmax.f32 v22, $0.0e+00;
	v18 =	vcvt.s32.f32 v18  }
0x4ac: {  	v16 =	vmin.f32 v11, $6.300000000e+01;
	v20 =	vmin.f32 v22, $6.300000000e+01;
	v13 =	vadd.s32 v27, v13  }
0x4ad: {  	v43 =	vcvt.s32.f32 v27;
	v44 =	vand.u32 $0x1, v27;
	v18 =	vsub.f32 v25, v18  }
0x4ae: {  	v23 =	vshra.s32 v13, $0x1;
	v13 =	vmin.f32 v19, $6.300000000e+01;
	v19 =	vmax.f32 v21, $0.0e+00  }
0x4af: {  	v11 =	vadd.s32 $0x20, v23;
	vm2 =	vlt.s32 v23, $0x7FE;
	v21 =	vmin.f32 v19, $6.300000000e+01  }
0x4b0: {  	v39 =	vtrunc.f32 v13;
	v19 =	vmin.f32 v24, $6.300000000e+01;
	v17 =	vsub.f32 v17, v43  }
0x4b1: {  	v30 =	vsel vm1, v23, v11;
	v11 =	vmin.f32 v12, $6.300000000e+01;
	v12 =	vnsel vm2, $0x7FE, v23  }
0x4b2: {  	v41 =	vtrunc.f32 v19;
	vm2 =	vne.s32 v27, $0x3F;
	vm1 =	vlt.s32 v30, $0x7FE  }
0x4b3: {  	v31 =	vadd.s32 $0x1, v12;
	v22 =	vtrunc.f32 v11;
	v33 =	vcvt.f32.s32 v41  }
0x4b4: {  	v12 =	vnsel vm1, $0x7FE, v30;
	v22 =	vcvt.f32.s32 v22;
	vm1 =	veq.s32 v44, $0x1  }
0x4b5: {  	v38 =	vadd.s32 $0x1, v12;
	v12 =	vtrunc.f32 v16;
	v40 =	vld.idx.msk [tilespmem:v23+s22+$0x0], $0xffff;
	v23 =	vcvt.f32.s32 v39  }
0x4b6: {  	vm2 =	vmand vm2, vm1;
	v58 =	vand.u32 $0x1, v33;
	vm15 =	vne.s32 v33, $0x3F  }
0x4b7: {  	v37 =	vcvt.s32.f32 v33;
	v24 =	vcvt.f32.s32 v12;
	v45 =	vshll.u32 v22, $0x6  }
0x4b8: {  	v12 =	vadd.f32 v29, v15;
	v28 =	vld.idx.msk [tilespmem:v30+s22+$0x0], $0xffff;
	v30 =	vtrunc.f32 v21;
	v48 =	vadd.s32 v33, v45  }
0x4b9: {  	v15 =	vld.idx.msk [tilespmem:v31+s22+$0x0], $0xffff;
	v31 =	vtrunc.f32 v20;
	v30 =	vcvt.f32.s32 v30;
	v35 =	vshra.s32 v48, $0x1  }
0x4ba: {  	vm3 =	veq.s32 v22, $0x3F;
	v29 =	vshll.u32 v24, $0x6;
	v31 =	vcvt.f32.s32 v31;
	v32 =	vld.idx.msk [tilespmem:v38+s22+$0x0], $0xffff  }
0x4bb: {  	v27 =	vand.u32 $0xFFFF0000, v40;
	v34 =	vshll.u32 v40, $0x10;
	v29 =	vadd.s32 v30, v29  }
0x4bc: {  	v42 =	vshll.u32 v23, $0x6;
	v34 =	vsel vm1, v27, v34;
	v29 =	vshra.s32 v29, $0x1  }
0x4bd: {  	v47 =	vadd.s32 v31, v42;
	v57 =	vand.u32 $0x1, v31;
	vm14 =	vne.s32 v31, $0x3F  }
0x4be: {  	v46 =	vand.u32 $0xFFFF0000, v28;
	v28 =	vshll.u32 v28, $0x10;
	v15 =	vshll.u32 v15, $0x10;
	v41 =	vld.idx.msk [tilespmem:v35+s22+$0x0], $0xffff  }
0x4bf: {  	v15 =	vsel vm2, v15, v27;
	v27 =	vsel vm1, v46, v28;
	v32 =	vshll.u32 v32, $0x10  }
0x4c0: {  	vm1 =	veq.s32 v24, $0x3F;
	v15 =	vsub.f32 v15, v34;
	v28 =	vsel vm2, v32, v46  }
0x4c1: {  	v32 =	vshra.s32 v47, $0x1;
	vm2 =	veq.s32 v23, $0x3F;
	v28 =	vsub.f32 v28, v27  }
0x4c2: {  	v15 =	vmul.f32 v15, v17;
	v49 =	vadd.s32 $0x20, v32;
	vm11 =	vlt.s32 v32, $0x7FE  }
0x4c3: {  	v48 =	vshll.u32 v41, $0x10;
	v17 =	vmul.f32 v28, v17;
	v28 =	vadd.s32 $0x20, v29  }
0x4c4: {  	s30 =	simm.s32 $0x10;
	v15 =	vadd.f32 v34, v15;
	v34 =	vcvt.s32.f32 v31;
	v25 =	vsel vm1, v29, v28  }
0x4c5: {  	s1 =	sshll.u32 s1, $0xA;
	s0 =	sand.u32 $0x3FFFFF80, s30;
	v28 =	vsel vm2, v32, v49;
	v17 =	vadd.f32 v27, v17;
	v27 =	vadd.s32 $0x20, v35  }
0x4c6: {  	s0 =	sadd.s32 s0, s1;
	vm1 =	vlt.s32 v25, $0x7FE;
	vm2 =	vlt.s32 v28, $0x7FE;
	v52 =	vld.idx.msk [tilespmem:v32+s22+$0x0], $0xffff;
	v32 =	vnsel vm11, $0x7FE, v32  }
0x4c7: {  	s1 =	sadd.s32 $0x1D900, s0;
	v27 =	vsel vm3, v35, v27;
	vm3 =	vlt.s32 v29, $0x7FE;
	v36 =	vnsel vm2, $0x7FE, v28  }
0x4c8: {  	s31 =	sor.u32 s31, s1;
	v32 =	vadd.s32 $0x1, v32;
	v17 =	vsub.f32 v17, v15;
	vm12 =	vlt.s32 v27, $0x7FE  }
0x4c9: {  	v50 =	vld [tilespmem:s31+$0x0];
	vm2 =	veq.s32 v58, $0x1;
	v54 =	vadd.s32 $0x1, v36;
	v51 =	vnsel vm12, $0x7FE, v27  }
0x4ca: {  	v17 =	vmul.f32 v17, v18;
	v18 =	vnsel vm1, $0x7FE, v25;
	v25 =	vld.idx.msk [tilespmem:v25+s22+$0x0], $0xffff;
	v55 =	vadd.s32 $0x1, v51  }
0x4cb: {  	v36 =	vcvt.s32.f32 v30;
	vm1 =	vlt.s32 v35, $0x7FE;
	v28 =	vld.idx.msk [tilespmem:v28+s22+$0x0], $0xffff;
	v18 =	vadd.s32 $0x1, v18  }
0x4cc: {  	v53 =	vnsel vm1, $0x7FE, v35;
	vm1 =	vne.s32 v30, $0x3F;
	v15 =	vadd.f32 v17, v15;
	v17 =	vld.idx.msk [tilespmem:v29+s22+$0x0], $0xffff  }
0x4cd: {  	v45 =	vand.u32 $0xFFFF0000, v52;
	v29 =	vnsel vm3, $0x7FE, v29;
	v56 =	vadd.s32 $0x1, v53;
	v27 =	vld.idx.msk [tilespmem:v27+s22+$0x0], $0xffff  }
0x4ce: {  	v35 =	vand.u32 $0xFFFF0000, v41;
	vm3 =	veq.s32 v57, $0x1;
	v49 =	vld.idx.msk [tilespmem:v32+s22+$0x0], $0xffff;
	v29 =	vadd.s32 $0x1, v29  }
0x4cf: {  	v38 =	vshll.u32 v52, $0x10;
	v33 =	vsel vm2, v35, v48;
	vm5 =	vmand vm14, vm3;
	v47 =	vld.idx.msk [tilespmem:v55+s22+$0x0], $0xffff  }
0x4d0: {  	v42 =	vadd.f32 v15, v50;
	v15 =	vand.u32 $0x1, v30;
	v44 =	vand.u32 $0xFFFF0000, v28;
	v18 =	vld.idx.msk [tilespmem:v18+s22+$0x0], $0xffff  }
0x4d1: {  	v59 =	vand.u32 $0xFFFF0000, v17;
	v43 =	vshll.u32 v17, $0x10;
	v17 =	vshll.u32 v28, $0x10;
	v28 =	vld.idx.msk [tilespmem:v54+s22+$0x0], $0xffff  }
0x4d2: {  	s8 =	sor.u32 s8, s12;
	v32 =	vsel vm3, v45, v38;
	vm13 =	veq.s32 v15, $0x1;
	v60 =	vand.u32 $0xFFFF0000, v25;
	v50 =	vld.idx.msk [tilespmem:v56+s22+$0x0], $0xffff  }
0x4d3: {  	s7 =	sor.u32 s7, s12;
	s4 =	sor.u32 s4, s12;
	s12 =	sor.u32 s17, s1;
	v25 =	vshll.u32 v25, $0x10;
	vm7 =	vmand vm1, vm13;
	vm1 =	vmand vm15, vm2;
	v61 =	vld.idx.msk [tilespmem:v29+s22+$0x0], $0xffff  }
0x4d4: {  	[tilespmem:s10+$0x0] =	vst v26;
	v26 =	vld [tilespmem:s12+$0x0];
	v30 =	vsel vm13, v60, v25;
	v46 =	vand.u32 $0xFFFF0000, v27;
	v27 =	vshll.u32 v27, $0x10  }
0x4d5: {  	v15 =	vld [tilespmem:s8+$0x0];
	v63 =	vshll.u32 v49, $0x10;
	v29 =	vsel vm3, v44, v17;
	v18 =	vshll.u32 v18, $0x10  }
0x4d6: {  	[tilespmem:s31+$0x0] =	vst v42;
	v17 =	vld [tilespmem:s7+$0x0];
	v31 =	vsel vm13, v59, v43;
	v42 =	vsel vm5, v63, v45;
	v51 =	vsel vm7, v18, v60  }
0x4d7: {  	s14 =	sor.u32 s11, s1;
	v25 =	vshll.u32 v28, $0x10;
	v28 =	vsel vm2, v46, v27;
	v18 =	vld [tilespmem:s4+$0x0];
	v27 =	vshll.u32 v47, $0x10  }
0x4d8: {  	s17 =	sor.u32 s29, s1;
	v43 =	vshll.u32 v50, $0x10;
	v39 =	vsel vm5, v25, v44;
	v25 =	vld [tilespmem:s14+$0x0];
	v62 =	vshll.u32 v61, $0x10  }
0x4d9: {  	s11 =	simm.s32 $0x4;
	v41 =	vsel vm1, v27, v46;
	v27 =	vld [tilespmem:s17+$0x0];
	v38 =	vsub.f32 v51, v30;
	v40 =	vsel vm7, v62, v59  }
.LBB2_20:
0x4da: {  	s11 =	sadd.s32 $0x4, s11;
	v39 =	vsub.f32 v39, v29;
	v35 =	vsel vm1, v43, v35;
	v41 =	vsub.f32 v41, v28  }
0x4db: {  	v24 =	vcvt.s32.f32 v24;
	v40 =	vsub.f32 v40, v31;
	v42 =	vsub.f32 v42, v32;
	s0 =	sshrl.u32 s11, $0x3;
	p3 =	slt.u32 s11, $0xFC  }
0x4dc: {  	v21 =	vsub.f32 v21, v36;
	v23 =	vcvt.s32.f32 v23;
	v35 =	vsub.f32 v35, v33;
	s29 =	sand.u32 $0x3, s0;
	s0 =	sshll.u32 s11, $0x5  }
0x4dd: {  	v20 =	vsub.f32 v20, v34;
	v19 =	vsub.f32 v19, v37;
	v22 =	vcvt.s32.f32 v22;
	s2 =	sadd.s32 $0x40, s2;
	s0 =	sand.u32 $0x3FFFFC00, s0;
	s1 =	sshll.u32 s29, $0x8  }
0x4de: {  	s10 =	sand.u32 $0x40, s2;
	v16 =	vsub.f32 v16, v24;
	v24 =	vmul.f32 v40, v21;
	v21 =	vmul.f32 v38, v21;
	s0 =	sor.u32 s1, s0  }
0x4df: {  	s31 =	sor.u32 $0x30, s10;
	v13 =	vsub.f32 v13, v23;
	v23 =	vmul.f32 v39, v20;
	v34 =	vmul.f32 v41, v19;
	s1 =	sor.u32 $0x10, s10;
	s3 =	sadd.s32 $0x1A980, s0  }
0x4e0: {  	s20 =	sor.u32 $0x20, s10;
	v20 =	vmul.f32 v42, v20;
	v19 =	vmul.f32 v35, v19;
	v21 =	vadd.f32 v30, v21;
	s0 =	sadd.s32 $0x1A900, s0;
	s24 =	sor.u32 s31, s3  }
0x4e1: {  	v23 =	vadd.f32 v29, v23;
	v28 =	vadd.f32 v28, v34;
	s25 =	sor.u32 s10, s3;
	s28 =	sor.u32 s1, s3;
	s30 =	sor.u32 s31, s0;
	v30 =	vld [tilespmem:s24+$0x0]  }
0x4e2: {  	v24 =	vadd.f32 v31, v24;
	v31 =	vadd.f32 v32, v20;
	s18 =	sor.u32 s1, s0;
	s3 =	sor.u32 s20, s3;
	s24 =	sor.u32 s10, s0;
	v29 =	vld [tilespmem:s30+$0x0]  }
0x4e3: {  	v11 =	vsub.f32 v11, v22;
	v32 =	vadd.f32 v33, v19;
	s0 =	sor.u32 s20, s0;
	v20 =	vld [tilespmem:s25+$0x0]  }
0x4e4: {  	v21 =	vsub.f32 v21, v24;
	v22 =	vsub.f32 v23, v31;
	v19 =	vld [tilespmem:s28+$0x0]  }
0x4e5: {  	v10 =	vadd.f32 v10, v15;
	v15 =	vmov v25;
	v28 =	vsub.f32 v28, v32;
	v23 =	vld [tilespmem:s3+$0x0]  }
0x4e6: {  	v14 =	vadd.f32 v14, v17;
	v17 =	vmovc v26;
	v16 =	vmul.f32 v21, v16;
	v25 =	vld [tilespmem:s24+$0x0];
	v30 =	vmul.f32 $3.200000000e+01, v30  }
0x4e7: {  	v12 =	vadd.f32 v12, v18;
	v18 =	vmovc v27;
	v22 =	vmul.f32 v22, v13;
	v21 =	vld [tilespmem:s18+$0x0];
	v26 =	vmul.f32 $3.200000000e+01, v29;
	[tilespmem:s8+$0x0] =	vst v10;
	s8 =	smov.u32 s14  }
0x4e8: {  	v28 =	vmul.f32 v28, v11;
	v13 =	vmul.f32 $3.200000000e+01, v20;
	v20 =	vld [tilespmem:s0+$0x0];
	v27 =	vadd.f32 $3.150000000e+01, v30;
	[tilespmem:s7+$0x0] =	vst v14;
	s7 =	smov.u32 s12  }
0x4e9: {  	v10 =	vadd.f32 v16, v24;
	v11 =	vmul.f32 $3.200000000e+01, v19;
	v14 =	vadd.f32 $3.150000000e+01, v26;
	[tilespmem:s4+$0x0] =	vst v12;
	s4 =	smov.u32 s17  }
0x4ea: {  	v12 =	vadd.f32 $3.150000000e+01, v13;
	v13 =	vmul.f32 $3.200000000e+01, v23;
	v16 =	vmax.f32 v27, $0.0e+00  }
0x4eb: {  	v19 =	vmul.f32 $3.200000000e+01, v25;
	v14 =	vmax.f32 v14, $0.0e+00;
	v25 =	vmin.f32 v16, $6.300000000e+01  }
0x4ec: {  	v16 =	vmul.f32 $3.200000000e+01, v21;
	v26 =	vmin.f32 v14, $6.300000000e+01;
	v14 =	vtrunc.f32 v25  }
0x4ed: {  	v11 =	vadd.f32 $3.150000000e+01, v11;
	v21 =	vtrunc.f32 v26;
	v27 =	vcvt.f32.s32 v14  }
0x4ee: {  	v13 =	vadd.f32 $3.150000000e+01, v13;
	v14 =	vmul.f32 $3.200000000e+01, v20;
	v33 =	vcvt.f32.s32 v21  }
0x4ef: {  	v19 =	vadd.f32 $3.150000000e+01, v19;
	v20 =	vadd.f32 $3.150000000e+01, v16;
	v16 =	vshll.u32 v27, $0x6  }
0x4f0: {  	v12 =	vmax.f32 v12, $0.0e+00;
	v14 =	vadd.f32 $3.150000000e+01, v14;
	v16 =	vadd.s32 v33, v16  }
0x4f1: {  	v11 =	vmax.f32 v11, $0.0e+00;
	v21 =	vmax.f32 v13, $0.0e+00;
	v23 =	vshra.s32 v16, $0x1  }
0x4f2: {  	vm1 =	veq.s32 v27, $0x3F;
	v16 =	vmin.f32 v12, $6.300000000e+01;
	v12 =	vadd.s32 $0x20, v23  }
0x4f3: {  	v13 =	vmin.f32 v11, $6.300000000e+01;
	vm2 =	vlt.s32 v23, $0x7FE;
	v12 =	vsel vm1, v23, v12  }
0x4f4: {  	v11 =	vmin.f32 v21, $6.300000000e+01;
	v21 =	vnsel vm2, $0x7FE, v23;
	vm1 =	vlt.s32 v12, $0x7FE  }
0x4f5: {  	v19 =	vmax.f32 v19, $0.0e+00;
	v29 =	vadd.s32 $0x1, v21;
	v21 =	vnsel vm1, $0x7FE, v12  }
0x4f6: {  	v20 =	vmax.f32 v20, $0.0e+00;
	v14 =	vmax.f32 v14, $0.0e+00;
	v30 =	vadd.s32 $0x1, v21  }
0x4f7: {  	v34 =	vtrunc.f32 v13;
	v24 =	vtrunc.f32 v16;
	v21 =	vmin.f32 v19, $6.300000000e+01  }
0x4f8: {  	v35 =	vtrunc.f32 v11;
	v20 =	vmin.f32 v20, $6.300000000e+01;
	v19 =	vmin.f32 v14, $6.300000000e+01;
	v36 =	vld.idx.msk [tilespmem:v23+s22+$0x0], $0xffff  }
0x4f9: {  	v24 =	vcvt.f32.s32 v24;
	v14 =	vadd.f32 v22, v31;
	v23 =	vcvt.f32.s32 v34;
	v34 =	vld.idx.msk [tilespmem:v12+s22+$0x0], $0xffff  }
0x4fa: {  	v22 =	vcvt.f32.s32 v35;
	v31 =	vtrunc.f32 v21;
	v12 =	vadd.f32 v28, v32;
	v35 =	vld.idx.msk [tilespmem:v29+s22+$0x0], $0xffff  }
0x4fb: {  	v37 =	vtrunc.f32 v19;
	v32 =	vshll.u32 v24, $0x6;
	v28 =	vtrunc.f32 v20;
	v38 =	vld.idx.msk [tilespmem:v30+s22+$0x0], $0xffff  }
0x4fc: {  	v29 =	vcvt.f32.s32 v28;
	v30 =	vcvt.f32.s32 v31;
	v31 =	vshll.u32 v23, $0x6  }
0x4fd: {  	v39 =	vand.u32 $0x1, v33;
	v28 =	vcvt.f32.s32 v37;
	v37 =	vcvt.s32.f32 v33  }
0x4fe: {  	vm2 =	vne.s32 v33, $0x3F;
	vm1 =	veq.s32 v39, $0x1;
	v40 =	vshll.u32 v22, $0x6  }
0x4ff: {  	v26 =	vsub.f32 v26, v37;
	v33 =	vand.u32 $0xFFFF0000, v36;
	v36 =	vshll.u32 v36, $0x10  }
0x500: {  	vm2 =	vmand vm2, vm1;
	v37 =	vand.u32 $0xFFFF0000, v34;
	v36 =	vsel vm1, v33, v36  }
0x501: {  	v34 =	vshll.u32 v34, $0x10;
	v35 =	vshll.u32 v35, $0x10;
	v38 =	vshll.u32 v38, $0x10  }
0x502: {  	v34 =	vsel vm1, v37, v34;
	v33 =	vsel vm2, v35, v33;
	v35 =	vsel vm2, v38, v37  }
0x503: {  	v32 =	vadd.s32 v30, v32;
	v33 =	vsub.f32 v33, v36;
	v35 =	vsub.f32 v35, v34  }
0x504: {  	v31 =	vadd.s32 v29, v31;
	v32 =	vshra.s32 v32, $0x1;
	v37 =	vadd.s32 v28, v40  }
0x505: {  	s0 =	sshll.u32 s11, $0x2;
	v31 =	vshra.s32 v31, $0x1;
	v33 =	vmul.f32 v33, v26;
	v26 =	vmul.f32 v35, v26  }
0x506: {  	s3 =	sshll.u32 s29, $0xA;
	s0 =	sand.u32 $0x3FFFFF80, s0;
	v38 =	vadd.s32 $0x20, v31;
	v37 =	vshra.s32 v37, $0x1;
	v35 =	vadd.s32 $0x20, v32  }
0x507: {  	s0 =	sadd.s32 s0, s3;
	v27 =	vcvt.s32.f32 v27;
	v33 =	vadd.f32 v36, v33;
	v26 =	vadd.f32 v34, v26  }
0x508: {  	s0 =	sadd.s32 $0x1D900, s0;
	vm1 =	veq.s32 v24, $0x3F;
	vm2 =	veq.s32 v23, $0x3F;
	v34 =	vadd.s32 $0x20, v37  }
0x509: {  	s14 =	sor.u32 s10, s0;
	s12 =	sor.u32 s1, s0;
	s1 =	sor.u32 s31, s0;
	v25 =	vsub.f32 v25, v27;
	vm3 =	veq.s32 v22, $0x3F;
	v26 =	vsub.f32 v26, v33;
	v36 =	vld.idx.msk [tilespmem:v32+s22+$0x0], $0xffff  }
0x50a: {  	s17 =	sor.u32 s20, s0;
	v27 =	vsel vm1, v32, v35;
	v35 =	vsel vm2, v31, v38;
	v34 =	vsel vm3, v37, v34;
	v38 =	vld [tilespmem:s1+$0x0]  }
0x50b: {  	vm1 =	vlt.s32 v27, $0x7FE;
	vm2 =	vlt.s32 v35, $0x7FE;
	v26 =	vmul.f32 v26, v25;
	v39 =	vld.idx.msk [tilespmem:v31+s22+$0x0], $0xffff  }
0x50c: {  	vm4 =	vlt.s32 v31, $0x7FE;
	vm3 =	vlt.s32 v32, $0x7FE;
	vm5 =	vlt.s32 v34, $0x7FE;
	v40 =	vld.idx.msk [tilespmem:v37+s22+$0x0], $0xffff  }
0x50d: {  	v41 =	vnsel vm1, $0x7FE, v27;
	vm1 =	vlt.s32 v37, $0x7FE;
	v33 =	vadd.f32 v26, v33;
	v25 =	vld [tilespmem:s14+$0x0]  }
0x50e: {  	v42 =	vnsel vm2, $0x7FE, v35;
	v32 =	vnsel vm3, $0x7FE, v32;
	v43 =	vnsel vm5, $0x7FE, v34;
	v26 =	vld [tilespmem:s12+$0x0]  }
0x50f: {  	v44 =	vld.idx.msk [tilespmem:v27+s22+$0x0], $0xffff;
	v27 =	vnsel vm4, $0x7FE, v31;
	v31 =	vnsel vm1, $0x7FE, v37;
	v33 =	vadd.f32 v33, v38  }
0x510: {  	v37 =	vadd.s32 $0x1, v41;
	v38 =	vadd.s32 $0x1, v42;
	v41 =	vadd.s32 $0x1, v43;
	v35 =	vld.idx.msk [tilespmem:v35+s22+$0x0], $0xffff  }
0x511: {  	v32 =	vadd.s32 $0x1, v32;
	v42 =	vadd.s32 $0x1, v27;
	v31 =	vadd.s32 $0x1, v31;
	v34 =	vld.idx.msk [tilespmem:v34+s22+$0x0], $0xffff;
	[tilespmem:s1+$0x0] =	vst v33  }
0x512: {  	v45 =	vand.u32 $0x1, v28;
	v43 =	vand.u32 $0x1, v29;
	v33 =	vand.u32 $0x1, v30;
	v27 =	vld [tilespmem:s17+$0x0]  }
0x513: {  	vm2 =	veq.s32 v45, $0x1;
	vm3 =	veq.s32 v43, $0x1;
	vm4 =	veq.s32 v33, $0x1  }
0x514: {  	vm6 =	vne.s32 v28, $0x3F;
	vm5 =	vne.s32 v29, $0x3F;
	vm1 =	vne.s32 v30, $0x3F  }
0x515: {  	v43 =	vand.u32 $0xFFFF0000, v36;
	v45 =	vand.u32 $0xFFFF0000, v44;
	v33 =	vld.idx.msk [tilespmem:v37+s22+$0x0], $0xffff;
	v37 =	vshll.u32 v44, $0x10  }
0x516: {  	v44 =	vshll.u32 v36, $0x10;
	v46 =	vand.u32 $0xFFFF0000, v35;
	v47 =	vshll.u32 v35, $0x10;
	v38 =	vld.idx.msk [tilespmem:v38+s22+$0x0], $0xffff  }
0x517: {  	v48 =	vand.u32 $0xFFFF0000, v39;
	v49 =	vand.u32 $0xFFFF0000, v34;
	v50 =	vshll.u32 v34, $0x10;
	v41 =	vld.idx.msk [tilespmem:v41+s22+$0x0], $0xffff  }
0x518: {  	v51 =	vshll.u32 v39, $0x10;
	v52 =	vshll.u32 v40, $0x10;
	v35 =	vand.u32 $0xFFFF0000, v40;
	v32 =	vld.idx.msk [tilespmem:v32+s22+$0x0], $0xffff  }
0x519: {  	vm5 =	vmand vm5, vm3;
	vm7 =	vmand vm1, vm4;
	vm1 =	vmand vm6, vm2;
	v42 =	vld.idx.msk [tilespmem:v42+s22+$0x0], $0xffff  }
0x51a: {  	v36 =	vcvt.s32.f32 v30;
	v30 =	vsel vm4, v45, v37;
	v34 =	vcvt.s32.f32 v29;
	v53 =	vld.idx.msk [tilespmem:v31+s22+$0x0], $0xffff  }
0x51b: {  	v29 =	vsel vm3, v46, v47;
	v37 =	vcvt.s32.f32 v28;
	v31 =	vshll.u32 v33, $0x10  }
.Ltmp13:
0x51c: {  	v28 =	vsel vm2, v49, v50;
	v45 =	vsel vm7, v31, v45;
	v33 =	vshll.u32 v38, $0x10;
	(pc) =	sbr.rel @p3 .LBB2_20-.Ltmp13, $4  }
0x51d: {  	v31 =	vsel vm4, v43, v44;
	v39 =	vsel vm5, v33, v46;
	v33 =	vshll.u32 v41, $0x10  }
0x51e: {  	v38 =	vshll.u32 v32, $0x10;
	v32 =	vsel vm3, v48, v51;
	v41 =	vsel vm1, v33, v49  }
0x51f: {  	v33 =	vsel vm2, v35, v52;
	v40 =	vsel vm7, v38, v43;
	v42 =	vshll.u32 v42, $0x10  }
0x520: {  	v38 =	vsub.f32 v45, v30;
	v42 =	vsel vm5, v42, v48;
	v43 =	vshll.u32 v53, $0x10  }
0x521: {  	v39 =	vsub.f32 v39, v29;
	v41 =	vsub.f32 v41, v28  }
0x522: {  	v35 =	vsel vm1, v43, v35;
	v40 =	vsub.f32 v40, v31;
	v21 =	vsub.f32 v21, v36  }
0x523: {  	v24 =	vcvt.s32.f32 v24;
	v53 =	vsub.f32 v42, v32;
	v20 =	vsub.f32 v20, v34  }
0x524: {  	v19 =	vsub.f32 v19, v37;
	v54 =	vsub.f32 v35, v33;
	v55 =	vmul.f32 v38, v21  }
0x525: {  	v16 =	vsub.f32 v16, v24;
	v21 =	vmul.f32 v40, v21;
	v56 =	vmul.f32 v39, v20  }
0x526: {  	v37 =	vmul.f32 v41, v19;
	v20 =	vmul.f32 v53, v20;
	v30 =	vadd.f32 v30, v55  }
0x527: {  	v19 =	vmul.f32 v54, v19;
	v24 =	vadd.f32 v29, v56;
	v21 =	vadd.f32 v31, v21  }
0x528: {  	v23 =	vcvt.s32.f32 v23;
	v57 =	vadd.f32 v28, v37;
	v20 =	vadd.f32 v32, v20  }
0x529: {  	v22 =	vcvt.s32.f32 v22;
	v19 =	vadd.f32 v33, v19;
	v58 =	vsub.f32 v30, v21  }
0x52a: {  	v13 =	vsub.f32 v13, v23;
	v59 =	vsub.f32 v24, v20  }
0x52b: {  	v11 =	vsub.f32 v11, v22;
	v60 =	vsub.f32 v57, v19;
	v16 =	vmul.f32 v58, v16  }
0x52c: {  	v10 =	vadd.f32 v10, v15;
	v13 =	vmul.f32 v59, v13  }
0x52d: {  	v14 =	vadd.f32 v14, v17;
	v11 =	vmul.f32 v60, v11;
	v61 =	vadd.f32 v16, v21  }
0x52e: {  	[tilespmem:s8+$0x0] =	vst v10;
	v10 =	vadd.f32 v12, v18;
	v62 =	vadd.f32 v13, v20  }
.Ltmp14:
0x52f: {  	[tilespmem:s7+$0x0] =	vst v14;
	v11 =	vadd.f32 v11, v19;
	v63 =	vadd.f32 v61, v25;
	(pc) =	sbr.rel .LBB2_22-.Ltmp14, $4  }
0x530: {  	[tilespmem:s4+$0x0] =	vst v10;
	v10 =	vadd.f32 v62, v26  }
0x531: {  	s30 =	smov.u32 s16;
	s1 =	smov.u32 s16;
	s18 =	smov.u32 s15;
	v11 =	vadd.f32 v11, v27;
	[tilespmem:s14+$0x0] =	vst v63  }
0x532: {  	s15 =	smov.u32 s23;
	s23 =	smov.u32 s26;
	s26 =	smov.u32 s9;
	[tilespmem:s12+$0x0] =	vst v10  }
0x533: {  	s9 =	smov.u32 s13;
	s13 =	simm.s32 $0x1;
	s16 =	simm.s32 $0x1A900;
	[tilespmem:s17+$0x0] =	vst v11  }
.LBB2_24:
0x534: {  	_ =	sfence.sel $0x180000  }
0x535: {  	[bflag:$0x0] =	sbarrier.arrive $0xFFFF  }
0x536: {  	_ =	strace $0x90000047  }
0x537: {  	s0 =	stileid.u32;
	[bflag:$0x2] =	sbarrier.arrive $0xFFFF  }
0x538: {  	p0 =	sne.s32 s0, $0x0;
	s0 =	rddreg [dreg:$0x5]  }
0x539: {  	s0 =	sadd.s32 @!p0 $0x100000, s0  }
0x53a: {  	[sflag:s0] =	ssyncadd.tile.s32 @!p0 $0x1;
	_ =	shalt  }
.Lfunc_end2:
_tile_overlayer_lowered:
.L_overlay_start_2:
0x53b: {  	(tag) =	ssettag $0x2  }
0x53c: {  	s0 =	rddreg [dreg:$0x0];
	s2 =	stileid.u32  }
0x53d: {  	s1 =	rddreg [dreg:$0x1];
	p0 =	sne.s32 s2, $0x0  }
0x53e: {  	s3 =	rddreg [dreg:$0x2];
	[bflag:$0x3] =	sbarrier.arrive $0xFFFF;
	s2 =	simm.s32 @!p0 $0x1C05  }
0x53f: {  	[timem:s3], [sflag:s2] =	dma.local @!p0 [hbm:s0], s1  }
0x540: {  	s0 =	simm.s32 @!p0 $0x5  }
0x541: {  	_ =	swait.ge @!p0 [sflag:s0], s1  }
0x542: {  	s1 =	ssub.s32 @!p0 $0x0, s1;
	[sflag:s0] =	ssyncset.done @!p0 $0x0  }
0x543: {  	[sflag:s0] =	ssyncadd.s32 @!p0 s1  }
0x544: {  	[bflag:$0x3] =	sbarrier.arrive $0xFFFF  }
0x545: {  	_ =	shalt  }

</sc_bundles>
